<compile_context>
chip_gen: v7x
topology: tpu7x:2x2x1
jax: 0.10.2.dev20260603
libtpu: 0.0.44.dev20260713+nightly
codegen_flags: <defaults>
</compile_context>

<pallas_src>
import functools

import jax
import jax.numpy as jnp
from jax import lax
from jax.experimental import pallas as pl
from jax.experimental.pallas import tpu as pltpu
from jax.experimental.pallas import tpu_sc as plsc

USER = 5000
ITEM = 5000
N = USER + ITEM
D = 128
E = 320000
ANCHOR = 16
GTW = 0.5

NC = 2
NS = 16
NW = NC * NS
CHUNK = 128
ROWS = 2560
EPAD = ROWS * CHUNK
RPW = ROWS // NW
ACC_ROWS = 10240
GROUPS = N // ANCHOR


def _make_sc_spmm(num_phases, table2_from=None):
  mesh = plsc.VectorSubcoreMesh(core_axis_name="c", subcore_axis_name="s")
  two_tables = table2_from is not None

  @functools.partial(
      pl.kernel,
      out_type=jax.ShapeDtypeStruct((num_phases, NC, ACC_ROWS, D),
                                    jnp.float32),
      mesh=mesh,
      scratch_types=[
          pltpu.VMEM_SHARED((ACC_ROWS, D), jnp.float32),
          pltpu.VMEM((RPW // 2, CHUNK), jnp.int32),
          pltpu.VMEM((RPW // 2, CHUNK), jnp.int32),
          pltpu.VMEM((CHUNK, D), jnp.float32),
          pltpu.VMEM((CHUNK, D), jnp.float32),
          pltpu.SemaphoreType.DMA,
          pltpu.SemaphoreType.DMA,
          pltpu.SemaphoreType.DMA,
          pltpu.SemaphoreType.DMA,
      ],
  )
  def k(*args):
    if two_tables:
      (tab_a, tab_b, srcs, dsts, out, acc, sidx, didx, b0, b1,
       s0, s1, t0, t1) = args
    else:
      (tab_a, srcs, dsts, out, acc, sidx, didx, b0, b1,
       s0, s1, t0, t1) = args
      tab_b = tab_a
    c = lax.axis_index("c")
    s = lax.axis_index("s")
    wid = s * NC + c

    z16 = jnp.zeros((16,), jnp.float32)
    nzc = ACC_ROWS // CHUNK // NS

    for p in range(num_phases):
      plsc.subcore_barrier()

      def zrow(i, carry):
        for j in range(D // 16):
          b0[i, pl.ds(j * 16, 16)] = z16
        return carry

      lax.fori_loop(0, CHUNK, zrow, 0)
      for t in range(nzc):
        pltpu.sync_copy(b0, acc.at[pl.ds((s * nzc + t) * CHUNK, CHUNK)])
      plsc.subcore_barrier()

      table = tab_b if (two_tables and p >= table2_from) else tab_a
      for h in range(2):
        base = p * ROWS + wid * RPW + h * (RPW // 2)
        pltpu.sync_copy(srcs.at[pl.ds(base, RPW // 2)], sidx)
        pltpu.sync_copy(dsts.at[pl.ds(base, RPW // 2)], didx)

        def gath(r, buf, sem):
          pltpu.async_copy(table.at[sidx.at[r]], buf, sem)

        def gwait(r, buf, sem):
          pltpu.make_async_copy(table.at[sidx.at[r]], buf, sem).wait()

        gath(0, b0, s0)

        def chunk(j, carry):
          a0 = 2 * j
          a1 = a0 + 1
          gwait(a0, b0, s0)
          gath(a1, b1, s1)
          pltpu.sync_copy(b0, acc.at[didx.at[a0]], add=True)
          gwait(a1, b1, s1)

          @pl.when(j < RPW // 4 - 1)
          def _():
            gath(a0 + 2, b0, s0)

          pltpu.sync_copy(b1, acc.at[didx.at[a1]], add=True)
          return carry

        lax.fori_loop(0, RPW // 4, chunk, 0)

      plsc.subcore_barrier()
      rows_per_tile = ACC_ROWS // NS
      off = s * rows_per_tile
      pltpu.sync_copy(acc.at[pl.ds(off, rows_per_tile)],
                      out.at[p, c, pl.ds(off, rows_per_tile)])

  return k


_sc_spmm1 = _make_sc_spmm(1)
_sc_spmm2 = _make_sc_spmm(2)
_sc_spmm21 = _make_sc_spmm(3, table2_from=2)


def _plane(p, c, rows=N // 5, gridded=True):
  if gridded:
    return pl.BlockSpec((1, 1, rows, D), lambda i: (p, c, i, 0))
  return pl.BlockSpec((1, 1, rows, D), lambda i: (p, c, 0, 0))


def _combine2(k4, p):
  def body(ar, br, outr):
    outr[...] = ar[0, 0] + br[0, 0]

  return pl.pallas_call(
      body,
      grid=(5,),
      in_specs=[_plane(p, 0), _plane(p, 1)],
      out_specs=pl.BlockSpec((N // 5, D), lambda i: (i, 0)),
      out_shape=jax.ShapeDtypeStruct((N, D), jnp.float32),
  )(k4, k4)


def _pnn(k4, dists_t, w, b2, aid):
  def body(q0r, q1r, dr, wr, br, aidr, e1pr, pnnr, anch):
    e1p = q0r[0, 0] + q1r[0, 0]
    e1pr[...] = e1p

    def gather_row(a, carry):
      idx = aidr[a]
      anch[pl.ds(a, 1), :] = (q0r[0, 0, pl.ds(idx, 1), :]
                              + q1r[0, 0, pl.ds(idx, 1), :])
      return carry

    lax.fori_loop(0, ANCHOR, gather_row, 0)

    p_raw = jnp.dot(dr[...], anch[...], preferred_element_type=jnp.float32)
    r = jnp.sum(e1p.reshape(GROUPS, ANCHOR, D), axis=1)
    w1 = wr[:D, :]
    w2 = wr[D:, :]
    a_term = jnp.dot(p_raw, w1, preferred_element_type=jnp.float32)
    r2 = jnp.dot(r, w2, preferred_element_type=jnp.float32)
    q_term = jnp.broadcast_to(r2[None], (ANCHOR, GROUPS, D)).reshape(N, D)
    pnnr[...] = (a_term + q_term) * (1.0 / ANCHOR) + br[...]

  return pl.pallas_call(
      body,
      grid=(1,),
      in_specs=[
          _plane(0, 0, rows=N, gridded=False),
          _plane(0, 1, rows=N, gridded=False),
          pl.BlockSpec((N, ANCHOR), lambda i: (0, 0)),
          pl.BlockSpec((2 * D, D), lambda i: (0, 0)),
          pl.BlockSpec((1, D), lambda i: (0, 0)),
          pl.BlockSpec(memory_space=pltpu.SMEM),
      ],
      out_specs=[
          pl.BlockSpec((N, D), lambda i: (0, 0)),
          pl.BlockSpec((N, D), lambda i: (0, 0)),
      ],
      out_shape=[
          jax.ShapeDtypeStruct((N, D), jnp.float32),
          jax.ShapeDtypeStruct((N, D), jnp.float32),
      ],
      scratch_shapes=[pltpu.VMEM((ANCHOR, D), jnp.float32)],
  )(k4, k4, dists_t, w, b2, aid)


def _final(emb, e1, e1p, epnn, k1, k2, k3):
  def body(embr, e1r, e1pr, epnnr, d0r, d1r, c0r, c1r, cc0r, cc1r,
           s0r, s1r, ss0r, ss1r, eor, clr, slr):
    emb_v = embr[...]
    eor[...] = (emb_v + e1r[...] + e1pr[...] + epnnr[...]
                + d0r[0, 0] + d1r[0, 0])
    clr[...] = (emb_v + (1.0 + GTW) * (c0r[0, 0] + c1r[0, 0])
                + cc0r[0, 0] + cc1r[0, 0])
    slr[...] = (emb_v + (1.0 + GTW) * (s0r[0, 0] + s1r[0, 0])
                + ss0r[0, 0] + ss1r[0, 0])

  blk = pl.BlockSpec((N // 5, D), lambda i: (i, 0))
  return pl.pallas_call(
      body,
      grid=(5,),
      in_specs=[blk] * 4 + [_plane(2, 0), _plane(2, 1),
                            _plane(0, 0), _plane(0, 1),
                            _plane(0, 0), _plane(0, 1),
                            _plane(1, 0), _plane(1, 1),
                            _plane(1, 0), _plane(1, 1)],
      out_specs=[blk] * 3,
      out_shape=[jax.ShapeDtypeStruct((N, D), jnp.float32)] * 3,
  )(emb, e1, e1p, epnn, k3, k3, k1, k1, k2, k2, k1, k1, k2, k2)


def _prep_edges(edge_index, pad_src, pad_dst):
  src = jnp.concatenate([edge_index[0], pad_src]).reshape(ROWS, CHUNK)
  dst = jnp.concatenate([edge_index[1], pad_dst]).reshape(ROWS, CHUNK)
  return src, dst


def kernel(uEmbeds, iEmbeds, W_hidden, b_hidden, dists_array,
           enc_edge_index, sub_edge_index, cmp_edge_index, dec_edge_index,
           anchorset_id):
  embeds = jnp.concatenate([uEmbeds, iEmbeds], axis=0)

  npad = EPAD - E
  pad_src = (jnp.arange(npad, dtype=jnp.int32) % N)
  pad_dst = N + (jnp.arange(npad, dtype=jnp.int32) % 16)

  cs, cd = _prep_edges(cmp_edge_index, pad_src, pad_dst)
  ss, sd = _prep_edges(sub_edge_index, pad_src, pad_dst)
  es, ed = _prep_edges(enc_edge_index, pad_src, pad_dst)
  ds_, dd = _prep_edges(dec_edge_index, pad_src, pad_dst)

  src2 = jnp.concatenate([cs, ss], axis=0)
  dst2 = jnp.concatenate([cd, sd], axis=0)

  k1e = _sc_spmm1(embeds, es, ed)
  k1cs = _sc_spmm2(embeds, src2, dst2)
  e1 = _combine2(k1e, 0)

  k2e = _sc_spmm1(e1, es, ed)
  e1p, epnn = _pnn(k2e, dists_array.T, W_hidden,
                   b_hidden.reshape(1, D), anchorset_id)

  src3 = jnp.concatenate([src2, ds_], axis=0)
  dst3 = jnp.concatenate([dst2, dd], axis=0)
  k23 = _sc_spmm21(e1, epnn, src3, dst3)

  eo, cl, sl = _final(embeds, e1, e1p, epnn, k1cs, k23, k23)
  return (eo[:USER], eo[USER:], cl, sl)

# --- scband reference (transcript-rebuilt; emitter-appended) ---
"""Pipeline reference for scband-model-70592082477575 (READ-ONLY COPY).

The authoritative reference and input builder live on the scoring server;
editing this copy changes nothing except your own understanding.
"""

import jax, jax.numpy as jnp
import numpy as np

USER = 5000
ITEM = 5000
N = USER + ITEM
LATDIM = 128
E = 320000
GCN_LAYER = 2
PNN_LAYER = 1
ANCHOR = 16
GTW = 0.5


def spmm(edge_index, embeds):
    # t.spmm(adj, embeds) with adjacency given as COO edges (values assumed 1.0)
    src = edge_index[0]
    dst = edge_index[1]
    msgs = jnp.take(embeds, src, axis=0)
    return jax.ops.segment_sum(msgs, dst, num_segments=N)


def gt_layer(edge_index, embeds):
    # stand-in for the externally supplied gtLayer: sparse propagation, returns (emb, attn)
    return spmm(edge_index, embeds), None


def pnn_layer(anchorset_id, dists_array, embeds, W_hidden, b_hidden):
    set_ids_emb = jnp.take(embeds, anchorset_id, axis=0)  # [A, d]
    # set_ids_emb.repeat(N, 1).reshape(-1, A, d)
    set_ids_reshape = jnp.tile(set_ids_emb, (dists_array.shape[1], 1)).reshape(-1, ANCHOR, LATDIM)
    dists_array_emb = dists_array.T[:, :, None]  # [N, A, 1]
    messages = set_ids_reshape * dists_array_emb
    # embeds.repeat(A, 1).reshape(-1, A, d)  (faithful to the literal torch code)
    self_feature = jnp.tile(embeds, (ANCHOR, 1)).reshape(-1, ANCHOR, LATDIM)
    messages = jnp.concatenate([messages, self_feature], axis=-1)  # [N, A, 2d]
    messages = messages @ W_hidden + b_hidden  # [N, A, d]
    return jnp.mean(messages, axis=1)  # [N, d]


def setup_inputs(seed: int = 0):
    key = jax.random.key(seed)
    ks = jax.random.split(key, 10)
    uEmbeds = jax.random.normal(ks[0], (USER, LATDIM), dtype=jnp.float32) * (2.0 / (USER + LATDIM)) ** 0.5
    iEmbeds = jax.random.normal(ks[1], (ITEM, LATDIM), dtype=jnp.float32) * (2.0 / (ITEM + LATDIM)) ** 0.5
    W_hidden = jax.random.normal(ks[2], (2 * LATDIM, LATDIM), dtype=jnp.float32) * (2.0 / (3 * LATDIM)) ** 0.5
    b_hidden = jnp.zeros((LATDIM,), dtype=jnp.float32)
    dists_array = jax.random.uniform(ks[3], (ANCHOR, N), dtype=jnp.float32)
    enc_edge_index = jax.random.randint(ks[4], (2, E), 0, N, dtype=jnp.int32)
    sub_edge_index = jax.random.randint(ks[5], (2, E), 0, N, dtype=jnp.int32)
    cmp_edge_index = jax.random.randint(ks[6], (2, E), 0, N, dtype=jnp.int32)
    dec_edge_index = jax.random.randint(ks[7], (2, E), 0, N, dtype=jnp.int32)
    anchorset_id = jax.random.randint(ks[8], (ANCHOR,), 0, N, dtype=jnp.int32)
    return {
        'uEmbeds': uEmbeds,
        'iEmbeds': iEmbeds,
        'W_hidden': W_hidden,
        'b_hidden': b_hidden,
        'dists_array': dists_array,
        'enc_edge_index': enc_edge_index,
        'sub_edge_index': sub_edge_index,
        'cmp_edge_index': cmp_edge_index,
        'dec_edge_index': dec_edge_index,
        'anchorset_id': anchorset_id,
    }


def reference(uEmbeds, iEmbeds, W_hidden, b_hidden, dists_array,
              enc_edge_index, sub_edge_index, cmp_edge_index, dec_edge_index, anchorset_id):
    # Model.forward with is_test=False and decoderAdj provided
    embeds = jnp.concatenate([uEmbeds, iEmbeds], axis=0)
    embedsLst = [embeds]
    emb, _ = gt_layer(cmp_edge_index, embeds)
    cList = [embeds, GTW * emb]
    emb, _ = gt_layer(sub_edge_index, embeds)
    subList = [embeds, GTW * emb]
    for _ in range(GCN_LAYER):
        e1 = spmm(enc_edge_index, embedsLst[-1])
        e2 = spmm(sub_edge_index, embedsLst[-1])
        e3 = spmm(cmp_edge_index, embedsLst[-1])
        subList.append(e2)
        embedsLst.append(e1)
        cList.append(e3)
    for _ in range(PNN_LAYER):
        e = pnn_layer(anchorset_id, dists_array, embedsLst[-1], W_hidden, b_hidden)
        embedsLst.append(e)
    e, _ = gt_layer(dec_edge_index, embedsLst[-1])
    embedsLst.append(e)
    embeds = sum(embedsLst)
    cList = sum(cList)
    subList = sum(subList)
    return (embeds[:USER], embeds[USER:], cList, subList)

if __name__ == "__main__":
    import jax
    _d = setup_inputs()
    print(jax.jit(kernel)(*tuple(_d.values())))

</pallas_src>

<mosaic_0001>
#map = affine_map<(d0, d1) -> (0, 0)>
#map1 = affine_map<(d0, d1) -> (0, 0, 0, 0)>
module attributes {stable_mosaic.version = 14 : i64} {
  func.func @k(%arg0: i32, %arg1: i32, %arg2: memref<10000x128xf32, #tpu.memory_space<hbm>>, %arg3: memref<2560x128xi32, #tpu.memory_space<hbm>>, %arg4: memref<2560x128xi32, #tpu.memory_space<hbm>>, %arg5: memref<1x2x10240x128xf32, #tpu.memory_space<hbm>>, %arg6: memref<10240x128xf32, #tpu.memory_space<vmem_shared>>, %arg7: memref<40x128xi32, #tpu.memory_space<vmem>>, %arg8: memref<40x128xi32, #tpu.memory_space<vmem>>, %arg9: memref<128x128xf32, #tpu.memory_space<vmem>>, %arg10: memref<128x128xf32, #tpu.memory_space<vmem>>, %arg11: memref<!tpu.dma_semaphore, #tpu.memory_space<semaphore_mem>>, %arg12: memref<!tpu.dma_semaphore, #tpu.memory_space<semaphore_mem>>, %arg13: memref<!tpu.dma_semaphore, #tpu.memory_space<semaphore_mem>>, %arg14: memref<!tpu.dma_semaphore, #tpu.memory_space<semaphore_mem>>) attributes {dimension_semantics = [#tpu.dimension_semantics<core_parallel>, #tpu.dimension_semantics<subcore_parallel>], iteration_bounds = array<i64: 2, 16>, scalar_prefetch = 0 : i64, scratch_operands = 9 : i64, tpu.core_type = #tpu.core_type<sc_vector_subcore>, window_params = [{transform_indices = #map}, {transform_indices = #map}, {transform_indices = #map}, {transform_indices = #map1}]} {
    %mul3A = arith.constant 2 : i32
    %mul3A_0 = arith.muli %arg1, %mul3A : i32
    %add3A = arith.addi %mul3A_0, %arg0 : i32
    %broadcast_in_dim3A = arith.constant 0.000000e+00 : f32
    %broadcast_in_dim3A_1 = vector.broadcast %broadcast_in_dim3A : f32 to vector<16xf32>
    %barrier3A = arith.constant 0 : index
    tpu.barrier barrier_id(%barrier3A)
    %scan3A = arith.constant 0 : i32
    %scan3A_2 = arith.constant 0 : i32
    %scan3A_3 = arith.constant 128 : i32
    %scan3A_4 = arith.addi %scan3A_2, %scan3A_3 : i32
    %scan3A_5 = arith.constant 1 : i32
    scf.for %scan3A_78 = %scan3A_2 to %scan3A_4 step %scan3A_5  : i32 {
      %swap3A = arith.index_cast %scan3A_78 : i32 to index
      %swap3A_79 = arith.constant 0 : index
      %swap3A_80 = tpu.vector_load %arg9[%swap3A, %swap3A_79] {strides = array<i32>} : memref<128x128xf32, #tpu.memory_space<vmem>>, vector<1x16xf32>,
      %swap3A_81 = vector.shape_cast %swap3A_80 : vector<1x16xf32> to vector<16xf32>
      %swap3A_82 = vector.shape_cast %broadcast_in_dim3A_1 : vector<16xf32> to vector<1x16xf32>
      tpu.vector_store %arg9[%swap3A, %swap3A_79], %swap3A_82 {strides = array<i32>} : memref<128x128xf32, #tpu.memory_space<vmem>>, vector<1x16xf32>,
      %swap3A_83 = arith.index_cast %scan3A_78 : i32 to index
      %swap3A_84 = arith.constant 16 : index
      %swap3A_85 = tpu.vector_load %arg9[%swap3A_83, %swap3A_84] {strides = array<i32>} : memref<128x128xf32, #tpu.memory_space<vmem>>, vector<1x16xf32>,
      %swap3A_86 = vector.shape_cast %swap3A_85 : vector<1x16xf32> to vector<16xf32>
      %swap3A_87 = vector.shape_cast %broadcast_in_dim3A_1 : vector<16xf32> to vector<1x16xf32>
      tpu.vector_store %arg9[%swap3A_83, %swap3A_84], %swap3A_87 {strides = array<i32>} : memref<128x128xf32, #tpu.memory_space<vmem>>, vector<1x16xf32>,
      %swap3A_88 = arith.index_cast %scan3A_78 : i32 to index
      %swap3A_89 = arith.constant 32 : index
      %swap3A_90 = tpu.vector_load %arg9[%swap3A_88, %swap3A_89] {strides = array<i32>} : memref<128x128xf32, #tpu.memory_space<vmem>>, vector<1x16xf32>,
      %swap3A_91 = vector.shape_cast %swap3A_90 : vector<1x16xf32> to vector<16xf32>
      %swap3A_92 = vector.shape_cast %broadcast_in_dim3A_1 : vector<16xf32> to vector<1x16xf32>
      tpu.vector_store %arg9[%swap3A_88, %swap3A_89], %swap3A_92 {strides = array<i32>} : memref<128x128xf32, #tpu.memory_space<vmem>>, vector<1x16xf32>,
      %swap3A_93 = arith.index_cast %scan3A_78 : i32 to index
      %swap3A_94 = arith.constant 48 : index
      %swap3A_95 = tpu.vector_load %arg9[%swap3A_93, %swap3A_94] {strides = array<i32>} : memref<128x128xf32, #tpu.memory_space<vmem>>, vector<1x16xf32>,
      %swap3A_96 = vector.shape_cast %swap3A_95 : vector<1x16xf32> to vector<16xf32>
      %swap3A_97 = vector.shape_cast %broadcast_in_dim3A_1 : vector<16xf32> to vector<1x16xf32>
      tpu.vector_store %arg9[%swap3A_93, %swap3A_94], %swap3A_97 {strides = array<i32>} : memref<128x128xf32, #tpu.memory_space<vmem>>, vector<1x16xf32>,
      %swap3A_98 = arith.index_cast %scan3A_78 : i32 to index
      %swap3A_99 = arith.constant 64 : index
      %swap3A_100 = tpu.vector_load %arg9[%swap3A_98, %swap3A_99] {strides = array<i32>} : memref<128x128xf32, #tpu.memory_space<vmem>>, vector<1x16xf32>,
      %swap3A_101 = vector.shape_cast %swap3A_100 : vector<1x16xf32> to vector<16xf32>
      %swap3A_102 = vector.shape_cast %broadcast_in_dim3A_1 : vector<16xf32> to vector<1x16xf32>
      tpu.vector_store %arg9[%swap3A_98, %swap3A_99], %swap3A_102 {strides = array<i32>} : memref<128x128xf32, #tpu.memory_space<vmem>>, vector<1x16xf32>,
      %swap3A_103 = arith.index_cast %scan3A_78 : i32 to index
      %swap3A_104 = arith.constant 80 : index
      %swap3A_105 = tpu.vector_load %arg9[%swap3A_103, %swap3A_104] {strides = array<i32>} : memref<128x128xf32, #tpu.memory_space<vmem>>, vector<1x16xf32>,
      %swap3A_106 = vector.shape_cast %swap3A_105 : vector<1x16xf32> to vector<16xf32>
      %swap3A_107 = vector.shape_cast %broadcast_in_dim3A_1 : vector<16xf32> to vector<1x16xf32>
      tpu.vector_store %arg9[%swap3A_103, %swap3A_104], %swap3A_107 {strides = array<i32>} : memref<128x128xf32, #tpu.memory_space<vmem>>, vector<1x16xf32>,
      %swap3A_108 = arith.index_cast %scan3A_78 : i32 to index
      %swap3A_109 = arith.constant 96 : index
      %swap3A_110 = tpu.vector_load %arg9[%swap3A_108, %swap3A_109] {strides = array<i32>} : memref<128x128xf32, #tpu.memory_space<vmem>>, vector<1x16xf32>,
      %swap3A_111 = vector.shape_cast %swap3A_110 : vector<1x16xf32> to vector<16xf32>
      %swap3A_112 = vector.shape_cast %broadcast_in_dim3A_1 : vector<16xf32> to vector<1x16xf32>
      tpu.vector_store %arg9[%swap3A_108, %swap3A_109], %swap3A_112 {strides = array<i32>} : memref<128x128xf32, #tpu.memory_space<vmem>>, vector<1x16xf32>,
      %swap3A_113 = arith.index_cast %scan3A_78 : i32 to index
      %swap3A_114 = arith.constant 112 : index
      %swap3A_115 = tpu.vector_load %arg9[%swap3A_113, %swap3A_114] {strides = array<i32>} : memref<128x128xf32, #tpu.memory_space<vmem>>, vector<1x16xf32>,
      %swap3A_116 = vector.shape_cast %swap3A_115 : vector<1x16xf32> to vector<16xf32>
      %swap3A_117 = vector.shape_cast %broadcast_in_dim3A_1 : vector<16xf32> to vector<1x16xf32>
      tpu.vector_store %arg9[%swap3A_113, %swap3A_114], %swap3A_117 {strides = array<i32>} : memref<128x128xf32, #tpu.memory_space<vmem>>, vector<1x16xf32>,
    }
    %scan3A_6 = arith.constant 128 : i32
    %mul3A_7 = arith.constant 5 : i32
    %mul3A_8 = arith.muli %arg1, %mul3A_7 : i32
    %add3A_9 = arith.constant 0 : i32
    %add3A_10 = arith.addi %mul3A_8, %add3A_9 : i32
    %mul3A_11 = arith.constant 128 : i32
    %mul3A_12 = arith.muli %add3A_10, %mul3A_11 : i32
    "tpu.region"() ({
      %run_scoped3A_78 = tpu.sem_alloc : memref<!tpu.dma_semaphore, #tpu.memory_space<semaphore_mem>>
      %dma_start3A_79 = arith.constant 0 : i32
      %dma_start3A_80 = tpu.memref_slice %arg6[%mul3A_12, %dma_start3A_79] : memref<10240x128xf32, #tpu.memory_space<vmem_shared>> -> memref<128x128xf32, #tpu.memory_space<vmem_shared>>
      %dma_start3A_81 = arith.constant 0 : i32
      %dma_start3A_82 = tpu.memref_slice %arg6[%mul3A_12, %dma_start3A_81] : memref<10240x128xf32, #tpu.memory_space<vmem_shared>> -> memref<128x128xf32, #tpu.memory_space<vmem_shared>>
      tpu.enqueue_dma source(%arg9 : memref<128x128xf32, #tpu.memory_space<vmem>>) target(%dma_start3A_82 : memref<128x128xf32, #tpu.memory_space<vmem_shared>>) target_semaphore(%run_scoped3A_78 : memref<!tpu.dma_semaphore, #tpu.memory_space<semaphore_mem>>)
      %dma_wait3A = arith.constant 0 : i32
      %dma_wait3A_83 = tpu.memref_slice %arg6[%mul3A_12, %dma_wait3A] : memref<10240x128xf32, #tpu.memory_space<vmem_shared>> -> memref<128x128xf32, #tpu.memory_space<vmem_shared>>
      %dma_wait3A_84 = arith.constant 0 : i32
      %dma_wait3A_85 = tpu.memref_slice %arg6[%mul3A_12, %dma_wait3A_84] : memref<10240x128xf32, #tpu.memory_space<vmem_shared>> -> memref<128x128xf32, #tpu.memory_space<vmem_shared>>
      tpu.wait_dma2 semaphore(%run_scoped3A_78 : memref<!tpu.dma_semaphore, #tpu.memory_space<semaphore_mem>>) src(%arg9 : memref<128x128xf32, #tpu.memory_space<vmem>>) dst(%dma_wait3A_85 : memref<128x128xf32, #tpu.memory_space<vmem_shared>>)
      tpu.yield
    }) : () -> ()
    %mul3A_13 = arith.constant 5 : i32
    %mul3A_14 = arith.muli %arg1, %mul3A_13 : i32
    %add3A_15 = arith.constant 1 : i32
    %add3A_16 = arith.addi %mul3A_14, %add3A_15 : i32
    %mul3A_17 = arith.constant 128 : i32
    %mul3A_18 = arith.muli %add3A_16, %mul3A_17 : i32
    "tpu.region"() ({
      %run_scoped3A_78 = tpu.sem_alloc : memref<!tpu.dma_semaphore, #tpu.memory_space<semaphore_mem>>
      %dma_start3A_79 = arith.constant 0 : i32
      %dma_start3A_80 = tpu.memref_slice %arg6[%mul3A_18, %dma_start3A_79] : memref<10240x128xf32, #tpu.memory_space<vmem_shared>> -> memref<128x128xf32, #tpu.memory_space<vmem_shared>>
      %dma_start3A_81 = arith.constant 0 : i32
      %dma_start3A_82 = tpu.memref_slice %arg6[%mul3A_18, %dma_start3A_81] : memref<10240x128xf32, #tpu.memory_space<vmem_shared>> -> memref<128x128xf32, #tpu.memory_space<vmem_shared>>
      tpu.enqueue_dma source(%arg9 : memref<128x128xf32, #tpu.memory_space<vmem>>) target(%dma_start3A_82 : memref<128x128xf32, #tpu.memory_space<vmem_shared>>) target_semaphore(%run_scoped3A_78 : memref<!tpu.dma_semaphore, #tpu.memory_space<semaphore_mem>>)
      %dma_wait3A = arith.constant 0 : i32
      %dma_wait3A_83 = tpu.memref_slice %arg6[%mul3A_18, %dma_wait3A] : memref<10240x128xf32, #tpu.memory_space<vmem_shared>> -> memref<128x128xf32, #tpu.memory_space<vmem_shared>>
      %dma_wait3A_84 = arith.constant 0 : i32
      %dma_wait3A_85 = tpu.memref_slice %arg6[%mul3A_18, %dma_wait3A_84] : memref<10240x128xf32, #tpu.memory_space<vmem_shared>> -> memref<128x128xf32, #tpu.memory_space<vmem_shared>>
      tpu.wait_dma2 semaphore(%run_scoped3A_78 : memref<!tpu.dma_semaphore, #tpu.memory_space<semaphore_mem>>) src(%arg9 : memref<128x128xf32, #tpu.memory_space<vmem>>) dst(%dma_wait3A_85 : memref<128x128xf32, #tpu.memory_space<vmem_shared>>)
      tpu.yield
    }) : () -> ()
    %mul3A_19 = arith.constant 5 : i32
    %mul3A_20 = arith.muli %arg1, %mul3A_19 : i32
    %add3A_21 = arith.constant 2 : i32
    %add3A_22 = arith.addi %mul3A_20, %add3A_21 : i32
    %mul3A_23 = arith.constant 128 : i32
    %mul3A_24 = arith.muli %add3A_22, %mul3A_23 : i32
    "tpu.region"() ({
      %run_scoped3A_78 = tpu.sem_alloc : memref<!tpu.dma_semaphore, #tpu.memory_space<semaphore_mem>>
      %dma_start3A_79 = arith.constant 0 : i32
      %dma_start3A_80 = tpu.memref_slice %arg6[%mul3A_24, %dma_start3A_79] : memref<10240x128xf32, #tpu.memory_space<vmem_shared>> -> memref<128x128xf32, #tpu.memory_space<vmem_shared>>
      %dma_start3A_81 = arith.constant 0 : i32
      %dma_start3A_82 = tpu.memref_slice %arg6[%mul3A_24, %dma_start3A_81] : memref<10240x128xf32, #tpu.memory_space<vmem_shared>> -> memref<128x128xf32, #tpu.memory_space<vmem_shared>>
      tpu.enqueue_dma source(%arg9 : memref<128x128xf32, #tpu.memory_space<vmem>>) target(%dma_start3A_82 : memref<128x128xf32, #tpu.memory_space<vmem_shared>>) target_semaphore(%run_scoped3A_78 : memref<!tpu.dma_semaphore, #tpu.memory_space<semaphore_mem>>)
      %dma_wait3A = arith.constant 0 : i32
      %dma_wait3A_83 = tpu.memref_slice %arg6[%mul3A_24, %dma_wait3A] : memref<10240x128xf32, #tpu.memory_space<vmem_shared>> -> memref<128x128xf32, #tpu.memory_space<vmem_shared>>
      %dma_wait3A_84 = arith.constant 0 : i32
      %dma_wait3A_85 = tpu.memref_slice %arg6[%mul3A_24, %dma_wait3A_84] : memref<10240x128xf32, #tpu.memory_space<vmem_shared>> -> memref<128x128xf32, #tpu.memory_space<vmem_shared>>
      tpu.wait_dma2 semaphore(%run_scoped3A_78 : memref<!tpu.dma_semaphore, #tpu.memory_space<semaphore_mem>>) src(%arg9 : memref<128x128xf32, #tpu.memory_space<vmem>>) dst(%dma_wait3A_85 : memref<128x128xf32, #tpu.memory_space<vmem_shared>>)
      tpu.yield
    }) : () -> ()
    %mul3A_25 = arith.constant 5 : i32
    %mul3A_26 = arith.muli %arg1, %mul3A_25 : i32
    %add3A_27 = arith.constant 3 : i32
    %add3A_28 = arith.addi %mul3A_26, %add3A_27 : i32
    %mul3A_29 = arith.constant 128 : i32
    %mul3A_30 = arith.muli %add3A_28, %mul3A_29 : i32
    "tpu.region"() ({
      %run_scoped3A_78 = tpu.sem_alloc : memref<!tpu.dma_semaphore, #tpu.memory_space<semaphore_mem>>
      %dma_start3A_79 = arith.constant 0 : i32
      %dma_start3A_80 = tpu.memref_slice %arg6[%mul3A_30, %dma_start3A_79] : memref<10240x128xf32, #tpu.memory_space<vmem_shared>> -> memref<128x128xf32, #tpu.memory_space<vmem_shared>>
      %dma_start3A_81 = arith.constant 0 : i32
      %dma_start3A_82 = tpu.memref_slice %arg6[%mul3A_30, %dma_start3A_81] : memref<10240x128xf32, #tpu.memory_space<vmem_shared>> -> memref<128x128xf32, #tpu.memory_space<vmem_shared>>
      tpu.enqueue_dma source(%arg9 : memref<128x128xf32, #tpu.memory_space<vmem>>) target(%dma_start3A_82 : memref<128x128xf32, #tpu.memory_space<vmem_shared>>) target_semaphore(%run_scoped3A_78 : memref<!tpu.dma_semaphore, #tpu.memory_space<semaphore_mem>>)
      %dma_wait3A = arith.constant 0 : i32
      %dma_wait3A_83 = tpu.memref_slice %arg6[%mul3A_30, %dma_wait3A] : memref<10240x128xf32, #tpu.memory_space<vmem_shared>> -> memref<128x128xf32, #tpu.memory_space<vmem_shared>>
      %dma_wait3A_84 = arith.constant 0 : i32
      %dma_wait3A_85 = tpu.memref_slice %arg6[%mul3A_30, %dma_wait3A_84] : memref<10240x128xf32, #tpu.memory_space<vmem_shared>> -> memref<128x128xf32, #tpu.memory_space<vmem_shared>>
      tpu.wait_dma2 semaphore(%run_scoped3A_78 : memref<!tpu.dma_semaphore, #tpu.memory_space<semaphore_mem>>) src(%arg9 : memref<128x128xf32, #tpu.memory_space<vmem>>) dst(%dma_wait3A_85 : memref<128x128xf32, #tpu.memory_space<vmem_shared>>)
      tpu.yield
    }) : () -> ()
    %mul3A_31 = arith.constant 5 : i32
    %mul3A_32 = arith.muli %arg1, %mul3A_31 : i32
    %add3A_33 = arith.constant 4 : i32
    %add3A_34 = arith.addi %mul3A_32, %add3A_33 : i32
    %mul3A_35 = arith.constant 128 : i32
    %mul3A_36 = arith.muli %add3A_34, %mul3A_35 : i32
    "tpu.region"() ({
      %run_scoped3A_78 = tpu.sem_alloc : memref<!tpu.dma_semaphore, #tpu.memory_space<semaphore_mem>>
      %dma_start3A_79 = arith.constant 0 : i32
      %dma_start3A_80 = tpu.memref_slice %arg6[%mul3A_36, %dma_start3A_79] : memref<10240x128xf32, #tpu.memory_space<vmem_shared>> -> memref<128x128xf32, #tpu.memory_space<vmem_shared>>
      %dma_start3A_81 = arith.constant 0 : i32
      %dma_start3A_82 = tpu.memref_slice %arg6[%mul3A_36, %dma_start3A_81] : memref<10240x128xf32, #tpu.memory_space<vmem_shared>> -> memref<128x128xf32, #tpu.memory_space<vmem_shared>>
      tpu.enqueue_dma source(%arg9 : memref<128x128xf32, #tpu.memory_space<vmem>>) target(%dma_start3A_82 : memref<128x128xf32, #tpu.memory_space<vmem_shared>>) target_semaphore(%run_scoped3A_78 : memref<!tpu.dma_semaphore, #tpu.memory_space<semaphore_mem>>)
      %dma_wait3A = arith.constant 0 : i32
      %dma_wait3A_83 = tpu.memref_slice %arg6[%mul3A_36, %dma_wait3A] : memref<10240x128xf32, #tpu.memory_space<vmem_shared>> -> memref<128x128xf32, #tpu.memory_space<vmem_shared>>
      %dma_wait3A_84 = arith.constant 0 : i32
      %dma_wait3A_85 = tpu.memref_slice %arg6[%mul3A_36, %dma_wait3A_84] : memref<10240x128xf32, #tpu.memory_space<vmem_shared>> -> memref<128x128xf32, #tpu.memory_space<vmem_shared>>
      tpu.wait_dma2 semaphore(%run_scoped3A_78 : memref<!tpu.dma_semaphore, #tpu.memory_space<semaphore_mem>>) src(%arg9 : memref<128x128xf32, #tpu.memory_space<vmem>>) dst(%dma_wait3A_85 : memref<128x128xf32, #tpu.memory_space<vmem_shared>>)
      tpu.yield
    }) : () -> ()
    %barrier3A_37 = arith.constant 0 : index
    tpu.barrier barrier_id(%barrier3A_37)
    %mul3A_38 = arith.constant 80 : i32
    %mul3A_39 = arith.muli %add3A, %mul3A_38 : i32
    %add3A_40 = arith.constant 0 : i32
    %add3A_41 = arith.addi %add3A_40, %mul3A_39 : i32
    %add3A_42 = arith.constant 0 : i32
    %add3A_43 = arith.addi %add3A_41, %add3A_42 : i32
    "tpu.region"() ({
      %run_scoped3A_78 = tpu.sem_alloc : memref<!tpu.dma_semaphore, #tpu.memory_space<semaphore_mem>>
      %dma_start3A_79 = arith.constant 0 : i32
      %dma_start3A_80 = tpu.memref_slice %arg3[%add3A_43, %dma_start3A_79] : memref<2560x128xi32, #tpu.memory_space<hbm>> -> memref<40x128xi32, #tpu.memory_space<hbm>>
      %dma_start3A_81 = arith.constant 0 : i32
      %dma_start3A_82 = tpu.memref_slice %arg3[%add3A_43, %dma_start3A_81] : memref<2560x128xi32, #tpu.memory_space<hbm>> -> memref<40x128xi32, #tpu.memory_space<hbm>>
      tpu.enqueue_dma source(%dma_start3A_82 : memref<40x128xi32, #tpu.memory_space<hbm>>) target(%arg7 : memref<40x128xi32, #tpu.memory_space<vmem>>) target_semaphore(%run_scoped3A_78 : memref<!tpu.dma_semaphore, #tpu.memory_space<semaphore_mem>>)
      %dma_wait3A = arith.constant 0 : i32
      %dma_wait3A_83 = tpu.memref_slice %arg3[%add3A_43, %dma_wait3A] : memref<2560x128xi32, #tpu.memory_space<hbm>> -> memref<40x128xi32, #tpu.memory_space<hbm>>
      %dma_wait3A_84 = arith.constant 0 : i32
      %dma_wait3A_85 = tpu.memref_slice %arg3[%add3A_43, %dma_wait3A_84] : memref<2560x128xi32, #tpu.memory_space<hbm>> -> memref<40x128xi32, #tpu.memory_space<hbm>>
      tpu.wait_dma2 semaphore(%run_scoped3A_78 : memref<!tpu.dma_semaphore, #tpu.memory_space<semaphore_mem>>) src(%dma_wait3A_85 : memref<40x128xi32, #tpu.memory_space<hbm>>) dst(%arg7 : memref<40x128xi32, #tpu.memory_space<vmem>>)
      tpu.yield
    }) : () -> ()
    "tpu.region"() ({
      %run_scoped3A_78 = tpu.sem_alloc : memref<!tpu.dma_semaphore, #tpu.memory_space<semaphore_mem>>
      %dma_start3A_79 = arith.constant 0 : i32
      %dma_start3A_80 = tpu.memref_slice %arg4[%add3A_43, %dma_start3A_79] : memref<2560x128xi32, #tpu.memory_space<hbm>> -> memref<40x128xi32, #tpu.memory_space<hbm>>
      %dma_start3A_81 = arith.constant 0 : i32
      %dma_start3A_82 = tpu.memref_slice %arg4[%add3A_43, %dma_start3A_81] : memref<2560x128xi32, #tpu.memory_space<hbm>> -> memref<40x128xi32, #tpu.memory_space<hbm>>
      tpu.enqueue_dma source(%dma_start3A_82 : memref<40x128xi32, #tpu.memory_space<hbm>>) target(%arg8 : memref<40x128xi32, #tpu.memory_space<vmem>>) target_semaphore(%run_scoped3A_78 : memref<!tpu.dma_semaphore, #tpu.memory_space<semaphore_mem>>)
      %dma_wait3A = arith.constant 0 : i32
      %dma_wait3A_83 = tpu.memref_slice %arg4[%add3A_43, %dma_wait3A] : memref<2560x128xi32, #tpu.memory_space<hbm>> -> memref<40x128xi32, #tpu.memory_space<hbm>>
      %dma_wait3A_84 = arith.constant 0 : i32
      %dma_wait3A_85 = tpu.memref_slice %arg4[%add3A_43, %dma_wait3A_84] : memref<2560x128xi32, #tpu.memory_space<hbm>> -> memref<40x128xi32, #tpu.memory_space<hbm>>
      tpu.wait_dma2 semaphore(%run_scoped3A_78 : memref<!tpu.dma_semaphore, #tpu.memory_space<semaphore_mem>>) src(%dma_wait3A_85 : memref<40x128xi32, #tpu.memory_space<hbm>>) dst(%arg8 : memref<40x128xi32, #tpu.memory_space<vmem>>)
      tpu.yield
    }) : () -> ()
    %dma_start3A = arith.constant 0 : i32
    %dma_start3A_44 = arith.constant 0 : i32
    %dma_start3A_45 = tpu.memref_slice %arg7[%dma_start3A, %dma_start3A_44] : memref<40x128xi32, #tpu.memory_space<vmem>> -> memref<1x128xi32, #tpu.memory_space<vmem>>
    %dma_start3A_46 = tpu.memref_squeeze %dma_start3A_45 : memref<1x128xi32, #tpu.memory_space<vmem>> -> memref<128xi32, #tpu.memory_space<vmem>>
    %dma_start3A_47 = arith.constant 0 : i32
    %dma_start3A_48 = arith.constant 0 : i32
    %dma_start3A_49 = tpu.memref_slice %arg2[%dma_start3A_47, %dma_start3A_48] : memref<10000x128xf32, #tpu.memory_space<hbm>> -> memref<10000x128xf32, #tpu.memory_space<hbm>>
    tpu.enqueue_indirect_dma source(%dma_start3A_49 : memref<10000x128xf32, #tpu.memory_space<hbm>>) target(%arg9 : memref<128x128xf32, #tpu.memory_space<vmem>>) offsets(%dma_start3A_46 : memref<128xi32, #tpu.memory_space<vmem>>) semaphore(%arg11 : memref<!tpu.dma_semaphore, #tpu.memory_space<semaphore_mem>>)
    %scan3A_50 = arith.constant 0 : i32
    %scan3A_51 = arith.constant 0 : i32
    %scan3A_52 = arith.constant 20 : i32
    %scan3A_53 = arith.addi %scan3A_51, %scan3A_52 : i32
    %scan3A_54 = arith.constant 1 : i32
    scf.for %scan3A_78 = %scan3A_51 to %scan3A_53 step %scan3A_54  : i32 {
      %mul3A_79 = arith.constant 2 : i32
      %mul3A_80 = arith.muli %mul3A_79, %scan3A_78 : i32
      %add3A_81 = arith.constant 1 : i32
      %add3A_82 = arith.addi %mul3A_80, %add3A_81 : i32
      %dma_wait3A = arith.constant 0 : i32
      %dma_wait3A_83 = tpu.memref_slice %arg7[%mul3A_80, %dma_wait3A] : memref<40x128xi32, #tpu.memory_space<vmem>> -> memref<1x128xi32, #tpu.memory_space<vmem>>
      %dma_wait3A_84 = tpu.memref_squeeze %dma_wait3A_83 : memref<1x128xi32, #tpu.memory_space<vmem>> -> memref<128xi32, #tpu.memory_space<vmem>>
      %dma_wait3A_85 = arith.constant 0 : i32
      %dma_wait3A_86 = arith.constant 0 : i32
      %dma_wait3A_87 = tpu.memref_slice %arg2[%dma_wait3A_85, %dma_wait3A_86] : memref<10000x128xf32, #tpu.memory_space<hbm>> -> memref<10000x128xf32, #tpu.memory_space<hbm>>
      tpu.wait_indirect_dma semaphore(%arg11 : memref<!tpu.dma_semaphore, #tpu.memory_space<semaphore_mem>>) src(%dma_wait3A_87 : memref<10000x128xf32, #tpu.memory_space<hbm>>) dst(%arg9 : memref<128x128xf32, #tpu.memory_space<vmem>>)
      %dma_start3A_88 = arith.constant 0 : i32
      %dma_start3A_89 = tpu.memref_slice %arg7[%add3A_82, %dma_start3A_88] : memref<40x128xi32, #tpu.memory_space<vmem>> -> memref<1x128xi32, #tpu.memory_space<vmem>>
      %dma_start3A_90 = tpu.memref_squeeze %dma_start3A_89 : memref<1x128xi32, #tpu.memory_space<vmem>> -> memref<128xi32, #tpu.memory_space<vmem>>
      %dma_start3A_91 = arith.constant 0 : i32
      %dma_start3A_92 = arith.constant 0 : i32
      %dma_start3A_93 = tpu.memref_slice %arg2[%dma_start3A_91, %dma_start3A_92] : memref<10000x128xf32, #tpu.memory_space<hbm>> -> memref<10000x128xf32, #tpu.memory_space<hbm>>
      tpu.enqueue_indirect_dma source(%dma_start3A_93 : memref<10000x128xf32, #tpu.memory_space<hbm>>) target(%arg10 : memref<128x128xf32, #tpu.memory_space<vmem>>) offsets(%dma_start3A_90 : memref<128xi32, #tpu.memory_space<vmem>>) semaphore(%arg12 : memref<!tpu.dma_semaphore, #tpu.memory_space<semaphore_mem>>)
      "tpu.region"() ({
        %run_scoped3A_102 = tpu.sem_alloc : memref<!tpu.dma_semaphore, #tpu.memory_space<semaphore_mem>>
        %dma_start3A_103 = arith.constant 0 : i32
        %dma_start3A_104 = tpu.memref_slice %arg8[%mul3A_80, %dma_start3A_103] : memref<40x128xi32, #tpu.memory_space<vmem>> -> memref<1x128xi32, #tpu.memory_space<vmem>>
        %dma_start3A_105 = tpu.memref_squeeze %dma_start3A_104 : memref<1x128xi32, #tpu.memory_space<vmem>> -> memref<128xi32, #tpu.memory_space<vmem>>
        %dma_start3A_106 = arith.constant 0 : i32
        %dma_start3A_107 = arith.constant 0 : i32
        %dma_start3A_108 = tpu.memref_slice %arg6[%dma_start3A_106, %dma_start3A_107] : memref<10240x128xf32, #tpu.memory_space<vmem_shared>> -> memref<10240x128xf32, #tpu.memory_space<vmem_shared>>
        tpu.enqueue_indirect_dma source(%arg9 : memref<128x128xf32, #tpu.memory_space<vmem>>) target(%dma_start3A_108 : memref<10240x128xf32, #tpu.memory_space<vmem_shared>>) offsets(%dma_start3A_105 : memref<128xi32, #tpu.memory_space<vmem>>) semaphore(%run_scoped3A_102 : memref<!tpu.dma_semaphore, #tpu.memory_space<semaphore_mem>>) {add = true}
        %dma_wait3A_109 = arith.constant 0 : i32
        %dma_wait3A_110 = tpu.memref_slice %arg8[%mul3A_80, %dma_wait3A_109] : memref<40x128xi32, #tpu.memory_space<vmem>> -> memref<1x128xi32, #tpu.memory_space<vmem>>
        %dma_wait3A_111 = tpu.memref_squeeze %dma_wait3A_110 : memref<1x128xi32, #tpu.memory_space<vmem>> -> memref<128xi32, #tpu.memory_space<vmem>>
        %dma_wait3A_112 = arith.constant 0 : i32
        %dma_wait3A_113 = arith.constant 0 : i32
        %dma_wait3A_114 = tpu.memref_slice %arg6[%dma_wait3A_112, %dma_wait3A_113] : memref<10240x128xf32, #tpu.memory_space<vmem_shared>> -> memref<10240x128xf32, #tpu.memory_space<vmem_shared>>
        tpu.wait_indirect_dma semaphore(%run_scoped3A_102 : memref<!tpu.dma_semaphore, #tpu.memory_space<semaphore_mem>>) src(%arg9 : memref<128x128xf32, #tpu.memory_space<vmem>>) dst(%dma_wait3A_114 : memref<10240x128xf32, #tpu.memory_space<vmem_shared>>)
        tpu.yield
      }) : () -> ()
      %dma_wait3A_94 = arith.constant 0 : i32
      %dma_wait3A_95 = tpu.memref_slice %arg7[%add3A_82, %dma_wait3A_94] : memref<40x128xi32, #tpu.memory_space<vmem>> -> memref<1x128xi32, #tpu.memory_space<vmem>>
      %dma_wait3A_96 = tpu.memref_squeeze %dma_wait3A_95 : memref<1x128xi32, #tpu.memory_space<vmem>> -> memref<128xi32, #tpu.memory_space<vmem>>
      %dma_wait3A_97 = arith.constant 0 : i32
      %dma_wait3A_98 = arith.constant 0 : i32
      %dma_wait3A_99 = tpu.memref_slice %arg2[%dma_wait3A_97, %dma_wait3A_98] : memref<10000x128xf32, #tpu.memory_space<hbm>> -> memref<10000x128xf32, #tpu.memory_space<hbm>>
      tpu.wait_indirect_dma semaphore(%arg12 : memref<!tpu.dma_semaphore, #tpu.memory_space<semaphore_mem>>) src(%dma_wait3A_99 : memref<10000x128xf32, #tpu.memory_space<hbm>>) dst(%arg10 : memref<128x128xf32, #tpu.memory_space<vmem>>)
      %lt3A = arith.constant 19 : i32
      %lt3A_100 = arith.cmpi slt, %scan3A_78, %lt3A : i32
      %convert_element_type3A = arith.extui %lt3A_100 : i1 to i32
      %cond3A = arith.constant 0 : i32
      %cond3A_101 = arith.cmpi ne, %convert_element_type3A, %cond3A : i32
      scf.if %cond3A_101 {
        %add3A_102 = arith.constant 2 : i32
        %add3A_103 = arith.addi %mul3A_80, %add3A_102 : i32
        %dma_start3A_104 = arith.constant 0 : i32
        %dma_start3A_105 = tpu.memref_slice %arg7[%add3A_103, %dma_start3A_104] : memref<40x128xi32, #tpu.memory_space<vmem>> -> memref<1x128xi32, #tpu.memory_space<vmem>>
        %dma_start3A_106 = tpu.memref_squeeze %dma_start3A_105 : memref<1x128xi32, #tpu.memory_space<vmem>> -> memref<128xi32, #tpu.memory_space<vmem>>
        %dma_start3A_107 = arith.constant 0 : i32
        %dma_start3A_108 = arith.constant 0 : i32
        %dma_start3A_109 = tpu.memref_slice %arg2[%dma_start3A_107, %dma_start3A_108] : memref<10000x128xf32, #tpu.memory_space<hbm>> -> memref<10000x128xf32, #tpu.memory_space<hbm>>
        tpu.enqueue_indirect_dma source(%dma_start3A_109 : memref<10000x128xf32, #tpu.memory_space<hbm>>) target(%arg9 : memref<128x128xf32, #tpu.memory_space<vmem>>) offsets(%dma_start3A_106 : memref<128xi32, #tpu.memory_space<vmem>>) semaphore(%arg11 : memref<!tpu.dma_semaphore, #tpu.memory_space<semaphore_mem>>)
      } else {
      }
      "tpu.region"() ({
        %run_scoped3A_102 = tpu.sem_alloc : memref<!tpu.dma_semaphore, #tpu.memory_space<semaphore_mem>>
        %dma_start3A_103 = arith.constant 0 : i32
        %dma_start3A_104 = tpu.memref_slice %arg8[%add3A_82, %dma_start3A_103] : memref<40x128xi32, #tpu.memory_space<vmem>> -> memref<1x128xi32, #tpu.memory_space<vmem>>
        %dma_start3A_105 = tpu.memref_squeeze %dma_start3A_104 : memref<1x128xi32, #tpu.memory_space<vmem>> -> memref<128xi32, #tpu.memory_space<vmem>>
        %dma_start3A_106 = arith.constant 0 : i32
        %dma_start3A_107 = arith.constant 0 : i32
        %dma_start3A_108 = tpu.memref_slice %arg6[%dma_start3A_106, %dma_start3A_107] : memref<10240x128xf32, #tpu.memory_space<vmem_shared>> -> memref<10240x128xf32, #tpu.memory_space<vmem_shared>>
        tpu.enqueue_indirect_dma source(%arg10 : memref<128x128xf32, #tpu.memory_space<vmem>>) target(%dma_start3A_108 : memref<10240x128xf32, #tpu.memory_space<vmem_shared>>) offsets(%dma_start3A_105 : memref<128xi32, #tpu.memory_space<vmem>>) semaphore(%run_scoped3A_102 : memref<!tpu.dma_semaphore, #tpu.memory_space<semaphore_mem>>) {add = true}
        %dma_wait3A_109 = arith.constant 0 : i32
        %dma_wait3A_110 = tpu.memref_slice %arg8[%add3A_82, %dma_wait3A_109] : memref<40x128xi32, #tpu.memory_space<vmem>> -> memref<1x128xi32, #tpu.memory_space<vmem>>
        %dma_wait3A_111 = tpu.memref_squeeze %dma_wait3A_110 : memref<1x128xi32, #tpu.memory_space<vmem>> -> memref<128xi32, #tpu.memory_space<vmem>>
        %dma_wait3A_112 = arith.constant 0 : i32
        %dma_wait3A_113 = arith.constant 0 : i32
        %dma_wait3A_114 = tpu.memref_slice %arg6[%dma_wait3A_112, %dma_wait3A_113] : memref<10240x128xf32, #tpu.memory_space<vmem_shared>> -> memref<10240x128xf32, #tpu.memory_space<vmem_shared>>
        tpu.wait_indirect_dma semaphore(%run_scoped3A_102 : memref<!tpu.dma_semaphore, #tpu.memory_space<semaphore_mem>>) src(%arg10 : memref<128x128xf32, #tpu.memory_space<vmem>>) dst(%dma_wait3A_114 : memref<10240x128xf32, #tpu.memory_space<vmem_shared>>)
        tpu.yield
      }) : () -> ()
    }
    %scan3A_55 = arith.constant 20 : i32
    %mul3A_56 = arith.constant 80 : i32
    %mul3A_57 = arith.muli %add3A, %mul3A_56 : i32
    %add3A_58 = arith.constant 0 : i32
    %add3A_59 = arith.addi %add3A_58, %mul3A_57 : i32
    %add3A_60 = arith.constant 40 : i32
    %add3A_61 = arith.addi %add3A_59, %add3A_60 : i32
    "tpu.region"() ({
      %run_scoped3A_78 = tpu.sem_alloc : memref<!tpu.dma_semaphore, #tpu.memory_space<semaphore_mem>>
      %dma_start3A_79 = arith.constant 0 : i32
      %dma_start3A_80 = tpu.memref_slice %arg3[%add3A_61, %dma_start3A_79] : memref<2560x128xi32, #tpu.memory_space<hbm>> -> memref<40x128xi32, #tpu.memory_space<hbm>>
      %dma_start3A_81 = arith.constant 0 : i32
      %dma_start3A_82 = tpu.memref_slice %arg3[%add3A_61, %dma_start3A_81] : memref<2560x128xi32, #tpu.memory_space<hbm>> -> memref<40x128xi32, #tpu.memory_space<hbm>>
      tpu.enqueue_dma source(%dma_start3A_82 : memref<40x128xi32, #tpu.memory_space<hbm>>) target(%arg7 : memref<40x128xi32, #tpu.memory_space<vmem>>) target_semaphore(%run_scoped3A_78 : memref<!tpu.dma_semaphore, #tpu.memory_space<semaphore_mem>>)
      %dma_wait3A = arith.constant 0 : i32
      %dma_wait3A_83 = tpu.memref_slice %arg3[%add3A_61, %dma_wait3A] : memref<2560x128xi32, #tpu.memory_space<hbm>> -> memref<40x128xi32, #tpu.memory_space<hbm>>
      %dma_wait3A_84 = arith.constant 0 : i32
      %dma_wait3A_85 = tpu.memref_slice %arg3[%add3A_61, %dma_wait3A_84] : memref<2560x128xi32, #tpu.memory_space<hbm>> -> memref<40x128xi32, #tpu.memory_space<hbm>>
      tpu.wait_dma2 semaphore(%run_scoped3A_78 : memref<!tpu.dma_semaphore, #tpu.memory_space<semaphore_mem>>) src(%dma_wait3A_85 : memref<40x128xi32, #tpu.memory_space<hbm>>) dst(%arg7 : memref<40x128xi32, #tpu.memory_space<vmem>>)
      tpu.yield
    }) : () -> ()
    "tpu.region"() ({
      %run_scoped3A_78 = tpu.sem_alloc : memref<!tpu.dma_semaphore, #tpu.memory_space<semaphore_mem>>
      %dma_start3A_79 = arith.constant 0 : i32
      %dma_start3A_80 = tpu.memref_slice %arg4[%add3A_61, %dma_start3A_79] : memref<2560x128xi32, #tpu.memory_space<hbm>> -> memref<40x128xi32, #tpu.memory_space<hbm>>
      %dma_start3A_81 = arith.constant 0 : i32
      %dma_start3A_82 = tpu.memref_slice %arg4[%add3A_61, %dma_start3A_81] : memref<2560x128xi32, #tpu.memory_space<hbm>> -> memref<40x128xi32, #tpu.memory_space<hbm>>
      tpu.enqueue_dma source(%dma_start3A_82 : memref<40x128xi32, #tpu.memory_space<hbm>>) target(%arg8 : memref<40x128xi32, #tpu.memory_space<vmem>>) target_semaphore(%run_scoped3A_78 : memref<!tpu.dma_semaphore, #tpu.memory_space<semaphore_mem>>)
      %dma_wait3A = arith.constant 0 : i32
      %dma_wait3A_83 = tpu.memref_slice %arg4[%add3A_61, %dma_wait3A] : memref<2560x128xi32, #tpu.memory_space<hbm>> -> memref<40x128xi32, #tpu.memory_space<hbm>>
      %dma_wait3A_84 = arith.constant 0 : i32
      %dma_wait3A_85 = tpu.memref_slice %arg4[%add3A_61, %dma_wait3A_84] : memref<2560x128xi32, #tpu.memory_space<hbm>> -> memref<40x128xi32, #tpu.memory_space<hbm>>
      tpu.wait_dma2 semaphore(%run_scoped3A_78 : memref<!tpu.dma_semaphore, #tpu.memory_space<semaphore_mem>>) src(%dma_wait3A_85 : memref<40x128xi32, #tpu.memory_space<hbm>>) dst(%arg8 : memref<40x128xi32, #tpu.memory_space<vmem>>)
      tpu.yield
    }) : () -> ()
    %dma_start3A_62 = arith.constant 0 : i32
    %dma_start3A_63 = arith.constant 0 : i32
    %dma_start3A_64 = tpu.memref_slice %arg7[%dma_start3A_62, %dma_start3A_63] : memref<40x128xi32, #tpu.memory_space<vmem>> -> memref<1x128xi32, #tpu.memory_space<vmem>>
    %dma_start3A_65 = tpu.memref_squeeze %dma_start3A_64 : memref<1x128xi32, #tpu.memory_space<vmem>> -> memref<128xi32, #tpu.memory_space<vmem>>
    %dma_start3A_66 = arith.constant 0 : i32
    %dma_start3A_67 = arith.constant 0 : i32
    %dma_start3A_68 = tpu.memref_slice %arg2[%dma_start3A_66, %dma_start3A_67] : memref<10000x128xf32, #tpu.memory_space<hbm>> -> memref<10000x128xf32, #tpu.memory_space<hbm>>
    tpu.enqueue_indirect_dma source(%dma_start3A_68 : memref<10000x128xf32, #tpu.memory_space<hbm>>) target(%arg9 : memref<128x128xf32, #tpu.memory_space<vmem>>) offsets(%dma_start3A_65 : memref<128xi32, #tpu.memory_space<vmem>>) semaphore(%arg11 : memref<!tpu.dma_semaphore, #tpu.memory_space<semaphore_mem>>)
    %scan3A_69 = arith.constant 0 : i32
    %scan3A_70 = arith.constant 0 : i32
    %scan3A_71 = arith.constant 20 : i32
    %scan3A_72 = arith.addi %scan3A_70, %scan3A_71 : i32
    %scan3A_73 = arith.constant 1 : i32
    scf.for %scan3A_78 = %scan3A_70 to %scan3A_72 step %scan3A_73  : i32 {
      %mul3A_79 = arith.constant 2 : i32
      %mul3A_80 = arith.muli %mul3A_79, %scan3A_78 : i32
      %add3A_81 = arith.constant 1 : i32
      %add3A_82 = arith.addi %mul3A_80, %add3A_81 : i32
      %dma_wait3A = arith.constant 0 : i32
      %dma_wait3A_83 = tpu.memref_slice %arg7[%mul3A_80, %dma_wait3A] : memref<40x128xi32, #tpu.memory_space<vmem>> -> memref<1x128xi32, #tpu.memory_space<vmem>>
      %dma_wait3A_84 = tpu.memref_squeeze %dma_wait3A_83 : memref<1x128xi32, #tpu.memory_space<vmem>> -> memref<128xi32, #tpu.memory_space<vmem>>
      %dma_wait3A_85 = arith.constant 0 : i32
      %dma_wait3A_86 = arith.constant 0 : i32
      %dma_wait3A_87 = tpu.memref_slice %arg2[%dma_wait3A_85, %dma_wait3A_86] : memref<10000x128xf32, #tpu.memory_space<hbm>> -> memref<10000x128xf32, #tpu.memory_space<hbm>>
      tpu.wait_indirect_dma semaphore(%arg11 : memref<!tpu.dma_semaphore, #tpu.memory_space<semaphore_mem>>) src(%dma_wait3A_87 : memref<10000x128xf32, #tpu.memory_space<hbm>>) dst(%arg9 : memref<128x128xf32, #tpu.memory_space<vmem>>)
      %dma_start3A_88 = arith.constant 0 : i32
      %dma_start3A_89 = tpu.memref_slice %arg7[%add3A_82, %dma_start3A_88] : memref<40x128xi32, #tpu.memory_space<vmem>> -> memref<1x128xi32, #tpu.memory_space<vmem>>
      %dma_start3A_90 = tpu.memref_squeeze %dma_start3A_89 : memref<1x128xi32, #tpu.memory_space<vmem>> -> memref<128xi32, #tpu.memory_space<vmem>>
      %dma_start3A_91 = arith.constant 0 : i32
      %dma_start3A_92 = arith.constant 0 : i32
      %dma_start3A_93 = tpu.memref_slice %arg2[%dma_start3A_91, %dma_start3A_92] : memref<10000x128xf32, #tpu.memory_space<hbm>> -> memref<10000x128xf32, #tpu.memory_space<hbm>>
      tpu.enqueue_indirect_dma source(%dma_start3A_93 : memref<10000x128xf32, #tpu.memory_space<hbm>>) target(%arg10 : memref<128x128xf32, #tpu.memory_space<vmem>>) offsets(%dma_start3A_90 : memref<128xi32, #tpu.memory_space<vmem>>) semaphore(%arg12 : memref<!tpu.dma_semaphore, #tpu.memory_space<semaphore_mem>>)
      "tpu.region"() ({
        %run_scoped3A_102 = tpu.sem_alloc : memref<!tpu.dma_semaphore, #tpu.memory_space<semaphore_mem>>
        %dma_start3A_103 = arith.constant 0 : i32
        %dma_start3A_104 = tpu.memref_slice %arg8[%mul3A_80, %dma_start3A_103] : memref<40x128xi32, #tpu.memory_space<vmem>> -> memref<1x128xi32, #tpu.memory_space<vmem>>
        %dma_start3A_105 = tpu.memref_squeeze %dma_start3A_104 : memref<1x128xi32, #tpu.memory_space<vmem>> -> memref<128xi32, #tpu.memory_space<vmem>>
        %dma_start3A_106 = arith.constant 0 : i32
        %dma_start3A_107 = arith.constant 0 : i32
        %dma_start3A_108 = tpu.memref_slice %arg6[%dma_start3A_106, %dma_start3A_107] : memref<10240x128xf32, #tpu.memory_space<vmem_shared>> -> memref<10240x128xf32, #tpu.memory_space<vmem_shared>>
        tpu.enqueue_indirect_dma source(%arg9 : memref<128x128xf32, #tpu.memory_space<vmem>>) target(%dma_start3A_108 : memref<10240x128xf32, #tpu.memory_space<vmem_shared>>) offsets(%dma_start3A_105 : memref<128xi32, #tpu.memory_space<vmem>>) semaphore(%run_scoped3A_102 : memref<!tpu.dma_semaphore, #tpu.memory_space<semaphore_mem>>) {add = true}
        %dma_wait3A_109 = arith.constant 0 : i32
        %dma_wait3A_110 = tpu.memref_slice %arg8[%mul3A_80, %dma_wait3A_109] : memref<40x128xi32, #tpu.memory_space<vmem>> -> memref<1x128xi32, #tpu.memory_space<vmem>>
        %dma_wait3A_111 = tpu.memref_squeeze %dma_wait3A_110 : memref<1x128xi32, #tpu.memory_space<vmem>> -> memref<128xi32, #tpu.memory_space<vmem>>
        %dma_wait3A_112 = arith.constant 0 : i32
        %dma_wait3A_113 = arith.constant 0 : i32
        %dma_wait3A_114 = tpu.memref_slice %arg6[%dma_wait3A_112, %dma_wait3A_113] : memref<10240x128xf32, #tpu.memory_space<vmem_shared>> -> memref<10240x128xf32, #tpu.memory_space<vmem_shared>>
        tpu.wait_indirect_dma semaphore(%run_scoped3A_102 : memref<!tpu.dma_semaphore, #tpu.memory_space<semaphore_mem>>) src(%arg9 : memref<128x128xf32, #tpu.memory_space<vmem>>) dst(%dma_wait3A_114 : memref<10240x128xf32, #tpu.memory_space<vmem_shared>>)
        tpu.yield
      }) : () -> ()
      %dma_wait3A_94 = arith.constant 0 : i32
      %dma_wait3A_95 = tpu.memref_slice %arg7[%add3A_82, %dma_wait3A_94] : memref<40x128xi32, #tpu.memory_space<vmem>> -> memref<1x128xi32, #tpu.memory_space<vmem>>
      %dma_wait3A_96 = tpu.memref_squeeze %dma_wait3A_95 : memref<1x128xi32, #tpu.memory_space<vmem>> -> memref<128xi32, #tpu.memory_space<vmem>>
      %dma_wait3A_97 = arith.constant 0 : i32
      %dma_wait3A_98 = arith.constant 0 : i32
      %dma_wait3A_99 = tpu.memref_slice %arg2[%dma_wait3A_97, %dma_wait3A_98] : memref<10000x128xf32, #tpu.memory_space<hbm>> -> memref<10000x128xf32, #tpu.memory_space<hbm>>
      tpu.wait_indirect_dma semaphore(%arg12 : memref<!tpu.dma_semaphore, #tpu.memory_space<semaphore_mem>>) src(%dma_wait3A_99 : memref<10000x128xf32, #tpu.memory_space<hbm>>) dst(%arg10 : memref<128x128xf32, #tpu.memory_space<vmem>>)
      %lt3A = arith.constant 19 : i32
      %lt3A_100 = arith.cmpi slt, %scan3A_78, %lt3A : i32
      %convert_element_type3A = arith.extui %lt3A_100 : i1 to i32
      %cond3A = arith.constant 0 : i32
      %cond3A_101 = arith.cmpi ne, %convert_element_type3A, %cond3A : i32
      scf.if %cond3A_101 {
        %add3A_102 = arith.constant 2 : i32
        %add3A_103 = arith.addi %mul3A_80, %add3A_102 : i32
        %dma_start3A_104 = arith.constant 0 : i32
        %dma_start3A_105 = tpu.memref_slice %arg7[%add3A_103, %dma_start3A_104] : memref<40x128xi32, #tpu.memory_space<vmem>> -> memref<1x128xi32, #tpu.memory_space<vmem>>
        %dma_start3A_106 = tpu.memref_squeeze %dma_start3A_105 : memref<1x128xi32, #tpu.memory_space<vmem>> -> memref<128xi32, #tpu.memory_space<vmem>>
        %dma_start3A_107 = arith.constant 0 : i32
        %dma_start3A_108 = arith.constant 0 : i32
        %dma_start3A_109 = tpu.memref_slice %arg2[%dma_start3A_107, %dma_start3A_108] : memref<10000x128xf32, #tpu.memory_space<hbm>> -> memref<10000x128xf32, #tpu.memory_space<hbm>>
        tpu.enqueue_indirect_dma source(%dma_start3A_109 : memref<10000x128xf32, #tpu.memory_space<hbm>>) target(%arg9 : memref<128x128xf32, #tpu.memory_space<vmem>>) offsets(%dma_start3A_106 : memref<128xi32, #tpu.memory_space<vmem>>) semaphore(%arg11 : memref<!tpu.dma_semaphore, #tpu.memory_space<semaphore_mem>>)
      } else {
      }
      "tpu.region"() ({
        %run_scoped3A_102 = tpu.sem_alloc : memref<!tpu.dma_semaphore, #tpu.memory_space<semaphore_mem>>
        %dma_start3A_103 = arith.constant 0 : i32
        %dma_start3A_104 = tpu.memref_slice %arg8[%add3A_82, %dma_start3A_103] : memref<40x128xi32, #tpu.memory_space<vmem>> -> memref<1x128xi32, #tpu.memory_space<vmem>>
        %dma_start3A_105 = tpu.memref_squeeze %dma_start3A_104 : memref<1x128xi32, #tpu.memory_space<vmem>> -> memref<128xi32, #tpu.memory_space<vmem>>
        %dma_start3A_106 = arith.constant 0 : i32
        %dma_start3A_107 = arith.constant 0 : i32
        %dma_start3A_108 = tpu.memref_slice %arg6[%dma_start3A_106, %dma_start3A_107] : memref<10240x128xf32, #tpu.memory_space<vmem_shared>> -> memref<10240x128xf32, #tpu.memory_space<vmem_shared>>
        tpu.enqueue_indirect_dma source(%arg10 : memref<128x128xf32, #tpu.memory_space<vmem>>) target(%dma_start3A_108 : memref<10240x128xf32, #tpu.memory_space<vmem_shared>>) offsets(%dma_start3A_105 : memref<128xi32, #tpu.memory_space<vmem>>) semaphore(%run_scoped3A_102 : memref<!tpu.dma_semaphore, #tpu.memory_space<semaphore_mem>>) {add = true}
        %dma_wait3A_109 = arith.constant 0 : i32
        %dma_wait3A_110 = tpu.memref_slice %arg8[%add3A_82, %dma_wait3A_109] : memref<40x128xi32, #tpu.memory_space<vmem>> -> memref<1x128xi32, #tpu.memory_space<vmem>>
        %dma_wait3A_111 = tpu.memref_squeeze %dma_wait3A_110 : memref<1x128xi32, #tpu.memory_space<vmem>> -> memref<128xi32, #tpu.memory_space<vmem>>
        %dma_wait3A_112 = arith.constant 0 : i32
        %dma_wait3A_113 = arith.constant 0 : i32
        %dma_wait3A_114 = tpu.memref_slice %arg6[%dma_wait3A_112, %dma_wait3A_113] : memref<10240x128xf32, #tpu.memory_space<vmem_shared>> -> memref<10240x128xf32, #tpu.memory_space<vmem_shared>>
        tpu.wait_indirect_dma semaphore(%run_scoped3A_102 : memref<!tpu.dma_semaphore, #tpu.memory_space<semaphore_mem>>) src(%arg10 : memref<128x128xf32, #tpu.memory_space<vmem>>) dst(%dma_wait3A_114 : memref<10240x128xf32, #tpu.memory_space<vmem_shared>>)
        tpu.yield
      }) : () -> ()
    }
    %scan3A_74 = arith.constant 20 : i32
    %barrier3A_75 = arith.constant 0 : index
    tpu.barrier barrier_id(%barrier3A_75)
    %mul3A_76 = arith.constant 640 : i32
    %mul3A_77 = arith.muli %arg1, %mul3A_76 : i32
    %run_scoped3A = arith.constant 0 : i32
    "tpu.region"() ({
      %run_scoped3A_78 = tpu.sem_alloc : memref<!tpu.dma_semaphore, #tpu.memory_space<semaphore_mem>>
      %dma_start3A_79 = arith.constant 0 : i32
      %dma_start3A_80 = tpu.memref_slice %arg5[%run_scoped3A, %arg0, %mul3A_77, %dma_start3A_79] : memref<1x2x10240x128xf32, #tpu.memory_space<hbm>> -> memref<1x1x640x128xf32, #tpu.memory_space<hbm>>
      %dma_start3A_81 = tpu.memref_squeeze %dma_start3A_80 : memref<1x1x640x128xf32, #tpu.memory_space<hbm>> -> memref<640x128xf32, #tpu.memory_space<hbm>>
      %dma_start3A_82 = arith.constant 0 : i32
      %dma_start3A_83 = tpu.memref_slice %arg6[%mul3A_77, %dma_start3A_82] : memref<10240x128xf32, #tpu.memory_space<vmem_shared>> -> memref<640x128xf32, #tpu.memory_space<vmem_shared>>
      tpu.enqueue_dma source(%dma_start3A_83 : memref<640x128xf32, #tpu.memory_space<vmem_shared>>) target(%dma_start3A_81 : memref<640x128xf32, #tpu.memory_space<hbm>>) target_semaphore(%run_scoped3A_78 : memref<!tpu.dma_semaphore, #tpu.memory_space<semaphore_mem>>)
      %dma_wait3A = arith.constant 0 : i32
      %dma_wait3A_84 = tpu.memref_slice %arg5[%run_scoped3A, %arg0, %mul3A_77, %dma_wait3A] : memref<1x2x10240x128xf32, #tpu.memory_space<hbm>> -> memref<1x1x640x128xf32, #tpu.memory_space<hbm>>
      %dma_wait3A_85 = tpu.memref_squeeze %dma_wait3A_84 : memref<1x1x640x128xf32, #tpu.memory_space<hbm>> -> memref<640x128xf32, #tpu.memory_space<hbm>>
      %dma_wait3A_86 = arith.constant 0 : i32
      %dma_wait3A_87 = tpu.memref_slice %arg6[%mul3A_77, %dma_wait3A_86] : memref<10240x128xf32, #tpu.memory_space<vmem_shared>> -> memref<640x128xf32, #tpu.memory_space<vmem_shared>>
      tpu.wait_dma2 semaphore(%run_scoped3A_78 : memref<!tpu.dma_semaphore, #tpu.memory_space<semaphore_mem>>) src(%dma_wait3A_87 : memref<640x128xf32, #tpu.memory_space<vmem_shared>>) dst(%dma_wait3A_85 : memref<640x128xf32, #tpu.memory_space<hbm>>)
      tpu.yield
    }) : () -> ()
    return
  }
}

#map = affine_map<(d0, d1) -> (0, 0)>
#map1 = affine_map<(d0, d1) -> (0, 0, 0, 0)>
module attributes {stable_mosaic.version = 14 : i64} {
  func.func @k(%arg0: i32, %arg1: i32, %arg2: memref<10000x128xf32, #tpu.memory_space<hbm>>, %arg3: memref<5120x128xi32, #tpu.memory_space<hbm>>, %arg4: memref<5120x128xi32, #tpu.memory_space<hbm>>, %arg5: memref<2x2x10240x128xf32, #tpu.memory_space<hbm>>, %arg6: memref<10240x128xf32, #tpu.memory_space<vmem_shared>>, %arg7: memref<40x128xi32, #tpu.memory_space<vmem>>, %arg8: memref<40x128xi32, #tpu.memory_space<vmem>>, %arg9: memref<128x128xf32, #tpu.memory_space<vmem>>, %arg10: memref<128x128xf32, #tpu.memory_space<vmem>>, %arg11: memref<!tpu.dma_semaphore, #tpu.memory_space<semaphore_mem>>, %arg12: memref<!tpu.dma_semaphore, #tpu.memory_space<semaphore_mem>>, %arg13: memref<!tpu.dma_semaphore, #tpu.memory_space<semaphore_mem>>, %arg14: memref<!tpu.dma_semaphore, #tpu.memory_space<semaphore_mem>>) attributes {dimension_semantics = [#tpu.dimension_semantics<core_parallel>, #tpu.dimension_semantics<subcore_parallel>], iteration_bounds = array<i64: 2, 16>, scalar_prefetch = 0 : i64, scratch_operands = 9 : i64, tpu.core_type = #tpu.core_type<sc_vector_subcore>, window_params = [{transform_indices = #map}, {transform_indices = #map}, {transform_indices = #map}, {transform_indices = #map1}]} {
    %mul3A = arith.constant 2 : i32
    %mul3A_0 = arith.muli %arg1, %mul3A : i32
    %add3A = arith.addi %mul3A_0, %arg0 : i32
    %broadcast_in_dim3A = arith.constant 0.000000e+00 : f32
    %broadcast_in_dim3A_1 = vector.broadcast %broadcast_in_dim3A : f32 to vector<16xf32>
    %barrier3A = arith.constant 0 : index
    tpu.barrier barrier_id(%barrier3A)
    %scan3A = arith.constant 0 : i32
    %scan3A_2 = arith.constant 0 : i32
    %scan3A_3 = arith.constant 128 : i32
    %scan3A_4 = arith.addi %scan3A_2, %scan3A_3 : i32
    %scan3A_5 = arith.constant 1 : i32
    scf.for %scan3A_158 = %scan3A_2 to %scan3A_4 step %scan3A_5  : i32 {
      %swap3A = arith.index_cast %scan3A_158 : i32 to index
      %swap3A_159 = arith.constant 0 : index
      %swap3A_160 = tpu.vector_load %arg9[%swap3A, %swap3A_159] {strides = array<i32>} : memref<128x128xf32, #tpu.memory_space<vmem>>, vector<1x16xf32>,
      %swap3A_161 = vector.shape_cast %swap3A_160 : vector<1x16xf32> to vector<16xf32>
      %swap3A_162 = vector.shape_cast %broadcast_in_dim3A_1 : vector<16xf32> to vector<1x16xf32>
      tpu.vector_store %arg9[%swap3A, %swap3A_159], %swap3A_162 {strides = array<i32>} : memref<128x128xf32, #tpu.memory_space<vmem>>, vector<1x16xf32>,
      %swap3A_163 = arith.index_cast %scan3A_158 : i32 to index
      %swap3A_164 = arith.constant 16 : index
      %swap3A_165 = tpu.vector_load %arg9[%swap3A_163, %swap3A_164] {strides = array<i32>} : memref<128x128xf32, #tpu.memory_space<vmem>>, vector<1x16xf32>,
      %swap3A_166 = vector.shape_cast %swap3A_165 : vector<1x16xf32> to vector<16xf32>
      %swap3A_167 = vector.shape_cast %broadcast_in_dim3A_1 : vector<16xf32> to vector<1x16xf32>
      tpu.vector_store %arg9[%swap3A_163, %swap3A_164], %swap3A_167 {strides = array<i32>} : memref<128x128xf32, #tpu.memory_space<vmem>>, vector<1x16xf32>,
      %swap3A_168 = arith.index_cast %scan3A_158 : i32 to index
      %swap3A_169 = arith.constant 32 : index
      %swap3A_170 = tpu.vector_load %arg9[%swap3A_168, %swap3A_169] {strides = array<i32>} : memref<128x128xf32, #tpu.memory_space<vmem>>, vector<1x16xf32>,
      %swap3A_171 = vector.shape_cast %swap3A_170 : vector<1x16xf32> to vector<16xf32>
      %swap3A_172 = vector.shape_cast %broadcast_in_dim3A_1 : vector<16xf32> to vector<1x16xf32>
      tpu.vector_store %arg9[%swap3A_168, %swap3A_169], %swap3A_172 {strides = array<i32>} : memref<128x128xf32, #tpu.memory_space<vmem>>, vector<1x16xf32>,
      %swap3A_173 = arith.index_cast %scan3A_158 : i32 to index
      %swap3A_174 = arith.constant 48 : index
      %swap3A_175 = tpu.vector_load %arg9[%swap3A_173, %swap3A_174] {strides = array<i32>} : memref<128x128xf32, #tpu.memory_space<vmem>>, vector<1x16xf32>,
      %swap3A_176 = vector.shape_cast %swap3A_175 : vector<1x16xf32> to vector<16xf32>
      %swap3A_177 = vector.shape_cast %broadcast_in_dim3A_1 : vector<16xf32> to vector<1x16xf32>
      tpu.vector_store %arg9[%swap3A_173, %swap3A_174], %swap3A_177 {strides = array<i32>} : memref<128x128xf32, #tpu.memory_space<vmem>>, vector<1x16xf32>,
      %swap3A_178 = arith.index_cast %scan3A_158 : i32 to index
      %swap3A_179 = arith.constant 64 : index
      %swap3A_180 = tpu.vector_load %arg9[%swap3A_178, %swap3A_179] {strides = array<i32>} : memref<128x128xf32, #tpu.memory_space<vmem>>, vector<1x16xf32>,
      %swap3A_181 = vector.shape_cast %swap3A_180 : vector<1x16xf32> to vector<16xf32>
      %swap3A_182 = vector.shape_cast %broadcast_in_dim3A_1 : vector<16xf32> to vector<1x16xf32>
      tpu.vector_store %arg9[%swap3A_178, %swap3A_179], %swap3A_182 {strides = array<i32>} : memref<128x128xf32, #tpu.memory_space<vmem>>, vector<1x16xf32>,
      %swap3A_183 = arith.index_cast %scan3A_158 : i32 to index
      %swap3A_184 = arith.constant 80 : index
      %swap3A_185 = tpu.vector_load %arg9[%swap3A_183, %swap3A_184] {strides = array<i32>} : memref<128x128xf32, #tpu.memory_space<vmem>>, vector<1x16xf32>,
      %swap3A_186 = vector.shape_cast %swap3A_185 : vector<1x16xf32> to vector<16xf32>
      %swap3A_187 = vector.shape_cast %broadcast_in_dim3A_1 : vector<16xf32> to vector<1x16xf32>
      tpu.vector_store %arg9[%swap3A_183, %swap3A_184], %swap3A_187 {strides = array<i32>} : memref<128x128xf32, #tpu.memory_space<vmem>>, vector<1x16xf32>,
      %swap3A_188 = arith.index_cast %scan3A_158 : i32 to index
      %swap3A_189 = arith.constant 96 : index
      %swap3A_190 = tpu.vector_load %arg9[%swap3A_188, %swap3A_189] {strides = array<i32>} : memref<128x128xf32, #tpu.memory_space<vmem>>, vector<1x16xf32>,
      %swap3A_191 = vector.shape_cast %swap3A_190 : vector<1x16xf32> to vector<16xf32>
      %swap3A_192 = vector.shape_cast %broadcast_in_dim3A_1 : vector<16xf32> to vector<1x16xf32>
      tpu.vector_store %arg9[%swap3A_188, %swap3A_189], %swap3A_192 {strides = array<i32>} : memref<128x128xf32, #tpu.memory_space<vmem>>, vector<1x16xf32>,
      %swap3A_193 = arith.index_cast %scan3A_158 : i32 to index
      %swap3A_194 = arith.constant 112 : index
      %swap3A_195 = tpu.vector_load %arg9[%swap3A_193, %swap3A_194] {strides = array<i32>} : memref<128x128xf32, #tpu.memory_space<vmem>>, vector<1x16xf32>,
      %swap3A_196 = vector.shape_cast %swap3A_195 : vector<1x16xf32> to vector<16xf32>
      %swap3A_197 = vector.shape_cast %broadcast_in_dim3A_1 : vector<16xf32> to vector<1x16xf32>
      tpu.vector_store %arg9[%swap3A_193, %swap3A_194], %swap3A_197 {strides = array<i32>} : memref<128x128xf32, #tpu.memory_space<vmem>>, vector<1x16xf32>,
    }
    %scan3A_6 = arith.constant 128 : i32
    %mul3A_7 = arith.constant 5 : i32
    %mul3A_8 = arith.muli %arg1, %mul3A_7 : i32
    %add3A_9 = arith.constant 0 : i32
    %add3A_10 = arith.addi %mul3A_8, %add3A_9 : i32
    %mul3A_11 = arith.constant 128 : i32
    %mul3A_12 = arith.muli %add3A_10, %mul3A_11 : i32
    "tpu.region"() ({
      %run_scoped3A_158 = tpu.sem_alloc : memref<!tpu.dma_semaphore, #tpu.memory_space<semaphore_mem>>
      %dma_start3A_159 = arith.constant 0 : i32
      %dma_start3A_160 = tpu.memref_slice %arg6[%mul3A_12, %dma_start3A_159] : memref<10240x128xf32, #tpu.memory_space<vmem_shared>> -> memref<128x128xf32, #tpu.memory_space<vmem_shared>>
      %dma_start3A_161 = arith.constant 0 : i32
      %dma_start3A_162 = tpu.memref_slice %arg6[%mul3A_12, %dma_start3A_161] : memref<10240x128xf32, #tpu.memory_space<vmem_shared>> -> memref<128x128xf32, #tpu.memory_space<vmem_shared>>
      tpu.enqueue_dma source(%arg9 : memref<128x128xf32, #tpu.memory_space<vmem>>) target(%dma_start3A_162 : memref<128x128xf32, #tpu.memory_space<vmem_shared>>) target_semaphore(%run_scoped3A_158 : memref<!tpu.dma_semaphore, #tpu.memory_space<semaphore_mem>>)
      %dma_wait3A = arith.constant 0 : i32
      %dma_wait3A_163 = tpu.memref_slice %arg6[%mul3A_12, %dma_wait3A] : memref<10240x128xf32, #tpu.memory_space<vmem_shared>> -> memref<128x128xf32, #tpu.memory_space<vmem_shared>>
      %dma_wait3A_164 = arith.constant 0 : i32
      %dma_wait3A_165 = tpu.memref_slice %arg6[%mul3A_12, %dma_wait3A_164] : memref<10240x128xf32, #tpu.memory_space<vmem_shared>> -> memref<128x128xf32, #tpu.memory_space<vmem_shared>>
      tpu.wait_dma2 semaphore(%run_scoped3A_158 : memref<!tpu.dma_semaphore, #tpu.memory_space<semaphore_mem>>) src(%arg9 : memref<128x128xf32, #tpu.memory_space<vmem>>) dst(%dma_wait3A_165 : memref<128x128xf32, #tpu.memory_space<vmem_shared>>)
      tpu.yield
    }) : () -> ()
    %mul3A_13 = arith.constant 5 : i32
    %mul3A_14 = arith.muli %arg1, %mul3A_13 : i32
    %add3A_15 = arith.constant 1 : i32
    %add3A_16 = arith.addi %mul3A_14, %add3A_15 : i32
    %mul3A_17 = arith.constant 128 : i32
    %mul3A_18 = arith.muli %add3A_16, %mul3A_17 : i32
    "tpu.region"() ({
      %run_scoped3A_158 = tpu.sem_alloc : memref<!tpu.dma_semaphore, #tpu.memory_space<semaphore_mem>>
      %dma_start3A_159 = arith.constant 0 : i32
      %dma_start3A_160 = tpu.memref_slice %arg6[%mul3A_18, %dma_start3A_159] : memref<10240x128xf32, #tpu.memory_space<vmem_shared>> -> memref<128x128xf32, #tpu.memory_space<vmem_shared>>
      %dma_start3A_161 = arith.constant 0 : i32
      %dma_start3A_162 = tpu.memref_slice %arg6[%mul3A_18, %dma_start3A_161] : memref<10240x128xf32, #tpu.memory_space<vmem_shared>> -> memref<128x128xf32, #tpu.memory_space<vmem_shared>>
      tpu.enqueue_dma source(%arg9 : memref<128x128xf32, #tpu.memory_space<vmem>>) target(%dma_start3A_162 : memref<128x128xf32, #tpu.memory_space<vmem_shared>>) target_semaphore(%run_scoped3A_158 : memref<!tpu.dma_semaphore, #tpu.memory_space<semaphore_mem>>)
      %dma_wait3A = arith.constant 0 : i32
      %dma_wait3A_163 = tpu.memref_slice %arg6[%mul3A_18, %dma_wait3A] : memref<10240x128xf32, #tpu.memory_space<vmem_shared>> -> memref<128x128xf32, #tpu.memory_space<vmem_shared>>
      %dma_wait3A_164 = arith.constant 0 : i32
      %dma_wait3A_165 = tpu.memref_slice %arg6[%mul3A_18, %dma_wait3A_164] : memref<10240x128xf32, #tpu.memory_space<vmem_shared>> -> memref<128x128xf32, #tpu.memory_space<vmem_shared>>
      tpu.wait_dma2 semaphore(%run_scoped3A_158 : memref<!tpu.dma_semaphore, #tpu.memory_space<semaphore_mem>>) src(%arg9 : memref<128x128xf32, #tpu.memory_space<vmem>>) dst(%dma_wait3A_165 : memref<128x128xf32, #tpu.memory_space<vmem_shared>>)
      tpu.yield
    }) : () -> ()
    %mul3A_19 = arith.constant 5 : i32
    %mul3A_20 = arith.muli %arg1, %mul3A_19 : i32
    %add3A_21 = arith.constant 2 : i32
    %add3A_22 = arith.addi %mul3A_20, %add3A_21 : i32
    %mul3A_23 = arith.constant 128 : i32
    %mul3A_24 = arith.muli %add3A_22, %mul3A_23 : i32
    "tpu.region"() ({
      %run_scoped3A_158 = tpu.sem_alloc : memref<!tpu.dma_semaphore, #tpu.memory_space<semaphore_mem>>
      %dma_start3A_159 = arith.constant 0 : i32
      %dma_start3A_160 = tpu.memref_slice %arg6[%mul3A_24, %dma_start3A_159] : memref<10240x128xf32, #tpu.memory_space<vmem_shared>> -> memref<128x128xf32, #tpu.memory_space<vmem_shared>>
      %dma_start3A_161 = arith.constant 0 : i32
      %dma_start3A_162 = tpu.memref_slice %arg6[%mul3A_24, %dma_start3A_161] : memref<10240x128xf32, #tpu.memory_space<vmem_shared>> -> memref<128x128xf32, #tpu.memory_space<vmem_shared>>
      tpu.enqueue_dma source(%arg9 : memref<128x128xf32, #tpu.memory_space<vmem>>) target(%dma_start3A_162 : memref<128x128xf32, #tpu.memory_space<vmem_shared>>) target_semaphore(%run_scoped3A_158 : memref<!tpu.dma_semaphore, #tpu.memory_space<semaphore_mem>>)
      %dma_wait3A = arith.constant 0 : i32
      %dma_wait3A_163 = tpu.memref_slice %arg6[%mul3A_24, %dma_wait3A] : memref<10240x128xf32, #tpu.memory_space<vmem_shared>> -> memref<128x128xf32, #tpu.memory_space<vmem_shared>>
      %dma_wait3A_164 = arith.constant 0 : i32
      %dma_wait3A_165 = tpu.memref_slice %arg6[%mul3A_24, %dma_wait3A_164] : memref<10240x128xf32, #tpu.memory_space<vmem_shared>> -> memref<128x128xf32, #tpu.memory_space<vmem_shared>>
      tpu.wait_dma2 semaphore(%run_scoped3A_158 : memref<!tpu.dma_semaphore, #tpu.memory_space<semaphore_mem>>) src(%arg9 : memref<128x128xf32, #tpu.memory_space<vmem>>) dst(%dma_wait3A_165 : memref<128x128xf32, #tpu.memory_space<vmem_shared>>)
      tpu.yield
    }) : () -> ()
    %mul3A_25 = arith.constant 5 : i32
    %mul3A_26 = arith.muli %arg1, %mul3A_25 : i32
    %add3A_27 = arith.constant 3 : i32
    %add3A_28 = arith.addi %mul3A_26, %add3A_27 : i32
    %mul3A_29 = arith.constant 128 : i32
    %mul3A_30 = arith.muli %add3A_28, %mul3A_29 : i32
    "tpu.region"() ({
      %run_scoped3A_158 = tpu.sem_alloc : memref<!tpu.dma_semaphore, #tpu.memory_space<semaphore_mem>>
      %dma_start3A_159 = arith.constant 0 : i32
      %dma_start3A_160 = tpu.memref_slice %arg6[%mul3A_30, %dma_start3A_159] : memref<10240x128xf32, #tpu.memory_space<vmem_shared>> -> memref<128x128xf32, #tpu.memory_space<vmem_shared>>
      %dma_start3A_161 = arith.constant 0 : i32
      %dma_start3A_162 = tpu.memref_slice %arg6[%mul3A_30, %dma_start3A_161] : memref<10240x128xf32, #tpu.memory_space<vmem_shared>> -> memref<128x128xf32, #tpu.memory_space<vmem_shared>>
      tpu.enqueue_dma source(%arg9 : memref<128x128xf32, #tpu.memory_space<vmem>>) target(%dma_start3A_162 : memref<128x128xf32, #tpu.memory_space<vmem_shared>>) target_semaphore(%run_scoped3A_158 : memref<!tpu.dma_semaphore, #tpu.memory_space<semaphore_mem>>)
      %dma_wait3A = arith.constant 0 : i32
      %dma_wait3A_163 = tpu.memref_slice %arg6[%mul3A_30, %dma_wait3A] : memref<10240x128xf32, #tpu.memory_space<vmem_shared>> -> memref<128x128xf32, #tpu.memory_space<vmem_shared>>
      %dma_wait3A_164 = arith.constant 0 : i32
      %dma_wait3A_165 = tpu.memref_slice %arg6[%mul3A_30, %dma_wait3A_164] : memref<10240x128xf32, #tpu.memory_space<vmem_shared>> -> memref<128x128xf32, #tpu.memory_space<vmem_shared>>
      tpu.wait_dma2 semaphore(%run_scoped3A_158 : memref<!tpu.dma_semaphore, #tpu.memory_space<semaphore_mem>>) src(%arg9 : memref<128x128xf32, #tpu.memory_space<vmem>>) dst(%dma_wait3A_165 : memref<128x128xf32, #tpu.memory_space<vmem_shared>>)
      tpu.yield
    }) : () -> ()
    %mul3A_31 = arith.constant 5 : i32
    %mul3A_32 = arith.muli %arg1, %mul3A_31 : i32
    %add3A_33 = arith.constant 4 : i32
    %add3A_34 = arith.addi %mul3A_32, %add3A_33 : i32
    %mul3A_35 = arith.constant 128 : i32
    %mul3A_36 = arith.muli %add3A_34, %mul3A_35 : i32
    "tpu.region"() ({
      %run_scoped3A_158 = tpu.sem_alloc : memref<!tpu.dma_semaphore, #tpu.memory_space<semaphore_mem>>
      %dma_start3A_159 = arith.constant 0 : i32
      %dma_start3A_160 = tpu.memref_slice %arg6[%mul3A_36, %dma_start3A_159] : memref<10240x128xf32, #tpu.memory_space<vmem_shared>> -> memref<128x128xf32, #tpu.memory_space<vmem_shared>>
      %dma_start3A_161 = arith.constant 0 : i32
      %dma_start3A_162 = tpu.memref_slice %arg6[%mul3A_36, %dma_start3A_161] : memref<10240x128xf32, #tpu.memory_space<vmem_shared>> -> memref<128x128xf32, #tpu.memory_space<vmem_shared>>
      tpu.enqueue_dma source(%arg9 : memref<128x128xf32, #tpu.memory_space<vmem>>) target(%dma_start3A_162 : memref<128x128xf32, #tpu.memory_space<vmem_shared>>) target_semaphore(%run_scoped3A_158 : memref<!tpu.dma_semaphore, #tpu.memory_space<semaphore_mem>>)
      %dma_wait3A = arith.constant 0 : i32
      %dma_wait3A_163 = tpu.memref_slice %arg6[%mul3A_36, %dma_wait3A] : memref<10240x128xf32, #tpu.memory_space<vmem_shared>> -> memref<128x128xf32, #tpu.memory_space<vmem_shared>>
      %dma_wait3A_164 = arith.constant 0 : i32
      %dma_wait3A_165 = tpu.memref_slice %arg6[%mul3A_36, %dma_wait3A_164] : memref<10240x128xf32, #tpu.memory_space<vmem_shared>> -> memref<128x128xf32, #tpu.memory_space<vmem_shared>>
      tpu.wait_dma2 semaphore(%run_scoped3A_158 : memref<!tpu.dma_semaphore, #tpu.memory_space<semaphore_mem>>) src(%arg9 : memref<128x128xf32, #tpu.memory_space<vmem>>) dst(%dma_wait3A_165 : memref<128x128xf32, #tpu.memory_space<vmem_shared>>)
      tpu.yield
    }) : () -> ()
    %barrier3A_37 = arith.constant 0 : index
    tpu.barrier barrier_id(%barrier3A_37)
    %mul3A_38 = arith.constant 80 : i32
    %mul3A_39 = arith.muli %add3A, %mul3A_38 : i32
    %add3A_40 = arith.constant 0 : i32
    %add3A_41 = arith.addi %add3A_40, %mul3A_39 : i32
    %add3A_42 = arith.constant 0 : i32
    %add3A_43 = arith.addi %add3A_41, %add3A_42 : i32
    "tpu.region"() ({
      %run_scoped3A_158 = tpu.sem_alloc : memref<!tpu.dma_semaphore, #tpu.memory_space<semaphore_mem>>
      %dma_start3A_159 = arith.constant 0 : i32
      %dma_start3A_160 = tpu.memref_slice %arg3[%add3A_43, %dma_start3A_159] : memref<5120x128xi32, #tpu.memory_space<hbm>> -> memref<40x128xi32, #tpu.memory_space<hbm>>
      %dma_start3A_161 = arith.constant 0 : i32
      %dma_start3A_162 = tpu.memref_slice %arg3[%add3A_43, %dma_start3A_161] : memref<5120x128xi32, #tpu.memory_space<hbm>> -> memref<40x128xi32, #tpu.memory_space<hbm>>
      tpu.enqueue_dma source(%dma_start3A_162 : memref<40x128xi32, #tpu.memory_space<hbm>>) target(%arg7 : memref<40x128xi32, #tpu.memory_space<vmem>>) target_semaphore(%run_scoped3A_158 : memref<!tpu.dma_semaphore, #tpu.memory_space<semaphore_mem>>)
      %dma_wait3A = arith.constant 0 : i32
      %dma_wait3A_163 = tpu.memref_slice %arg3[%add3A_43, %dma_wait3A] : memref<5120x128xi32, #tpu.memory_space<hbm>> -> memref<40x128xi32, #tpu.memory_space<hbm>>
      %dma_wait3A_164 = arith.constant 0 : i32
      %dma_wait3A_165 = tpu.memref_slice %arg3[%add3A_43, %dma_wait3A_164] : memref<5120x128xi32, #tpu.memory_space<hbm>> -> memref<40x128xi32, #tpu.memory_space<hbm>>
      tpu.wait_dma2 semaphore(%run_scoped3A_158 : memref<!tpu.dma_semaphore, #tpu.memory_space<semaphore_mem>>) src(%dma_wait3A_165 : memref<40x128xi32, #tpu.memory_space<hbm>>) dst(%arg7 : memref<40x128xi32, #tpu.memory_space<vmem>>)
      tpu.yield
    }) : () -> ()
    "tpu.region"() ({
      %run_scoped3A_158 = tpu.sem_alloc : memref<!tpu.dma_semaphore, #tpu.memory_space<semaphore_mem>>
      %dma_start3A_159 = arith.constant 0 : i32
      %dma_start3A_160 = tpu.memref_slice %arg4[%add3A_43, %dma_start3A_159] : memref<5120x128xi32, #tpu.memory_space<hbm>> -> memref<40x128xi32, #tpu.memory_space<hbm>>
      %dma_start3A_161 = arith.constant 0 : i32
      %dma_start3A_162 = tpu.memref_slice %arg4[%add3A_43, %dma_start3A_161] : memref<5120x128xi32, #tpu.memory_space<hbm>> -> memref<40x128xi32, #tpu.memory_space<hbm>>
      tpu.enqueue_dma source(%dma_start3A_162 : memref<40x128xi32, #tpu.memory_space<hbm>>) target(%arg8 : memref<40x128xi32, #tpu.memory_space<vmem>>) target_semaphore(%run_scoped3A_158 : memref<!tpu.dma_semaphore, #tpu.memory_space<semaphore_mem>>)
      %dma_wait3A = arith.constant 0 : i32
      %dma_wait3A_163 = tpu.memref_slice %arg4[%add3A_43, %dma_wait3A] : memref<5120x128xi32, #tpu.memory_space<hbm>> -> memref<40x128xi32, #tpu.memory_space<hbm>>
      %dma_wait3A_164 = arith.constant 0 : i32
      %dma_wait3A_165 = tpu.memref_slice %arg4[%add3A_43, %dma_wait3A_164] : memref<5120x128xi32, #tpu.memory_space<hbm>> -> memref<40x128xi32, #tpu.memory_space<hbm>>
      tpu.wait_dma2 semaphore(%run_scoped3A_158 : memref<!tpu.dma_semaphore, #tpu.memory_space<semaphore_mem>>) src(%dma_wait3A_165 : memref<40x128xi32, #tpu.memory_space<hbm>>) dst(%arg8 : memref<40x128xi32, #tpu.memory_space<vmem>>)
      tpu.yield
    }) : () -> ()
    %dma_start3A = arith.constant 0 : i32
    %dma_start3A_44 = arith.constant 0 : i32
    %dma_start3A_45 = tpu.memref_slice %arg7[%dma_start3A, %dma_start3A_44] : memref<40x128xi32, #tpu.memory_space<vmem>> -> memref<1x128xi32, #tpu.memory_space<vmem>>
    %dma_start3A_46 = tpu.memref_squeeze %dma_start3A_45 : memref<1x128xi32, #tpu.memory_space<vmem>> -> memref<128xi32, #tpu.memory_space<vmem>>
    %dma_start3A_47 = arith.constant 0 : i32
    %dma_start3A_48 = arith.constant 0 : i32
    %dma_start3A_49 = tpu.memref_slice %arg2[%dma_start3A_47, %dma_start3A_48] : memref<10000x128xf32, #tpu.memory_space<hbm>> -> memref<10000x128xf32, #tpu.memory_space<hbm>>
    tpu.enqueue_indirect_dma source(%dma_start3A_49 : memref<10000x128xf32, #tpu.memory_space<hbm>>) target(%arg9 : memref<128x128xf32, #tpu.memory_space<vmem>>) offsets(%dma_start3A_46 : memref<128xi32, #tpu.memory_space<vmem>>) semaphore(%arg11 : memref<!tpu.dma_semaphore, #tpu.memory_space<semaphore_mem>>)
    %scan3A_50 = arith.constant 0 : i32
    %scan3A_51 = arith.constant 0 : i32
    %scan3A_52 = arith.constant 20 : i32
    %scan3A_53 = arith.addi %scan3A_51, %scan3A_52 : i32
    %scan3A_54 = arith.constant 1 : i32
    scf.for %scan3A_158 = %scan3A_51 to %scan3A_53 step %scan3A_54  : i32 {
      %mul3A_159 = arith.constant 2 : i32
      %mul3A_160 = arith.muli %mul3A_159, %scan3A_158 : i32
      %add3A_161 = arith.constant 1 : i32
      %add3A_162 = arith.addi %mul3A_160, %add3A_161 : i32
      %dma_wait3A = arith.constant 0 : i32
      %dma_wait3A_163 = tpu.memref_slice %arg7[%mul3A_160, %dma_wait3A] : memref<40x128xi32, #tpu.memory_space<vmem>> -> memref<1x128xi32, #tpu.memory_space<vmem>>
      %dma_wait3A_164 = tpu.memref_squeeze %dma_wait3A_163 : memref<1x128xi32, #tpu.memory_space<vmem>> -> memref<128xi32, #tpu.memory_space<vmem>>
      %dma_wait3A_165 = arith.constant 0 : i32
      %dma_wait3A_166 = arith.constant 0 : i32
      %dma_wait3A_167 = tpu.memref_slice %arg2[%dma_wait3A_165, %dma_wait3A_166] : memref<10000x128xf32, #tpu.memory_space<hbm>> -> memref<10000x128xf32, #tpu.memory_space<hbm>>
      tpu.wait_indirect_dma semaphore(%arg11 : memref<!tpu.dma_semaphore, #tpu.memory_space<semaphore_mem>>) src(%dma_wait3A_167 : memref<10000x128xf32, #tpu.memory_space<hbm>>) dst(%arg9 : memref<128x128xf32, #tpu.memory_space<vmem>>)
      %dma_start3A_168 = arith.constant 0 : i32
      %dma_start3A_169 = tpu.memref_slice %arg7[%add3A_162, %dma_start3A_168] : memref<40x128xi32, #tpu.memory_space<vmem>> -> memref<1x128xi32, #tpu.memory_space<vmem>>
      %dma_start3A_170 = tpu.memref_squeeze %dma_start3A_169 : memref<1x128xi32, #tpu.memory_space<vmem>> -> memref<128xi32, #tpu.memory_space<vmem>>
      %dma_start3A_171 = arith.constant 0 : i32
      %dma_start3A_172 = arith.constant 0 : i32
      %dma_start3A_173 = tpu.memref_slice %arg2[%dma_start3A_171, %dma_start3A_172] : memref<10000x128xf32, #tpu.memory_space<hbm>> -> memref<10000x128xf32, #tpu.memory_space<hbm>>
      tpu.enqueue_indirect_dma source(%dma_start3A_173 : memref<10000x128xf32, #tpu.memory_space<hbm>>) target(%arg10 : memref<128x128xf32, #tpu.memory_space<vmem>>) offsets(%dma_start3A_170 : memref<128xi32, #tpu.memory_space<vmem>>) semaphore(%arg12 : memref<!tpu.dma_semaphore, #tpu.memory_space<semaphore_mem>>)
      "tpu.region"() ({
        %run_scoped3A_182 = tpu.sem_alloc : memref<!tpu.dma_semaphore, #tpu.memory_space<semaphore_mem>>
        %dma_start3A_183 = arith.constant 0 : i32
        %dma_start3A_184 = tpu.memref_slice %arg8[%mul3A_160, %dma_start3A_183] : memref<40x128xi32, #tpu.memory_space<vmem>> -> memref<1x128xi32, #tpu.memory_space<vmem>>
        %dma_start3A_185 = tpu.memref_squeeze %dma_start3A_184 : memref<1x128xi32, #tpu.memory_space<vmem>> -> memref<128xi32, #tpu.memory_space<vmem>>
        %dma_start3A_186 = arith.constant 0 : i32
        %dma_start3A_187 = arith.constant 0 : i32
        %dma_start3A_188 = tpu.memref_slice %arg6[%dma_start3A_186, %dma_start3A_187] : memref<10240x128xf32, #tpu.memory_space<vmem_shared>> -> memref<10240x128xf32, #tpu.memory_space<vmem_shared>>
        tpu.enqueue_indirect_dma source(%arg9 : memref<128x128xf32, #tpu.memory_space<vmem>>) target(%dma_start3A_188 : memref<10240x128xf32, #tpu.memory_space<vmem_shared>>) offsets(%dma_start3A_185 : memref<128xi32, #tpu.memory_space<vmem>>) semaphore(%run_scoped3A_182 : memref<!tpu.dma_semaphore, #tpu.memory_space<semaphore_mem>>) {add = true}
        %dma_wait3A_189 = arith.constant 0 : i32
        %dma_wait3A_190 = tpu.memref_slice %arg8[%mul3A_160, %dma_wait3A_189] : memref<40x128xi32, #tpu.memory_space<vmem>> -> memref<1x128xi32, #tpu.memory_space<vmem>>
        %dma_wait3A_191 = tpu.memref_squeeze %dma_wait3A_190 : memref<1x128xi32, #tpu.memory_space<vmem>> -> memref<128xi32, #tpu.memory_space<vmem>>
        %dma_wait3A_192 = arith.constant 0 : i32
        %dma_wait3A_193 = arith.constant 0 : i32
        %dma_wait3A_194 = tpu.memref_slice %arg6[%dma_wait3A_192, %dma_wait3A_193] : memref<10240x128xf32, #tpu.memory_space<vmem_shared>> -> memref<10240x128xf32, #tpu.memory_space<vmem_shared>>
        tpu.wait_indirect_dma semaphore(%run_scoped3A_182 : memref<!tpu.dma_semaphore, #tpu.memory_space<semaphore_mem>>) src(%arg9 : memref<128x128xf32, #tpu.memory_space<vmem>>) dst(%dma_wait3A_194 : memref<10240x128xf32, #tpu.memory_space<vmem_shared>>)
        tpu.yield
      }) : () -> ()
      %dma_wait3A_174 = arith.constant 0 : i32
      %dma_wait3A_175 = tpu.memref_slice %arg7[%add3A_162, %dma_wait3A_174] : memref<40x128xi32, #tpu.memory_space<vmem>> -> memref<1x128xi32, #tpu.memory_space<vmem>>
      %dma_wait3A_176 = tpu.memref_squeeze %dma_wait3A_175 : memref<1x128xi32, #tpu.memory_space<vmem>> -> memref<128xi32, #tpu.memory_space<vmem>>
      %dma_wait3A_177 = arith.constant 0 : i32
      %dma_wait3A_178 = arith.constant 0 : i32
      %dma_wait3A_179 = tpu.memref_slice %arg2[%dma_wait3A_177, %dma_wait3A_178] : memref<10000x128xf32, #tpu.memory_space<hbm>> -> memref<10000x128xf32, #tpu.memory_space<hbm>>
      tpu.wait_indirect_dma semaphore(%arg12 : memref<!tpu.dma_semaphore, #tpu.memory_space<semaphore_mem>>) src(%dma_wait3A_179 : memref<10000x128xf32, #tpu.memory_space<hbm>>) dst(%arg10 : memref<128x128xf32, #tpu.memory_space<vmem>>)
      %lt3A = arith.constant 19 : i32
      %lt3A_180 = arith.cmpi slt, %scan3A_158, %lt3A : i32
      %convert_element_type3A = arith.extui %lt3A_180 : i1 to i32
      %cond3A = arith.constant 0 : i32
      %cond3A_181 = arith.cmpi ne, %convert_element_type3A, %cond3A : i32
      scf.if %cond3A_181 {
        %add3A_182 = arith.constant 2 : i32
        %add3A_183 = arith.addi %mul3A_160, %add3A_182 : i32
        %dma_start3A_184 = arith.constant 0 : i32
        %dma_start3A_185 = tpu.memref_slice %arg7[%add3A_183, %dma_start3A_184] : memref<40x128xi32, #tpu.memory_space<vmem>> -> memref<1x128xi32, #tpu.memory_space<vmem>>
        %dma_start3A_186 = tpu.memref_squeeze %dma_start3A_185 : memref<1x128xi32, #tpu.memory_space<vmem>> -> memref<128xi32, #tpu.memory_space<vmem>>
        %dma_start3A_187 = arith.constant 0 : i32
        %dma_start3A_188 = arith.constant 0 : i32
        %dma_start3A_189 = tpu.memref_slice %arg2[%dma_start3A_187, %dma_start3A_188] : memref<10000x128xf32, #tpu.memory_space<hbm>> -> memref<10000x128xf32, #tpu.memory_space<hbm>>
        tpu.enqueue_indirect_dma source(%dma_start3A_189 : memref<10000x128xf32, #tpu.memory_space<hbm>>) target(%arg9 : memref<128x128xf32, #tpu.memory_space<vmem>>) offsets(%dma_start3A_186 : memref<128xi32, #tpu.memory_space<vmem>>) semaphore(%arg11 : memref<!tpu.dma_semaphore, #tpu.memory_space<semaphore_mem>>)
      } else {
      }
      "tpu.region"() ({
        %run_scoped3A_182 = tpu.sem_alloc : memref<!tpu.dma_semaphore, #tpu.memory_space<semaphore_mem>>
        %dma_start3A_183 = arith.constant 0 : i32
        %dma_start3A_184 = tpu.memref_slice %arg8[%add3A_162, %dma_start3A_183] : memref<40x128xi32, #tpu.memory_space<vmem>> -> memref<1x128xi32, #tpu.memory_space<vmem>>
        %dma_start3A_185 = tpu.memref_squeeze %dma_start3A_184 : memref<1x128xi32, #tpu.memory_space<vmem>> -> memref<128xi32, #tpu.memory_space<vmem>>
        %dma_start3A_186 = arith.constant 0 : i32
        %dma_start3A_187 = arith.constant 0 : i32
        %dma_start3A_188 = tpu.memref_slice %arg6[%dma_start3A_186, %dma_start3A_187] : memref<10240x128xf32, #tpu.memory_space<vmem_shared>> -> memref<10240x128xf32, #tpu.memory_space<vmem_shared>>
        tpu.enqueue_indirect_dma source(%arg10 : memref<128x128xf32, #tpu.memory_space<vmem>>) target(%dma_start3A_188 : memref<10240x128xf32, #tpu.memory_space<vmem_shared>>) offsets(%dma_start3A_185 : memref<128xi32, #tpu.memory_space<vmem>>) semaphore(%run_scoped3A_182 : memref<!tpu.dma_semaphore, #tpu.memory_space<semaphore_mem>>) {add = true}
        %dma_wait3A_189 = arith.constant 0 : i32
        %dma_wait3A_190 = tpu.memref_slice %arg8[%add3A_162, %dma_wait3A_189] : memref<40x128xi32, #tpu.memory_space<vmem>> -> memref<1x128xi32, #tpu.memory_space<vmem>>
        %dma_wait3A_191 = tpu.memref_squeeze %dma_wait3A_190 : memref<1x128xi32, #tpu.memory_space<vmem>> -> memref<128xi32, #tpu.memory_space<vmem>>
        %dma_wait3A_192 = arith.constant 0 : i32
        %dma_wait3A_193 = arith.constant 0 : i32
        %dma_wait3A_194 = tpu.memref_slice %arg6[%dma_wait3A_192, %dma_wait3A_193] : memref<10240x128xf32, #tpu.memory_space<vmem_shared>> -> memref<10240x128xf32, #tpu.memory_space<vmem_shared>>
        tpu.wait_indirect_dma semaphore(%run_scoped3A_182 : memref<!tpu.dma_semaphore, #tpu.memory_space<semaphore_mem>>) src(%arg10 : memref<128x128xf32, #tpu.memory_space<vmem>>) dst(%dma_wait3A_194 : memref<10240x128xf32, #tpu.memory_space<vmem_shared>>)
        tpu.yield
      }) : () -> ()
    }
    %scan3A_55 = arith.constant 20 : i32
    %mul3A_56 = arith.constant 80 : i32
    %mul3A_57 = arith.muli %add3A, %mul3A_56 : i32
    %add3A_58 = arith.constant 0 : i32
    %add3A_59 = arith.addi %add3A_58, %mul3A_57 : i32
    %add3A_60 = arith.constant 40 : i32
    %add3A_61 = arith.addi %add3A_59, %add3A_60 : i32
    "tpu.region"() ({
      %run_scoped3A_158 = tpu.sem_alloc : memref<!tpu.dma_semaphore, #tpu.memory_space<semaphore_mem>>
      %dma_start3A_159 = arith.constant 0 : i32
      %dma_start3A_160 = tpu.memref_slice %arg3[%add3A_61, %dma_start3A_159] : memref<5120x128xi32, #tpu.memory_space<hbm>> -> memref<40x128xi32, #tpu.memory_space<hbm>>
      %dma_start3A_161 = arith.constant 0 : i32
      %dma_start3A_162 = tpu.memref_slice %arg3[%add3A_61, %dma_start3A_161] : memref<5120x128xi32, #tpu.memory_space<hbm>> -> memref<40x128xi32, #tpu.memory_space<hbm>>
      tpu.enqueue_dma source(%dma_start3A_162 : memref<40x128xi32, #tpu.memory_space<hbm>>) target(%arg7 : memref<40x128xi32, #tpu.memory_space<vmem>>) target_semaphore(%run_scoped3A_158 : memref<!tpu.dma_semaphore, #tpu.memory_space<semaphore_mem>>)
      %dma_wait3A = arith.constant 0 : i32
      %dma_wait3A_163 = tpu.memref_slice %arg3[%add3A_61, %dma_wait3A] : memref<5120x128xi32, #tpu.memory_space<hbm>> -> memref<40x128xi32, #tpu.memory_space<hbm>>
      %dma_wait3A_164 = arith.constant 0 : i32
      %dma_wait3A_165 = tpu.memref_slice %arg3[%add3A_61, %dma_wait3A_164] : memref<5120x128xi32, #tpu.memory_space<hbm>> -> memref<40x128xi32, #tpu.memory_space<hbm>>
      tpu.wait_dma2 semaphore(%run_scoped3A_158 : memref<!tpu.dma_semaphore, #tpu.memory_space<semaphore_mem>>) src(%dma_wait3A_165 : memref<40x128xi32, #tpu.memory_space<hbm>>) dst(%arg7 : memref<40x128xi32, #tpu.memory_space<vmem>>)
      tpu.yield
    }) : () -> ()
    "tpu.region"() ({
      %run_scoped3A_158 = tpu.sem_alloc : memref<!tpu.dma_semaphore, #tpu.memory_space<semaphore_mem>>
      %dma_start3A_159 = arith.constant 0 : i32
      %dma_start3A_160 = tpu.memref_slice %arg4[%add3A_61, %dma_start3A_159] : memref<5120x128xi32, #tpu.memory_space<hbm>> -> memref<40x128xi32, #tpu.memory_space<hbm>>
      %dma_start3A_161 = arith.constant 0 : i32
      %dma_start3A_162 = tpu.memref_slice %arg4[%add3A_61, %dma_start3A_161] : memref<5120x128xi32, #tpu.memory_space<hbm>> -> memref<40x128xi32, #tpu.memory_space<hbm>>
      tpu.enqueue_dma source(%dma_start3A_162 : memref<40x128xi32, #tpu.memory_space<hbm>>) target(%arg8 : memref<40x128xi32, #tpu.memory_space<vmem>>) target_semaphore(%run_scoped3A_158 : memref<!tpu.dma_semaphore, #tpu.memory_space<semaphore_mem>>)
      %dma_wait3A = arith.constant 0 : i32
      %dma_wait3A_163 = tpu.memref_slice %arg4[%add3A_61, %dma_wait3A] : memref<5120x128xi32, #tpu.memory_space<hbm>> -> memref<40x128xi32, #tpu.memory_space<hbm>>
      %dma_wait3A_164 = arith.constant 0 : i32
      %dma_wait3A_165 = tpu.memref_slice %arg4[%add3A_61, %dma_wait3A_164] : memref<5120x128xi32, #tpu.memory_space<hbm>> -> memref<40x128xi32, #tpu.memory_space<hbm>>
      tpu.wait_dma2 semaphore(%run_scoped3A_158 : memref<!tpu.dma_semaphore, #tpu.memory_space<semaphore_mem>>) src(%dma_wait3A_165 : memref<40x128xi32, #tpu.memory_space<hbm>>) dst(%arg8 : memref<40x128xi32, #tpu.memory_space<vmem>>)
      tpu.yield
    }) : () -> ()
    %dma_start3A_62 = arith.constant 0 : i32
    %dma_start3A_63 = arith.constant 0 : i32
    %dma_start3A_64 = tpu.memref_slice %arg7[%dma_start3A_62, %dma_start3A_63] : memref<40x128xi32, #tpu.memory_space<vmem>> -> memref<1x128xi32, #tpu.memory_space<vmem>>
    %dma_start3A_65 = tpu.memref_squeeze %dma_start3A_64 : memref<1x128xi32, #tpu.memory_space<vmem>> -> memref<128xi32, #tpu.memory_space<vmem>>
    %dma_start3A_66 = arith.constant 0 : i32
    %dma_start3A_67 = arith.constant 0 : i32
    %dma_start3A_68 = tpu.memref_slice %arg2[%dma_start3A_66, %dma_start3A_67] : memref<10000x128xf32, #tpu.memory_space<hbm>> -> memref<10000x128xf32, #tpu.memory_space<hbm>>
    tpu.enqueue_indirect_dma source(%dma_start3A_68 : memref<10000x128xf32, #tpu.memory_space<hbm>>) target(%arg9 : memref<128x128xf32, #tpu.memory_space<vmem>>) offsets(%dma_start3A_65 : memref<128xi32, #tpu.memory_space<vmem>>) semaphore(%arg11 : memref<!tpu.dma_semaphore, #tpu.memory_space<semaphore_mem>>)
    %scan3A_69 = arith.constant 0 : i32
    %scan3A_70 = arith.constant 0 : i32
    %scan3A_71 = arith.constant 20 : i32
    %scan3A_72 = arith.addi %scan3A_70, %scan3A_71 : i32
    %scan3A_73 = arith.constant 1 : i32
    scf.for %scan3A_158 = %scan3A_70 to %scan3A_72 step %scan3A_73  : i32 {
      %mul3A_159 = arith.constant 2 : i32
      %mul3A_160 = arith.muli %mul3A_159, %scan3A_158 : i32
      %add3A_161 = arith.constant 1 : i32
      %add3A_162 = arith.addi %mul3A_160, %add3A_161 : i32
      %dma_wait3A = arith.constant 0 : i32
      %dma_wait3A_163 = tpu.memref_slice %arg7[%mul3A_160, %dma_wait3A] : memref<40x128xi32, #tpu.memory_space<vmem>> -> memref<1x128xi32, #tpu.memory_space<vmem>>
      %dma_wait3A_164 = tpu.memref_squeeze %dma_wait3A_163 : memref<1x128xi32, #tpu.memory_space<vmem>> -> memref<128xi32, #tpu.memory_space<vmem>>
      %dma_wait3A_165 = arith.constant 0 : i32
      %dma_wait3A_166 = arith.constant 0 : i32
      %dma_wait3A_167 = tpu.memref_slice %arg2[%dma_wait3A_165, %dma_wait3A_166] : memref<10000x128xf32, #tpu.memory_space<hbm>> -> memref<10000x128xf32, #tpu.memory_space<hbm>>
      tpu.wait_indirect_dma semaphore(%arg11 : memref<!tpu.dma_semaphore, #tpu.memory_space<semaphore_mem>>) src(%dma_wait3A_167 : memref<10000x128xf32, #tpu.memory_space<hbm>>) dst(%arg9 : memref<128x128xf32, #tpu.memory_space<vmem>>)
      %dma_start3A_168 = arith.constant 0 : i32
      %dma_start3A_169 = tpu.memref_slice %arg7[%add3A_162, %dma_start3A_168] : memref<40x128xi32, #tpu.memory_space<vmem>> -> memref<1x128xi32, #tpu.memory_space<vmem>>
      %dma_start3A_170 = tpu.memref_squeeze %dma_start3A_169 : memref<1x128xi32, #tpu.memory_space<vmem>> -> memref<128xi32, #tpu.memory_space<vmem>>
      %dma_start3A_171 = arith.constant 0 : i32
      %dma_start3A_172 = arith.constant 0 : i32
      %dma_start3A_173 = tpu.memref_slice %arg2[%dma_start3A_171, %dma_start3A_172] : memref<10000x128xf32, #tpu.memory_space<hbm>> -> memref<10000x128xf32, #tpu.memory_space<hbm>>
      tpu.enqueue_indirect_dma source(%dma_start3A_173 : memref<10000x128xf32, #tpu.memory_space<hbm>>) target(%arg10 : memref<128x128xf32, #tpu.memory_space<vmem>>) offsets(%dma_start3A_170 : memref<128xi32, #tpu.memory_space<vmem>>) semaphore(%arg12 : memref<!tpu.dma_semaphore, #tpu.memory_space<semaphore_mem>>)
      "tpu.region"() ({
        %run_scoped3A_182 = tpu.sem_alloc : memref<!tpu.dma_semaphore, #tpu.memory_space<semaphore_mem>>
        %dma_start3A_183 = arith.constant 0 : i32
        %dma_start3A_184 = tpu.memref_slice %arg8[%mul3A_160, %dma_start3A_183] : memref<40x128xi32, #tpu.memory_space<vmem>> -> memref<1x128xi32, #tpu.memory_space<vmem>>
        %dma_start3A_185 = tpu.memref_squeeze %dma_start3A_184 : memref<1x128xi32, #tpu.memory_space<vmem>> -> memref<128xi32, #tpu.memory_space<vmem>>
        %dma_start3A_186 = arith.constant 0 : i32
        %dma_start3A_187 = arith.constant 0 : i32
        %dma_start3A_188 = tpu.memref_slice %arg6[%dma_start3A_186, %dma_start3A_187] : memref<10240x128xf32, #tpu.memory_space<vmem_shared>> -> memref<10240x128xf32, #tpu.memory_space<vmem_shared>>
        tpu.enqueue_indirect_dma source(%arg9 : memref<128x128xf32, #tpu.memory_space<vmem>>) target(%dma_start3A_188 : memref<10240x128xf32, #tpu.memory_space<vmem_shared>>) offsets(%dma_start3A_185 : memref<128xi32, #tpu.memory_space<vmem>>) semaphore(%run_scoped3A_182 : memref<!tpu.dma_semaphore, #tpu.memory_space<semaphore_mem>>) {add = true}
        %dma_wait3A_189 = arith.constant 0 : i32
        %dma_wait3A_190 = tpu.memref_slice %arg8[%mul3A_160, %dma_wait3A_189] : memref<40x128xi32, #tpu.memory_space<vmem>> -> memref<1x128xi32, #tpu.memory_space<vmem>>
        %dma_wait3A_191 = tpu.memref_squeeze %dma_wait3A_190 : memref<1x128xi32, #tpu.memory_space<vmem>> -> memref<128xi32, #tpu.memory_space<vmem>>
        %dma_wait3A_192 = arith.constant 0 : i32
        %dma_wait3A_193 = arith.constant 0 : i32
        %dma_wait3A_194 = tpu.memref_slice %arg6[%dma_wait3A_192, %dma_wait3A_193] : memref<10240x128xf32, #tpu.memory_space<vmem_shared>> -> memref<10240x128xf32, #tpu.memory_space<vmem_shared>>
        tpu.wait_indirect_dma semaphore(%run_scoped3A_182 : memref<!tpu.dma_semaphore, #tpu.memory_space<semaphore_mem>>) src(%arg9 : memref<128x128xf32, #tpu.memory_space<vmem>>) dst(%dma_wait3A_194 : memref<10240x128xf32, #tpu.memory_space<vmem_shared>>)
        tpu.yield
      }) : () -> ()
      %dma_wait3A_174 = arith.constant 0 : i32
      %dma_wait3A_175 = tpu.memref_slice %arg7[%add3A_162, %dma_wait3A_174] : memref<40x128xi32, #tpu.memory_space<vmem>> -> memref<1x128xi32, #tpu.memory_space<vmem>>
      %dma_wait3A_176 = tpu.memref_squeeze %dma_wait3A_175 : memref<1x128xi32, #tpu.memory_space<vmem>> -> memref<128xi32, #tpu.memory_space<vmem>>
      %dma_wait3A_177 = arith.constant 0 : i32
      %dma_wait3A_178 = arith.constant 0 : i32
      %dma_wait3A_179 = tpu.memref_slice %arg2[%dma_wait3A_177, %dma_wait3A_178] : memref<10000x128xf32, #tpu.memory_space<hbm>> -> memref<10000x128xf32, #tpu.memory_space<hbm>>
      tpu.wait_indirect_dma semaphore(%arg12 : memref<!tpu.dma_semaphore, #tpu.memory_space<semaphore_mem>>) src(%dma_wait3A_179 : memref<10000x128xf32, #tpu.memory_space<hbm>>) dst(%arg10 : memref<128x128xf32, #tpu.memory_space<vmem>>)
      %lt3A = arith.constant 19 : i32
      %lt3A_180 = arith.cmpi slt, %scan3A_158, %lt3A : i32
      %convert_element_type3A = arith.extui %lt3A_180 : i1 to i32
      %cond3A = arith.constant 0 : i32
      %cond3A_181 = arith.cmpi ne, %convert_element_type3A, %cond3A : i32
      scf.if %cond3A_181 {
        %add3A_182 = arith.constant 2 : i32
        %add3A_183 = arith.addi %mul3A_160, %add3A_182 : i32
        %dma_start3A_184 = arith.constant 0 : i32
        %dma_start3A_185 = tpu.memref_slice %arg7[%add3A_183, %dma_start3A_184] : memref<40x128xi32, #tpu.memory_space<vmem>> -> memref<1x128xi32, #tpu.memory_space<vmem>>
        %dma_start3A_186 = tpu.memref_squeeze %dma_start3A_185 : memref<1x128xi32, #tpu.memory_space<vmem>> -> memref<128xi32, #tpu.memory_space<vmem>>
        %dma_start3A_187 = arith.constant 0 : i32
        %dma_start3A_188 = arith.constant 0 : i32
        %dma_start3A_189 = tpu.memref_slice %arg2[%dma_start3A_187, %dma_start3A_188] : memref<10000x128xf32, #tpu.memory_space<hbm>> -> memref<10000x128xf32, #tpu.memory_space<hbm>>
        tpu.enqueue_indirect_dma source(%dma_start3A_189 : memref<10000x128xf32, #tpu.memory_space<hbm>>) target(%arg9 : memref<128x128xf32, #tpu.memory_space<vmem>>) offsets(%dma_start3A_186 : memref<128xi32, #tpu.memory_space<vmem>>) semaphore(%arg11 : memref<!tpu.dma_semaphore, #tpu.memory_space<semaphore_mem>>)
      } else {
      }
      "tpu.region"() ({
        %run_scoped3A_182 = tpu.sem_alloc : memref<!tpu.dma_semaphore, #tpu.memory_space<semaphore_mem>>
        %dma_start3A_183 = arith.constant 0 : i32
        %dma_start3A_184 = tpu.memref_slice %arg8[%add3A_162, %dma_start3A_183] : memref<40x128xi32, #tpu.memory_space<vmem>> -> memref<1x128xi32, #tpu.memory_space<vmem>>
        %dma_start3A_185 = tpu.memref_squeeze %dma_start3A_184 : memref<1x128xi32, #tpu.memory_space<vmem>> -> memref<128xi32, #tpu.memory_space<vmem>>
        %dma_start3A_186 = arith.constant 0 : i32
        %dma_start3A_187 = arith.constant 0 : i32
        %dma_start3A_188 = tpu.memref_slice %arg6[%dma_start3A_186, %dma_start3A_187] : memref<10240x128xf32, #tpu.memory_space<vmem_shared>> -> memref<10240x128xf32, #tpu.memory_space<vmem_shared>>
        tpu.enqueue_indirect_dma source(%arg10 : memref<128x128xf32, #tpu.memory_space<vmem>>) target(%dma_start3A_188 : memref<10240x128xf32, #tpu.memory_space<vmem_shared>>) offsets(%dma_start3A_185 : memref<128xi32, #tpu.memory_space<vmem>>) semaphore(%run_scoped3A_182 : memref<!tpu.dma_semaphore, #tpu.memory_space<semaphore_mem>>) {add = true}
        %dma_wait3A_189 = arith.constant 0 : i32
        %dma_wait3A_190 = tpu.memref_slice %arg8[%add3A_162, %dma_wait3A_189] : memref<40x128xi32, #tpu.memory_space<vmem>> -> memref<1x128xi32, #tpu.memory_space<vmem>>
        %dma_wait3A_191 = tpu.memref_squeeze %dma_wait3A_190 : memref<1x128xi32, #tpu.memory_space<vmem>> -> memref<128xi32, #tpu.memory_space<vmem>>
        %dma_wait3A_192 = arith.constant 0 : i32
        %dma_wait3A_193 = arith.constant 0 : i32
        %dma_wait3A_194 = tpu.memref_slice %arg6[%dma_wait3A_192, %dma_wait3A_193] : memref<10240x128xf32, #tpu.memory_space<vmem_shared>> -> memref<10240x128xf32, #tpu.memory_space<vmem_shared>>
        tpu.wait_indirect_dma semaphore(%run_scoped3A_182 : memref<!tpu.dma_semaphore, #tpu.memory_space<semaphore_mem>>) src(%arg10 : memref<128x128xf32, #tpu.memory_space<vmem>>) dst(%dma_wait3A_194 : memref<10240x128xf32, #tpu.memory_space<vmem_shared>>)
        tpu.yield
      }) : () -> ()
    }
    %scan3A_74 = arith.constant 20 : i32
    %barrier3A_75 = arith.constant 0 : index
    tpu.barrier barrier_id(%barrier3A_75)
    %mul3A_76 = arith.constant 640 : i32
    %mul3A_77 = arith.muli %arg1, %mul3A_76 : i32
    %run_scoped3A = arith.constant 0 : i32
    "tpu.region"() ({
      %run_scoped3A_158 = tpu.sem_alloc : memref<!tpu.dma_semaphore, #tpu.memory_space<semaphore_mem>>
      %dma_start3A_159 = arith.constant 0 : i32
      %dma_start3A_160 = tpu.memref_slice %arg5[%run_scoped3A, %arg0, %mul3A_77, %dma_start3A_159] : memref<2x2x10240x128xf32, #tpu.memory_space<hbm>> -> memref<1x1x640x128xf32, #tpu.memory_space<hbm>>
      %dma_start3A_161 = tpu.memref_squeeze %dma_start3A_160 : memref<1x1x640x128xf32, #tpu.memory_space<hbm>> -> memref<640x128xf32, #tpu.memory_space<hbm>>
      %dma_start3A_162 = arith.constant 0 : i32
      %dma_start3A_163 = tpu.memref_slice %arg6[%mul3A_77, %dma_start3A_162] : memref<10240x128xf32, #tpu.memory_space<vmem_shared>> -> memref<640x128xf32, #tpu.memory_space<vmem_shared>>
      tpu.enqueue_dma source(%dma_start3A_163 : memref<640x128xf32, #tpu.memory_space<vmem_shared>>) target(%dma_start3A_161 : memref<640x128xf32, #tpu.memory_space<hbm>>) target_semaphore(%run_scoped3A_158 : memref<!tpu.dma_semaphore, #tpu.memory_space<semaphore_mem>>)
      %dma_wait3A = arith.constant 0 : i32
      %dma_wait3A_164 = tpu.memref_slice %arg5[%run_scoped3A, %arg0, %mul3A_77, %dma_wait3A] : memref<2x2x10240x128xf32, #tpu.memory_space<hbm>> -> memref<1x1x640x128xf32, #tpu.memory_space<hbm>>
      %dma_wait3A_165 = tpu.memref_squeeze %dma_wait3A_164 : memref<1x1x640x128xf32, #tpu.memory_space<hbm>> -> memref<640x128xf32, #tpu.memory_space<hbm>>
      %dma_wait3A_166 = arith.constant 0 : i32
      %dma_wait3A_167 = tpu.memref_slice %arg6[%mul3A_77, %dma_wait3A_166] : memref<10240x128xf32, #tpu.memory_space<vmem_shared>> -> memref<640x128xf32, #tpu.memory_space<vmem_shared>>
      tpu.wait_dma2 semaphore(%run_scoped3A_158 : memref<!tpu.dma_semaphore, #tpu.memory_space<semaphore_mem>>) src(%dma_wait3A_167 : memref<640x128xf32, #tpu.memory_space<vmem_shared>>) dst(%dma_wait3A_165 : memref<640x128xf32, #tpu.memory_space<hbm>>)
      tpu.yield
    }) : () -> ()
    %barrier3A_78 = arith.constant 0 : index
    tpu.barrier barrier_id(%barrier3A_78)
    %scan3A_79 = arith.constant 0 : i32
    %scan3A_80 = arith.constant 0 : i32
    %scan3A_81 = arith.constant 128 : i32
    %scan3A_82 = arith.addi %scan3A_80, %scan3A_81 : i32
    %scan3A_83 = arith.constant 1 : i32
    scf.for %scan3A_158 = %scan3A_80 to %scan3A_82 step %scan3A_83  : i32 {
      %swap3A = arith.index_cast %scan3A_158 : i32 to index
      %swap3A_159 = arith.constant 0 : index
      %swap3A_160 = tpu.vector_load %arg9[%swap3A, %swap3A_159] {strides = array<i32>} : memref<128x128xf32, #tpu.memory_space<vmem>>, vector<1x16xf32>,
      %swap3A_161 = vector.shape_cast %swap3A_160 : vector<1x16xf32> to vector<16xf32>
      %swap3A_162 = vector.shape_cast %broadcast_in_dim3A_1 : vector<16xf32> to vector<1x16xf32>
      tpu.vector_store %arg9[%swap3A, %swap3A_159], %swap3A_162 {strides = array<i32>} : memref<128x128xf32, #tpu.memory_space<vmem>>, vector<1x16xf32>,
      %swap3A_163 = arith.index_cast %scan3A_158 : i32 to index
      %swap3A_164 = arith.constant 16 : index
      %swap3A_165 = tpu.vector_load %arg9[%swap3A_163, %swap3A_164] {strides = array<i32>} : memref<128x128xf32, #tpu.memory_space<vmem>>, vector<1x16xf32>,
      %swap3A_166 = vector.shape_cast %swap3A_165 : vector<1x16xf32> to vector<16xf32>
      %swap3A_167 = vector.shape_cast %broadcast_in_dim3A_1 : vector<16xf32> to vector<1x16xf32>
      tpu.vector_store %arg9[%swap3A_163, %swap3A_164], %swap3A_167 {strides = array<i32>} : memref<128x128xf32, #tpu.memory_space<vmem>>, vector<1x16xf32>,
      %swap3A_168 = arith.index_cast %scan3A_158 : i32 to index
      %swap3A_169 = arith.constant 32 : index
      %swap3A_170 = tpu.vector_load %arg9[%swap3A_168, %swap3A_169] {strides = array<i32>} : memref<128x128xf32, #tpu.memory_space<vmem>>, vector<1x16xf32>,
      %swap3A_171 = vector.shape_cast %swap3A_170 : vector<1x16xf32> to vector<16xf32>
      %swap3A_172 = vector.shape_cast %broadcast_in_dim3A_1 : vector<16xf32> to vector<1x16xf32>
      tpu.vector_store %arg9[%swap3A_168, %swap3A_169], %swap3A_172 {strides = array<i32>} : memref<128x128xf32, #tpu.memory_space<vmem>>, vector<1x16xf32>,
      %swap3A_173 = arith.index_cast %scan3A_158 : i32 to index
      %swap3A_174 = arith.constant 48 : index
      %swap3A_175 = tpu.vector_load %arg9[%swap3A_173, %swap3A_174] {strides = array<i32>} : memref<128x128xf32, #tpu.memory_space<vmem>>, vector<1x16xf32>,
      %swap3A_176 = vector.shape_cast %swap3A_175 : vector<1x16xf32> to vector<16xf32>
      %swap3A_177 = vector.shape_cast %broadcast_in_dim3A_1 : vector<16xf32> to vector<1x16xf32>
      tpu.vector_store %arg9[%swap3A_173, %swap3A_174], %swap3A_177 {strides = array<i32>} : memref<128x128xf32, #tpu.memory_space<vmem>>, vector<1x16xf32>,
      %swap3A_178 = arith.index_cast %scan3A_158 : i32 to index
      %swap3A_179 = arith.constant 64 : index
      %swap3A_180 = tpu.vector_load %arg9[%swap3A_178, %swap3A_179] {strides = array<i32>} : memref<128x128xf32, #tpu.memory_space<vmem>>, vector<1x16xf32>,
      %swap3A_181 = vector.shape_cast %swap3A_180 : vector<1x16xf32> to vector<16xf32>
      %swap3A_182 = vector.shape_cast %broadcast_in_dim3A_1 : vector<16xf32> to vector<1x16xf32>
      tpu.vector_store %arg9[%swap3A_178, %swap3A_179], %swap3A_182 {strides = array<i32>} : memref<128x128xf32, #tpu.memory_space<vmem>>, vector<1x16xf32>,
      %swap3A_183 = arith.index_cast %scan3A_158 : i32 to index
      %swap3A_184 = arith.constant 80 : index
      %swap3A_185 = tpu.vector_load %arg9[%swap3A_183, %swap3A_184] {strides = array<i32>} : memref<128x128xf32, #tpu.memory_space<vmem>>, vector<1x16xf32>,
      %swap3A_186 = vector.shape_cast %swap3A_185 : vector<1x16xf32> to vector<16xf32>
      %swap3A_187 = vector.shape_cast %broadcast_in_dim3A_1 : vector<16xf32> to vector<1x16xf32>
      tpu.vector_store %arg9[%swap3A_183, %swap3A_184], %swap3A_187 {strides = array<i32>} : memref<128x128xf32, #tpu.memory_space<vmem>>, vector<1x16xf32>,
      %swap3A_188 = arith.index_cast %scan3A_158 : i32 to index
      %swap3A_189 = arith.constant 96 : index
      %swap3A_190 = tpu.vector_load %arg9[%swap3A_188, %swap3A_189] {strides = array<i32>} : memref<128x128xf32, #tpu.memory_space<vmem>>, vector<1x16xf32>,
      %swap3A_191 = vector.shape_cast %swap3A_190 : vector<1x16xf32> to vector<16xf32>
      %swap3A_192 = vector.shape_cast %broadcast_in_dim3A_1 : vector<16xf32> to vector<1x16xf32>
      tpu.vector_store %arg9[%swap3A_188, %swap3A_189], %swap3A_192 {strides = array<i32>} : memref<128x128xf32, #tpu.memory_space<vmem>>, vector<1x16xf32>,
      %swap3A_193 = arith.index_cast %scan3A_158 : i32 to index
      %swap3A_194 = arith.constant 112 : index
      %swap3A_195 = tpu.vector_load %arg9[%swap3A_193, %swap3A_194] {strides = array<i32>} : memref<128x128xf32, #tpu.memory_space<vmem>>, vector<1x16xf32>,
      %swap3A_196 = vector.shape_cast %swap3A_195 : vector<1x16xf32> to vector<16xf32>
      %swap3A_197 = vector.shape_cast %broadcast_in_dim3A_1 : vector<16xf32> to vector<1x16xf32>
      tpu.vector_store %arg9[%swap3A_193, %swap3A_194], %swap3A_197 {strides = array<i32>} : memref<128x128xf32, #tpu.memory_space<vmem>>, vector<1x16xf32>,
    }
    %scan3A_84 = arith.constant 128 : i32
    %mul3A_85 = arith.constant 5 : i32
    %mul3A_86 = arith.muli %arg1, %mul3A_85 : i32
    %add3A_87 = arith.constant 0 : i32
    %add3A_88 = arith.addi %mul3A_86, %add3A_87 : i32
    %mul3A_89 = arith.constant 128 : i32
    %mul3A_90 = arith.muli %add3A_88, %mul3A_89 : i32
    "tpu.region"() ({
      %run_scoped3A_158 = tpu.sem_alloc : memref<!tpu.dma_semaphore, #tpu.memory_space<semaphore_mem>>
      %dma_start3A_159 = arith.constant 0 : i32
      %dma_start3A_160 = tpu.memref_slice %arg6[%mul3A_90, %dma_start3A_159] : memref<10240x128xf32, #tpu.memory_space<vmem_shared>> -> memref<128x128xf32, #tpu.memory_space<vmem_shared>>
      %dma_start3A_161 = arith.constant 0 : i32
      %dma_start3A_162 = tpu.memref_slice %arg6[%mul3A_90, %dma_start3A_161] : memref<10240x128xf32, #tpu.memory_space<vmem_shared>> -> memref<128x128xf32, #tpu.memory_space<vmem_shared>>
      tpu.enqueue_dma source(%arg9 : memref<128x128xf32, #tpu.memory_space<vmem>>) target(%dma_start3A_162 : memref<128x128xf32, #tpu.memory_space<vmem_shared>>) target_semaphore(%run_scoped3A_158 : memref<!tpu.dma_semaphore, #tpu.memory_space<semaphore_mem>>)
      %dma_wait3A = arith.constant 0 : i32
      %dma_wait3A_163 = tpu.memref_slice %arg6[%mul3A_90, %dma_wait3A] : memref<10240x128xf32, #tpu.memory_space<vmem_shared>> -> memref<128x128xf32, #tpu.memory_space<vmem_shared>>
      %dma_wait3A_164 = arith.constant 0 : i32
      %dma_wait3A_165 = tpu.memref_slice %arg6[%mul3A_90, %dma_wait3A_164] : memref<10240x128xf32, #tpu.memory_space<vmem_shared>> -> memref<128x128xf32, #tpu.memory_space<vmem_shared>>
      tpu.wait_dma2 semaphore(%run_scoped3A_158 : memref<!tpu.dma_semaphore, #tpu.memory_space<semaphore_mem>>) src(%arg9 : memref<128x128xf32, #tpu.memory_space<vmem>>) dst(%dma_wait3A_165 : memref<128x128xf32, #tpu.memory_space<vmem_shared>>)
      tpu.yield
    }) : () -> ()
    %mul3A_91 = arith.constant 5 : i32
    %mul3A_92 = arith.muli %arg1, %mul3A_91 : i32
    %add3A_93 = arith.constant 1 : i32
    %add3A_94 = arith.addi %mul3A_92, %add3A_93 : i32
    %mul3A_95 = arith.constant 128 : i32
    %mul3A_96 = arith.muli %add3A_94, %mul3A_95 : i32
    "tpu.region"() ({
      %run_scoped3A_158 = tpu.sem_alloc : memref<!tpu.dma_semaphore, #tpu.memory_space<semaphore_mem>>
      %dma_start3A_159 = arith.constant 0 : i32
      %dma_start3A_160 = tpu.memref_slice %arg6[%mul3A_96, %dma_start3A_159] : memref<10240x128xf32, #tpu.memory_space<vmem_shared>> -> memref<128x128xf32, #tpu.memory_space<vmem_shared>>
      %dma_start3A_161 = arith.constant 0 : i32
      %dma_start3A_162 = tpu.memref_slice %arg6[%mul3A_96, %dma_start3A_161] : memref<10240x128xf32, #tpu.memory_space<vmem_shared>> -> memref<128x128xf32, #tpu.memory_space<vmem_shared>>
      tpu.enqueue_dma source(%arg9 : memref<128x128xf32, #tpu.memory_space<vmem>>) target(%dma_start3A_162 : memref<128x128xf32, #tpu.memory_space<vmem_shared>>) target_semaphore(%run_scoped3A_158 : memref<!tpu.dma_semaphore, #tpu.memory_space<semaphore_mem>>)
      %dma_wait3A = arith.constant 0 : i32
      %dma_wait3A_163 = tpu.memref_slice %arg6[%mul3A_96, %dma_wait3A] : memref<10240x128xf32, #tpu.memory_space<vmem_shared>> -> memref<128x128xf32, #tpu.memory_space<vmem_shared>>
      %dma_wait3A_164 = arith.constant 0 : i32
      %dma_wait3A_165 = tpu.memref_slice %arg6[%mul3A_96, %dma_wait3A_164] : memref<10240x128xf32, #tpu.memory_space<vmem_shared>> -> memref<128x128xf32, #tpu.memory_space<vmem_shared>>
      tpu.wait_dma2 semaphore(%run_scoped3A_158 : memref<!tpu.dma_semaphore, #tpu.memory_space<semaphore_mem>>) src(%arg9 : memref<128x128xf32, #tpu.memory_space<vmem>>) dst(%dma_wait3A_165 : memref<128x128xf32, #tpu.memory_space<vmem_shared>>)
      tpu.yield
    }) : () -> ()
    %mul3A_97 = arith.constant 5 : i32
    %mul3A_98 = arith.muli %arg1, %mul3A_97 : i32
    %add3A_99 = arith.constant 2 : i32
    %add3A_100 = arith.addi %mul3A_98, %add3A_99 : i32
    %mul3A_101 = arith.constant 128 : i32
    %mul3A_102 = arith.muli %add3A_100, %mul3A_101 : i32
    "tpu.region"() ({
      %run_scoped3A_158 = tpu.sem_alloc : memref<!tpu.dma_semaphore, #tpu.memory_space<semaphore_mem>>
      %dma_start3A_159 = arith.constant 0 : i32
      %dma_start3A_160 = tpu.memref_slice %arg6[%mul3A_102, %dma_start3A_159] : memref<10240x128xf32, #tpu.memory_space<vmem_shared>> -> memref<128x128xf32, #tpu.memory_space<vmem_shared>>
      %dma_start3A_161 = arith.constant 0 : i32
      %dma_start3A_162 = tpu.memref_slice %arg6[%mul3A_102, %dma_start3A_161] : memref<10240x128xf32, #tpu.memory_space<vmem_shared>> -> memref<128x128xf32, #tpu.memory_space<vmem_shared>>
      tpu.enqueue_dma source(%arg9 : memref<128x128xf32, #tpu.memory_space<vmem>>) target(%dma_start3A_162 : memref<128x128xf32, #tpu.memory_space<vmem_shared>>) target_semaphore(%run_scoped3A_158 : memref<!tpu.dma_semaphore, #tpu.memory_space<semaphore_mem>>)
      %dma_wait3A = arith.constant 0 : i32
      %dma_wait3A_163 = tpu.memref_slice %arg6[%mul3A_102, %dma_wait3A] : memref<10240x128xf32, #tpu.memory_space<vmem_shared>> -> memref<128x128xf32, #tpu.memory_space<vmem_shared>>
      %dma_wait3A_164 = arith.constant 0 : i32
      %dma_wait3A_165 = tpu.memref_slice %arg6[%mul3A_102, %dma_wait3A_164] : memref<10240x128xf32, #tpu.memory_space<vmem_shared>> -> memref<128x128xf32, #tpu.memory_space<vmem_shared>>
      tpu.wait_dma2 semaphore(%run_scoped3A_158 : memref<!tpu.dma_semaphore, #tpu.memory_space<semaphore_mem>>) src(%arg9 : memref<128x128xf32, #tpu.memory_space<vmem>>) dst(%dma_wait3A_165 : memref<128x128xf32, #tpu.memory_space<vmem_shared>>)
      tpu.yield
    }) : () -> ()
    %mul3A_103 = arith.constant 5 : i32
    %mul3A_104 = arith.muli %arg1, %mul3A_103 : i32
    %add3A_105 = arith.constant 3 : i32
    %add3A_106 = arith.addi %mul3A_104, %add3A_105 : i32
    %mul3A_107 = arith.constant 128 : i32
    %mul3A_108 = arith.muli %add3A_106, %mul3A_107 : i32
    "tpu.region"() ({
      %run_scoped3A_158 = tpu.sem_alloc : memref<!tpu.dma_semaphore, #tpu.memory_space<semaphore_mem>>
      %dma_start3A_159 = arith.constant 0 : i32
      %dma_start3A_160 = tpu.memref_slice %arg6[%mul3A_108, %dma_start3A_159] : memref<10240x128xf32, #tpu.memory_space<vmem_shared>> -> memref<128x128xf32, #tpu.memory_space<vmem_shared>>
      %dma_start3A_161 = arith.constant 0 : i32
      %dma_start3A_162 = tpu.memref_slice %arg6[%mul3A_108, %dma_start3A_161] : memref<10240x128xf32, #tpu.memory_space<vmem_shared>> -> memref<128x128xf32, #tpu.memory_space<vmem_shared>>
      tpu.enqueue_dma source(%arg9 : memref<128x128xf32, #tpu.memory_space<vmem>>) target(%dma_start3A_162 : memref<128x128xf32, #tpu.memory_space<vmem_shared>>) target_semaphore(%run_scoped3A_158 : memref<!tpu.dma_semaphore, #tpu.memory_space<semaphore_mem>>)
      %dma_wait3A = arith.constant 0 : i32
      %dma_wait3A_163 = tpu.memref_slice %arg6[%mul3A_108, %dma_wait3A] : memref<10240x128xf32, #tpu.memory_space<vmem_shared>> -> memref<128x128xf32, #tpu.memory_space<vmem_shared>>
      %dma_wait3A_164 = arith.constant 0 : i32
      %dma_wait3A_165 = tpu.memref_slice %arg6[%mul3A_108, %dma_wait3A_164] : memref<10240x128xf32, #tpu.memory_space<vmem_shared>> -> memref<128x128xf32, #tpu.memory_space<vmem_shared>>
      tpu.wait_dma2 semaphore(%run_scoped3A_158 : memref<!tpu.dma_semaphore, #tpu.memory_space<semaphore_mem>>) src(%arg9 : memref<128x128xf32, #tpu.memory_space<vmem>>) dst(%dma_wait3A_165 : memref<128x128xf32, #tpu.memory_space<vmem_shared>>)
      tpu.yield
    }) : () -> ()
    %mul3A_109 = arith.constant 5 : i32
    %mul3A_110 = arith.muli %arg1, %mul3A_109 : i32
    %add3A_111 = arith.constant 4 : i32
    %add3A_112 = arith.addi %mul3A_110, %add3A_111 : i32
    %mul3A_113 = arith.constant 128 : i32
    %mul3A_114 = arith.muli %add3A_112, %mul3A_113 : i32
    "tpu.region"() ({
      %run_scoped3A_158 = tpu.sem_alloc : memref<!tpu.dma_semaphore, #tpu.memory_space<semaphore_mem>>
      %dma_start3A_159 = arith.constant 0 : i32
      %dma_start3A_160 = tpu.memref_slice %arg6[%mul3A_114, %dma_start3A_159] : memref<10240x128xf32, #tpu.memory_space<vmem_shared>> -> memref<128x128xf32, #tpu.memory_space<vmem_shared>>
      %dma_start3A_161 = arith.constant 0 : i32
      %dma_start3A_162 = tpu.memref_slice %arg6[%mul3A_114, %dma_start3A_161] : memref<10240x128xf32, #tpu.memory_space<vmem_shared>> -> memref<128x128xf32, #tpu.memory_space<vmem_shared>>
      tpu.enqueue_dma source(%arg9 : memref<128x128xf32, #tpu.memory_space<vmem>>) target(%dma_start3A_162 : memref<128x128xf32, #tpu.memory_space<vmem_shared>>) target_semaphore(%run_scoped3A_158 : memref<!tpu.dma_semaphore, #tpu.memory_space<semaphore_mem>>)
      %dma_wait3A = arith.constant 0 : i32
      %dma_wait3A_163 = tpu.memref_slice %arg6[%mul3A_114, %dma_wait3A] : memref<10240x128xf32, #tpu.memory_space<vmem_shared>> -> memref<128x128xf32, #tpu.memory_space<vmem_shared>>
      %dma_wait3A_164 = arith.constant 0 : i32
      %dma_wait3A_165 = tpu.memref_slice %arg6[%mul3A_114, %dma_wait3A_164] : memref<10240x128xf32, #tpu.memory_space<vmem_shared>> -> memref<128x128xf32, #tpu.memory_space<vmem_shared>>
      tpu.wait_dma2 semaphore(%run_scoped3A_158 : memref<!tpu.dma_semaphore, #tpu.memory_space<semaphore_mem>>) src(%arg9 : memref<128x128xf32, #tpu.memory_space<vmem>>) dst(%dma_wait3A_165 : memref<128x128xf32, #tpu.memory_space<vmem_shared>>)
      tpu.yield
    }) : () -> ()
    %barrier3A_115 = arith.constant 0 : index
    tpu.barrier barrier_id(%barrier3A_115)
    %mul3A_116 = arith.constant 80 : i32
    %mul3A_117 = arith.muli %add3A, %mul3A_116 : i32
    %add3A_118 = arith.constant 2560 : i32
    %add3A_119 = arith.addi %add3A_118, %mul3A_117 : i32
    %add3A_120 = arith.constant 0 : i32
    %add3A_121 = arith.addi %add3A_119, %add3A_120 : i32
    "tpu.region"() ({
      %run_scoped3A_158 = tpu.sem_alloc : memref<!tpu.dma_semaphore, #tpu.memory_space<semaphore_mem>>
      %dma_start3A_159 = arith.constant 0 : i32
      %dma_start3A_160 = tpu.memref_slice %arg3[%add3A_121, %dma_start3A_159] : memref<5120x128xi32, #tpu.memory_space<hbm>> -> memref<40x128xi32, #tpu.memory_space<hbm>>
      %dma_start3A_161 = arith.constant 0 : i32
      %dma_start3A_162 = tpu.memref_slice %arg3[%add3A_121, %dma_start3A_161] : memref<5120x128xi32, #tpu.memory_space<hbm>> -> memref<40x128xi32, #tpu.memory_space<hbm>>
      tpu.enqueue_dma source(%dma_start3A_162 : memref<40x128xi32, #tpu.memory_space<hbm>>) target(%arg7 : memref<40x128xi32, #tpu.memory_space<vmem>>) target_semaphore(%run_scoped3A_158 : memref<!tpu.dma_semaphore, #tpu.memory_space<semaphore_mem>>)
      %dma_wait3A = arith.constant 0 : i32
      %dma_wait3A_163 = tpu.memref_slice %arg3[%add3A_121, %dma_wait3A] : memref<5120x128xi32, #tpu.memory_space<hbm>> -> memref<40x128xi32, #tpu.memory_space<hbm>>
      %dma_wait3A_164 = arith.constant 0 : i32
      %dma_wait3A_165 = tpu.memref_slice %arg3[%add3A_121, %dma_wait3A_164] : memref<5120x128xi32, #tpu.memory_space<hbm>> -> memref<40x128xi32, #tpu.memory_space<hbm>>
      tpu.wait_dma2 semaphore(%run_scoped3A_158 : memref<!tpu.dma_semaphore, #tpu.memory_space<semaphore_mem>>) src(%dma_wait3A_165 : memref<40x128xi32, #tpu.memory_space<hbm>>) dst(%arg7 : memref<40x128xi32, #tpu.memory_space<vmem>>)
      tpu.yield
    }) : () -> ()
    "tpu.region"() ({
      %run_scoped3A_158 = tpu.sem_alloc : memref<!tpu.dma_semaphore, #tpu.memory_space<semaphore_mem>>
      %dma_start3A_159 = arith.constant 0 : i32
      %dma_start3A_160 = tpu.memref_slice %arg4[%add3A_121, %dma_start3A_159] : memref<5120x128xi32, #tpu.memory_space<hbm>> -> memref<40x128xi32, #tpu.memory_space<hbm>>
      %dma_start3A_161 = arith.constant 0 : i32
      %dma_start3A_162 = tpu.memref_slice %arg4[%add3A_121, %dma_start3A_161] : memref<5120x128xi32, #tpu.memory_space<hbm>> -> memref<40x128xi32, #tpu.memory_space<hbm>>
      tpu.enqueue_dma source(%dma_start3A_162 : memref<40x128xi32, #tpu.memory_space<hbm>>) target(%arg8 : memref<40x128xi32, #tpu.memory_space<vmem>>) target_semaphore(%run_scoped3A_158 : memref<!tpu.dma_semaphore, #tpu.memory_space<semaphore_mem>>)
      %dma_wait3A = arith.constant 0 : i32
      %dma_wait3A_163 = tpu.memref_slice %arg4[%add3A_121, %dma_wait3A] : memref<5120x128xi32, #tpu.memory_space<hbm>> -> memref<40x128xi32, #tpu.memory_space<hbm>>
      %dma_wait3A_164 = arith.constant 0 : i32
      %dma_wait3A_165 = tpu.memref_slice %arg4[%add3A_121, %dma_wait3A_164] : memref<5120x128xi32, #tpu.memory_space<hbm>> -> memref<40x128xi32, #tpu.memory_space<hbm>>
      tpu.wait_dma2 semaphore(%run_scoped3A_158 : memref<!tpu.dma_semaphore, #tpu.memory_space<semaphore_mem>>) src(%dma_wait3A_165 : memref<40x128xi32, #tpu.memory_space<hbm>>) dst(%arg8 : memref<40x128xi32, #tpu.memory_space<vmem>>)
      tpu.yield
    }) : () -> ()
    %dma_start3A_122 = arith.constant 0 : i32
    %dma_start3A_123 = arith.constant 0 : i32
    %dma_start3A_124 = tpu.memref_slice %arg7[%dma_start3A_122, %dma_start3A_123] : memref<40x128xi32, #tpu.memory_space<vmem>> -> memref<1x128xi32, #tpu.memory_space<vmem>>
    %dma_start3A_125 = tpu.memref_squeeze %dma_start3A_124 : memref<1x128xi32, #tpu.memory_space<vmem>> -> memref<128xi32, #tpu.memory_space<vmem>>
    %dma_start3A_126 = arith.constant 0 : i32
    %dma_start3A_127 = arith.constant 0 : i32
    %dma_start3A_128 = tpu.memref_slice %arg2[%dma_start3A_126, %dma_start3A_127] : memref<10000x128xf32, #tpu.memory_space<hbm>> -> memref<10000x128xf32, #tpu.memory_space<hbm>>
    tpu.enqueue_indirect_dma source(%dma_start3A_128 : memref<10000x128xf32, #tpu.memory_space<hbm>>) target(%arg9 : memref<128x128xf32, #tpu.memory_space<vmem>>) offsets(%dma_start3A_125 : memref<128xi32, #tpu.memory_space<vmem>>) semaphore(%arg11 : memref<!tpu.dma_semaphore, #tpu.memory_space<semaphore_mem>>)
    %scan3A_129 = arith.constant 0 : i32
    %scan3A_130 = arith.constant 0 : i32
    %scan3A_131 = arith.constant 20 : i32
    %scan3A_132 = arith.addi %scan3A_130, %scan3A_131 : i32
    %scan3A_133 = arith.constant 1 : i32
    scf.for %scan3A_158 = %scan3A_130 to %scan3A_132 step %scan3A_133  : i32 {
      %mul3A_159 = arith.constant 2 : i32
      %mul3A_160 = arith.muli %mul3A_159, %scan3A_158 : i32
      %add3A_161 = arith.constant 1 : i32
      %add3A_162 = arith.addi %mul3A_160, %add3A_161 : i32
      %dma_wait3A = arith.constant 0 : i32
      %dma_wait3A_163 = tpu.memref_slice %arg7[%mul3A_160, %dma_wait3A] : memref<40x128xi32, #tpu.memory_space<vmem>> -> memref<1x128xi32, #tpu.memory_space<vmem>>
      %dma_wait3A_164 = tpu.memref_squeeze %dma_wait3A_163 : memref<1x128xi32, #tpu.memory_space<vmem>> -> memref<128xi32, #tpu.memory_space<vmem>>
      %dma_wait3A_165 = arith.constant 0 : i32
      %dma_wait3A_166 = arith.constant 0 : i32
      %dma_wait3A_167 = tpu.memref_slice %arg2[%dma_wait3A_165, %dma_wait3A_166] : memref<10000x128xf32, #tpu.memory_space<hbm>> -> memref<10000x128xf32, #tpu.memory_space<hbm>>
      tpu.wait_indirect_dma semaphore(%arg11 : memref<!tpu.dma_semaphore, #tpu.memory_space<semaphore_mem>>) src(%dma_wait3A_167 : memref<10000x128xf32, #tpu.memory_space<hbm>>) dst(%arg9 : memref<128x128xf32, #tpu.memory_space<vmem>>)
      %dma_start3A_168 = arith.constant 0 : i32
      %dma_start3A_169 = tpu.memref_slice %arg7[%add3A_162, %dma_start3A_168] : memref<40x128xi32, #tpu.memory_space<vmem>> -> memref<1x128xi32, #tpu.memory_space<vmem>>
      %dma_start3A_170 = tpu.memref_squeeze %dma_start3A_169 : memref<1x128xi32, #tpu.memory_space<vmem>> -> memref<128xi32, #tpu.memory_space<vmem>>
      %dma_start3A_171 = arith.constant 0 : i32
      %dma_start3A_172 = arith.constant 0 : i32
      %dma_start3A_173 = tpu.memref_slice %arg2[%dma_start3A_171, %dma_start3A_172] : memref<10000x128xf32, #tpu.memory_space<hbm>> -> memref<10000x128xf32, #tpu.memory_space<hbm>>
      tpu.enqueue_indirect_dma source(%dma_start3A_173 : memref<10000x128xf32, #tpu.memory_space<hbm>>) target(%arg10 : memref<128x128xf32, #tpu.memory_space<vmem>>) offsets(%dma_start3A_170 : memref<128xi32, #tpu.memory_space<vmem>>) semaphore(%arg12 : memref<!tpu.dma_semaphore, #tpu.memory_space<semaphore_mem>>)
      "tpu.region"() ({
        %run_scoped3A_182 = tpu.sem_alloc : memref<!tpu.dma_semaphore, #tpu.memory_space<semaphore_mem>>
        %dma_start3A_183 = arith.constant 0 : i32
        %dma_start3A_184 = tpu.memref_slice %arg8[%mul3A_160, %dma_start3A_183] : memref<40x128xi32, #tpu.memory_space<vmem>> -> memref<1x128xi32, #tpu.memory_space<vmem>>
        %dma_start3A_185 = tpu.memref_squeeze %dma_start3A_184 : memref<1x128xi32, #tpu.memory_space<vmem>> -> memref<128xi32, #tpu.memory_space<vmem>>
        %dma_start3A_186 = arith.constant 0 : i32
        %dma_start3A_187 = arith.constant 0 : i32
        %dma_start3A_188 = tpu.memref_slice %arg6[%dma_start3A_186, %dma_start3A_187] : memref<10240x128xf32, #tpu.memory_space<vmem_shared>> -> memref<10240x128xf32, #tpu.memory_space<vmem_shared>>
        tpu.enqueue_indirect_dma source(%arg9 : memref<128x128xf32, #tpu.memory_space<vmem>>) target(%dma_start3A_188 : memref<10240x128xf32, #tpu.memory_space<vmem_shared>>) offsets(%dma_start3A_185 : memref<128xi32, #tpu.memory_space<vmem>>) semaphore(%run_scoped3A_182 : memref<!tpu.dma_semaphore, #tpu.memory_space<semaphore_mem>>) {add = true}
        %dma_wait3A_189 = arith.constant 0 : i32
        %dma_wait3A_190 = tpu.memref_slice %arg8[%mul3A_160, %dma_wait3A_189] : memref<40x128xi32, #tpu.memory_space<vmem>> -> memref<1x128xi32, #tpu.memory_space<vmem>>
        %dma_wait3A_191 = tpu.memref_squeeze %dma_wait3A_190 : memref<1x128xi32, #tpu.memory_space<vmem>> -> memref<128xi32, #tpu.memory_space<vmem>>
        %dma_wait3A_192 = arith.constant 0 : i32
        %dma_wait3A_193 = arith.constant 0 : i32
        %dma_wait3A_194 = tpu.memref_slice %arg6[%dma_wait3A_192, %dma_wait3A_193] : memref<10240x128xf32, #tpu.memory_space<vmem_shared>> -> memref<10240x128xf32, #tpu.memory_space<vmem_shared>>
        tpu.wait_indirect_dma semaphore(%run_scoped3A_182 : memref<!tpu.dma_semaphore, #tpu.memory_space<semaphore_mem>>) src(%arg9 : memref<128x128xf32, #tpu.memory_space<vmem>>) dst(%dma_wait3A_194 : memref<10240x128xf32, #tpu.memory_space<vmem_shared>>)
        tpu.yield
      }) : () -> ()
      %dma_wait3A_174 = arith.constant 0 : i32
      %dma_wait3A_175 = tpu.memref_slice %arg7[%add3A_162, %dma_wait3A_174] : memref<40x128xi32, #tpu.memory_space<vmem>> -> memref<1x128xi32, #tpu.memory_space<vmem>>
      %dma_wait3A_176 = tpu.memref_squeeze %dma_wait3A_175 : memref<1x128xi32, #tpu.memory_space<vmem>> -> memref<128xi32, #tpu.memory_space<vmem>>
      %dma_wait3A_177 = arith.constant 0 : i32
      %dma_wait3A_178 = arith.constant 0 : i32
      %dma_wait3A_179 = tpu.memref_slice %arg2[%dma_wait3A_177, %dma_wait3A_178] : memref<10000x128xf32, #tpu.memory_space<hbm>> -> memref<10000x128xf32, #tpu.memory_space<hbm>>
      tpu.wait_indirect_dma semaphore(%arg12 : memref<!tpu.dma_semaphore, #tpu.memory_space<semaphore_mem>>) src(%dma_wait3A_179 : memref<10000x128xf32, #tpu.memory_space<hbm>>) dst(%arg10 : memref<128x128xf32, #tpu.memory_space<vmem>>)
      %lt3A = arith.constant 19 : i32
      %lt3A_180 = arith.cmpi slt, %scan3A_158, %lt3A : i32
      %convert_element_type3A = arith.extui %lt3A_180 : i1 to i32
      %cond3A = arith.constant 0 : i32
      %cond3A_181 = arith.cmpi ne, %convert_element_type3A, %cond3A : i32
      scf.if %cond3A_181 {
        %add3A_182 = arith.constant 2 : i32
        %add3A_183 = arith.addi %mul3A_160, %add3A_182 : i32
        %dma_start3A_184 = arith.constant 0 : i32
        %dma_start3A_185 = tpu.memref_slice %arg7[%add3A_183, %dma_start3A_184] : memref<40x128xi32, #tpu.memory_space<vmem>> -> memref<1x128xi32, #tpu.memory_space<vmem>>
        %dma_start3A_186 = tpu.memref_squeeze %dma_start3A_185 : memref<1x128xi32, #tpu.memory_space<vmem>> -> memref<128xi32, #tpu.memory_space<vmem>>
        %dma_start3A_187 = arith.constant 0 : i32
        %dma_start3A_188 = arith.constant 0 : i32
        %dma_start3A_189 = tpu.memref_slice %arg2[%dma_start3A_187, %dma_start3A_188] : memref<10000x128xf32, #tpu.memory_space<hbm>> -> memref<10000x128xf32, #tpu.memory_space<hbm>>
        tpu.enqueue_indirect_dma source(%dma_start3A_189 : memref<10000x128xf32, #tpu.memory_space<hbm>>) target(%arg9 : memref<128x128xf32, #tpu.memory_space<vmem>>) offsets(%dma_start3A_186 : memref<128xi32, #tpu.memory_space<vmem>>) semaphore(%arg11 : memref<!tpu.dma_semaphore, #tpu.memory_space<semaphore_mem>>)
      } else {
      }
      "tpu.region"() ({
        %run_scoped3A_182 = tpu.sem_alloc : memref<!tpu.dma_semaphore, #tpu.memory_space<semaphore_mem>>
        %dma_start3A_183 = arith.constant 0 : i32
        %dma_start3A_184 = tpu.memref_slice %arg8[%add3A_162, %dma_start3A_183] : memref<40x128xi32, #tpu.memory_space<vmem>> -> memref<1x128xi32, #tpu.memory_space<vmem>>
        %dma_start3A_185 = tpu.memref_squeeze %dma_start3A_184 : memref<1x128xi32, #tpu.memory_space<vmem>> -> memref<128xi32, #tpu.memory_space<vmem>>
        %dma_start3A_186 = arith.constant 0 : i32
        %dma_start3A_187 = arith.constant 0 : i32
        %dma_start3A_188 = tpu.memref_slice %arg6[%dma_start3A_186, %dma_start3A_187] : memref<10240x128xf32, #tpu.memory_space<vmem_shared>> -> memref<10240x128xf32, #tpu.memory_space<vmem_shared>>
        tpu.enqueue_indirect_dma source(%arg10 : memref<128x128xf32, #tpu.memory_space<vmem>>) target(%dma_start3A_188 : memref<10240x128xf32, #tpu.memory_space<vmem_shared>>) offsets(%dma_start3A_185 : memref<128xi32, #tpu.memory_space<vmem>>) semaphore(%run_scoped3A_182 : memref<!tpu.dma_semaphore, #tpu.memory_space<semaphore_mem>>) {add = true}
        %dma_wait3A_189 = arith.constant 0 : i32
        %dma_wait3A_190 = tpu.memref_slice %arg8[%add3A_162, %dma_wait3A_189] : memref<40x128xi32, #tpu.memory_space<vmem>> -> memref<1x128xi32, #tpu.memory_space<vmem>>
        %dma_wait3A_191 = tpu.memref_squeeze %dma_wait3A_190 : memref<1x128xi32, #tpu.memory_space<vmem>> -> memref<128xi32, #tpu.memory_space<vmem>>
        %dma_wait3A_192 = arith.constant 0 : i32
        %dma_wait3A_193 = arith.constant 0 : i32
        %dma_wait3A_194 = tpu.memref_slice %arg6[%dma_wait3A_192, %dma_wait3A_193] : memref<10240x128xf32, #tpu.memory_space<vmem_shared>> -> memref<10240x128xf32, #tpu.memory_space<vmem_shared>>
        tpu.wait_indirect_dma semaphore(%run_scoped3A_182 : memref<!tpu.dma_semaphore, #tpu.memory_space<semaphore_mem>>) src(%arg10 : memref<128x128xf32, #tpu.memory_space<vmem>>) dst(%dma_wait3A_194 : memref<10240x128xf32, #tpu.memory_space<vmem_shared>>)
        tpu.yield
      }) : () -> ()
    }
    %scan3A_134 = arith.constant 20 : i32
    %mul3A_135 = arith.constant 80 : i32
    %mul3A_136 = arith.muli %add3A, %mul3A_135 : i32
    %add3A_137 = arith.constant 2560 : i32
    %add3A_138 = arith.addi %add3A_137, %mul3A_136 : i32
    %add3A_139 = arith.constant 40 : i32
    %add3A_140 = arith.addi %add3A_138, %add3A_139 : i32
    "tpu.region"() ({
      %run_scoped3A_158 = tpu.sem_alloc : memref<!tpu.dma_semaphore, #tpu.memory_space<semaphore_mem>>
      %dma_start3A_159 = arith.constant 0 : i32
      %dma_start3A_160 = tpu.memref_slice %arg3[%add3A_140, %dma_start3A_159] : memref<5120x128xi32, #tpu.memory_space<hbm>> -> memref<40x128xi32, #tpu.memory_space<hbm>>
      %dma_start3A_161 = arith.constant 0 : i32
      %dma_start3A_162 = tpu.memref_slice %arg3[%add3A_140, %dma_start3A_161] : memref<5120x128xi32, #tpu.memory_space<hbm>> -> memref<40x128xi32, #tpu.memory_space<hbm>>
      tpu.enqueue_dma source(%dma_start3A_162 : memref<40x128xi32, #tpu.memory_space<hbm>>) target(%arg7 : memref<40x128xi32, #tpu.memory_space<vmem>>) target_semaphore(%run_scoped3A_158 : memref<!tpu.dma_semaphore, #tpu.memory_space<semaphore_mem>>)
      %dma_wait3A = arith.constant 0 : i32
      %dma_wait3A_163 = tpu.memref_slice %arg3[%add3A_140, %dma_wait3A] : memref<5120x128xi32, #tpu.memory_space<hbm>> -> memref<40x128xi32, #tpu.memory_space<hbm>>
      %dma_wait3A_164 = arith.constant 0 : i32
      %dma_wait3A_165 = tpu.memref_slice %arg3[%add3A_140, %dma_wait3A_164] : memref<5120x128xi32, #tpu.memory_space<hbm>> -> memref<40x128xi32, #tpu.memory_space<hbm>>
      tpu.wait_dma2 semaphore(%run_scoped3A_158 : memref<!tpu.dma_semaphore, #tpu.memory_space<semaphore_mem>>) src(%dma_wait3A_165 : memref<40x128xi32, #tpu.memory_space<hbm>>) dst(%arg7 : memref<40x128xi32, #tpu.memory_space<vmem>>)
      tpu.yield
    }) : () -> ()
    "tpu.region"() ({
      %run_scoped3A_158 = tpu.sem_alloc : memref<!tpu.dma_semaphore, #tpu.memory_space<semaphore_mem>>
      %dma_start3A_159 = arith.constant 0 : i32
      %dma_start3A_160 = tpu.memref_slice %arg4[%add3A_140, %dma_start3A_159] : memref<5120x128xi32, #tpu.memory_space<hbm>> -> memref<40x128xi32, #tpu.memory_space<hbm>>
      %dma_start3A_161 = arith.constant 0 : i32
      %dma_start3A_162 = tpu.memref_slice %arg4[%add3A_140, %dma_start3A_161] : memref<5120x128xi32, #tpu.memory_space<hbm>> -> memref<40x128xi32, #tpu.memory_space<hbm>>
      tpu.enqueue_dma source(%dma_start3A_162 : memref<40x128xi32, #tpu.memory_space<hbm>>) target(%arg8 : memref<40x128xi32, #tpu.memory_space<vmem>>) target_semaphore(%run_scoped3A_158 : memref<!tpu.dma_semaphore, #tpu.memory_space<semaphore_mem>>)
      %dma_wait3A = arith.constant 0 : i32
      %dma_wait3A_163 = tpu.memref_slice %arg4[%add3A_140, %dma_wait3A] : memref<5120x128xi32, #tpu.memory_space<hbm>> -> memref<40x128xi32, #tpu.memory_space<hbm>>
      %dma_wait3A_164 = arith.constant 0 : i32
      %dma_wait3A_165 = tpu.memref_slice %arg4[%add3A_140, %dma_wait3A_164] : memref<5120x128xi32, #tpu.memory_space<hbm>> -> memref<40x128xi32, #tpu.memory_space<hbm>>
      tpu.wait_dma2 semaphore(%run_scoped3A_158 : memref<!tpu.dma_semaphore, #tpu.memory_space<semaphore_mem>>) src(%dma_wait3A_165 : memref<40x128xi32, #tpu.memory_space<hbm>>) dst(%arg8 : memref<40x128xi32, #tpu.memory_space<vmem>>)
      tpu.yield
    }) : () -> ()
    %dma_start3A_141 = arith.constant 0 : i32
    %dma_start3A_142 = arith.constant 0 : i32
    %dma_start3A_143 = tpu.memref_slice %arg7[%dma_start3A_141, %dma_start3A_142] : memref<40x128xi32, #tpu.memory_space<vmem>> -> memref<1x128xi32, #tpu.memory_space<vmem>>
    %dma_start3A_144 = tpu.memref_squeeze %dma_start3A_143 : memref<1x128xi32, #tpu.memory_space<vmem>> -> memref<128xi32, #tpu.memory_space<vmem>>
    %dma_start3A_145 = arith.constant 0 : i32
    %dma_start3A_146 = arith.constant 0 : i32
    %dma_start3A_147 = tpu.memref_slice %arg2[%dma_start3A_145, %dma_start3A_146] : memref<10000x128xf32, #tpu.memory_space<hbm>> -> memref<10000x128xf32, #tpu.memory_space<hbm>>
    tpu.enqueue_indirect_dma source(%dma_start3A_147 : memref<10000x128xf32, #tpu.memory_space<hbm>>) target(%arg9 : memref<128x128xf32, #tpu.memory_space<vmem>>) offsets(%dma_start3A_144 : memref<128xi32, #tpu.memory_space<vmem>>) semaphore(%arg11 : memref<!tpu.dma_semaphore, #tpu.memory_space<semaphore_mem>>)
    %scan3A_148 = arith.constant 0 : i32
    %scan3A_149 = arith.constant 0 : i32
    %scan3A_150 = arith.constant 20 : i32
    %scan3A_151 = arith.addi %scan3A_149, %scan3A_150 : i32
    %scan3A_152 = arith.constant 1 : i32
    scf.for %scan3A_158 = %scan3A_149 to %scan3A_151 step %scan3A_152  : i32 {
      %mul3A_159 = arith.constant 2 : i32
      %mul3A_160 = arith.muli %mul3A_159, %scan3A_158 : i32
      %add3A_161 = arith.constant 1 : i32
      %add3A_162 = arith.addi %mul3A_160, %add3A_161 : i32
      %dma_wait3A = arith.constant 0 : i32
      %dma_wait3A_163 = tpu.memref_slice %arg7[%mul3A_160, %dma_wait3A] : memref<40x128xi32, #tpu.memory_space<vmem>> -> memref<1x128xi32, #tpu.memory_space<vmem>>
      %dma_wait3A_164 = tpu.memref_squeeze %dma_wait3A_163 : memref<1x128xi32, #tpu.memory_space<vmem>> -> memref<128xi32, #tpu.memory_space<vmem>>
      %dma_wait3A_165 = arith.constant 0 : i32
      %dma_wait3A_166 = arith.constant 0 : i32
      %dma_wait3A_167 = tpu.memref_slice %arg2[%dma_wait3A_165, %dma_wait3A_166] : memref<10000x128xf32, #tpu.memory_space<hbm>> -> memref<10000x128xf32, #tpu.memory_space<hbm>>
      tpu.wait_indirect_dma semaphore(%arg11 : memref<!tpu.dma_semaphore, #tpu.memory_space<semaphore_mem>>) src(%dma_wait3A_167 : memref<10000x128xf32, #tpu.memory_space<hbm>>) dst(%arg9 : memref<128x128xf32, #tpu.memory_space<vmem>>)
      %dma_start3A_168 = arith.constant 0 : i32
      %dma_start3A_169 = tpu.memref_slice %arg7[%add3A_162, %dma_start3A_168] : memref<40x128xi32, #tpu.memory_space<vmem>> -> memref<1x128xi32, #tpu.memory_space<vmem>>
      %dma_start3A_170 = tpu.memref_squeeze %dma_start3A_169 : memref<1x128xi32, #tpu.memory_space<vmem>> -> memref<128xi32, #tpu.memory_space<vmem>>
      %dma_start3A_171 = arith.constant 0 : i32
      %dma_start3A_172 = arith.constant 0 : i32
      %dma_start3A_173 = tpu.memref_slice %arg2[%dma_start3A_171, %dma_start3A_172] : memref<10000x128xf32, #tpu.memory_space<hbm>> -> memref<10000x128xf32, #tpu.memory_space<hbm>>
      tpu.enqueue_indirect_dma source(%dma_start3A_173 : memref<10000x128xf32, #tpu.memory_space<hbm>>) target(%arg10 : memref<128x128xf32, #tpu.memory_space<vmem>>) offsets(%dma_start3A_170 : memref<128xi32, #tpu.memory_space<vmem>>) semaphore(%arg12 : memref<!tpu.dma_semaphore, #tpu.memory_space<semaphore_mem>>)
      "tpu.region"() ({
        %run_scoped3A_182 = tpu.sem_alloc : memref<!tpu.dma_semaphore, #tpu.memory_space<semaphore_mem>>
        %dma_start3A_183 = arith.constant 0 : i32
        %dma_start3A_184 = tpu.memref_slice %arg8[%mul3A_160, %dma_start3A_183] : memref<40x128xi32, #tpu.memory_space<vmem>> -> memref<1x128xi32, #tpu.memory_space<vmem>>
        %dma_start3A_185 = tpu.memref_squeeze %dma_start3A_184 : memref<1x128xi32, #tpu.memory_space<vmem>> -> memref<128xi32, #tpu.memory_space<vmem>>
        %dma_start3A_186 = arith.constant 0 : i32
        %dma_start3A_187 = arith.constant 0 : i32
        %dma_start3A_188 = tpu.memref_slice %arg6[%dma_start3A_186, %dma_start3A_187] : memref<10240x128xf32, #tpu.memory_space<vmem_shared>> -> memref<10240x128xf32, #tpu.memory_space<vmem_shared>>
        tpu.enqueue_indirect_dma source(%arg9 : memref<128x128xf32, #tpu.memory_space<vmem>>) target(%dma_start3A_188 : memref<10240x128xf32, #tpu.memory_space<vmem_shared>>) offsets(%dma_start3A_185 : memref<128xi32, #tpu.memory_space<vmem>>) semaphore(%run_scoped3A_182 : memref<!tpu.dma_semaphore, #tpu.memory_space<semaphore_mem>>) {add = true}
        %dma_wait3A_189 = arith.constant 0 : i32
        %dma_wait3A_190 = tpu.memref_slice %arg8[%mul3A_160, %dma_wait3A_189] : memref<40x128xi32, #tpu.memory_space<vmem>> -> memref<1x128xi32, #tpu.memory_space<vmem>>
        %dma_wait3A_191 = tpu.memref_squeeze %dma_wait3A_190 : memref<1x128xi32, #tpu.memory_space<vmem>> -> memref<128xi32, #tpu.memory_space<vmem>>
        %dma_wait3A_192 = arith.constant 0 : i32
        %dma_wait3A_193 = arith.constant 0 : i32
        %dma_wait3A_194 = tpu.memref_slice %arg6[%dma_wait3A_192, %dma_wait3A_193] : memref<10240x128xf32, #tpu.memory_space<vmem_shared>> -> memref<10240x128xf32, #tpu.memory_space<vmem_shared>>
        tpu.wait_indirect_dma semaphore(%run_scoped3A_182 : memref<!tpu.dma_semaphore, #tpu.memory_space<semaphore_mem>>) src(%arg9 : memref<128x128xf32, #tpu.memory_space<vmem>>) dst(%dma_wait3A_194 : memref<10240x128xf32, #tpu.memory_space<vmem_shared>>)
        tpu.yield
      }) : () -> ()
      %dma_wait3A_174 = arith.constant 0 : i32
      %dma_wait3A_175 = tpu.memref_slice %arg7[%add3A_162, %dma_wait3A_174] : memref<40x128xi32, #tpu.memory_space<vmem>> -> memref<1x128xi32, #tpu.memory_space<vmem>>
      %dma_wait3A_176 = tpu.memref_squeeze %dma_wait3A_175 : memref<1x128xi32, #tpu.memory_space<vmem>> -> memref<128xi32, #tpu.memory_space<vmem>>
      %dma_wait3A_177 = arith.constant 0 : i32
      %dma_wait3A_178 = arith.constant 0 : i32
      %dma_wait3A_179 = tpu.memref_slice %arg2[%dma_wait3A_177, %dma_wait3A_178] : memref<10000x128xf32, #tpu.memory_space<hbm>> -> memref<10000x128xf32, #tpu.memory_space<hbm>>
      tpu.wait_indirect_dma semaphore(%arg12 : memref<!tpu.dma_semaphore, #tpu.memory_space<semaphore_mem>>) src(%dma_wait3A_179 : memref<10000x128xf32, #tpu.memory_space<hbm>>) dst(%arg10 : memref<128x128xf32, #tpu.memory_space<vmem>>)
      %lt3A = arith.constant 19 : i32
      %lt3A_180 = arith.cmpi slt, %scan3A_158, %lt3A : i32
      %convert_element_type3A = arith.extui %lt3A_180 : i1 to i32
      %cond3A = arith.constant 0 : i32
      %cond3A_181 = arith.cmpi ne, %convert_element_type3A, %cond3A : i32
      scf.if %cond3A_181 {
        %add3A_182 = arith.constant 2 : i32
        %add3A_183 = arith.addi %mul3A_160, %add3A_182 : i32
        %dma_start3A_184 = arith.constant 0 : i32
        %dma_start3A_185 = tpu.memref_slice %arg7[%add3A_183, %dma_start3A_184] : memref<40x128xi32, #tpu.memory_space<vmem>> -> memref<1x128xi32, #tpu.memory_space<vmem>>
        %dma_start3A_186 = tpu.memref_squeeze %dma_start3A_185 : memref<1x128xi32, #tpu.memory_space<vmem>> -> memref<128xi32, #tpu.memory_space<vmem>>
        %dma_start3A_187 = arith.constant 0 : i32
        %dma_start3A_188 = arith.constant 0 : i32
        %dma_start3A_189 = tpu.memref_slice %arg2[%dma_start3A_187, %dma_start3A_188] : memref<10000x128xf32, #tpu.memory_space<hbm>> -> memref<10000x128xf32, #tpu.memory_space<hbm>>
        tpu.enqueue_indirect_dma source(%dma_start3A_189 : memref<10000x128xf32, #tpu.memory_space<hbm>>) target(%arg9 : memref<128x128xf32, #tpu.memory_space<vmem>>) offsets(%dma_start3A_186 : memref<128xi32, #tpu.memory_space<vmem>>) semaphore(%arg11 : memref<!tpu.dma_semaphore, #tpu.memory_space<semaphore_mem>>)
      } else {
      }
      "tpu.region"() ({
        %run_scoped3A_182 = tpu.sem_alloc : memref<!tpu.dma_semaphore, #tpu.memory_space<semaphore_mem>>
        %dma_start3A_183 = arith.constant 0 : i32
        %dma_start3A_184 = tpu.memref_slice %arg8[%add3A_162, %dma_start3A_183] : memref<40x128xi32, #tpu.memory_space<vmem>> -> memref<1x128xi32, #tpu.memory_space<vmem>>
        %dma_start3A_185 = tpu.memref_squeeze %dma_start3A_184 : memref<1x128xi32, #tpu.memory_space<vmem>> -> memref<128xi32, #tpu.memory_space<vmem>>
        %dma_start3A_186 = arith.constant 0 : i32
        %dma_start3A_187 = arith.constant 0 : i32
        %dma_start3A_188 = tpu.memref_slice %arg6[%dma_start3A_186, %dma_start3A_187] : memref<10240x128xf32, #tpu.memory_space<vmem_shared>> -> memref<10240x128xf32, #tpu.memory_space<vmem_shared>>
        tpu.enqueue_indirect_dma source(%arg10 : memref<128x128xf32, #tpu.memory_space<vmem>>) target(%dma_start3A_188 : memref<10240x128xf32, #tpu.memory_space<vmem_shared>>) offsets(%dma_start3A_185 : memref<128xi32, #tpu.memory_space<vmem>>) semaphore(%run_scoped3A_182 : memref<!tpu.dma_semaphore, #tpu.memory_space<semaphore_mem>>) {add = true}
        %dma_wait3A_189 = arith.constant 0 : i32
        %dma_wait3A_190 = tpu.memref_slice %arg8[%add3A_162, %dma_wait3A_189] : memref<40x128xi32, #tpu.memory_space<vmem>> -> memref<1x128xi32, #tpu.memory_space<vmem>>
        %dma_wait3A_191 = tpu.memref_squeeze %dma_wait3A_190 : memref<1x128xi32, #tpu.memory_space<vmem>> -> memref<128xi32, #tpu.memory_space<vmem>>
        %dma_wait3A_192 = arith.constant 0 : i32
        %dma_wait3A_193 = arith.constant 0 : i32
        %dma_wait3A_194 = tpu.memref_slice %arg6[%dma_wait3A_192, %dma_wait3A_193] : memref<10240x128xf32, #tpu.memory_space<vmem_shared>> -> memref<10240x128xf32, #tpu.memory_space<vmem_shared>>
        tpu.wait_indirect_dma semaphore(%run_scoped3A_182 : memref<!tpu.dma_semaphore, #tpu.memory_space<semaphore_mem>>) src(%arg10 : memref<128x128xf32, #tpu.memory_space<vmem>>) dst(%dma_wait3A_194 : memref<10240x128xf32, #tpu.memory_space<vmem_shared>>)
        tpu.yield
      }) : () -> ()
    }
    %scan3A_153 = arith.constant 20 : i32
    %barrier3A_154 = arith.constant 0 : index
    tpu.barrier barrier_id(%barrier3A_154)
    %mul3A_155 = arith.constant 640 : i32
    %mul3A_156 = arith.muli %arg1, %mul3A_155 : i32
    %run_scoped3A_157 = arith.constant 1 : i32
    "tpu.region"() ({
      %run_scoped3A_158 = tpu.sem_alloc : memref<!tpu.dma_semaphore, #tpu.memory_space<semaphore_mem>>
      %dma_start3A_159 = arith.constant 0 : i32
      %dma_start3A_160 = tpu.memref_slice %arg5[%run_scoped3A_157, %arg0, %mul3A_156, %dma_start3A_159] : memref<2x2x10240x128xf32, #tpu.memory_space<hbm>> -> memref<1x1x640x128xf32, #tpu.memory_space<hbm>>
      %dma_start3A_161 = tpu.memref_squeeze %dma_start3A_160 : memref<1x1x640x128xf32, #tpu.memory_space<hbm>> -> memref<640x128xf32, #tpu.memory_space<hbm>>
      %dma_start3A_162 = arith.constant 0 : i32
      %dma_start3A_163 = tpu.memref_slice %arg6[%mul3A_156, %dma_start3A_162] : memref<10240x128xf32, #tpu.memory_space<vmem_shared>> -> memref<640x128xf32, #tpu.memory_space<vmem_shared>>
      tpu.enqueue_dma source(%dma_start3A_163 : memref<640x128xf32, #tpu.memory_space<vmem_shared>>) target(%dma_start3A_161 : memref<640x128xf32, #tpu.memory_space<hbm>>) target_semaphore(%run_scoped3A_158 : memref<!tpu.dma_semaphore, #tpu.memory_space<semaphore_mem>>)
      %dma_wait3A = arith.constant 0 : i32
      %dma_wait3A_164 = tpu.memref_slice %arg5[%run_scoped3A_157, %arg0, %mul3A_156, %dma_wait3A] : memref<2x2x10240x128xf32, #tpu.memory_space<hbm>> -> memref<1x1x640x128xf32, #tpu.memory_space<hbm>>
      %dma_wait3A_165 = tpu.memref_squeeze %dma_wait3A_164 : memref<1x1x640x128xf32, #tpu.memory_space<hbm>> -> memref<640x128xf32, #tpu.memory_space<hbm>>
      %dma_wait3A_166 = arith.constant 0 : i32
      %dma_wait3A_167 = tpu.memref_slice %arg6[%mul3A_156, %dma_wait3A_166] : memref<10240x128xf32, #tpu.memory_space<vmem_shared>> -> memref<640x128xf32, #tpu.memory_space<vmem_shared>>
      tpu.wait_dma2 semaphore(%run_scoped3A_158 : memref<!tpu.dma_semaphore, #tpu.memory_space<semaphore_mem>>) src(%dma_wait3A_167 : memref<640x128xf32, #tpu.memory_space<vmem_shared>>) dst(%dma_wait3A_165 : memref<640x128xf32, #tpu.memory_space<hbm>>)
      tpu.yield
    }) : () -> ()
    return
  }
}

#map = affine_map<(d0, d1) -> (0, 0)>
#map1 = affine_map<(d0, d1) -> (0, 0, 0, 0)>
module attributes {stable_mosaic.version = 14 : i64} {
  func.func @k(%arg0: i32, %arg1: i32, %arg2: memref<10000x128xf32, #tpu.memory_space<hbm>>, %arg3: memref<2560x128xi32, #tpu.memory_space<hbm>>, %arg4: memref<2560x128xi32, #tpu.memory_space<hbm>>, %arg5: memref<1x2x10240x128xf32, #tpu.memory_space<hbm>>, %arg6: memref<10240x128xf32, #tpu.memory_space<vmem_shared>>, %arg7: memref<40x128xi32, #tpu.memory_space<vmem>>, %arg8: memref<40x128xi32, #tpu.memory_space<vmem>>, %arg9: memref<128x128xf32, #tpu.memory_space<vmem>>, %arg10: memref<128x128xf32, #tpu.memory_space<vmem>>, %arg11: memref<!tpu.dma_semaphore, #tpu.memory_space<semaphore_mem>>, %arg12: memref<!tpu.dma_semaphore, #tpu.memory_space<semaphore_mem>>, %arg13: memref<!tpu.dma_semaphore, #tpu.memory_space<semaphore_mem>>, %arg14: memref<!tpu.dma_semaphore, #tpu.memory_space<semaphore_mem>>) attributes {dimension_semantics = [#tpu.dimension_semantics<core_parallel>, #tpu.dimension_semantics<subcore_parallel>], iteration_bounds = array<i64: 2, 16>, scalar_prefetch = 0 : i64, scratch_operands = 9 : i64, tpu.core_type = #tpu.core_type<sc_vector_subcore>, window_params = [{transform_indices = #map}, {transform_indices = #map}, {transform_indices = #map}, {transform_indices = #map1}]} {
    %mul3A = arith.constant 2 : i32
    %mul3A_0 = arith.muli %arg1, %mul3A : i32
    %add3A = arith.addi %mul3A_0, %arg0 : i32
    %broadcast_in_dim3A = arith.constant 0.000000e+00 : f32
    %broadcast_in_dim3A_1 = vector.broadcast %broadcast_in_dim3A : f32 to vector<16xf32>
    %barrier3A = arith.constant 0 : index
    tpu.barrier barrier_id(%barrier3A)
    %scan3A = arith.constant 0 : i32
    %scan3A_2 = arith.constant 0 : i32
    %scan3A_3 = arith.constant 128 : i32
    %scan3A_4 = arith.addi %scan3A_2, %scan3A_3 : i32
    %scan3A_5 = arith.constant 1 : i32
    scf.for %scan3A_78 = %scan3A_2 to %scan3A_4 step %scan3A_5  : i32 {
      %swap3A = arith.index_cast %scan3A_78 : i32 to index
      %swap3A_79 = arith.constant 0 : index
      %swap3A_80 = tpu.vector_load %arg9[%swap3A, %swap3A_79] {strides = array<i32>} : memref<128x128xf32, #tpu.memory_space<vmem>>, vector<1x16xf32>,
      %swap3A_81 = vector.shape_cast %swap3A_80 : vector<1x16xf32> to vector<16xf32>
      %swap3A_82 = vector.shape_cast %broadcast_in_dim3A_1 : vector<16xf32> to vector<1x16xf32>
      tpu.vector_store %arg9[%swap3A, %swap3A_79], %swap3A_82 {strides = array<i32>} : memref<128x128xf32, #tpu.memory_space<vmem>>, vector<1x16xf32>,
      %swap3A_83 = arith.index_cast %scan3A_78 : i32 to index
      %swap3A_84 = arith.constant 16 : index
      %swap3A_85 = tpu.vector_load %arg9[%swap3A_83, %swap3A_84] {strides = array<i32>} : memref<128x128xf32, #tpu.memory_space<vmem>>, vector<1x16xf32>,
      %swap3A_86 = vector.shape_cast %swap3A_85 : vector<1x16xf32> to vector<16xf32>
      %swap3A_87 = vector.shape_cast %broadcast_in_dim3A_1 : vector<16xf32> to vector<1x16xf32>
      tpu.vector_store %arg9[%swap3A_83, %swap3A_84], %swap3A_87 {strides = array<i32>} : memref<128x128xf32, #tpu.memory_space<vmem>>, vector<1x16xf32>,
      %swap3A_88 = arith.index_cast %scan3A_78 : i32 to index
      %swap3A_89 = arith.constant 32 : index
      %swap3A_90 = tpu.vector_load %arg9[%swap3A_88, %swap3A_89] {strides = array<i32>} : memref<128x128xf32, #tpu.memory_space<vmem>>, vector<1x16xf32>,
      %swap3A_91 = vector.shape_cast %swap3A_90 : vector<1x16xf32> to vector<16xf32>
      %swap3A_92 = vector.shape_cast %broadcast_in_dim3A_1 : vector<16xf32> to vector<1x16xf32>
      tpu.vector_store %arg9[%swap3A_88, %swap3A_89], %swap3A_92 {strides = array<i32>} : memref<128x128xf32, #tpu.memory_space<vmem>>, vector<1x16xf32>,
      %swap3A_93 = arith.index_cast %scan3A_78 : i32 to index
      %swap3A_94 = arith.constant 48 : index
      %swap3A_95 = tpu.vector_load %arg9[%swap3A_93, %swap3A_94] {strides = array<i32>} : memref<128x128xf32, #tpu.memory_space<vmem>>, vector<1x16xf32>,
      %swap3A_96 = vector.shape_cast %swap3A_95 : vector<1x16xf32> to vector<16xf32>
      %swap3A_97 = vector.shape_cast %broadcast_in_dim3A_1 : vector<16xf32> to vector<1x16xf32>
      tpu.vector_store %arg9[%swap3A_93, %swap3A_94], %swap3A_97 {strides = array<i32>} : memref<128x128xf32, #tpu.memory_space<vmem>>, vector<1x16xf32>,
      %swap3A_98 = arith.index_cast %scan3A_78 : i32 to index
      %swap3A_99 = arith.constant 64 : index
      %swap3A_100 = tpu.vector_load %arg9[%swap3A_98, %swap3A_99] {strides = array<i32>} : memref<128x128xf32, #tpu.memory_space<vmem>>, vector<1x16xf32>,
      %swap3A_101 = vector.shape_cast %swap3A_100 : vector<1x16xf32> to vector<16xf32>
      %swap3A_102 = vector.shape_cast %broadcast_in_dim3A_1 : vector<16xf32> to vector<1x16xf32>
      tpu.vector_store %arg9[%swap3A_98, %swap3A_99], %swap3A_102 {strides = array<i32>} : memref<128x128xf32, #tpu.memory_space<vmem>>, vector<1x16xf32>,
      %swap3A_103 = arith.index_cast %scan3A_78 : i32 to index
      %swap3A_104 = arith.constant 80 : index
      %swap3A_105 = tpu.vector_load %arg9[%swap3A_103, %swap3A_104] {strides = array<i32>} : memref<128x128xf32, #tpu.memory_space<vmem>>, vector<1x16xf32>,
      %swap3A_106 = vector.shape_cast %swap3A_105 : vector<1x16xf32> to vector<16xf32>
      %swap3A_107 = vector.shape_cast %broadcast_in_dim3A_1 : vector<16xf32> to vector<1x16xf32>
      tpu.vector_store %arg9[%swap3A_103, %swap3A_104], %swap3A_107 {strides = array<i32>} : memref<128x128xf32, #tpu.memory_space<vmem>>, vector<1x16xf32>,
      %swap3A_108 = arith.index_cast %scan3A_78 : i32 to index
      %swap3A_109 = arith.constant 96 : index
      %swap3A_110 = tpu.vector_load %arg9[%swap3A_108, %swap3A_109] {strides = array<i32>} : memref<128x128xf32, #tpu.memory_space<vmem>>, vector<1x16xf32>,
      %swap3A_111 = vector.shape_cast %swap3A_110 : vector<1x16xf32> to vector<16xf32>
      %swap3A_112 = vector.shape_cast %broadcast_in_dim3A_1 : vector<16xf32> to vector<1x16xf32>
      tpu.vector_store %arg9[%swap3A_108, %swap3A_109], %swap3A_112 {strides = array<i32>} : memref<128x128xf32, #tpu.memory_space<vmem>>, vector<1x16xf32>,
      %swap3A_113 = arith.index_cast %scan3A_78 : i32 to index
      %swap3A_114 = arith.constant 112 : index
      %swap3A_115 = tpu.vector_load %arg9[%swap3A_113, %swap3A_114] {strides = array<i32>} : memref<128x128xf32, #tpu.memory_space<vmem>>, vector<1x16xf32>,
      %swap3A_116 = vector.shape_cast %swap3A_115 : vector<1x16xf32> to vector<16xf32>
      %swap3A_117 = vector.shape_cast %broadcast_in_dim3A_1 : vector<16xf32> to vector<1x16xf32>
      tpu.vector_store %arg9[%swap3A_113, %swap3A_114], %swap3A_117 {strides = array<i32>} : memref<128x128xf32, #tpu.memory_space<vmem>>, vector<1x16xf32>,
    }
    %scan3A_6 = arith.constant 128 : i32
    %mul3A_7 = arith.constant 5 : i32
    %mul3A_8 = arith.muli %arg1, %mul3A_7 : i32
    %add3A_9 = arith.constant 0 : i32
    %add3A_10 = arith.addi %mul3A_8, %add3A_9 : i32
    %mul3A_11 = arith.constant 128 : i32
    %mul3A_12 = arith.muli %add3A_10, %mul3A_11 : i32
    "tpu.region"() ({
      %run_scoped3A_78 = tpu.sem_alloc : memref<!tpu.dma_semaphore, #tpu.memory_space<semaphore_mem>>
      %dma_start3A_79 = arith.constant 0 : i32
      %dma_start3A_80 = tpu.memref_slice %arg6[%mul3A_12, %dma_start3A_79] : memref<10240x128xf32, #tpu.memory_space<vmem_shared>> -> memref<128x128xf32, #tpu.memory_space<vmem_shared>>
      %dma_start3A_81 = arith.constant 0 : i32
      %dma_start3A_82 = tpu.memref_slice %arg6[%mul3A_12, %dma_start3A_81] : memref<10240x128xf32, #tpu.memory_space<vmem_shared>> -> memref<128x128xf32, #tpu.memory_space<vmem_shared>>
      tpu.enqueue_dma source(%arg9 : memref<128x128xf32, #tpu.memory_space<vmem>>) target(%dma_start3A_82 : memref<128x128xf32, #tpu.memory_space<vmem_shared>>) target_semaphore(%run_scoped3A_78 : memref<!tpu.dma_semaphore, #tpu.memory_space<semaphore_mem>>)
      %dma_wait3A = arith.constant 0 : i32
      %dma_wait3A_83 = tpu.memref_slice %arg6[%mul3A_12, %dma_wait3A] : memref<10240x128xf32, #tpu.memory_space<vmem_shared>> -> memref<128x128xf32, #tpu.memory_space<vmem_shared>>
      %dma_wait3A_84 = arith.constant 0 : i32
      %dma_wait3A_85 = tpu.memref_slice %arg6[%mul3A_12, %dma_wait3A_84] : memref<10240x128xf32, #tpu.memory_space<vmem_shared>> -> memref<128x128xf32, #tpu.memory_space<vmem_shared>>
      tpu.wait_dma2 semaphore(%run_scoped3A_78 : memref<!tpu.dma_semaphore, #tpu.memory_space<semaphore_mem>>) src(%arg9 : memref<128x128xf32, #tpu.memory_space<vmem>>) dst(%dma_wait3A_85 : memref<128x128xf32, #tpu.memory_space<vmem_shared>>)
      tpu.yield
    }) : () -> ()
    %mul3A_13 = arith.constant 5 : i32
    %mul3A_14 = arith.muli %arg1, %mul3A_13 : i32
    %add3A_15 = arith.constant 1 : i32
    %add3A_16 = arith.addi %mul3A_14, %add3A_15 : i32
    %mul3A_17 = arith.constant 128 : i32
    %mul3A_18 = arith.muli %add3A_16, %mul3A_17 : i32
    "tpu.region"() ({
      %run_scoped3A_78 = tpu.sem_alloc : memref<!tpu.dma_semaphore, #tpu.memory_space<semaphore_mem>>
      %dma_start3A_79 = arith.constant 0 : i32
      %dma_start3A_80 = tpu.memref_slice %arg6[%mul3A_18, %dma_start3A_79] : memref<10240x128xf32, #tpu.memory_space<vmem_shared>> -> memref<128x128xf32, #tpu.memory_space<vmem_shared>>
      %dma_start3A_81 = arith.constant 0 : i32
      %dma_start3A_82 = tpu.memref_slice %arg6[%mul3A_18, %dma_start3A_81] : memref<10240x128xf32, #tpu.memory_space<vmem_shared>> -> memref<128x128xf32, #tpu.memory_space<vmem_shared>>
      tpu.enqueue_dma source(%arg9 : memref<128x128xf32, #tpu.memory_space<vmem>>) target(%dma_start3A_82 : memref<128x128xf32, #tpu.memory_space<vmem_shared>>) target_semaphore(%run_scoped3A_78 : memref<!tpu.dma_semaphore, #tpu.memory_space<semaphore_mem>>)
      %dma_wait3A = arith.constant 0 : i32
      %dma_wait3A_83 = tpu.memref_slice %arg6[%mul3A_18, %dma_wait3A] : memref<10240x128xf32, #tpu.memory_space<vmem_shared>> -> memref<128x128xf32, #tpu.memory_space<vmem_shared>>
      %dma_wait3A_84 = arith.constant 0 : i32
      %dma_wait3A_85 = tpu.memref_slice %arg6[%mul3A_18, %dma_wait3A_84] : memref<10240x128xf32, #tpu.memory_space<vmem_shared>> -> memref<128x128xf32, #tpu.memory_space<vmem_shared>>
      tpu.wait_dma2 semaphore(%run_scoped3A_78 : memref<!tpu.dma_semaphore, #tpu.memory_space<semaphore_mem>>) src(%arg9 : memref<128x128xf32, #tpu.memory_space<vmem>>) dst(%dma_wait3A_85 : memref<128x128xf32, #tpu.memory_space<vmem_shared>>)
      tpu.yield
    }) : () -> ()
    %mul3A_19 = arith.constant 5 : i32
    %mul3A_20 = arith.muli %arg1, %mul3A_19 : i32
    %add3A_21 = arith.constant 2 : i32
    %add3A_22 = arith.addi %mul3A_20, %add3A_21 : i32
    %mul3A_23 = arith.constant 128 : i32
    %mul3A_24 = arith.muli %add3A_22, %mul3A_23 : i32
    "tpu.region"() ({
      %run_scoped3A_78 = tpu.sem_alloc : memref<!tpu.dma_semaphore, #tpu.memory_space<semaphore_mem>>
      %dma_start3A_79 = arith.constant 0 : i32
      %dma_start3A_80 = tpu.memref_slice %arg6[%mul3A_24, %dma_start3A_79] : memref<10240x128xf32, #tpu.memory_space<vmem_shared>> -> memref<128x128xf32, #tpu.memory_space<vmem_shared>>
      %dma_start3A_81 = arith.constant 0 : i32
      %dma_start3A_82 = tpu.memref_slice %arg6[%mul3A_24, %dma_start3A_81] : memref<10240x128xf32, #tpu.memory_space<vmem_shared>> -> memref<128x128xf32, #tpu.memory_space<vmem_shared>>
      tpu.enqueue_dma source(%arg9 : memref<128x128xf32, #tpu.memory_space<vmem>>) target(%dma_start3A_82 : memref<128x128xf32, #tpu.memory_space<vmem_shared>>) target_semaphore(%run_scoped3A_78 : memref<!tpu.dma_semaphore, #tpu.memory_space<semaphore_mem>>)
      %dma_wait3A = arith.constant 0 : i32
      %dma_wait3A_83 = tpu.memref_slice %arg6[%mul3A_24, %dma_wait3A] : memref<10240x128xf32, #tpu.memory_space<vmem_shared>> -> memref<128x128xf32, #tpu.memory_space<vmem_shared>>
      %dma_wait3A_84 = arith.constant 0 : i32
      %dma_wait3A_85 = tpu.memref_slice %arg6[%mul3A_24, %dma_wait3A_84] : memref<10240x128xf32, #tpu.memory_space<vmem_shared>> -> memref<128x128xf32, #tpu.memory_space<vmem_shared>>
      tpu.wait_dma2 semaphore(%run_scoped3A_78 : memref<!tpu.dma_semaphore, #tpu.memory_space<semaphore_mem>>) src(%arg9 : memref<128x128xf32, #tpu.memory_space<vmem>>) dst(%dma_wait3A_85 : memref<128x128xf32, #tpu.memory_space<vmem_shared>>)
      tpu.yield
    }) : () -> ()
    %mul3A_25 = arith.constant 5 : i32
    %mul3A_26 = arith.muli %arg1, %mul3A_25 : i32
    %add3A_27 = arith.constant 3 : i32
    %add3A_28 = arith.addi %mul3A_26, %add3A_27 : i32
    %mul3A_29 = arith.constant 128 : i32
    %mul3A_30 = arith.muli %add3A_28, %mul3A_29 : i32
    "tpu.region"() ({
      %run_scoped3A_78 = tpu.sem_alloc : memref<!tpu.dma_semaphore, #tpu.memory_space<semaphore_mem>>
      %dma_start3A_79 = arith.constant 0 : i32
      %dma_start3A_80 = tpu.memref_slice %arg6[%mul3A_30, %dma_start3A_79] : memref<10240x128xf32, #tpu.memory_space<vmem_shared>> -> memref<128x128xf32, #tpu.memory_space<vmem_shared>>
      %dma_start3A_81 = arith.constant 0 : i32
      %dma_start3A_82 = tpu.memref_slice %arg6[%mul3A_30, %dma_start3A_81] : memref<10240x128xf32, #tpu.memory_space<vmem_shared>> -> memref<128x128xf32, #tpu.memory_space<vmem_shared>>
      tpu.enqueue_dma source(%arg9 : memref<128x128xf32, #tpu.memory_space<vmem>>) target(%dma_start3A_82 : memref<128x128xf32, #tpu.memory_space<vmem_shared>>) target_semaphore(%run_scoped3A_78 : memref<!tpu.dma_semaphore, #tpu.memory_space<semaphore_mem>>)
      %dma_wait3A = arith.constant 0 : i32
      %dma_wait3A_83 = tpu.memref_slice %arg6[%mul3A_30, %dma_wait3A] : memref<10240x128xf32, #tpu.memory_space<vmem_shared>> -> memref<128x128xf32, #tpu.memory_space<vmem_shared>>
      %dma_wait3A_84 = arith.constant 0 : i32
      %dma_wait3A_85 = tpu.memref_slice %arg6[%mul3A_30, %dma_wait3A_84] : memref<10240x128xf32, #tpu.memory_space<vmem_shared>> -> memref<128x128xf32, #tpu.memory_space<vmem_shared>>
      tpu.wait_dma2 semaphore(%run_scoped3A_78 : memref<!tpu.dma_semaphore, #tpu.memory_space<semaphore_mem>>) src(%arg9 : memref<128x128xf32, #tpu.memory_space<vmem>>) dst(%dma_wait3A_85 : memref<128x128xf32, #tpu.memory_space<vmem_shared>>)
      tpu.yield
    }) : () -> ()
    %mul3A_31 = arith.constant 5 : i32
    %mul3A_32 = arith.muli %arg1, %mul3A_31 : i32
    %add3A_33 = arith.constant 4 : i32
    %add3A_34 = arith.addi %mul3A_32, %add3A_33 : i32
    %mul3A_35 = arith.constant 128 : i32
    %mul3A_36 = arith.muli %add3A_34, %mul3A_35 : i32
    "tpu.region"() ({
      %run_scoped3A_78 = tpu.sem_alloc : memref<!tpu.dma_semaphore, #tpu.memory_space<semaphore_mem>>
      %dma_start3A_79 = arith.constant 0 : i32
      %dma_start3A_80 = tpu.memref_slice %arg6[%mul3A_36, %dma_start3A_79] : memref<10240x128xf32, #tpu.memory_space<vmem_shared>> -> memref<128x128xf32, #tpu.memory_space<vmem_shared>>
      %dma_start3A_81 = arith.constant 0 : i32
      %dma_start3A_82 = tpu.memref_slice %arg6[%mul3A_36, %dma_start3A_81] : memref<10240x128xf32, #tpu.memory_space<vmem_shared>> -> memref<128x128xf32, #tpu.memory_space<vmem_shared>>
      tpu.enqueue_dma source(%arg9 : memref<128x128xf32, #tpu.memory_space<vmem>>) target(%dma_start3A_82 : memref<128x128xf32, #tpu.memory_space<vmem_shared>>) target_semaphore(%run_scoped3A_78 : memref<!tpu.dma_semaphore, #tpu.memory_space<semaphore_mem>>)
      %dma_wait3A = arith.constant 0 : i32
      %dma_wait3A_83 = tpu.memref_slice %arg6[%mul3A_36, %dma_wait3A] : memref<10240x128xf32, #tpu.memory_space<vmem_shared>> -> memref<128x128xf32, #tpu.memory_space<vmem_shared>>
      %dma_wait3A_84 = arith.constant 0 : i32
      %dma_wait3A_85 = tpu.memref_slice %arg6[%mul3A_36, %dma_wait3A_84] : memref<10240x128xf32, #tpu.memory_space<vmem_shared>> -> memref<128x128xf32, #tpu.memory_space<vmem_shared>>
      tpu.wait_dma2 semaphore(%run_scoped3A_78 : memref<!tpu.dma_semaphore, #tpu.memory_space<semaphore_mem>>) src(%arg9 : memref<128x128xf32, #tpu.memory_space<vmem>>) dst(%dma_wait3A_85 : memref<128x128xf32, #tpu.memory_space<vmem_shared>>)
      tpu.yield
    }) : () -> ()
    %barrier3A_37 = arith.constant 0 : index
    tpu.barrier barrier_id(%barrier3A_37)
    %mul3A_38 = arith.constant 80 : i32
    %mul3A_39 = arith.muli %add3A, %mul3A_38 : i32
    %add3A_40 = arith.constant 0 : i32
    %add3A_41 = arith.addi %add3A_40, %mul3A_39 : i32
    %add3A_42 = arith.constant 0 : i32
    %add3A_43 = arith.addi %add3A_41, %add3A_42 : i32
    "tpu.region"() ({
      %run_scoped3A_78 = tpu.sem_alloc : memref<!tpu.dma_semaphore, #tpu.memory_space<semaphore_mem>>
      %dma_start3A_79 = arith.constant 0 : i32
      %dma_start3A_80 = tpu.memref_slice %arg3[%add3A_43, %dma_start3A_79] : memref<2560x128xi32, #tpu.memory_space<hbm>> -> memref<40x128xi32, #tpu.memory_space<hbm>>
      %dma_start3A_81 = arith.constant 0 : i32
      %dma_start3A_82 = tpu.memref_slice %arg3[%add3A_43, %dma_start3A_81] : memref<2560x128xi32, #tpu.memory_space<hbm>> -> memref<40x128xi32, #tpu.memory_space<hbm>>
      tpu.enqueue_dma source(%dma_start3A_82 : memref<40x128xi32, #tpu.memory_space<hbm>>) target(%arg7 : memref<40x128xi32, #tpu.memory_space<vmem>>) target_semaphore(%run_scoped3A_78 : memref<!tpu.dma_semaphore, #tpu.memory_space<semaphore_mem>>)
      %dma_wait3A = arith.constant 0 : i32
      %dma_wait3A_83 = tpu.memref_slice %arg3[%add3A_43, %dma_wait3A] : memref<2560x128xi32, #tpu.memory_space<hbm>> -> memref<40x128xi32, #tpu.memory_space<hbm>>
      %dma_wait3A_84 = arith.constant 0 : i32
      %dma_wait3A_85 = tpu.memref_slice %arg3[%add3A_43, %dma_wait3A_84] : memref<2560x128xi32, #tpu.memory_space<hbm>> -> memref<40x128xi32, #tpu.memory_space<hbm>>
      tpu.wait_dma2 semaphore(%run_scoped3A_78 : memref<!tpu.dma_semaphore, #tpu.memory_space<semaphore_mem>>) src(%dma_wait3A_85 : memref<40x128xi32, #tpu.memory_space<hbm>>) dst(%arg7 : memref<40x128xi32, #tpu.memory_space<vmem>>)
      tpu.yield
    }) : () -> ()
    "tpu.region"() ({
      %run_scoped3A_78 = tpu.sem_alloc : memref<!tpu.dma_semaphore, #tpu.memory_space<semaphore_mem>>
      %dma_start3A_79 = arith.constant 0 : i32
      %dma_start3A_80 = tpu.memref_slice %arg4[%add3A_43, %dma_start3A_79] : memref<2560x128xi32, #tpu.memory_space<hbm>> -> memref<40x128xi32, #tpu.memory_space<hbm>>
      %dma_start3A_81 = arith.constant 0 : i32
      %dma_start3A_82 = tpu.memref_slice %arg4[%add3A_43, %dma_start3A_81] : memref<2560x128xi32, #tpu.memory_space<hbm>> -> memref<40x128xi32, #tpu.memory_space<hbm>>
      tpu.enqueue_dma source(%dma_start3A_82 : memref<40x128xi32, #tpu.memory_space<hbm>>) target(%arg8 : memref<40x128xi32, #tpu.memory_space<vmem>>) target_semaphore(%run_scoped3A_78 : memref<!tpu.dma_semaphore, #tpu.memory_space<semaphore_mem>>)
      %dma_wait3A = arith.constant 0 : i32
      %dma_wait3A_83 = tpu.memref_slice %arg4[%add3A_43, %dma_wait3A] : memref<2560x128xi32, #tpu.memory_space<hbm>> -> memref<40x128xi32, #tpu.memory_space<hbm>>
      %dma_wait3A_84 = arith.constant 0 : i32
      %dma_wait3A_85 = tpu.memref_slice %arg4[%add3A_43, %dma_wait3A_84] : memref<2560x128xi32, #tpu.memory_space<hbm>> -> memref<40x128xi32, #tpu.memory_space<hbm>>
      tpu.wait_dma2 semaphore(%run_scoped3A_78 : memref<!tpu.dma_semaphore, #tpu.memory_space<semaphore_mem>>) src(%dma_wait3A_85 : memref<40x128xi32, #tpu.memory_space<hbm>>) dst(%arg8 : memref<40x128xi32, #tpu.memory_space<vmem>>)
      tpu.yield
    }) : () -> ()
    %dma_start3A = arith.constant 0 : i32
    %dma_start3A_44 = arith.constant 0 : i32
    %dma_start3A_45 = tpu.memref_slice %arg7[%dma_start3A, %dma_start3A_44] : memref<40x128xi32, #tpu.memory_space<vmem>> -> memref<1x128xi32, #tpu.memory_space<vmem>>
    %dma_start3A_46 = tpu.memref_squeeze %dma_start3A_45 : memref<1x128xi32, #tpu.memory_space<vmem>> -> memref<128xi32, #tpu.memory_space<vmem>>
    %dma_start3A_47 = arith.constant 0 : i32
    %dma_start3A_48 = arith.constant 0 : i32
    %dma_start3A_49 = tpu.memref_slice %arg2[%dma_start3A_47, %dma_start3A_48] : memref<10000x128xf32, #tpu.memory_space<hbm>> -> memref<10000x128xf32, #tpu.memory_space<hbm>>
    tpu.enqueue_indirect_dma source(%dma_start3A_49 : memref<10000x128xf32, #tpu.memory_space<hbm>>) target(%arg9 : memref<128x128xf32, #tpu.memory_space<vmem>>) offsets(%dma_start3A_46 : memref<128xi32, #tpu.memory_space<vmem>>) semaphore(%arg11 : memref<!tpu.dma_semaphore, #tpu.memory_space<semaphore_mem>>)
    %scan3A_50 = arith.constant 0 : i32
    %scan3A_51 = arith.constant 0 : i32
    %scan3A_52 = arith.constant 20 : i32
    %scan3A_53 = arith.addi %scan3A_51, %scan3A_52 : i32
    %scan3A_54 = arith.constant 1 : i32
    scf.for %scan3A_78 = %scan3A_51 to %scan3A_53 step %scan3A_54  : i32 {
      %mul3A_79 = arith.constant 2 : i32
      %mul3A_80 = arith.muli %mul3A_79, %scan3A_78 : i32
      %add3A_81 = arith.constant 1 : i32
      %add3A_82 = arith.addi %mul3A_80, %add3A_81 : i32
      %dma_wait3A = arith.constant 0 : i32
      %dma_wait3A_83 = tpu.memref_slice %arg7[%mul3A_80, %dma_wait3A] : memref<40x128xi32, #tpu.memory_space<vmem>> -> memref<1x128xi32, #tpu.memory_space<vmem>>
      %dma_wait3A_84 = tpu.memref_squeeze %dma_wait3A_83 : memref<1x128xi32, #tpu.memory_space<vmem>> -> memref<128xi32, #tpu.memory_space<vmem>>
      %dma_wait3A_85 = arith.constant 0 : i32
      %dma_wait3A_86 = arith.constant 0 : i32
      %dma_wait3A_87 = tpu.memref_slice %arg2[%dma_wait3A_85, %dma_wait3A_86] : memref<10000x128xf32, #tpu.memory_space<hbm>> -> memref<10000x128xf32, #tpu.memory_space<hbm>>
      tpu.wait_indirect_dma semaphore(%arg11 : memref<!tpu.dma_semaphore, #tpu.memory_space<semaphore_mem>>) src(%dma_wait3A_87 : memref<10000x128xf32, #tpu.memory_space<hbm>>) dst(%arg9 : memref<128x128xf32, #tpu.memory_space<vmem>>)
      %dma_start3A_88 = arith.constant 0 : i32
      %dma_start3A_89 = tpu.memref_slice %arg7[%add3A_82, %dma_start3A_88] : memref<40x128xi32, #tpu.memory_space<vmem>> -> memref<1x128xi32, #tpu.memory_space<vmem>>
      %dma_start3A_90 = tpu.memref_squeeze %dma_start3A_89 : memref<1x128xi32, #tpu.memory_space<vmem>> -> memref<128xi32, #tpu.memory_space<vmem>>
      %dma_start3A_91 = arith.constant 0 : i32
      %dma_start3A_92 = arith.constant 0 : i32
      %dma_start3A_93 = tpu.memref_slice %arg2[%dma_start3A_91, %dma_start3A_92] : memref<10000x128xf32, #tpu.memory_space<hbm>> -> memref<10000x128xf32, #tpu.memory_space<hbm>>
      tpu.enqueue_indirect_dma source(%dma_start3A_93 : memref<10000x128xf32, #tpu.memory_space<hbm>>) target(%arg10 : memref<128x128xf32, #tpu.memory_space<vmem>>) offsets(%dma_start3A_90 : memref<128xi32, #tpu.memory_space<vmem>>) semaphore(%arg12 : memref<!tpu.dma_semaphore, #tpu.memory_space<semaphore_mem>>)
      "tpu.region"() ({
        %run_scoped3A_102 = tpu.sem_alloc : memref<!tpu.dma_semaphore, #tpu.memory_space<semaphore_mem>>
        %dma_start3A_103 = arith.constant 0 : i32
        %dma_start3A_104 = tpu.memref_slice %arg8[%mul3A_80, %dma_start3A_103] : memref<40x128xi32, #tpu.memory_space<vmem>> -> memref<1x128xi32, #tpu.memory_space<vmem>>
        %dma_start3A_105 = tpu.memref_squeeze %dma_start3A_104 : memref<1x128xi32, #tpu.memory_space<vmem>> -> memref<128xi32, #tpu.memory_space<vmem>>
        %dma_start3A_106 = arith.constant 0 : i32
        %dma_start3A_107 = arith.constant 0 : i32
        %dma_start3A_108 = tpu.memref_slice %arg6[%dma_start3A_106, %dma_start3A_107] : memref<10240x128xf32, #tpu.memory_space<vmem_shared>> -> memref<10240x128xf32, #tpu.memory_space<vmem_shared>>
        tpu.enqueue_indirect_dma source(%arg9 : memref<128x128xf32, #tpu.memory_space<vmem>>) target(%dma_start3A_108 : memref<10240x128xf32, #tpu.memory_space<vmem_shared>>) offsets(%dma_start3A_105 : memref<128xi32, #tpu.memory_space<vmem>>) semaphore(%run_scoped3A_102 : memref<!tpu.dma_semaphore, #tpu.memory_space<semaphore_mem>>) {add = true}
        %dma_wait3A_109 = arith.constant 0 : i32
        %dma_wait3A_110 = tpu.memref_slice %arg8[%mul3A_80, %dma_wait3A_109] : memref<40x128xi32, #tpu.memory_space<vmem>> -> memref<1x128xi32, #tpu.memory_space<vmem>>
        %dma_wait3A_111 = tpu.memref_squeeze %dma_wait3A_110 : memref<1x128xi32, #tpu.memory_space<vmem>> -> memref<128xi32, #tpu.memory_space<vmem>>
        %dma_wait3A_112 = arith.constant 0 : i32
        %dma_wait3A_113 = arith.constant 0 : i32
        %dma_wait3A_114 = tpu.memref_slice %arg6[%dma_wait3A_112, %dma_wait3A_113] : memref<10240x128xf32, #tpu.memory_space<vmem_shared>> -> memref<10240x128xf32, #tpu.memory_space<vmem_shared>>
        tpu.wait_indirect_dma semaphore(%run_scoped3A_102 : memref<!tpu.dma_semaphore, #tpu.memory_space<semaphore_mem>>) src(%arg9 : memref<128x128xf32, #tpu.memory_space<vmem>>) dst(%dma_wait3A_114 : memref<10240x128xf32, #tpu.memory_space<vmem_shared>>)
        tpu.yield
      }) : () -> ()
      %dma_wait3A_94 = arith.constant 0 : i32
      %dma_wait3A_95 = tpu.memref_slice %arg7[%add3A_82, %dma_wait3A_94] : memref<40x128xi32, #tpu.memory_space<vmem>> -> memref<1x128xi32, #tpu.memory_space<vmem>>
      %dma_wait3A_96 = tpu.memref_squeeze %dma_wait3A_95 : memref<1x128xi32, #tpu.memory_space<vmem>> -> memref<128xi32, #tpu.memory_space<vmem>>
      %dma_wait3A_97 = arith.constant 0 : i32
      %dma_wait3A_98 = arith.constant 0 : i32
      %dma_wait3A_99 = tpu.memref_slice %arg2[%dma_wait3A_97, %dma_wait3A_98] : memref<10000x128xf32, #tpu.memory_space<hbm>> -> memref<10000x128xf32, #tpu.memory_space<hbm>>
      tpu.wait_indirect_dma semaphore(%arg12 : memref<!tpu.dma_semaphore, #tpu.memory_space<semaphore_mem>>) src(%dma_wait3A_99 : memref<10000x128xf32, #tpu.memory_space<hbm>>) dst(%arg10 : memref<128x128xf32, #tpu.memory_space<vmem>>)
      %lt3A = arith.constant 19 : i32
      %lt3A_100 = arith.cmpi slt, %scan3A_78, %lt3A : i32
      %convert_element_type3A = arith.extui %lt3A_100 : i1 to i32
      %cond3A = arith.constant 0 : i32
      %cond3A_101 = arith.cmpi ne, %convert_element_type3A, %cond3A : i32
      scf.if %cond3A_101 {
        %add3A_102 = arith.constant 2 : i32
        %add3A_103 = arith.addi %mul3A_80, %add3A_102 : i32
        %dma_start3A_104 = arith.constant 0 : i32
        %dma_start3A_105 = tpu.memref_slice %arg7[%add3A_103, %dma_start3A_104] : memref<40x128xi32, #tpu.memory_space<vmem>> -> memref<1x128xi32, #tpu.memory_space<vmem>>
        %dma_start3A_106 = tpu.memref_squeeze %dma_start3A_105 : memref<1x128xi32, #tpu.memory_space<vmem>> -> memref<128xi32, #tpu.memory_space<vmem>>
        %dma_start3A_107 = arith.constant 0 : i32
        %dma_start3A_108 = arith.constant 0 : i32
        %dma_start3A_109 = tpu.memref_slice %arg2[%dma_start3A_107, %dma_start3A_108] : memref<10000x128xf32, #tpu.memory_space<hbm>> -> memref<10000x128xf32, #tpu.memory_space<hbm>>
        tpu.enqueue_indirect_dma source(%dma_start3A_109 : memref<10000x128xf32, #tpu.memory_space<hbm>>) target(%arg9 : memref<128x128xf32, #tpu.memory_space<vmem>>) offsets(%dma_start3A_106 : memref<128xi32, #tpu.memory_space<vmem>>) semaphore(%arg11 : memref<!tpu.dma_semaphore, #tpu.memory_space<semaphore_mem>>)
      } else {
      }
      "tpu.region"() ({
        %run_scoped3A_102 = tpu.sem_alloc : memref<!tpu.dma_semaphore, #tpu.memory_space<semaphore_mem>>
        %dma_start3A_103 = arith.constant 0 : i32
        %dma_start3A_104 = tpu.memref_slice %arg8[%add3A_82, %dma_start3A_103] : memref<40x128xi32, #tpu.memory_space<vmem>> -> memref<1x128xi32, #tpu.memory_space<vmem>>
        %dma_start3A_105 = tpu.memref_squeeze %dma_start3A_104 : memref<1x128xi32, #tpu.memory_space<vmem>> -> memref<128xi32, #tpu.memory_space<vmem>>
        %dma_start3A_106 = arith.constant 0 : i32
        %dma_start3A_107 = arith.constant 0 : i32
        %dma_start3A_108 = tpu.memref_slice %arg6[%dma_start3A_106, %dma_start3A_107] : memref<10240x128xf32, #tpu.memory_space<vmem_shared>> -> memref<10240x128xf32, #tpu.memory_space<vmem_shared>>
        tpu.enqueue_indirect_dma source(%arg10 : memref<128x128xf32, #tpu.memory_space<vmem>>) target(%dma_start3A_108 : memref<10240x128xf32, #tpu.memory_space<vmem_shared>>) offsets(%dma_start3A_105 : memref<128xi32, #tpu.memory_space<vmem>>) semaphore(%run_scoped3A_102 : memref<!tpu.dma_semaphore, #tpu.memory_space<semaphore_mem>>) {add = true}
        %dma_wait3A_109 = arith.constant 0 : i32
        %dma_wait3A_110 = tpu.memref_slice %arg8[%add3A_82, %dma_wait3A_109] : memref<40x128xi32, #tpu.memory_space<vmem>> -> memref<1x128xi32, #tpu.memory_space<vmem>>
        %dma_wait3A_111 = tpu.memref_squeeze %dma_wait3A_110 : memref<1x128xi32, #tpu.memory_space<vmem>> -> memref<128xi32, #tpu.memory_space<vmem>>
        %dma_wait3A_112 = arith.constant 0 : i32
        %dma_wait3A_113 = arith.constant 0 : i32
        %dma_wait3A_114 = tpu.memref_slice %arg6[%dma_wait3A_112, %dma_wait3A_113] : memref<10240x128xf32, #tpu.memory_space<vmem_shared>> -> memref<10240x128xf32, #tpu.memory_space<vmem_shared>>
        tpu.wait_indirect_dma semaphore(%run_scoped3A_102 : memref<!tpu.dma_semaphore, #tpu.memory_space<semaphore_mem>>) src(%arg10 : memref<128x128xf32, #tpu.memory_space<vmem>>) dst(%dma_wait3A_114 : memref<10240x128xf32, #tpu.memory_space<vmem_shared>>)
        tpu.yield
      }) : () -> ()
    }
    %scan3A_55 = arith.constant 20 : i32
    %mul3A_56 = arith.constant 80 : i32
    %mul3A_57 = arith.muli %add3A, %mul3A_56 : i32
    %add3A_58 = arith.constant 0 : i32
    %add3A_59 = arith.addi %add3A_58, %mul3A_57 : i32
    %add3A_60 = arith.constant 40 : i32
    %add3A_61 = arith.addi %add3A_59, %add3A_60 : i32
    "tpu.region"() ({
      %run_scoped3A_78 = tpu.sem_alloc : memref<!tpu.dma_semaphore, #tpu.memory_space<semaphore_mem>>
      %dma_start3A_79 = arith.constant 0 : i32
      %dma_start3A_80 = tpu.memref_slice %arg3[%add3A_61, %dma_start3A_79] : memref<2560x128xi32, #tpu.memory_space<hbm>> -> memref<40x128xi32, #tpu.memory_space<hbm>>
      %dma_start3A_81 = arith.constant 0 : i32
      %dma_start3A_82 = tpu.memref_slice %arg3[%add3A_61, %dma_start3A_81] : memref<2560x128xi32, #tpu.memory_space<hbm>> -> memref<40x128xi32, #tpu.memory_space<hbm>>
      tpu.enqueue_dma source(%dma_start3A_82 : memref<40x128xi32, #tpu.memory_space<hbm>>) target(%arg7 : memref<40x128xi32, #tpu.memory_space<vmem>>) target_semaphore(%run_scoped3A_78 : memref<!tpu.dma_semaphore, #tpu.memory_space<semaphore_mem>>)
      %dma_wait3A = arith.constant 0 : i32
      %dma_wait3A_83 = tpu.memref_slice %arg3[%add3A_61, %dma_wait3A] : memref<2560x128xi32, #tpu.memory_space<hbm>> -> memref<40x128xi32, #tpu.memory_space<hbm>>
      %dma_wait3A_84 = arith.constant 0 : i32
      %dma_wait3A_85 = tpu.memref_slice %arg3[%add3A_61, %dma_wait3A_84] : memref<2560x128xi32, #tpu.memory_space<hbm>> -> memref<40x128xi32, #tpu.memory_space<hbm>>
      tpu.wait_dma2 semaphore(%run_scoped3A_78 : memref<!tpu.dma_semaphore, #tpu.memory_space<semaphore_mem>>) src(%dma_wait3A_85 : memref<40x128xi32, #tpu.memory_space<hbm>>) dst(%arg7 : memref<40x128xi32, #tpu.memory_space<vmem>>)
      tpu.yield
    }) : () -> ()
    "tpu.region"() ({
      %run_scoped3A_78 = tpu.sem_alloc : memref<!tpu.dma_semaphore, #tpu.memory_space<semaphore_mem>>
      %dma_start3A_79 = arith.constant 0 : i32
      %dma_start3A_80 = tpu.memref_slice %arg4[%add3A_61, %dma_start3A_79] : memref<2560x128xi32, #tpu.memory_space<hbm>> -> memref<40x128xi32, #tpu.memory_space<hbm>>
      %dma_start3A_81 = arith.constant 0 : i32
      %dma_start3A_82 = tpu.memref_slice %arg4[%add3A_61, %dma_start3A_81] : memref<2560x128xi32, #tpu.memory_space<hbm>> -> memref<40x128xi32, #tpu.memory_space<hbm>>
      tpu.enqueue_dma source(%dma_start3A_82 : memref<40x128xi32, #tpu.memory_space<hbm>>) target(%arg8 : memref<40x128xi32, #tpu.memory_space<vmem>>) target_semaphore(%run_scoped3A_78 : memref<!tpu.dma_semaphore, #tpu.memory_space<semaphore_mem>>)
      %dma_wait3A = arith.constant 0 : i32
      %dma_wait3A_83 = tpu.memref_slice %arg4[%add3A_61, %dma_wait3A] : memref<2560x128xi32, #tpu.memory_space<hbm>> -> memref<40x128xi32, #tpu.memory_space<hbm>>
      %dma_wait3A_84 = arith.constant 0 : i32
      %dma_wait3A_85 = tpu.memref_slice %arg4[%add3A_61, %dma_wait3A_84] : memref<2560x128xi32, #tpu.memory_space<hbm>> -> memref<40x128xi32, #tpu.memory_space<hbm>>
      tpu.wait_dma2 semaphore(%run_scoped3A_78 : memref<!tpu.dma_semaphore, #tpu.memory_space<semaphore_mem>>) src(%dma_wait3A_85 : memref<40x128xi32, #tpu.memory_space<hbm>>) dst(%arg8 : memref<40x128xi32, #tpu.memory_space<vmem>>)
      tpu.yield
    }) : () -> ()
    %dma_start3A_62 = arith.constant 0 : i32
    %dma_start3A_63 = arith.constant 0 : i32
    %dma_start3A_64 = tpu.memref_slice %arg7[%dma_start3A_62, %dma_start3A_63] : memref<40x128xi32, #tpu.memory_space<vmem>> -> memref<1x128xi32, #tpu.memory_space<vmem>>
    %dma_start3A_65 = tpu.memref_squeeze %dma_start3A_64 : memref<1x128xi32, #tpu.memory_space<vmem>> -> memref<128xi32, #tpu.memory_space<vmem>>
    %dma_start3A_66 = arith.constant 0 : i32
    %dma_start3A_67 = arith.constant 0 : i32
    %dma_start3A_68 = tpu.memref_slice %arg2[%dma_start3A_66, %dma_start3A_67] : memref<10000x128xf32, #tpu.memory_space<hbm>> -> memref<10000x128xf32, #tpu.memory_space<hbm>>
    tpu.enqueue_indirect_dma source(%dma_start3A_68 : memref<10000x128xf32, #tpu.memory_space<hbm>>) target(%arg9 : memref<128x128xf32, #tpu.memory_space<vmem>>) offsets(%dma_start3A_65 : memref<128xi32, #tpu.memory_space<vmem>>) semaphore(%arg11 : memref<!tpu.dma_semaphore, #tpu.memory_space<semaphore_mem>>)
    %scan3A_69 = arith.constant 0 : i32
    %scan3A_70 = arith.constant 0 : i32
    %scan3A_71 = arith.constant 20 : i32
    %scan3A_72 = arith.addi %scan3A_70, %scan3A_71 : i32
    %scan3A_73 = arith.constant 1 : i32
    scf.for %scan3A_78 = %scan3A_70 to %scan3A_72 step %scan3A_73  : i32 {
      %mul3A_79 = arith.constant 2 : i32
      %mul3A_80 = arith.muli %mul3A_79, %scan3A_78 : i32
      %add3A_81 = arith.constant 1 : i32
      %add3A_82 = arith.addi %mul3A_80, %add3A_81 : i32
      %dma_wait3A = arith.constant 0 : i32
      %dma_wait3A_83 = tpu.memref_slice %arg7[%mul3A_80, %dma_wait3A] : memref<40x128xi32, #tpu.memory_space<vmem>> -> memref<1x128xi32, #tpu.memory_space<vmem>>
      %dma_wait3A_84 = tpu.memref_squeeze %dma_wait3A_83 : memref<1x128xi32, #tpu.memory_space<vmem>> -> memref<128xi32, #tpu.memory_space<vmem>>
      %dma_wait3A_85 = arith.constant 0 : i32
      %dma_wait3A_86 = arith.constant 0 : i32
      %dma_wait3A_87 = tpu.memref_slice %arg2[%dma_wait3A_85, %dma_wait3A_86] : memref<10000x128xf32, #tpu.memory_space<hbm>> -> memref<10000x128xf32, #tpu.memory_space<hbm>>
      tpu.wait_indirect_dma semaphore(%arg11 : memref<!tpu.dma_semaphore, #tpu.memory_space<semaphore_mem>>) src(%dma_wait3A_87 : memref<10000x128xf32, #tpu.memory_space<hbm>>) dst(%arg9 : memref<128x128xf32, #tpu.memory_space<vmem>>)
      %dma_start3A_88 = arith.constant 0 : i32
      %dma_start3A_89 = tpu.memref_slice %arg7[%add3A_82, %dma_start3A_88] : memref<40x128xi32, #tpu.memory_space<vmem>> -> memref<1x128xi32, #tpu.memory_space<vmem>>
      %dma_start3A_90 = tpu.memref_squeeze %dma_start3A_89 : memref<1x128xi32, #tpu.memory_space<vmem>> -> memref<128xi32, #tpu.memory_space<vmem>>
      %dma_start3A_91 = arith.constant 0 : i32
      %dma_start3A_92 = arith.constant 0 : i32
      %dma_start3A_93 = tpu.memref_slice %arg2[%dma_start3A_91, %dma_start3A_92] : memref<10000x128xf32, #tpu.memory_space<hbm>> -> memref<10000x128xf32, #tpu.memory_space<hbm>>
      tpu.enqueue_indirect_dma source(%dma_start3A_93 : memref<10000x128xf32, #tpu.memory_space<hbm>>) target(%arg10 : memref<128x128xf32, #tpu.memory_space<vmem>>) offsets(%dma_start3A_90 : memref<128xi32, #tpu.memory_space<vmem>>) semaphore(%arg12 : memref<!tpu.dma_semaphore, #tpu.memory_space<semaphore_mem>>)
      "tpu.region"() ({
        %run_scoped3A_102 = tpu.sem_alloc : memref<!tpu.dma_semaphore, #tpu.memory_space<semaphore_mem>>
        %dma_start3A_103 = arith.constant 0 : i32
        %dma_start3A_104 = tpu.memref_slice %arg8[%mul3A_80, %dma_start3A_103] : memref<40x128xi32, #tpu.memory_space<vmem>> -> memref<1x128xi32, #tpu.memory_space<vmem>>
        %dma_start3A_105 = tpu.memref_squeeze %dma_start3A_104 : memref<1x128xi32, #tpu.memory_space<vmem>> -> memref<128xi32, #tpu.memory_space<vmem>>
        %dma_start3A_106 = arith.constant 0 : i32
        %dma_start3A_107 = arith.constant 0 : i32
        %dma_start3A_108 = tpu.memref_slice %arg6[%dma_start3A_106, %dma_start3A_107] : memref<10240x128xf32, #tpu.memory_space<vmem_shared>> -> memref<10240x128xf32, #tpu.memory_space<vmem_shared>>
        tpu.enqueue_indirect_dma source(%arg9 : memref<128x128xf32, #tpu.memory_space<vmem>>) target(%dma_start3A_108 : memref<10240x128xf32, #tpu.memory_space<vmem_shared>>) offsets(%dma_start3A_105 : memref<128xi32, #tpu.memory_space<vmem>>) semaphore(%run_scoped3A_102 : memref<!tpu.dma_semaphore, #tpu.memory_space<semaphore_mem>>) {add = true}
        %dma_wait3A_109 = arith.constant 0 : i32
        %dma_wait3A_110 = tpu.memref_slice %arg8[%mul3A_80, %dma_wait3A_109] : memref<40x128xi32, #tpu.memory_space<vmem>> -> memref<1x128xi32, #tpu.memory_space<vmem>>
        %dma_wait3A_111 = tpu.memref_squeeze %dma_wait3A_110 : memref<1x128xi32, #tpu.memory_space<vmem>> -> memref<128xi32, #tpu.memory_space<vmem>>
        %dma_wait3A_112 = arith.constant 0 : i32
        %dma_wait3A_113 = arith.constant 0 : i32
        %dma_wait3A_114 = tpu.memref_slice %arg6[%dma_wait3A_112, %dma_wait3A_113] : memref<10240x128xf32, #tpu.memory_space<vmem_shared>> -> memref<10240x128xf32, #tpu.memory_space<vmem_shared>>
        tpu.wait_indirect_dma semaphore(%run_scoped3A_102 : memref<!tpu.dma_semaphore, #tpu.memory_space<semaphore_mem>>) src(%arg9 : memref<128x128xf32, #tpu.memory_space<vmem>>) dst(%dma_wait3A_114 : memref<10240x128xf32, #tpu.memory_space<vmem_shared>>)
        tpu.yield
      }) : () -> ()
      %dma_wait3A_94 = arith.constant 0 : i32
      %dma_wait3A_95 = tpu.memref_slice %arg7[%add3A_82, %dma_wait3A_94] : memref<40x128xi32, #tpu.memory_space<vmem>> -> memref<1x128xi32, #tpu.memory_space<vmem>>
      %dma_wait3A_96 = tpu.memref_squeeze %dma_wait3A_95 : memref<1x128xi32, #tpu.memory_space<vmem>> -> memref<128xi32, #tpu.memory_space<vmem>>
      %dma_wait3A_97 = arith.constant 0 : i32
      %dma_wait3A_98 = arith.constant 0 : i32
      %dma_wait3A_99 = tpu.memref_slice %arg2[%dma_wait3A_97, %dma_wait3A_98] : memref<10000x128xf32, #tpu.memory_space<hbm>> -> memref<10000x128xf32, #tpu.memory_space<hbm>>
      tpu.wait_indirect_dma semaphore(%arg12 : memref<!tpu.dma_semaphore, #tpu.memory_space<semaphore_mem>>) src(%dma_wait3A_99 : memref<10000x128xf32, #tpu.memory_space<hbm>>) dst(%arg10 : memref<128x128xf32, #tpu.memory_space<vmem>>)
      %lt3A = arith.constant 19 : i32
      %lt3A_100 = arith.cmpi slt, %scan3A_78, %lt3A : i32
      %convert_element_type3A = arith.extui %lt3A_100 : i1 to i32
      %cond3A = arith.constant 0 : i32
      %cond3A_101 = arith.cmpi ne, %convert_element_type3A, %cond3A : i32
      scf.if %cond3A_101 {
        %add3A_102 = arith.constant 2 : i32
        %add3A_103 = arith.addi %mul3A_80, %add3A_102 : i32
        %dma_start3A_104 = arith.constant 0 : i32
        %dma_start3A_105 = tpu.memref_slice %arg7[%add3A_103, %dma_start3A_104] : memref<40x128xi32, #tpu.memory_space<vmem>> -> memref<1x128xi32, #tpu.memory_space<vmem>>
        %dma_start3A_106 = tpu.memref_squeeze %dma_start3A_105 : memref<1x128xi32, #tpu.memory_space<vmem>> -> memref<128xi32, #tpu.memory_space<vmem>>
        %dma_start3A_107 = arith.constant 0 : i32
        %dma_start3A_108 = arith.constant 0 : i32
        %dma_start3A_109 = tpu.memref_slice %arg2[%dma_start3A_107, %dma_start3A_108] : memref<10000x128xf32, #tpu.memory_space<hbm>> -> memref<10000x128xf32, #tpu.memory_space<hbm>>
        tpu.enqueue_indirect_dma source(%dma_start3A_109 : memref<10000x128xf32, #tpu.memory_space<hbm>>) target(%arg9 : memref<128x128xf32, #tpu.memory_space<vmem>>) offsets(%dma_start3A_106 : memref<128xi32, #tpu.memory_space<vmem>>) semaphore(%arg11 : memref<!tpu.dma_semaphore, #tpu.memory_space<semaphore_mem>>)
      } else {
      }
      "tpu.region"() ({
        %run_scoped3A_102 = tpu.sem_alloc : memref<!tpu.dma_semaphore, #tpu.memory_space<semaphore_mem>>
        %dma_start3A_103 = arith.constant 0 : i32
        %dma_start3A_104 = tpu.memref_slice %arg8[%add3A_82, %dma_start3A_103] : memref<40x128xi32, #tpu.memory_space<vmem>> -> memref<1x128xi32, #tpu.memory_space<vmem>>
        %dma_start3A_105 = tpu.memref_squeeze %dma_start3A_104 : memref<1x128xi32, #tpu.memory_space<vmem>> -> memref<128xi32, #tpu.memory_space<vmem>>
        %dma_start3A_106 = arith.constant 0 : i32
        %dma_start3A_107 = arith.constant 0 : i32
        %dma_start3A_108 = tpu.memref_slice %arg6[%dma_start3A_106, %dma_start3A_107] : memref<10240x128xf32, #tpu.memory_space<vmem_shared>> -> memref<10240x128xf32, #tpu.memory_space<vmem_shared>>
        tpu.enqueue_indirect_dma source(%arg10 : memref<128x128xf32, #tpu.memory_space<vmem>>) target(%dma_start3A_108 : memref<10240x128xf32, #tpu.memory_space<vmem_shared>>) offsets(%dma_start3A_105 : memref<128xi32, #tpu.memory_space<vmem>>) semaphore(%run_scoped3A_102 : memref<!tpu.dma_semaphore, #tpu.memory_space<semaphore_mem>>) {add = true}
        %dma_wait3A_109 = arith.constant 0 : i32
        %dma_wait3A_110 = tpu.memref_slice %arg8[%add3A_82, %dma_wait3A_109] : memref<40x128xi32, #tpu.memory_space<vmem>> -> memref<1x128xi32, #tpu.memory_space<vmem>>
        %dma_wait3A_111 = tpu.memref_squeeze %dma_wait3A_110 : memref<1x128xi32, #tpu.memory_space<vmem>> -> memref<128xi32, #tpu.memory_space<vmem>>
        %dma_wait3A_112 = arith.constant 0 : i32
        %dma_wait3A_113 = arith.constant 0 : i32
        %dma_wait3A_114 = tpu.memref_slice %arg6[%dma_wait3A_112, %dma_wait3A_113] : memref<10240x128xf32, #tpu.memory_space<vmem_shared>> -> memref<10240x128xf32, #tpu.memory_space<vmem_shared>>
        tpu.wait_indirect_dma semaphore(%run_scoped3A_102 : memref<!tpu.dma_semaphore, #tpu.memory_space<semaphore_mem>>) src(%arg10 : memref<128x128xf32, #tpu.memory_space<vmem>>) dst(%dma_wait3A_114 : memref<10240x128xf32, #tpu.memory_space<vmem_shared>>)
        tpu.yield
      }) : () -> ()
    }
    %scan3A_74 = arith.constant 20 : i32
    %barrier3A_75 = arith.constant 0 : index
    tpu.barrier barrier_id(%barrier3A_75)
    %mul3A_76 = arith.constant 640 : i32
    %mul3A_77 = arith.muli %arg1, %mul3A_76 : i32
    %run_scoped3A = arith.constant 0 : i32
    "tpu.region"() ({
      %run_scoped3A_78 = tpu.sem_alloc : memref<!tpu.dma_semaphore, #tpu.memory_space<semaphore_mem>>
      %dma_start3A_79 = arith.constant 0 : i32
      %dma_start3A_80 = tpu.memref_slice %arg5[%run_scoped3A, %arg0, %mul3A_77, %dma_start3A_79] : memref<1x2x10240x128xf32, #tpu.memory_space<hbm>> -> memref<1x1x640x128xf32, #tpu.memory_space<hbm>>
      %dma_start3A_81 = tpu.memref_squeeze %dma_start3A_80 : memref<1x1x640x128xf32, #tpu.memory_space<hbm>> -> memref<640x128xf32, #tpu.memory_space<hbm>>
      %dma_start3A_82 = arith.constant 0 : i32
      %dma_start3A_83 = tpu.memref_slice %arg6[%mul3A_77, %dma_start3A_82] : memref<10240x128xf32, #tpu.memory_space<vmem_shared>> -> memref<640x128xf32, #tpu.memory_space<vmem_shared>>
      tpu.enqueue_dma source(%dma_start3A_83 : memref<640x128xf32, #tpu.memory_space<vmem_shared>>) target(%dma_start3A_81 : memref<640x128xf32, #tpu.memory_space<hbm>>) target_semaphore(%run_scoped3A_78 : memref<!tpu.dma_semaphore, #tpu.memory_space<semaphore_mem>>)
      %dma_wait3A = arith.constant 0 : i32
      %dma_wait3A_84 = tpu.memref_slice %arg5[%run_scoped3A, %arg0, %mul3A_77, %dma_wait3A] : memref<1x2x10240x128xf32, #tpu.memory_space<hbm>> -> memref<1x1x640x128xf32, #tpu.memory_space<hbm>>
      %dma_wait3A_85 = tpu.memref_squeeze %dma_wait3A_84 : memref<1x1x640x128xf32, #tpu.memory_space<hbm>> -> memref<640x128xf32, #tpu.memory_space<hbm>>
      %dma_wait3A_86 = arith.constant 0 : i32
      %dma_wait3A_87 = tpu.memref_slice %arg6[%mul3A_77, %dma_wait3A_86] : memref<10240x128xf32, #tpu.memory_space<vmem_shared>> -> memref<640x128xf32, #tpu.memory_space<vmem_shared>>
      tpu.wait_dma2 semaphore(%run_scoped3A_78 : memref<!tpu.dma_semaphore, #tpu.memory_space<semaphore_mem>>) src(%dma_wait3A_87 : memref<640x128xf32, #tpu.memory_space<vmem_shared>>) dst(%dma_wait3A_85 : memref<640x128xf32, #tpu.memory_space<hbm>>)
      tpu.yield
    }) : () -> ()
    return
  }
}

#map = affine_map<(d0, d1) -> (0, 0)>
#map1 = affine_map<(d0, d1) -> (0, 0, 0, 0)>
module attributes {stable_mosaic.version = 14 : i64} {
  func.func @k(%arg0: i32, %arg1: i32, %arg2: memref<10000x128xf32, #tpu.memory_space<hbm>>, %arg3: memref<10000x128xf32, #tpu.memory_space<hbm>>, %arg4: memref<7680x128xi32, #tpu.memory_space<hbm>>, %arg5: memref<7680x128xi32, #tpu.memory_space<hbm>>, %arg6: memref<3x2x10240x128xf32, #tpu.memory_space<hbm>>, %arg7: memref<10240x128xf32, #tpu.memory_space<vmem_shared>>, %arg8: memref<40x128xi32, #tpu.memory_space<vmem>>, %arg9: memref<40x128xi32, #tpu.memory_space<vmem>>, %arg10: memref<128x128xf32, #tpu.memory_space<vmem>>, %arg11: memref<128x128xf32, #tpu.memory_space<vmem>>, %arg12: memref<!tpu.dma_semaphore, #tpu.memory_space<semaphore_mem>>, %arg13: memref<!tpu.dma_semaphore, #tpu.memory_space<semaphore_mem>>, %arg14: memref<!tpu.dma_semaphore, #tpu.memory_space<semaphore_mem>>, %arg15: memref<!tpu.dma_semaphore, #tpu.memory_space<semaphore_mem>>) attributes {dimension_semantics = [#tpu.dimension_semantics<core_parallel>, #tpu.dimension_semantics<subcore_parallel>], iteration_bounds = array<i64: 2, 16>, scalar_prefetch = 0 : i64, scratch_operands = 9 : i64, tpu.core_type = #tpu.core_type<sc_vector_subcore>, window_params = [{transform_indices = #map}, {transform_indices = #map}, {transform_indices = #map}, {transform_indices = #map}, {transform_indices = #map1}]} {
    %mul3A = arith.constant 2 : i32
    %mul3A_0 = arith.muli %arg1, %mul3A : i32
    %add3A = arith.addi %mul3A_0, %arg0 : i32
    %broadcast_in_dim3A = arith.constant 0.000000e+00 : f32
    %broadcast_in_dim3A_1 = vector.broadcast %broadcast_in_dim3A : f32 to vector<16xf32>
    %barrier3A = arith.constant 0 : index
    tpu.barrier barrier_id(%barrier3A)
    %scan3A = arith.constant 0 : i32
    %scan3A_2 = arith.constant 0 : i32
    %scan3A_3 = arith.constant 128 : i32
    %scan3A_4 = arith.addi %scan3A_2, %scan3A_3 : i32
    %scan3A_5 = arith.constant 1 : i32
    scf.for %scan3A_238 = %scan3A_2 to %scan3A_4 step %scan3A_5  : i32 {
      %swap3A = arith.index_cast %scan3A_238 : i32 to index
      %swap3A_239 = arith.constant 0 : index
      %swap3A_240 = tpu.vector_load %arg10[%swap3A, %swap3A_239] {strides = array<i32>} : memref<128x128xf32, #tpu.memory_space<vmem>>, vector<1x16xf32>,
      %swap3A_241 = vector.shape_cast %swap3A_240 : vector<1x16xf32> to vector<16xf32>
      %swap3A_242 = vector.shape_cast %broadcast_in_dim3A_1 : vector<16xf32> to vector<1x16xf32>
      tpu.vector_store %arg10[%swap3A, %swap3A_239], %swap3A_242 {strides = array<i32>} : memref<128x128xf32, #tpu.memory_space<vmem>>, vector<1x16xf32>,
      %swap3A_243 = arith.index_cast %scan3A_238 : i32 to index
      %swap3A_244 = arith.constant 16 : index
      %swap3A_245 = tpu.vector_load %arg10[%swap3A_243, %swap3A_244] {strides = array<i32>} : memref<128x128xf32, #tpu.memory_space<vmem>>, vector<1x16xf32>,
      %swap3A_246 = vector.shape_cast %swap3A_245 : vector<1x16xf32> to vector<16xf32>
      %swap3A_247 = vector.shape_cast %broadcast_in_dim3A_1 : vector<16xf32> to vector<1x16xf32>
      tpu.vector_store %arg10[%swap3A_243, %swap3A_244], %swap3A_247 {strides = array<i32>} : memref<128x128xf32, #tpu.memory_space<vmem>>, vector<1x16xf32>,
      %swap3A_248 = arith.index_cast %scan3A_238 : i32 to index
      %swap3A_249 = arith.constant 32 : index
      %swap3A_250 = tpu.vector_load %arg10[%swap3A_248, %swap3A_249] {strides = array<i32>} : memref<128x128xf32, #tpu.memory_space<vmem>>, vector<1x16xf32>,
      %swap3A_251 = vector.shape_cast %swap3A_250 : vector<1x16xf32> to vector<16xf32>
      %swap3A_252 = vector.shape_cast %broadcast_in_dim3A_1 : vector<16xf32> to vector<1x16xf32>
      tpu.vector_store %arg10[%swap3A_248, %swap3A_249], %swap3A_252 {strides = array<i32>} : memref<128x128xf32, #tpu.memory_space<vmem>>, vector<1x16xf32>,
      %swap3A_253 = arith.index_cast %scan3A_238 : i32 to index
      %swap3A_254 = arith.constant 48 : index
      %swap3A_255 = tpu.vector_load %arg10[%swap3A_253, %swap3A_254] {strides = array<i32>} : memref<128x128xf32, #tpu.memory_space<vmem>>, vector<1x16xf32>,
      %swap3A_256 = vector.shape_cast %swap3A_255 : vector<1x16xf32> to vector<16xf32>
      %swap3A_257 = vector.shape_cast %broadcast_in_dim3A_1 : vector<16xf32> to vector<1x16xf32>
      tpu.vector_store %arg10[%swap3A_253, %swap3A_254], %swap3A_257 {strides = array<i32>} : memref<128x128xf32, #tpu.memory_space<vmem>>, vector<1x16xf32>,
      %swap3A_258 = arith.index_cast %scan3A_238 : i32 to index
      %swap3A_259 = arith.constant 64 : index
      %swap3A_260 = tpu.vector_load %arg10[%swap3A_258, %swap3A_259] {strides = array<i32>} : memref<128x128xf32, #tpu.memory_space<vmem>>, vector<1x16xf32>,
      %swap3A_261 = vector.shape_cast %swap3A_260 : vector<1x16xf32> to vector<16xf32>
      %swap3A_262 = vector.shape_cast %broadcast_in_dim3A_1 : vector<16xf32> to vector<1x16xf32>
      tpu.vector_store %arg10[%swap3A_258, %swap3A_259], %swap3A_262 {strides = array<i32>} : memref<128x128xf32, #tpu.memory_space<vmem>>, vector<1x16xf32>,
      %swap3A_263 = arith.index_cast %scan3A_238 : i32 to index
      %swap3A_264 = arith.constant 80 : index
      %swap3A_265 = tpu.vector_load %arg10[%swap3A_263, %swap3A_264] {strides = array<i32>} : memref<128x128xf32, #tpu.memory_space<vmem>>, vector<1x16xf32>,
      %swap3A_266 = vector.shape_cast %swap3A_265 : vector<1x16xf32> to vector<16xf32>
      %swap3A_267 = vector.shape_cast %broadcast_in_dim3A_1 : vector<16xf32> to vector<1x16xf32>
      tpu.vector_store %arg10[%swap3A_263, %swap3A_264], %swap3A_267 {strides = array<i32>} : memref<128x128xf32, #tpu.memory_space<vmem>>, vector<1x16xf32>,
      %swap3A_268 = arith.index_cast %scan3A_238 : i32 to index
      %swap3A_269 = arith.constant 96 : index
      %swap3A_270 = tpu.vector_load %arg10[%swap3A_268, %swap3A_269] {strides = array<i32>} : memref<128x128xf32, #tpu.memory_space<vmem>>, vector<1x16xf32>,
      %swap3A_271 = vector.shape_cast %swap3A_270 : vector<1x16xf32> to vector<16xf32>
      %swap3A_272 = vector.shape_cast %broadcast_in_dim3A_1 : vector<16xf32> to vector<1x16xf32>
      tpu.vector_store %arg10[%swap3A_268, %swap3A_269], %swap3A_272 {strides = array<i32>} : memref<128x128xf32, #tpu.memory_space<vmem>>, vector<1x16xf32>,
      %swap3A_273 = arith.index_cast %scan3A_238 : i32 to index
      %swap3A_274 = arith.constant 112 : index
      %swap3A_275 = tpu.vector_load %arg10[%swap3A_273, %swap3A_274] {strides = array<i32>} : memref<128x128xf32, #tpu.memory_space<vmem>>, vector<1x16xf32>,
      %swap3A_276 = vector.shape_cast %swap3A_275 : vector<1x16xf32> to vector<16xf32>
      %swap3A_277 = vector.shape_cast %broadcast_in_dim3A_1 : vector<16xf32> to vector<1x16xf32>
      tpu.vector_store %arg10[%swap3A_273, %swap3A_274], %swap3A_277 {strides = array<i32>} : memref<128x128xf32, #tpu.memory_space<vmem>>, vector<1x16xf32>,
    }
    %scan3A_6 = arith.constant 128 : i32
    %mul3A_7 = arith.constant 5 : i32
    %mul3A_8 = arith.muli %arg1, %mul3A_7 : i32
    %add3A_9 = arith.constant 0 : i32
    %add3A_10 = arith.addi %mul3A_8, %add3A_9 : i32
    %mul3A_11 = arith.constant 128 : i32
    %mul3A_12 = arith.muli %add3A_10, %mul3A_11 : i32
    "tpu.region"() ({
      %run_scoped3A_238 = tpu.sem_alloc : memref<!tpu.dma_semaphore, #tpu.memory_space<semaphore_mem>>
      %dma_start3A_239 = arith.constant 0 : i32
      %dma_start3A_240 = tpu.memref_slice %arg7[%mul3A_12, %dma_start3A_239] : memref<10240x128xf32, #tpu.memory_space<vmem_shared>> -> memref<128x128xf32, #tpu.memory_space<vmem_shared>>
      %dma_start3A_241 = arith.constant 0 : i32
      %dma_start3A_242 = tpu.memref_slice %arg7[%mul3A_12, %dma_start3A_241] : memref<10240x128xf32, #tpu.memory_space<vmem_shared>> -> memref<128x128xf32, #tpu.memory_space<vmem_shared>>
      tpu.enqueue_dma source(%arg10 : memref<128x128xf32, #tpu.memory_space<vmem>>) target(%dma_start3A_242 : memref<128x128xf32, #tpu.memory_space<vmem_shared>>) target_semaphore(%run_scoped3A_238 : memref<!tpu.dma_semaphore, #tpu.memory_space<semaphore_mem>>)
      %dma_wait3A = arith.constant 0 : i32
      %dma_wait3A_243 = tpu.memref_slice %arg7[%mul3A_12, %dma_wait3A] : memref<10240x128xf32, #tpu.memory_space<vmem_shared>> -> memref<128x128xf32, #tpu.memory_space<vmem_shared>>
      %dma_wait3A_244 = arith.constant 0 : i32
      %dma_wait3A_245 = tpu.memref_slice %arg7[%mul3A_12, %dma_wait3A_244] : memref<10240x128xf32, #tpu.memory_space<vmem_shared>> -> memref<128x128xf32, #tpu.memory_space<vmem_shared>>
      tpu.wait_dma2 semaphore(%run_scoped3A_238 : memref<!tpu.dma_semaphore, #tpu.memory_space<semaphore_mem>>) src(%arg10 : memref<128x128xf32, #tpu.memory_space<vmem>>) dst(%dma_wait3A_245 : memref<128x128xf32, #tpu.memory_space<vmem_shared>>)
      tpu.yield
    }) : () -> ()
    %mul3A_13 = arith.constant 5 : i32
    %mul3A_14 = arith.muli %arg1, %mul3A_13 : i32
    %add3A_15 = arith.constant 1 : i32
    %add3A_16 = arith.addi %mul3A_14, %add3A_15 : i32
    %mul3A_17 = arith.constant 128 : i32
    %mul3A_18 = arith.muli %add3A_16, %mul3A_17 : i32
    "tpu.region"() ({
      %run_scoped3A_238 = tpu.sem_alloc : memref<!tpu.dma_semaphore, #tpu.memory_space<semaphore_mem>>
      %dma_start3A_239 = arith.constant 0 : i32
      %dma_start3A_240 = tpu.memref_slice %arg7[%mul3A_18, %dma_start3A_239] : memref<10240x128xf32, #tpu.memory_space<vmem_shared>> -> memref<128x128xf32, #tpu.memory_space<vmem_shared>>
      %dma_start3A_241 = arith.constant 0 : i32
      %dma_start3A_242 = tpu.memref_slice %arg7[%mul3A_18, %dma_start3A_241] : memref<10240x128xf32, #tpu.memory_space<vmem_shared>> -> memref<128x128xf32, #tpu.memory_space<vmem_shared>>
      tpu.enqueue_dma source(%arg10 : memref<128x128xf32, #tpu.memory_space<vmem>>) target(%dma_start3A_242 : memref<128x128xf32, #tpu.memory_space<vmem_shared>>) target_semaphore(%run_scoped3A_238 : memref<!tpu.dma_semaphore, #tpu.memory_space<semaphore_mem>>)
      %dma_wait3A = arith.constant 0 : i32
      %dma_wait3A_243 = tpu.memref_slice %arg7[%mul3A_18, %dma_wait3A] : memref<10240x128xf32, #tpu.memory_space<vmem_shared>> -> memref<128x128xf32, #tpu.memory_space<vmem_shared>>
      %dma_wait3A_244 = arith.constant 0 : i32
      %dma_wait3A_245 = tpu.memref_slice %arg7[%mul3A_18, %dma_wait3A_244] : memref<10240x128xf32, #tpu.memory_space<vmem_shared>> -> memref<128x128xf32, #tpu.memory_space<vmem_shared>>
      tpu.wait_dma2 semaphore(%run_scoped3A_238 : memref<!tpu.dma_semaphore, #tpu.memory_space<semaphore_mem>>) src(%arg10 : memref<128x128xf32, #tpu.memory_space<vmem>>) dst(%dma_wait3A_245 : memref<128x128xf32, #tpu.memory_space<vmem_shared>>)
      tpu.yield
    }) : () -> ()
    %mul3A_19 = arith.constant 5 : i32
    %mul3A_20 = arith.muli %arg1, %mul3A_19 : i32
    %add3A_21 = arith.constant 2 : i32
    %add3A_22 = arith.addi %mul3A_20, %add3A_21 : i32
    %mul3A_23 = arith.constant 128 : i32
    %mul3A_24 = arith.muli %add3A_22, %mul3A_23 : i32
    "tpu.region"() ({
      %run_scoped3A_238 = tpu.sem_alloc : memref<!tpu.dma_semaphore, #tpu.memory_space<semaphore_mem>>
      %dma_start3A_239 = arith.constant 0 : i32
      %dma_start3A_240 = tpu.memref_slice %arg7[%mul3A_24, %dma_start3A_239] : memref<10240x128xf32, #tpu.memory_space<vmem_shared>> -> memref<128x128xf32, #tpu.memory_space<vmem_shared>>
      %dma_start3A_241 = arith.constant 0 : i32
      %dma_start3A_242 = tpu.memref_slice %arg7[%mul3A_24, %dma_start3A_241] : memref<10240x128xf32, #tpu.memory_space<vmem_shared>> -> memref<128x128xf32, #tpu.memory_space<vmem_shared>>
      tpu.enqueue_dma source(%arg10 : memref<128x128xf32, #tpu.memory_space<vmem>>) target(%dma_start3A_242 : memref<128x128xf32, #tpu.memory_space<vmem_shared>>) target_semaphore(%run_scoped3A_238 : memref<!tpu.dma_semaphore, #tpu.memory_space<semaphore_mem>>)
      %dma_wait3A = arith.constant 0 : i32
      %dma_wait3A_243 = tpu.memref_slice %arg7[%mul3A_24, %dma_wait3A] : memref<10240x128xf32, #tpu.memory_space<vmem_shared>> -> memref<128x128xf32, #tpu.memory_space<vmem_shared>>
      %dma_wait3A_244 = arith.constant 0 : i32
      %dma_wait3A_245 = tpu.memref_slice %arg7[%mul3A_24, %dma_wait3A_244] : memref<10240x128xf32, #tpu.memory_space<vmem_shared>> -> memref<128x128xf32, #tpu.memory_space<vmem_shared>>
      tpu.wait_dma2 semaphore(%run_scoped3A_238 : memref<!tpu.dma_semaphore, #tpu.memory_space<semaphore_mem>>) src(%arg10 : memref<128x128xf32, #tpu.memory_space<vmem>>) dst(%dma_wait3A_245 : memref<128x128xf32, #tpu.memory_space<vmem_shared>>)
      tpu.yield
    }) : () -> ()
    %mul3A_25 = arith.constant 5 : i32
    %mul3A_26 = arith.muli %arg1, %mul3A_25 : i32
    %add3A_27 = arith.constant 3 : i32
    %add3A_28 = arith.addi %mul3A_26, %add3A_27 : i32
    %mul3A_29 = arith.constant 128 : i32
    %mul3A_30 = arith.muli %add3A_28, %mul3A_29 : i32
    "tpu.region"() ({
      %run_scoped3A_238 = tpu.sem_alloc : memref<!tpu.dma_semaphore, #tpu.memory_space<semaphore_mem>>
      %dma_start3A_239 = arith.constant 0 : i32
      %dma_start3A_240 = tpu.memref_slice %arg7[%mul3A_30, %dma_start3A_239] : memref<10240x128xf32, #tpu.memory_space<vmem_shared>> -> memref<128x128xf32, #tpu.memory_space<vmem_shared>>
      %dma_start3A_241 = arith.constant 0 : i32
      %dma_start3A_242 = tpu.memref_slice %arg7[%mul3A_30, %dma_start3A_241] : memref<10240x128xf32, #tpu.memory_space<vmem_shared>> -> memref<128x128xf32, #tpu.memory_space<vmem_shared>>
      tpu.enqueue_dma source(%arg10 : memref<128x128xf32, #tpu.memory_space<vmem>>) target(%dma_start3A_242 : memref<128x128xf32, #tpu.memory_space<vmem_shared>>) target_semaphore(%run_scoped3A_238 : memref<!tpu.dma_semaphore, #tpu.memory_space<semaphore_mem>>)
      %dma_wait3A = arith.constant 0 : i32
      %dma_wait3A_243 = tpu.memref_slice %arg7[%mul3A_30, %dma_wait3A] : memref<10240x128xf32, #tpu.memory_space<vmem_shared>> -> memref<128x128xf32, #tpu.memory_space<vmem_shared>>
      %dma_wait3A_244 = arith.constant 0 : i32
      %dma_wait3A_245 = tpu.memref_slice %arg7[%mul3A_30, %dma_wait3A_244] : memref<10240x128xf32, #tpu.memory_space<vmem_shared>> -> memref<128x128xf32, #tpu.memory_space<vmem_shared>>
      tpu.wait_dma2 semaphore(%run_scoped3A_238 : memref<!tpu.dma_semaphore, #tpu.memory_space<semaphore_mem>>) src(%arg10 : memref<128x128xf32, #tpu.memory_space<vmem>>) dst(%dma_wait3A_245 : memref<128x128xf32, #tpu.memory_space<vmem_shared>>)
      tpu.yield
    }) : () -> ()
    %mul3A_31 = arith.constant 5 : i32
    %mul3A_32 = arith.muli %arg1, %mul3A_31 : i32
    %add3A_33 = arith.constant 4 : i32
    %add3A_34 = arith.addi %mul3A_32, %add3A_33 : i32
    %mul3A_35 = arith.constant 128 : i32
    %mul3A_36 = arith.muli %add3A_34, %mul3A_35 : i32
    "tpu.region"() ({
      %run_scoped3A_238 = tpu.sem_alloc : memref<!tpu.dma_semaphore, #tpu.memory_space<semaphore_mem>>
      %dma_start3A_239 = arith.constant 0 : i32
      %dma_start3A_240 = tpu.memref_slice %arg7[%mul3A_36, %dma_start3A_239] : memref<10240x128xf32, #tpu.memory_space<vmem_shared>> -> memref<128x128xf32, #tpu.memory_space<vmem_shared>>
      %dma_start3A_241 = arith.constant 0 : i32
      %dma_start3A_242 = tpu.memref_slice %arg7[%mul3A_36, %dma_start3A_241] : memref<10240x128xf32, #tpu.memory_space<vmem_shared>> -> memref<128x128xf32, #tpu.memory_space<vmem_shared>>
      tpu.enqueue_dma source(%arg10 : memref<128x128xf32, #tpu.memory_space<vmem>>) target(%dma_start3A_242 : memref<128x128xf32, #tpu.memory_space<vmem_shared>>) target_semaphore(%run_scoped3A_238 : memref<!tpu.dma_semaphore, #tpu.memory_space<semaphore_mem>>)
      %dma_wait3A = arith.constant 0 : i32
      %dma_wait3A_243 = tpu.memref_slice %arg7[%mul3A_36, %dma_wait3A] : memref<10240x128xf32, #tpu.memory_space<vmem_shared>> -> memref<128x128xf32, #tpu.memory_space<vmem_shared>>
      %dma_wait3A_244 = arith.constant 0 : i32
      %dma_wait3A_245 = tpu.memref_slice %arg7[%mul3A_36, %dma_wait3A_244] : memref<10240x128xf32, #tpu.memory_space<vmem_shared>> -> memref<128x128xf32, #tpu.memory_space<vmem_shared>>
      tpu.wait_dma2 semaphore(%run_scoped3A_238 : memref<!tpu.dma_semaphore, #tpu.memory_space<semaphore_mem>>) src(%arg10 : memref<128x128xf32, #tpu.memory_space<vmem>>) dst(%dma_wait3A_245 : memref<128x128xf32, #tpu.memory_space<vmem_shared>>)
      tpu.yield
    }) : () -> ()
    %barrier3A_37 = arith.constant 0 : index
    tpu.barrier barrier_id(%barrier3A_37)
    %mul3A_38 = arith.constant 80 : i32
    %mul3A_39 = arith.muli %add3A, %mul3A_38 : i32
    %add3A_40 = arith.constant 0 : i32
    %add3A_41 = arith.addi %add3A_40, %mul3A_39 : i32
    %add3A_42 = arith.constant 0 : i32
    %add3A_43 = arith.addi %add3A_41, %add3A_42 : i32
    "tpu.region"() ({
      %run_scoped3A_238 = tpu.sem_alloc : memref<!tpu.dma_semaphore, #tpu.memory_space<semaphore_mem>>
      %dma_start3A_239 = arith.constant 0 : i32
      %dma_start3A_240 = tpu.memref_slice %arg4[%add3A_43, %dma_start3A_239] : memref<7680x128xi32, #tpu.memory_space<hbm>> -> memref<40x128xi32, #tpu.memory_space<hbm>>
      %dma_start3A_241 = arith.constant 0 : i32
      %dma_start3A_242 = tpu.memref_slice %arg4[%add3A_43, %dma_start3A_241] : memref<7680x128xi32, #tpu.memory_space<hbm>> -> memref<40x128xi32, #tpu.memory_space<hbm>>
      tpu.enqueue_dma source(%dma_start3A_242 : memref<40x128xi32, #tpu.memory_space<hbm>>) target(%arg8 : memref<40x128xi32, #tpu.memory_space<vmem>>) target_semaphore(%run_scoped3A_238 : memref<!tpu.dma_semaphore, #tpu.memory_space<semaphore_mem>>)
      %dma_wait3A = arith.constant 0 : i32
      %dma_wait3A_243 = tpu.memref_slice %arg4[%add3A_43, %dma_wait3A] : memref<7680x128xi32, #tpu.memory_space<hbm>> -> memref<40x128xi32, #tpu.memory_space<hbm>>
      %dma_wait3A_244 = arith.constant 0 : i32
      %dma_wait3A_245 = tpu.memref_slice %arg4[%add3A_43, %dma_wait3A_244] : memref<7680x128xi32, #tpu.memory_space<hbm>> -> memref<40x128xi32, #tpu.memory_space<hbm>>
      tpu.wait_dma2 semaphore(%run_scoped3A_238 : memref<!tpu.dma_semaphore, #tpu.memory_space<semaphore_mem>>) src(%dma_wait3A_245 : memref<40x128xi32, #tpu.memory_space<hbm>>) dst(%arg8 : memref<40x128xi32, #tpu.memory_space<vmem>>)
      tpu.yield
    }) : () -> ()
    "tpu.region"() ({
      %run_scoped3A_238 = tpu.sem_alloc : memref<!tpu.dma_semaphore, #tpu.memory_space<semaphore_mem>>
      %dma_start3A_239 = arith.constant 0 : i32
      %dma_start3A_240 = tpu.memref_slice %arg5[%add3A_43, %dma_start3A_239] : memref<7680x128xi32, #tpu.memory_space<hbm>> -> memref<40x128xi32, #tpu.memory_space<hbm>>
      %dma_start3A_241 = arith.constant 0 : i32
      %dma_start3A_242 = tpu.memref_slice %arg5[%add3A_43, %dma_start3A_241] : memref<7680x128xi32, #tpu.memory_space<hbm>> -> memref<40x128xi32, #tpu.memory_space<hbm>>
      tpu.enqueue_dma source(%dma_start3A_242 : memref<40x128xi32, #tpu.memory_space<hbm>>) target(%arg9 : memref<40x128xi32, #tpu.memory_space<vmem>>) target_semaphore(%run_scoped3A_238 : memref<!tpu.dma_semaphore, #tpu.memory_space<semaphore_mem>>)
      %dma_wait3A = arith.constant 0 : i32
      %dma_wait3A_243 = tpu.memref_slice %arg5[%add3A_43, %dma_wait3A] : memref<7680x128xi32, #tpu.memory_space<hbm>> -> memref<40x128xi32, #tpu.memory_space<hbm>>
      %dma_wait3A_244 = arith.constant 0 : i32
      %dma_wait3A_245 = tpu.memref_slice %arg5[%add3A_43, %dma_wait3A_244] : memref<7680x128xi32, #tpu.memory_space<hbm>> -> memref<40x128xi32, #tpu.memory_space<hbm>>
      tpu.wait_dma2 semaphore(%run_scoped3A_238 : memref<!tpu.dma_semaphore, #tpu.memory_space<semaphore_mem>>) src(%dma_wait3A_245 : memref<40x128xi32, #tpu.memory_space<hbm>>) dst(%arg9 : memref<40x128xi32, #tpu.memory_space<vmem>>)
      tpu.yield
    }) : () -> ()
    %dma_start3A = arith.constant 0 : i32
    %dma_start3A_44 = arith.constant 0 : i32
    %dma_start3A_45 = tpu.memref_slice %arg8[%dma_start3A, %dma_start3A_44] : memref<40x128xi32, #tpu.memory_space<vmem>> -> memref<1x128xi32, #tpu.memory_space<vmem>>
    %dma_start3A_46 = tpu.memref_squeeze %dma_start3A_45 : memref<1x128xi32, #tpu.memory_space<vmem>> -> memref<128xi32, #tpu.memory_space<vmem>>
    %dma_start3A_47 = arith.constant 0 : i32
    %dma_start3A_48 = arith.constant 0 : i32
    %dma_start3A_49 = tpu.memref_slice %arg2[%dma_start3A_47, %dma_start3A_48] : memref<10000x128xf32, #tpu.memory_space<hbm>> -> memref<10000x128xf32, #tpu.memory_space<hbm>>
    tpu.enqueue_indirect_dma source(%dma_start3A_49 : memref<10000x128xf32, #tpu.memory_space<hbm>>) target(%arg10 : memref<128x128xf32, #tpu.memory_space<vmem>>) offsets(%dma_start3A_46 : memref<128xi32, #tpu.memory_space<vmem>>) semaphore(%arg12 : memref<!tpu.dma_semaphore, #tpu.memory_space<semaphore_mem>>)
    %scan3A_50 = arith.constant 0 : i32
    %scan3A_51 = arith.constant 0 : i32
    %scan3A_52 = arith.constant 20 : i32
    %scan3A_53 = arith.addi %scan3A_51, %scan3A_52 : i32
    %scan3A_54 = arith.constant 1 : i32
    scf.for %scan3A_238 = %scan3A_51 to %scan3A_53 step %scan3A_54  : i32 {
      %mul3A_239 = arith.constant 2 : i32
      %mul3A_240 = arith.muli %mul3A_239, %scan3A_238 : i32
      %add3A_241 = arith.constant 1 : i32
      %add3A_242 = arith.addi %mul3A_240, %add3A_241 : i32
      %dma_wait3A = arith.constant 0 : i32
      %dma_wait3A_243 = tpu.memref_slice %arg8[%mul3A_240, %dma_wait3A] : memref<40x128xi32, #tpu.memory_space<vmem>> -> memref<1x128xi32, #tpu.memory_space<vmem>>
      %dma_wait3A_244 = tpu.memref_squeeze %dma_wait3A_243 : memref<1x128xi32, #tpu.memory_space<vmem>> -> memref<128xi32, #tpu.memory_space<vmem>>
      %dma_wait3A_245 = arith.constant 0 : i32
      %dma_wait3A_246 = arith.constant 0 : i32
      %dma_wait3A_247 = tpu.memref_slice %arg2[%dma_wait3A_245, %dma_wait3A_246] : memref<10000x128xf32, #tpu.memory_space<hbm>> -> memref<10000x128xf32, #tpu.memory_space<hbm>>
      tpu.wait_indirect_dma semaphore(%arg12 : memref<!tpu.dma_semaphore, #tpu.memory_space<semaphore_mem>>) src(%dma_wait3A_247 : memref<10000x128xf32, #tpu.memory_space<hbm>>) dst(%arg10 : memref<128x128xf32, #tpu.memory_space<vmem>>)
      %dma_start3A_248 = arith.constant 0 : i32
      %dma_start3A_249 = tpu.memref_slice %arg8[%add3A_242, %dma_start3A_248] : memref<40x128xi32, #tpu.memory_space<vmem>> -> memref<1x128xi32, #tpu.memory_space<vmem>>
      %dma_start3A_250 = tpu.memref_squeeze %dma_start3A_249 : memref<1x128xi32, #tpu.memory_space<vmem>> -> memref<128xi32, #tpu.memory_space<vmem>>
      %dma_start3A_251 = arith.constant 0 : i32
      %dma_start3A_252 = arith.constant 0 : i32
      %dma_start3A_253 = tpu.memref_slice %arg2[%dma_start3A_251, %dma_start3A_252] : memref<10000x128xf32, #tpu.memory_space<hbm>> -> memref<10000x128xf32, #tpu.memory_space<hbm>>
      tpu.enqueue_indirect_dma source(%dma_start3A_253 : memref<10000x128xf32, #tpu.memory_space<hbm>>) target(%arg11 : memref<128x128xf32, #tpu.memory_space<vmem>>) offsets(%dma_start3A_250 : memref<128xi32, #tpu.memory_space<vmem>>) semaphore(%arg13 : memref<!tpu.dma_semaphore, #tpu.memory_space<semaphore_mem>>)
      "tpu.region"() ({
        %run_scoped3A_262 = tpu.sem_alloc : memref<!tpu.dma_semaphore, #tpu.memory_space<semaphore_mem>>
        %dma_start3A_263 = arith.constant 0 : i32
        %dma_start3A_264 = tpu.memref_slice %arg9[%mul3A_240, %dma_start3A_263] : memref<40x128xi32, #tpu.memory_space<vmem>> -> memref<1x128xi32, #tpu.memory_space<vmem>>
        %dma_start3A_265 = tpu.memref_squeeze %dma_start3A_264 : memref<1x128xi32, #tpu.memory_space<vmem>> -> memref<128xi32, #tpu.memory_space<vmem>>
        %dma_start3A_266 = arith.constant 0 : i32
        %dma_start3A_267 = arith.constant 0 : i32
        %dma_start3A_268 = tpu.memref_slice %arg7[%dma_start3A_266, %dma_start3A_267] : memref<10240x128xf32, #tpu.memory_space<vmem_shared>> -> memref<10240x128xf32, #tpu.memory_space<vmem_shared>>
        tpu.enqueue_indirect_dma source(%arg10 : memref<128x128xf32, #tpu.memory_space<vmem>>) target(%dma_start3A_268 : memref<10240x128xf32, #tpu.memory_space<vmem_shared>>) offsets(%dma_start3A_265 : memref<128xi32, #tpu.memory_space<vmem>>) semaphore(%run_scoped3A_262 : memref<!tpu.dma_semaphore, #tpu.memory_space<semaphore_mem>>) {add = true}
        %dma_wait3A_269 = arith.constant 0 : i32
        %dma_wait3A_270 = tpu.memref_slice %arg9[%mul3A_240, %dma_wait3A_269] : memref<40x128xi32, #tpu.memory_space<vmem>> -> memref<1x128xi32, #tpu.memory_space<vmem>>
        %dma_wait3A_271 = tpu.memref_squeeze %dma_wait3A_270 : memref<1x128xi32, #tpu.memory_space<vmem>> -> memref<128xi32, #tpu.memory_space<vmem>>
        %dma_wait3A_272 = arith.constant 0 : i32
        %dma_wait3A_273 = arith.constant 0 : i32
        %dma_wait3A_274 = tpu.memref_slice %arg7[%dma_wait3A_272, %dma_wait3A_273] : memref<10240x128xf32, #tpu.memory_space<vmem_shared>> -> memref<10240x128xf32, #tpu.memory_space<vmem_shared>>
        tpu.wait_indirect_dma semaphore(%run_scoped3A_262 : memref<!tpu.dma_semaphore, #tpu.memory_space<semaphore_mem>>) src(%arg10 : memref<128x128xf32, #tpu.memory_space<vmem>>) dst(%dma_wait3A_274 : memref<10240x128xf32, #tpu.memory_space<vmem_shared>>)
        tpu.yield
      }) : () -> ()
      %dma_wait3A_254 = arith.constant 0 : i32
      %dma_wait3A_255 = tpu.memref_slice %arg8[%add3A_242, %dma_wait3A_254] : memref<40x128xi32, #tpu.memory_space<vmem>> -> memref<1x128xi32, #tpu.memory_space<vmem>>
      %dma_wait3A_256 = tpu.memref_squeeze %dma_wait3A_255 : memref<1x128xi32, #tpu.memory_space<vmem>> -> memref<128xi32, #tpu.memory_space<vmem>>
      %dma_wait3A_257 = arith.constant 0 : i32
      %dma_wait3A_258 = arith.constant 0 : i32
      %dma_wait3A_259 = tpu.memref_slice %arg2[%dma_wait3A_257, %dma_wait3A_258] : memref<10000x128xf32, #tpu.memory_space<hbm>> -> memref<10000x128xf32, #tpu.memory_space<hbm>>
      tpu.wait_indirect_dma semaphore(%arg13 : memref<!tpu.dma_semaphore, #tpu.memory_space<semaphore_mem>>) src(%dma_wait3A_259 : memref<10000x128xf32, #tpu.memory_space<hbm>>) dst(%arg11 : memref<128x128xf32, #tpu.memory_space<vmem>>)
      %lt3A = arith.constant 19 : i32
      %lt3A_260 = arith.cmpi slt, %scan3A_238, %lt3A : i32
      %convert_element_type3A = arith.extui %lt3A_260 : i1 to i32
      %cond3A = arith.constant 0 : i32
      %cond3A_261 = arith.cmpi ne, %convert_element_type3A, %cond3A : i32
      scf.if %cond3A_261 {
        %add3A_262 = arith.constant 2 : i32
        %add3A_263 = arith.addi %mul3A_240, %add3A_262 : i32
        %dma_start3A_264 = arith.constant 0 : i32
        %dma_start3A_265 = tpu.memref_slice %arg8[%add3A_263, %dma_start3A_264] : memref<40x128xi32, #tpu.memory_space<vmem>> -> memref<1x128xi32, #tpu.memory_space<vmem>>
        %dma_start3A_266 = tpu.memref_squeeze %dma_start3A_265 : memref<1x128xi32, #tpu.memory_space<vmem>> -> memref<128xi32, #tpu.memory_space<vmem>>
        %dma_start3A_267 = arith.constant 0 : i32
        %dma_start3A_268 = arith.constant 0 : i32
        %dma_start3A_269 = tpu.memref_slice %arg2[%dma_start3A_267, %dma_start3A_268] : memref<10000x128xf32, #tpu.memory_space<hbm>> -> memref<10000x128xf32, #tpu.memory_space<hbm>>
        tpu.enqueue_indirect_dma source(%dma_start3A_269 : memref<10000x128xf32, #tpu.memory_space<hbm>>) target(%arg10 : memref<128x128xf32, #tpu.memory_space<vmem>>) offsets(%dma_start3A_266 : memref<128xi32, #tpu.memory_space<vmem>>) semaphore(%arg12 : memref<!tpu.dma_semaphore, #tpu.memory_space<semaphore_mem>>)
      } else {
      }
      "tpu.region"() ({
        %run_scoped3A_262 = tpu.sem_alloc : memref<!tpu.dma_semaphore, #tpu.memory_space<semaphore_mem>>
        %dma_start3A_263 = arith.constant 0 : i32
        %dma_start3A_264 = tpu.memref_slice %arg9[%add3A_242, %dma_start3A_263] : memref<40x128xi32, #tpu.memory_space<vmem>> -> memref<1x128xi32, #tpu.memory_space<vmem>>
        %dma_start3A_265 = tpu.memref_squeeze %dma_start3A_264 : memref<1x128xi32, #tpu.memory_space<vmem>> -> memref<128xi32, #tpu.memory_space<vmem>>
        %dma_start3A_266 = arith.constant 0 : i32
        %dma_start3A_267 = arith.constant 0 : i32
        %dma_start3A_268 = tpu.memref_slice %arg7[%dma_start3A_266, %dma_start3A_267] : memref<10240x128xf32, #tpu.memory_space<vmem_shared>> -> memref<10240x128xf32, #tpu.memory_space<vmem_shared>>
        tpu.enqueue_indirect_dma source(%arg11 : memref<128x128xf32, #tpu.memory_space<vmem>>) target(%dma_start3A_268 : memref<10240x128xf32, #tpu.memory_space<vmem_shared>>) offsets(%dma_start3A_265 : memref<128xi32, #tpu.memory_space<vmem>>) semaphore(%run_scoped3A_262 : memref<!tpu.dma_semaphore, #tpu.memory_space<semaphore_mem>>) {add = true}
        %dma_wait3A_269 = arith.constant 0 : i32
        %dma_wait3A_270 = tpu.memref_slice %arg9[%add3A_242, %dma_wait3A_269] : memref<40x128xi32, #tpu.memory_space<vmem>> -> memref<1x128xi32, #tpu.memory_space<vmem>>
        %dma_wait3A_271 = tpu.memref_squeeze %dma_wait3A_270 : memref<1x128xi32, #tpu.memory_space<vmem>> -> memref<128xi32, #tpu.memory_space<vmem>>
        %dma_wait3A_272 = arith.constant 0 : i32
        %dma_wait3A_273 = arith.constant 0 : i32
        %dma_wait3A_274 = tpu.memref_slice %arg7[%dma_wait3A_272, %dma_wait3A_273] : memref<10240x128xf32, #tpu.memory_space<vmem_shared>> -> memref<10240x128xf32, #tpu.memory_space<vmem_shared>>
        tpu.wait_indirect_dma semaphore(%run_scoped3A_262 : memref<!tpu.dma_semaphore, #tpu.memory_space<semaphore_mem>>) src(%arg11 : memref<128x128xf32, #tpu.memory_space<vmem>>) dst(%dma_wait3A_274 : memref<10240x128xf32, #tpu.memory_space<vmem_shared>>)
        tpu.yield
      }) : () -> ()
    }
    %scan3A_55 = arith.constant 20 : i32
    %mul3A_56 = arith.constant 80 : i32
    %mul3A_57 = arith.muli %add3A, %mul3A_56 : i32
    %add3A_58 = arith.constant 0 : i32
    %add3A_59 = arith.addi %add3A_58, %mul3A_57 : i32
    %add3A_60 = arith.constant 40 : i32
    %add3A_61 = arith.addi %add3A_59, %add3A_60 : i32
    "tpu.region"() ({
      %run_scoped3A_238 = tpu.sem_alloc : memref<!tpu.dma_semaphore, #tpu.memory_space<semaphore_mem>>
      %dma_start3A_239 = arith.constant 0 : i32
      %dma_start3A_240 = tpu.memref_slice %arg4[%add3A_61, %dma_start3A_239] : memref<7680x128xi32, #tpu.memory_space<hbm>> -> memref<40x128xi32, #tpu.memory_space<hbm>>
      %dma_start3A_241 = arith.constant 0 : i32
      %dma_start3A_242 = tpu.memref_slice %arg4[%add3A_61, %dma_start3A_241] : memref<7680x128xi32, #tpu.memory_space<hbm>> -> memref<40x128xi32, #tpu.memory_space<hbm>>
      tpu.enqueue_dma source(%dma_start3A_242 : memref<40x128xi32, #tpu.memory_space<hbm>>) target(%arg8 : memref<40x128xi32, #tpu.memory_space<vmem>>) target_semaphore(%run_scoped3A_238 : memref<!tpu.dma_semaphore, #tpu.memory_space<semaphore_mem>>)
      %dma_wait3A = arith.constant 0 : i32
      %dma_wait3A_243 = tpu.memref_slice %arg4[%add3A_61, %dma_wait3A] : memref<7680x128xi32, #tpu.memory_space<hbm>> -> memref<40x128xi32, #tpu.memory_space<hbm>>
      %dma_wait3A_244 = arith.constant 0 : i32
      %dma_wait3A_245 = tpu.memref_slice %arg4[%add3A_61, %dma_wait3A_244] : memref<7680x128xi32, #tpu.memory_space<hbm>> -> memref<40x128xi32, #tpu.memory_space<hbm>>
      tpu.wait_dma2 semaphore(%run_scoped3A_238 : memref<!tpu.dma_semaphore, #tpu.memory_space<semaphore_mem>>) src(%dma_wait3A_245 : memref<40x128xi32, #tpu.memory_space<hbm>>) dst(%arg8 : memref<40x128xi32, #tpu.memory_space<vmem>>)
      tpu.yield
    }) : () -> ()
    "tpu.region"() ({
      %run_scoped3A_238 = tpu.sem_alloc : memref<!tpu.dma_semaphore, #tpu.memory_space<semaphore_mem>>
      %dma_start3A_239 = arith.constant 0 : i32
      %dma_start3A_240 = tpu.memref_slice %arg5[%add3A_61, %dma_start3A_239] : memref<7680x128xi32, #tpu.memory_space<hbm>> -> memref<40x128xi32, #tpu.memory_space<hbm>>
      %dma_start3A_241 = arith.constant 0 : i32
      %dma_start3A_242 = tpu.memref_slice %arg5[%add3A_61, %dma_start3A_241] : memref<7680x128xi32, #tpu.memory_space<hbm>> -> memref<40x128xi32, #tpu.memory_space<hbm>>
      tpu.enqueue_dma source(%dma_start3A_242 : memref<40x128xi32, #tpu.memory_space<hbm>>) target(%arg9 : memref<40x128xi32, #tpu.memory_space<vmem>>) target_semaphore(%run_scoped3A_238 : memref<!tpu.dma_semaphore, #tpu.memory_space<semaphore_mem>>)
      %dma_wait3A = arith.constant 0 : i32
      %dma_wait3A_243 = tpu.memref_slice %arg5[%add3A_61, %dma_wait3A] : memref<7680x128xi32, #tpu.memory_space<hbm>> -> memref<40x128xi32, #tpu.memory_space<hbm>>
      %dma_wait3A_244 = arith.constant 0 : i32
      %dma_wait3A_245 = tpu.memref_slice %arg5[%add3A_61, %dma_wait3A_244] : memref<7680x128xi32, #tpu.memory_space<hbm>> -> memref<40x128xi32, #tpu.memory_space<hbm>>
      tpu.wait_dma2 semaphore(%run_scoped3A_238 : memref<!tpu.dma_semaphore, #tpu.memory_space<semaphore_mem>>) src(%dma_wait3A_245 : memref<40x128xi32, #tpu.memory_space<hbm>>) dst(%arg9 : memref<40x128xi32, #tpu.memory_space<vmem>>)
      tpu.yield
    }) : () -> ()
    %dma_start3A_62 = arith.constant 0 : i32
    %dma_start3A_63 = arith.constant 0 : i32
    %dma_start3A_64 = tpu.memref_slice %arg8[%dma_start3A_62, %dma_start3A_63] : memref<40x128xi32, #tpu.memory_space<vmem>> -> memref<1x128xi32, #tpu.memory_space<vmem>>
    %dma_start3A_65 = tpu.memref_squeeze %dma_start3A_64 : memref<1x128xi32, #tpu.memory_space<vmem>> -> memref<128xi32, #tpu.memory_space<vmem>>
    %dma_start3A_66 = arith.constant 0 : i32
    %dma_start3A_67 = arith.constant 0 : i32
    %dma_start3A_68 = tpu.memref_slice %arg2[%dma_start3A_66, %dma_start3A_67] : memref<10000x128xf32, #tpu.memory_space<hbm>> -> memref<10000x128xf32, #tpu.memory_space<hbm>>
    tpu.enqueue_indirect_dma source(%dma_start3A_68 : memref<10000x128xf32, #tpu.memory_space<hbm>>) target(%arg10 : memref<128x128xf32, #tpu.memory_space<vmem>>) offsets(%dma_start3A_65 : memref<128xi32, #tpu.memory_space<vmem>>) semaphore(%arg12 : memref<!tpu.dma_semaphore, #tpu.memory_space<semaphore_mem>>)
    %scan3A_69 = arith.constant 0 : i32
    %scan3A_70 = arith.constant 0 : i32
    %scan3A_71 = arith.constant 20 : i32
    %scan3A_72 = arith.addi %scan3A_70, %scan3A_71 : i32
    %scan3A_73 = arith.constant 1 : i32
    scf.for %scan3A_238 = %scan3A_70 to %scan3A_72 step %scan3A_73  : i32 {
      %mul3A_239 = arith.constant 2 : i32
      %mul3A_240 = arith.muli %mul3A_239, %scan3A_238 : i32
      %add3A_241 = arith.constant 1 : i32
      %add3A_242 = arith.addi %mul3A_240, %add3A_241 : i32
      %dma_wait3A = arith.constant 0 : i32
      %dma_wait3A_243 = tpu.memref_slice %arg8[%mul3A_240, %dma_wait3A] : memref<40x128xi32, #tpu.memory_space<vmem>> -> memref<1x128xi32, #tpu.memory_space<vmem>>
      %dma_wait3A_244 = tpu.memref_squeeze %dma_wait3A_243 : memref<1x128xi32, #tpu.memory_space<vmem>> -> memref<128xi32, #tpu.memory_space<vmem>>
      %dma_wait3A_245 = arith.constant 0 : i32
      %dma_wait3A_246 = arith.constant 0 : i32
      %dma_wait3A_247 = tpu.memref_slice %arg2[%dma_wait3A_245, %dma_wait3A_246] : memref<10000x128xf32, #tpu.memory_space<hbm>> -> memref<10000x128xf32, #tpu.memory_space<hbm>>
      tpu.wait_indirect_dma semaphore(%arg12 : memref<!tpu.dma_semaphore, #tpu.memory_space<semaphore_mem>>) src(%dma_wait3A_247 : memref<10000x128xf32, #tpu.memory_space<hbm>>) dst(%arg10 : memref<128x128xf32, #tpu.memory_space<vmem>>)
      %dma_start3A_248 = arith.constant 0 : i32
      %dma_start3A_249 = tpu.memref_slice %arg8[%add3A_242, %dma_start3A_248] : memref<40x128xi32, #tpu.memory_space<vmem>> -> memref<1x128xi32, #tpu.memory_space<vmem>>
      %dma_start3A_250 = tpu.memref_squeeze %dma_start3A_249 : memref<1x128xi32, #tpu.memory_space<vmem>> -> memref<128xi32, #tpu.memory_space<vmem>>
      %dma_start3A_251 = arith.constant 0 : i32
      %dma_start3A_252 = arith.constant 0 : i32
      %dma_start3A_253 = tpu.memref_slice %arg2[%dma_start3A_251, %dma_start3A_252] : memref<10000x128xf32, #tpu.memory_space<hbm>> -> memref<10000x128xf32, #tpu.memory_space<hbm>>
      tpu.enqueue_indirect_dma source(%dma_start3A_253 : memref<10000x128xf32, #tpu.memory_space<hbm>>) target(%arg11 : memref<128x128xf32, #tpu.memory_space<vmem>>) offsets(%dma_start3A_250 : memref<128xi32, #tpu.memory_space<vmem>>) semaphore(%arg13 : memref<!tpu.dma_semaphore, #tpu.memory_space<semaphore_mem>>)
      "tpu.region"() ({
        %run_scoped3A_262 = tpu.sem_alloc : memref<!tpu.dma_semaphore, #tpu.memory_space<semaphore_mem>>
        %dma_start3A_263 = arith.constant 0 : i32
        %dma_start3A_264 = tpu.memref_slice %arg9[%mul3A_240, %dma_start3A_263] : memref<40x128xi32, #tpu.memory_space<vmem>> -> memref<1x128xi32, #tpu.memory_space<vmem>>
        %dma_start3A_265 = tpu.memref_squeeze %dma_start3A_264 : memref<1x128xi32, #tpu.memory_space<vmem>> -> memref<128xi32, #tpu.memory_space<vmem>>
        %dma_start3A_266 = arith.constant 0 : i32
        %dma_start3A_267 = arith.constant 0 : i32
        %dma_start3A_268 = tpu.memref_slice %arg7[%dma_start3A_266, %dma_start3A_267] : memref<10240x128xf32, #tpu.memory_space<vmem_shared>> -> memref<10240x128xf32, #tpu.memory_space<vmem_shared>>
        tpu.enqueue_indirect_dma source(%arg10 : memref<128x128xf32, #tpu.memory_space<vmem>>) target(%dma_start3A_268 : memref<10240x128xf32, #tpu.memory_space<vmem_shared>>) offsets(%dma_start3A_265 : memref<128xi32, #tpu.memory_space<vmem>>) semaphore(%run_scoped3A_262 : memref<!tpu.dma_semaphore, #tpu.memory_space<semaphore_mem>>) {add = true}
        %dma_wait3A_269 = arith.constant 0 : i32
        %dma_wait3A_270 = tpu.memref_slice %arg9[%mul3A_240, %dma_wait3A_269] : memref<40x128xi32, #tpu.memory_space<vmem>> -> memref<1x128xi32, #tpu.memory_space<vmem>>
        %dma_wait3A_271 = tpu.memref_squeeze %dma_wait3A_270 : memref<1x128xi32, #tpu.memory_space<vmem>> -> memref<128xi32, #tpu.memory_space<vmem>>
        %dma_wait3A_272 = arith.constant 0 : i32
        %dma_wait3A_273 = arith.constant 0 : i32
        %dma_wait3A_274 = tpu.memref_slice %arg7[%dma_wait3A_272, %dma_wait3A_273] : memref<10240x128xf32, #tpu.memory_space<vmem_shared>> -> memref<10240x128xf32, #tpu.memory_space<vmem_shared>>
        tpu.wait_indirect_dma semaphore(%run_scoped3A_262 : memref<!tpu.dma_semaphore, #tpu.memory_space<semaphore_mem>>) src(%arg10 : memref<128x128xf32, #tpu.memory_space<vmem>>) dst(%dma_wait3A_274 : memref<10240x128xf32, #tpu.memory_space<vmem_shared>>)
        tpu.yield
      }) : () -> ()
      %dma_wait3A_254 = arith.constant 0 : i32
      %dma_wait3A_255 = tpu.memref_slice %arg8[%add3A_242, %dma_wait3A_254] : memref<40x128xi32, #tpu.memory_space<vmem>> -> memref<1x128xi32, #tpu.memory_space<vmem>>
      %dma_wait3A_256 = tpu.memref_squeeze %dma_wait3A_255 : memref<1x128xi32, #tpu.memory_space<vmem>> -> memref<128xi32, #tpu.memory_space<vmem>>
      %dma_wait3A_257 = arith.constant 0 : i32
      %dma_wait3A_258 = arith.constant 0 : i32
      %dma_wait3A_259 = tpu.memref_slice %arg2[%dma_wait3A_257, %dma_wait3A_258] : memref<10000x128xf32, #tpu.memory_space<hbm>> -> memref<10000x128xf32, #tpu.memory_space<hbm>>
      tpu.wait_indirect_dma semaphore(%arg13 : memref<!tpu.dma_semaphore, #tpu.memory_space<semaphore_mem>>) src(%dma_wait3A_259 : memref<10000x128xf32, #tpu.memory_space<hbm>>) dst(%arg11 : memref<128x128xf32, #tpu.memory_space<vmem>>)
      %lt3A = arith.constant 19 : i32
      %lt3A_260 = arith.cmpi slt, %scan3A_238, %lt3A : i32
      %convert_element_type3A = arith.extui %lt3A_260 : i1 to i32
      %cond3A = arith.constant 0 : i32
      %cond3A_261 = arith.cmpi ne, %convert_element_type3A, %cond3A : i32
      scf.if %cond3A_261 {
        %add3A_262 = arith.constant 2 : i32
        %add3A_263 = arith.addi %mul3A_240, %add3A_262 : i32
        %dma_start3A_264 = arith.constant 0 : i32
        %dma_start3A_265 = tpu.memref_slice %arg8[%add3A_263, %dma_start3A_264] : memref<40x128xi32, #tpu.memory_space<vmem>> -> memref<1x128xi32, #tpu.memory_space<vmem>>
        %dma_start3A_266 = tpu.memref_squeeze %dma_start3A_265 : memref<1x128xi32, #tpu.memory_space<vmem>> -> memref<128xi32, #tpu.memory_space<vmem>>
        %dma_start3A_267 = arith.constant 0 : i32
        %dma_start3A_268 = arith.constant 0 : i32
        %dma_start3A_269 = tpu.memref_slice %arg2[%dma_start3A_267, %dma_start3A_268] : memref<10000x128xf32, #tpu.memory_space<hbm>> -> memref<10000x128xf32, #tpu.memory_space<hbm>>
        tpu.enqueue_indirect_dma source(%dma_start3A_269 : memref<10000x128xf32, #tpu.memory_space<hbm>>) target(%arg10 : memref<128x128xf32, #tpu.memory_space<vmem>>) offsets(%dma_start3A_266 : memref<128xi32, #tpu.memory_space<vmem>>) semaphore(%arg12 : memref<!tpu.dma_semaphore, #tpu.memory_space<semaphore_mem>>)
      } else {
      }
      "tpu.region"() ({
        %run_scoped3A_262 = tpu.sem_alloc : memref<!tpu.dma_semaphore, #tpu.memory_space<semaphore_mem>>
        %dma_start3A_263 = arith.constant 0 : i32
        %dma_start3A_264 = tpu.memref_slice %arg9[%add3A_242, %dma_start3A_263] : memref<40x128xi32, #tpu.memory_space<vmem>> -> memref<1x128xi32, #tpu.memory_space<vmem>>
        %dma_start3A_265 = tpu.memref_squeeze %dma_start3A_264 : memref<1x128xi32, #tpu.memory_space<vmem>> -> memref<128xi32, #tpu.memory_space<vmem>>
        %dma_start3A_266 = arith.constant 0 : i32
        %dma_start3A_267 = arith.constant 0 : i32
        %dma_start3A_268 = tpu.memref_slice %arg7[%dma_start3A_266, %dma_start3A_267] : memref<10240x128xf32, #tpu.memory_space<vmem_shared>> -> memref<10240x128xf32, #tpu.memory_space<vmem_shared>>
        tpu.enqueue_indirect_dma source(%arg11 : memref<128x128xf32, #tpu.memory_space<vmem>>) target(%dma_start3A_268 : memref<10240x128xf32, #tpu.memory_space<vmem_shared>>) offsets(%dma_start3A_265 : memref<128xi32, #tpu.memory_space<vmem>>) semaphore(%run_scoped3A_262 : memref<!tpu.dma_semaphore, #tpu.memory_space<semaphore_mem>>) {add = true}
        %dma_wait3A_269 = arith.constant 0 : i32
        %dma_wait3A_270 = tpu.memref_slice %arg9[%add3A_242, %dma_wait3A_269] : memref<40x128xi32, #tpu.memory_space<vmem>> -> memref<1x128xi32, #tpu.memory_space<vmem>>
        %dma_wait3A_271 = tpu.memref_squeeze %dma_wait3A_270 : memref<1x128xi32, #tpu.memory_space<vmem>> -> memref<128xi32, #tpu.memory_space<vmem>>
        %dma_wait3A_272 = arith.constant 0 : i32
        %dma_wait3A_273 = arith.constant 0 : i32
        %dma_wait3A_274 = tpu.memref_slice %arg7[%dma_wait3A_272, %dma_wait3A_273] : memref<10240x128xf32, #tpu.memory_space<vmem_shared>> -> memref<10240x128xf32, #tpu.memory_space<vmem_shared>>
        tpu.wait_indirect_dma semaphore(%run_scoped3A_262 : memref<!tpu.dma_semaphore, #tpu.memory_space<semaphore_mem>>) src(%arg11 : memref<128x128xf32, #tpu.memory_space<vmem>>) dst(%dma_wait3A_274 : memref<10240x128xf32, #tpu.memory_space<vmem_shared>>)
        tpu.yield
      }) : () -> ()
    }
    %scan3A_74 = arith.constant 20 : i32
    %barrier3A_75 = arith.constant 0 : index
    tpu.barrier barrier_id(%barrier3A_75)
    %mul3A_76 = arith.constant 640 : i32
    %mul3A_77 = arith.muli %arg1, %mul3A_76 : i32
    %run_scoped3A = arith.constant 0 : i32
    "tpu.region"() ({
      %run_scoped3A_238 = tpu.sem_alloc : memref<!tpu.dma_semaphore, #tpu.memory_space<semaphore_mem>>
      %dma_start3A_239 = arith.constant 0 : i32
      %dma_start3A_240 = tpu.memref_slice %arg6[%run_scoped3A, %arg0, %mul3A_77, %dma_start3A_239] : memref<3x2x10240x128xf32, #tpu.memory_space<hbm>> -> memref<1x1x640x128xf32, #tpu.memory_space<hbm>>
      %dma_start3A_241 = tpu.memref_squeeze %dma_start3A_240 : memref<1x1x640x128xf32, #tpu.memory_space<hbm>> -> memref<640x128xf32, #tpu.memory_space<hbm>>
      %dma_start3A_242 = arith.constant 0 : i32
      %dma_start3A_243 = tpu.memref_slice %arg7[%mul3A_77, %dma_start3A_242] : memref<10240x128xf32, #tpu.memory_space<vmem_shared>> -> memref<640x128xf32, #tpu.memory_space<vmem_shared>>
      tpu.enqueue_dma source(%dma_start3A_243 : memref<640x128xf32, #tpu.memory_space<vmem_shared>>) target(%dma_start3A_241 : memref<640x128xf32, #tpu.memory_space<hbm>>) target_semaphore(%run_scoped3A_238 : memref<!tpu.dma_semaphore, #tpu.memory_space<semaphore_mem>>)
      %dma_wait3A = arith.constant 0 : i32
      %dma_wait3A_244 = tpu.memref_slice %arg6[%run_scoped3A, %arg0, %mul3A_77, %dma_wait3A] : memref<3x2x10240x128xf32, #tpu.memory_space<hbm>> -> memref<1x1x640x128xf32, #tpu.memory_space<hbm>>
      %dma_wait3A_245 = tpu.memref_squeeze %dma_wait3A_244 : memref<1x1x640x128xf32, #tpu.memory_space<hbm>> -> memref<640x128xf32, #tpu.memory_space<hbm>>
      %dma_wait3A_246 = arith.constant 0 : i32
      %dma_wait3A_247 = tpu.memref_slice %arg7[%mul3A_77, %dma_wait3A_246] : memref<10240x128xf32, #tpu.memory_space<vmem_shared>> -> memref<640x128xf32, #tpu.memory_space<vmem_shared>>
      tpu.wait_dma2 semaphore(%run_scoped3A_238 : memref<!tpu.dma_semaphore, #tpu.memory_space<semaphore_mem>>) src(%dma_wait3A_247 : memref<640x128xf32, #tpu.memory_space<vmem_shared>>) dst(%dma_wait3A_245 : memref<640x128xf32, #tpu.memory_space<hbm>>)
      tpu.yield
    }) : () -> ()
    %barrier3A_78 = arith.constant 0 : index
    tpu.barrier barrier_id(%barrier3A_78)
    %scan3A_79 = arith.constant 0 : i32
    %scan3A_80 = arith.constant 0 : i32
    %scan3A_81 = arith.constant 128 : i32
    %scan3A_82 = arith.addi %scan3A_80, %scan3A_81 : i32
    %scan3A_83 = arith.constant 1 : i32
    scf.for %scan3A_238 = %scan3A_80 to %scan3A_82 step %scan3A_83  : i32 {
      %swap3A = arith.index_cast %scan3A_238 : i32 to index
      %swap3A_239 = arith.constant 0 : index
      %swap3A_240 = tpu.vector_load %arg10[%swap3A, %swap3A_239] {strides = array<i32>} : memref<128x128xf32, #tpu.memory_space<vmem>>, vector<1x16xf32>,
      %swap3A_241 = vector.shape_cast %swap3A_240 : vector<1x16xf32> to vector<16xf32>
      %swap3A_242 = vector.shape_cast %broadcast_in_dim3A_1 : vector<16xf32> to vector<1x16xf32>
      tpu.vector_store %arg10[%swap3A, %swap3A_239], %swap3A_242 {strides = array<i32>} : memref<128x128xf32, #tpu.memory_space<vmem>>, vector<1x16xf32>,
      %swap3A_243 = arith.index_cast %scan3A_238 : i32 to index
      %swap3A_244 = arith.constant 16 : index
      %swap3A_245 = tpu.vector_load %arg10[%swap3A_243, %swap3A_244] {strides = array<i32>} : memref<128x128xf32, #tpu.memory_space<vmem>>, vector<1x16xf32>,
      %swap3A_246 = vector.shape_cast %swap3A_245 : vector<1x16xf32> to vector<16xf32>
      %swap3A_247 = vector.shape_cast %broadcast_in_dim3A_1 : vector<16xf32> to vector<1x16xf32>
      tpu.vector_store %arg10[%swap3A_243, %swap3A_244], %swap3A_247 {strides = array<i32>} : memref<128x128xf32, #tpu.memory_space<vmem>>, vector<1x16xf32>,
      %swap3A_248 = arith.index_cast %scan3A_238 : i32 to index
      %swap3A_249 = arith.constant 32 : index
      %swap3A_250 = tpu.vector_load %arg10[%swap3A_248, %swap3A_249] {strides = array<i32>} : memref<128x128xf32, #tpu.memory_space<vmem>>, vector<1x16xf32>,
      %swap3A_251 = vector.shape_cast %swap3A_250 : vector<1x16xf32> to vector<16xf32>
      %swap3A_252 = vector.shape_cast %broadcast_in_dim3A_1 : vector<16xf32> to vector<1x16xf32>
      tpu.vector_store %arg10[%swap3A_248, %swap3A_249], %swap3A_252 {strides = array<i32>} : memref<128x128xf32, #tpu.memory_space<vmem>>, vector<1x16xf32>,
      %swap3A_253 = arith.index_cast %scan3A_238 : i32 to index
      %swap3A_254 = arith.constant 48 : index
      %swap3A_255 = tpu.vector_load %arg10[%swap3A_253, %swap3A_254] {strides = array<i32>} : memref<128x128xf32, #tpu.memory_space<vmem>>, vector<1x16xf32>,
      %swap3A_256 = vector.shape_cast %swap3A_255 : vector<1x16xf32> to vector<16xf32>
      %swap3A_257 = vector.shape_cast %broadcast_in_dim3A_1 : vector<16xf32> to vector<1x16xf32>
      tpu.vector_store %arg10[%swap3A_253, %swap3A_254], %swap3A_257 {strides = array<i32>} : memref<128x128xf32, #tpu.memory_space<vmem>>, vector<1x16xf32>,
      %swap3A_258 = arith.index_cast %scan3A_238 : i32 to index
      %swap3A_259 = arith.constant 64 : index
      %swap3A_260 = tpu.vector_load %arg10[%swap3A_258, %swap3A_259] {strides = array<i32>} : memref<128x128xf32, #tpu.memory_space<vmem>>, vector<1x16xf32>,
      %swap3A_261 = vector.shape_cast %swap3A_260 : vector<1x16xf32> to vector<16xf32>
      %swap3A_262 = vector.shape_cast %broadcast_in_dim3A_1 : vector<16xf32> to vector<1x16xf32>
      tpu.vector_store %arg10[%swap3A_258, %swap3A_259], %swap3A_262 {strides = array<i32>} : memref<128x128xf32, #tpu.memory_space<vmem>>, vector<1x16xf32>,
      %swap3A_263 = arith.index_cast %scan3A_238 : i32 to index
      %swap3A_264 = arith.constant 80 : index
      %swap3A_265 = tpu.vector_load %arg10[%swap3A_263, %swap3A_264] {strides = array<i32>} : memref<128x128xf32, #tpu.memory_space<vmem>>, vector<1x16xf32>,
      %swap3A_266 = vector.shape_cast %swap3A_265 : vector<1x16xf32> to vector<16xf32>
      %swap3A_267 = vector.shape_cast %broadcast_in_dim3A_1 : vector<16xf32> to vector<1x16xf32>
      tpu.vector_store %arg10[%swap3A_263, %swap3A_264], %swap3A_267 {strides = array<i32>} : memref<128x128xf32, #tpu.memory_space<vmem>>, vector<1x16xf32>,
      %swap3A_268 = arith.index_cast %scan3A_238 : i32 to index
      %swap3A_269 = arith.constant 96 : index
      %swap3A_270 = tpu.vector_load %arg10[%swap3A_268, %swap3A_269] {strides = array<i32>} : memref<128x128xf32, #tpu.memory_space<vmem>>, vector<1x16xf32>,
      %swap3A_271 = vector.shape_cast %swap3A_270 : vector<1x16xf32> to vector<16xf32>
      %swap3A_272 = vector.shape_cast %broadcast_in_dim3A_1 : vector<16xf32> to vector<1x16xf32>
      tpu.vector_store %arg10[%swap3A_268, %swap3A_269], %swap3A_272 {strides = array<i32>} : memref<128x128xf32, #tpu.memory_space<vmem>>, vector<1x16xf32>,
      %swap3A_273 = arith.index_cast %scan3A_238 : i32 to index
      %swap3A_274 = arith.constant 112 : index
      %swap3A_275 = tpu.vector_load %arg10[%swap3A_273, %swap3A_274] {strides = array<i32>} : memref<128x128xf32, #tpu.memory_space<vmem>>, vector<1x16xf32>,
      %swap3A_276 = vector.shape_cast %swap3A_275 : vector<1x16xf32> to vector<16xf32>
      %swap3A_277 = vector.shape_cast %broadcast_in_dim3A_1 : vector<16xf32> to vector<1x16xf32>
      tpu.vector_store %arg10[%swap3A_273, %swap3A_274], %swap3A_277 {strides = array<i32>} : memref<128x128xf32, #tpu.memory_space<vmem>>, vector<1x16xf32>,
    }
    %scan3A_84 = arith.constant 128 : i32
    %mul3A_85 = arith.constant 5 : i32
    %mul3A_86 = arith.muli %arg1, %mul3A_85 : i32
    %add3A_87 = arith.constant 0 : i32
    %add3A_88 = arith.addi %mul3A_86, %add3A_87 : i32
    %mul3A_89 = arith.constant 128 : i32
    %mul3A_90 = arith.muli %add3A_88, %mul3A_89 : i32
    "tpu.region"() ({
      %run_scoped3A_238 = tpu.sem_alloc : memref<!tpu.dma_semaphore, #tpu.memory_space<semaphore_mem>>
      %dma_start3A_239 = arith.constant 0 : i32
      %dma_start3A_240 = tpu.memref_slice %arg7[%mul3A_90, %dma_start3A_239] : memref<10240x128xf32, #tpu.memory_space<vmem_shared>> -> memref<128x128xf32, #tpu.memory_space<vmem_shared>>
      %dma_start3A_241 = arith.constant 0 : i32
      %dma_start3A_242 = tpu.memref_slice %arg7[%mul3A_90, %dma_start3A_241] : memref<10240x128xf32, #tpu.memory_space<vmem_shared>> -> memref<128x128xf32, #tpu.memory_space<vmem_shared>>
      tpu.enqueue_dma source(%arg10 : memref<128x128xf32, #tpu.memory_space<vmem>>) target(%dma_start3A_242 : memref<128x128xf32, #tpu.memory_space<vmem_shared>>) target_semaphore(%run_scoped3A_238 : memref<!tpu.dma_semaphore, #tpu.memory_space<semaphore_mem>>)
      %dma_wait3A = arith.constant 0 : i32
      %dma_wait3A_243 = tpu.memref_slice %arg7[%mul3A_90, %dma_wait3A] : memref<10240x128xf32, #tpu.memory_space<vmem_shared>> -> memref<128x128xf32, #tpu.memory_space<vmem_shared>>
      %dma_wait3A_244 = arith.constant 0 : i32
      %dma_wait3A_245 = tpu.memref_slice %arg7[%mul3A_90, %dma_wait3A_244] : memref<10240x128xf32, #tpu.memory_space<vmem_shared>> -> memref<128x128xf32, #tpu.memory_space<vmem_shared>>
      tpu.wait_dma2 semaphore(%run_scoped3A_238 : memref<!tpu.dma_semaphore, #tpu.memory_space<semaphore_mem>>) src(%arg10 : memref<128x128xf32, #tpu.memory_space<vmem>>) dst(%dma_wait3A_245 : memref<128x128xf32, #tpu.memory_space<vmem_shared>>)
      tpu.yield
    }) : () -> ()
    %mul3A_91 = arith.constant 5 : i32
    %mul3A_92 = arith.muli %arg1, %mul3A_91 : i32
    %add3A_93 = arith.constant 1 : i32
    %add3A_94 = arith.addi %mul3A_92, %add3A_93 : i32
    %mul3A_95 = arith.constant 128 : i32
    %mul3A_96 = arith.muli %add3A_94, %mul3A_95 : i32
    "tpu.region"() ({
      %run_scoped3A_238 = tpu.sem_alloc : memref<!tpu.dma_semaphore, #tpu.memory_space<semaphore_mem>>
      %dma_start3A_239 = arith.constant 0 : i32
      %dma_start3A_240 = tpu.memref_slice %arg7[%mul3A_96, %dma_start3A_239] : memref<10240x128xf32, #tpu.memory_space<vmem_shared>> -> memref<128x128xf32, #tpu.memory_space<vmem_shared>>
      %dma_start3A_241 = arith.constant 0 : i32
      %dma_start3A_242 = tpu.memref_slice %arg7[%mul3A_96, %dma_start3A_241] : memref<10240x128xf32, #tpu.memory_space<vmem_shared>> -> memref<128x128xf32, #tpu.memory_space<vmem_shared>>
      tpu.enqueue_dma source(%arg10 : memref<128x128xf32, #tpu.memory_space<vmem>>) target(%dma_start3A_242 : memref<128x128xf32, #tpu.memory_space<vmem_shared>>) target_semaphore(%run_scoped3A_238 : memref<!tpu.dma_semaphore, #tpu.memory_space<semaphore_mem>>)
      %dma_wait3A = arith.constant 0 : i32
      %dma_wait3A_243 = tpu.memref_slice %arg7[%mul3A_96, %dma_wait3A] : memref<10240x128xf32, #tpu.memory_space<vmem_shared>> -> memref<128x128xf32, #tpu.memory_space<vmem_shared>>
      %dma_wait3A_244 = arith.constant 0 : i32
      %dma_wait3A_245 = tpu.memref_slice %arg7[%mul3A_96, %dma_wait3A_244] : memref<10240x128xf32, #tpu.memory_space<vmem_shared>> -> memref<128x128xf32, #tpu.memory_space<vmem_shared>>
      tpu.wait_dma2 semaphore(%run_scoped3A_238 : memref<!tpu.dma_semaphore, #tpu.memory_space<semaphore_mem>>) src(%arg10 : memref<128x128xf32, #tpu.memory_space<vmem>>) dst(%dma_wait3A_245 : memref<128x128xf32, #tpu.memory_space<vmem_shared>>)
      tpu.yield
    }) : () -> ()
    %mul3A_97 = arith.constant 5 : i32
    %mul3A_98 = arith.muli %arg1, %mul3A_97 : i32
    %add3A_99 = arith.constant 2 : i32
    %add3A_100 = arith.addi %mul3A_98, %add3A_99 : i32
    %mul3A_101 = arith.constant 128 : i32
    %mul3A_102 = arith.muli %add3A_100, %mul3A_101 : i32
    "tpu.region"() ({
      %run_scoped3A_238 = tpu.sem_alloc : memref<!tpu.dma_semaphore, #tpu.memory_space<semaphore_mem>>
      %dma_start3A_239 = arith.constant 0 : i32
      %dma_start3A_240 = tpu.memref_slice %arg7[%mul3A_102, %dma_start3A_239] : memref<10240x128xf32, #tpu.memory_space<vmem_shared>> -> memref<128x128xf32, #tpu.memory_space<vmem_shared>>
      %dma_start3A_241 = arith.constant 0 : i32
      %dma_start3A_242 = tpu.memref_slice %arg7[%mul3A_102, %dma_start3A_241] : memref<10240x128xf32, #tpu.memory_space<vmem_shared>> -> memref<128x128xf32, #tpu.memory_space<vmem_shared>>
      tpu.enqueue_dma source(%arg10 : memref<128x128xf32, #tpu.memory_space<vmem>>) target(%dma_start3A_242 : memref<128x128xf32, #tpu.memory_space<vmem_shared>>) target_semaphore(%run_scoped3A_238 : memref<!tpu.dma_semaphore, #tpu.memory_space<semaphore_mem>>)
      %dma_wait3A = arith.constant 0 : i32
      %dma_wait3A_243 = tpu.memref_slice %arg7[%mul3A_102, %dma_wait3A] : memref<10240x128xf32, #tpu.memory_space<vmem_shared>> -> memref<128x128xf32, #tpu.memory_space<vmem_shared>>
      %dma_wait3A_244 = arith.constant 0 : i32
      %dma_wait3A_245 = tpu.memref_slice %arg7[%mul3A_102, %dma_wait3A_244] : memref<10240x128xf32, #tpu.memory_space<vmem_shared>> -> memref<128x128xf32, #tpu.memory_space<vmem_shared>>
      tpu.wait_dma2 semaphore(%run_scoped3A_238 : memref<!tpu.dma_semaphore, #tpu.memory_space<semaphore_mem>>) src(%arg10 : memref<128x128xf32, #tpu.memory_space<vmem>>) dst(%dma_wait3A_245 : memref<128x128xf32, #tpu.memory_space<vmem_shared>>)
      tpu.yield
    }) : () -> ()
    %mul3A_103 = arith.constant 5 : i32
    %mul3A_104 = arith.muli %arg1, %mul3A_103 : i32
    %add3A_105 = arith.constant 3 : i32
    %add3A_106 = arith.addi %mul3A_104, %add3A_105 : i32
    %mul3A_107 = arith.constant 128 : i32
    %mul3A_108 = arith.muli %add3A_106, %mul3A_107 : i32
    "tpu.region"() ({
      %run_scoped3A_238 = tpu.sem_alloc : memref<!tpu.dma_semaphore, #tpu.memory_space<semaphore_mem>>
      %dma_start3A_239 = arith.constant 0 : i32
      %dma_start3A_240 = tpu.memref_slice %arg7[%mul3A_108, %dma_start3A_239] : memref<10240x128xf32, #tpu.memory_space<vmem_shared>> -> memref<128x128xf32, #tpu.memory_space<vmem_shared>>
      %dma_start3A_241 = arith.constant 0 : i32
      %dma_start3A_242 = tpu.memref_slice %arg7[%mul3A_108, %dma_start3A_241] : memref<10240x128xf32, #tpu.memory_space<vmem_shared>> -> memref<128x128xf32, #tpu.memory_space<vmem_shared>>
      tpu.enqueue_dma source(%arg10 : memref<128x128xf32, #tpu.memory_space<vmem>>) target(%dma_start3A_242 : memref<128x128xf32, #tpu.memory_space<vmem_shared>>) target_semaphore(%run_scoped3A_238 : memref<!tpu.dma_semaphore, #tpu.memory_space<semaphore_mem>>)
      %dma_wait3A = arith.constant 0 : i32
      %dma_wait3A_243 = tpu.memref_slice %arg7[%mul3A_108, %dma_wait3A] : memref<10240x128xf32, #tpu.memory_space<vmem_shared>> -> memref<128x128xf32, #tpu.memory_space<vmem_shared>>
      %dma_wait3A_244 = arith.constant 0 : i32
      %dma_wait3A_245 = tpu.memref_slice %arg7[%mul3A_108, %dma_wait3A_244] : memref<10240x128xf32, #tpu.memory_space<vmem_shared>> -> memref<128x128xf32, #tpu.memory_space<vmem_shared>>
      tpu.wait_dma2 semaphore(%run_scoped3A_238 : memref<!tpu.dma_semaphore, #tpu.memory_space<semaphore_mem>>) src(%arg10 : memref<128x128xf32, #tpu.memory_space<vmem>>) dst(%dma_wait3A_245 : memref<128x128xf32, #tpu.memory_space<vmem_shared>>)
      tpu.yield
    }) : () -> ()
    %mul3A_109 = arith.constant 5 : i32
    %mul3A_110 = arith.muli %arg1, %mul3A_109 : i32
    %add3A_111 = arith.constant 4 : i32
    %add3A_112 = arith.addi %mul3A_110, %add3A_111 : i32
    %mul3A_113 = arith.constant 128 : i32
    %mul3A_114 = arith.muli %add3A_112, %mul3A_113 : i32
    "tpu.region"() ({
      %run_scoped3A_238 = tpu.sem_alloc : memref<!tpu.dma_semaphore, #tpu.memory_space<semaphore_mem>>
      %dma_start3A_239 = arith.constant 0 : i32
      %dma_start3A_240 = tpu.memref_slice %arg7[%mul3A_114, %dma_start3A_239] : memref<10240x128xf32, #tpu.memory_space<vmem_shared>> -> memref<128x128xf32, #tpu.memory_space<vmem_shared>>
      %dma_start3A_241 = arith.constant 0 : i32
      %dma_start3A_242 = tpu.memref_slice %arg7[%mul3A_114, %dma_start3A_241] : memref<10240x128xf32, #tpu.memory_space<vmem_shared>> -> memref<128x128xf32, #tpu.memory_space<vmem_shared>>
      tpu.enqueue_dma source(%arg10 : memref<128x128xf32, #tpu.memory_space<vmem>>) target(%dma_start3A_242 : memref<128x128xf32, #tpu.memory_space<vmem_shared>>) target_semaphore(%run_scoped3A_238 : memref<!tpu.dma_semaphore, #tpu.memory_space<semaphore_mem>>)
      %dma_wait3A = arith.constant 0 : i32
      %dma_wait3A_243 = tpu.memref_slice %arg7[%mul3A_114, %dma_wait3A] : memref<10240x128xf32, #tpu.memory_space<vmem_shared>> -> memref<128x128xf32, #tpu.memory_space<vmem_shared>>
      %dma_wait3A_244 = arith.constant 0 : i32
      %dma_wait3A_245 = tpu.memref_slice %arg7[%mul3A_114, %dma_wait3A_244] : memref<10240x128xf32, #tpu.memory_space<vmem_shared>> -> memref<128x128xf32, #tpu.memory_space<vmem_shared>>
      tpu.wait_dma2 semaphore(%run_scoped3A_238 : memref<!tpu.dma_semaphore, #tpu.memory_space<semaphore_mem>>) src(%arg10 : memref<128x128xf32, #tpu.memory_space<vmem>>) dst(%dma_wait3A_245 : memref<128x128xf32, #tpu.memory_space<vmem_shared>>)
      tpu.yield
    }) : () -> ()
    %barrier3A_115 = arith.constant 0 : index
    tpu.barrier barrier_id(%barrier3A_115)
    %mul3A_116 = arith.constant 80 : i32
    %mul3A_117 = arith.muli %add3A, %mul3A_116 : i32
    %add3A_118 = arith.constant 2560 : i32
    %add3A_119 = arith.addi %add3A_118, %mul3A_117 : i32
    %add3A_120 = arith.constant 0 : i32
    %add3A_121 = arith.addi %add3A_119, %add3A_120 : i32
    "tpu.region"() ({
      %run_scoped3A_238 = tpu.sem_alloc : memref<!tpu.dma_semaphore, #tpu.memory_space<semaphore_mem>>
      %dma_start3A_239 = arith.constant 0 : i32
      %dma_start3A_240 = tpu.memref_slice %arg4[%add3A_121, %dma_start3A_239] : memref<7680x128xi32, #tpu.memory_space<hbm>> -> memref<40x128xi32, #tpu.memory_space<hbm>>
      %dma_start3A_241 = arith.constant 0 : i32
      %dma_start3A_242 = tpu.memref_slice %arg4[%add3A_121, %dma_start3A_241] : memref<7680x128xi32, #tpu.memory_space<hbm>> -> memref<40x128xi32, #tpu.memory_space<hbm>>
      tpu.enqueue_dma source(%dma_start3A_242 : memref<40x128xi32, #tpu.memory_space<hbm>>) target(%arg8 : memref<40x128xi32, #tpu.memory_space<vmem>>) target_semaphore(%run_scoped3A_238 : memref<!tpu.dma_semaphore, #tpu.memory_space<semaphore_mem>>)
      %dma_wait3A = arith.constant 0 : i32
      %dma_wait3A_243 = tpu.memref_slice %arg4[%add3A_121, %dma_wait3A] : memref<7680x128xi32, #tpu.memory_space<hbm>> -> memref<40x128xi32, #tpu.memory_space<hbm>>
      %dma_wait3A_244 = arith.constant 0 : i32
      %dma_wait3A_245 = tpu.memref_slice %arg4[%add3A_121, %dma_wait3A_244] : memref<7680x128xi32, #tpu.memory_space<hbm>> -> memref<40x128xi32, #tpu.memory_space<hbm>>
      tpu.wait_dma2 semaphore(%run_scoped3A_238 : memref<!tpu.dma_semaphore, #tpu.memory_space<semaphore_mem>>) src(%dma_wait3A_245 : memref<40x128xi32, #tpu.memory_space<hbm>>) dst(%arg8 : memref<40x128xi32, #tpu.memory_space<vmem>>)
      tpu.yield
    }) : () -> ()
    "tpu.region"() ({
      %run_scoped3A_238 = tpu.sem_alloc : memref<!tpu.dma_semaphore, #tpu.memory_space<semaphore_mem>>
      %dma_start3A_239 = arith.constant 0 : i32
      %dma_start3A_240 = tpu.memref_slice %arg5[%add3A_121, %dma_start3A_239] : memref<7680x128xi32, #tpu.memory_space<hbm>> -> memref<40x128xi32, #tpu.memory_space<hbm>>
      %dma_start3A_241 = arith.constant 0 : i32
      %dma_start3A_242 = tpu.memref_slice %arg5[%add3A_121, %dma_start3A_241] : memref<7680x128xi32, #tpu.memory_space<hbm>> -> memref<40x128xi32, #tpu.memory_space<hbm>>
      tpu.enqueue_dma source(%dma_start3A_242 : memref<40x128xi32, #tpu.memory_space<hbm>>) target(%arg9 : memref<40x128xi32, #tpu.memory_space<vmem>>) target_semaphore(%run_scoped3A_238 : memref<!tpu.dma_semaphore, #tpu.memory_space<semaphore_mem>>)
      %dma_wait3A = arith.constant 0 : i32
      %dma_wait3A_243 = tpu.memref_slice %arg5[%add3A_121, %dma_wait3A] : memref<7680x128xi32, #tpu.memory_space<hbm>> -> memref<40x128xi32, #tpu.memory_space<hbm>>
      %dma_wait3A_244 = arith.constant 0 : i32
      %dma_wait3A_245 = tpu.memref_slice %arg5[%add3A_121, %dma_wait3A_244] : memref<7680x128xi32, #tpu.memory_space<hbm>> -> memref<40x128xi32, #tpu.memory_space<hbm>>
      tpu.wait_dma2 semaphore(%run_scoped3A_238 : memref<!tpu.dma_semaphore, #tpu.memory_space<semaphore_mem>>) src(%dma_wait3A_245 : memref<40x128xi32, #tpu.memory_space<hbm>>) dst(%arg9 : memref<40x128xi32, #tpu.memory_space<vmem>>)
      tpu.yield
    }) : () -> ()
    %dma_start3A_122 = arith.constant 0 : i32
    %dma_start3A_123 = arith.constant 0 : i32
    %dma_start3A_124 = tpu.memref_slice %arg8[%dma_start3A_122, %dma_start3A_123] : memref<40x128xi32, #tpu.memory_space<vmem>> -> memref<1x128xi32, #tpu.memory_space<vmem>>
    %dma_start3A_125 = tpu.memref_squeeze %dma_start3A_124 : memref<1x128xi32, #tpu.memory_space<vmem>> -> memref<128xi32, #tpu.memory_space<vmem>>
    %dma_start3A_126 = arith.constant 0 : i32
    %dma_start3A_127 = arith.constant 0 : i32
    %dma_start3A_128 = tpu.memref_slice %arg2[%dma_start3A_126, %dma_start3A_127] : memref<10000x128xf32, #tpu.memory_space<hbm>> -> memref<10000x128xf32, #tpu.memory_space<hbm>>
    tpu.enqueue_indirect_dma source(%dma_start3A_128 : memref<10000x128xf32, #tpu.memory_space<hbm>>) target(%arg10 : memref<128x128xf32, #tpu.memory_space<vmem>>) offsets(%dma_start3A_125 : memref<128xi32, #tpu.memory_space<vmem>>) semaphore(%arg12 : memref<!tpu.dma_semaphore, #tpu.memory_space<semaphore_mem>>)
    %scan3A_129 = arith.constant 0 : i32
    %scan3A_130 = arith.constant 0 : i32
    %scan3A_131 = arith.constant 20 : i32
    %scan3A_132 = arith.addi %scan3A_130, %scan3A_131 : i32
    %scan3A_133 = arith.constant 1 : i32
    scf.for %scan3A_238 = %scan3A_130 to %scan3A_132 step %scan3A_133  : i32 {
      %mul3A_239 = arith.constant 2 : i32
      %mul3A_240 = arith.muli %mul3A_239, %scan3A_238 : i32
      %add3A_241 = arith.constant 1 : i32
      %add3A_242 = arith.addi %mul3A_240, %add3A_241 : i32
      %dma_wait3A = arith.constant 0 : i32
      %dma_wait3A_243 = tpu.memref_slice %arg8[%mul3A_240, %dma_wait3A] : memref<40x128xi32, #tpu.memory_space<vmem>> -> memref<1x128xi32, #tpu.memory_space<vmem>>
      %dma_wait3A_244 = tpu.memref_squeeze %dma_wait3A_243 : memref<1x128xi32, #tpu.memory_space<vmem>> -> memref<128xi32, #tpu.memory_space<vmem>>
      %dma_wait3A_245 = arith.constant 0 : i32
      %dma_wait3A_246 = arith.constant 0 : i32
      %dma_wait3A_247 = tpu.memref_slice %arg2[%dma_wait3A_245, %dma_wait3A_246] : memref<10000x128xf32, #tpu.memory_space<hbm>> -> memref<10000x128xf32, #tpu.memory_space<hbm>>
      tpu.wait_indirect_dma semaphore(%arg12 : memref<!tpu.dma_semaphore, #tpu.memory_space<semaphore_mem>>) src(%dma_wait3A_247 : memref<10000x128xf32, #tpu.memory_space<hbm>>) dst(%arg10 : memref<128x128xf32, #tpu.memory_space<vmem>>)
      %dma_start3A_248 = arith.constant 0 : i32
      %dma_start3A_249 = tpu.memref_slice %arg8[%add3A_242, %dma_start3A_248] : memref<40x128xi32, #tpu.memory_space<vmem>> -> memref<1x128xi32, #tpu.memory_space<vmem>>
      %dma_start3A_250 = tpu.memref_squeeze %dma_start3A_249 : memref<1x128xi32, #tpu.memory_space<vmem>> -> memref<128xi32, #tpu.memory_space<vmem>>
      %dma_start3A_251 = arith.constant 0 : i32
      %dma_start3A_252 = arith.constant 0 : i32
      %dma_start3A_253 = tpu.memref_slice %arg2[%dma_start3A_251, %dma_start3A_252] : memref<10000x128xf32, #tpu.memory_space<hbm>> -> memref<10000x128xf32, #tpu.memory_space<hbm>>
      tpu.enqueue_indirect_dma source(%dma_start3A_253 : memref<10000x128xf32, #tpu.memory_space<hbm>>) target(%arg11 : memref<128x128xf32, #tpu.memory_space<vmem>>) offsets(%dma_start3A_250 : memref<128xi32, #tpu.memory_space<vmem>>) semaphore(%arg13 : memref<!tpu.dma_semaphore, #tpu.memory_space<semaphore_mem>>)
      "tpu.region"() ({
        %run_scoped3A_262 = tpu.sem_alloc : memref<!tpu.dma_semaphore, #tpu.memory_space<semaphore_mem>>
        %dma_start3A_263 = arith.constant 0 : i32
        %dma_start3A_264 = tpu.memref_slice %arg9[%mul3A_240, %dma_start3A_263] : memref<40x128xi32, #tpu.memory_space<vmem>> -> memref<1x128xi32, #tpu.memory_space<vmem>>
        %dma_start3A_265 = tpu.memref_squeeze %dma_start3A_264 : memref<1x128xi32, #tpu.memory_space<vmem>> -> memref<128xi32, #tpu.memory_space<vmem>>
        %dma_start3A_266 = arith.constant 0 : i32
        %dma_start3A_267 = arith.constant 0 : i32
        %dma_start3A_268 = tpu.memref_slice %arg7[%dma_start3A_266, %dma_start3A_267] : memref<10240x128xf32, #tpu.memory_space<vmem_shared>> -> memref<10240x128xf32, #tpu.memory_space<vmem_shared>>
        tpu.enqueue_indirect_dma source(%arg10 : memref<128x128xf32, #tpu.memory_space<vmem>>) target(%dma_start3A_268 : memref<10240x128xf32, #tpu.memory_space<vmem_shared>>) offsets(%dma_start3A_265 : memref<128xi32, #tpu.memory_space<vmem>>) semaphore(%run_scoped3A_262 : memref<!tpu.dma_semaphore, #tpu.memory_space<semaphore_mem>>) {add = true}
        %dma_wait3A_269 = arith.constant 0 : i32
        %dma_wait3A_270 = tpu.memref_slice %arg9[%mul3A_240, %dma_wait3A_269] : memref<40x128xi32, #tpu.memory_space<vmem>> -> memref<1x128xi32, #tpu.memory_space<vmem>>
        %dma_wait3A_271 = tpu.memref_squeeze %dma_wait3A_270 : memref<1x128xi32, #tpu.memory_space<vmem>> -> memref<128xi32, #tpu.memory_space<vmem>>
        %dma_wait3A_272 = arith.constant 0 : i32
        %dma_wait3A_273 = arith.constant 0 : i32
        %dma_wait3A_274 = tpu.memref_slice %arg7[%dma_wait3A_272, %dma_wait3A_273] : memref<10240x128xf32, #tpu.memory_space<vmem_shared>> -> memref<10240x128xf32, #tpu.memory_space<vmem_shared>>
        tpu.wait_indirect_dma semaphore(%run_scoped3A_262 : memref<!tpu.dma_semaphore, #tpu.memory_space<semaphore_mem>>) src(%arg10 : memref<128x128xf32, #tpu.memory_space<vmem>>) dst(%dma_wait3A_274 : memref<10240x128xf32, #tpu.memory_space<vmem_shared>>)
        tpu.yield
      }) : () -> ()
      %dma_wait3A_254 = arith.constant 0 : i32
      %dma_wait3A_255 = tpu.memref_slice %arg8[%add3A_242, %dma_wait3A_254] : memref<40x128xi32, #tpu.memory_space<vmem>> -> memref<1x128xi32, #tpu.memory_space<vmem>>
      %dma_wait3A_256 = tpu.memref_squeeze %dma_wait3A_255 : memref<1x128xi32, #tpu.memory_space<vmem>> -> memref<128xi32, #tpu.memory_space<vmem>>
      %dma_wait3A_257 = arith.constant 0 : i32
      %dma_wait3A_258 = arith.constant 0 : i32
      %dma_wait3A_259 = tpu.memref_slice %arg2[%dma_wait3A_257, %dma_wait3A_258] : memref<10000x128xf32, #tpu.memory_space<hbm>> -> memref<10000x128xf32, #tpu.memory_space<hbm>>
      tpu.wait_indirect_dma semaphore(%arg13 : memref<!tpu.dma_semaphore, #tpu.memory_space<semaphore_mem>>) src(%dma_wait3A_259 : memref<10000x128xf32, #tpu.memory_space<hbm>>) dst(%arg11 : memref<128x128xf32, #tpu.memory_space<vmem>>)
      %lt3A = arith.constant 19 : i32
      %lt3A_260 = arith.cmpi slt, %scan3A_238, %lt3A : i32
      %convert_element_type3A = arith.extui %lt3A_260 : i1 to i32
      %cond3A = arith.constant 0 : i32
      %cond3A_261 = arith.cmpi ne, %convert_element_type3A, %cond3A : i32
      scf.if %cond3A_261 {
        %add3A_262 = arith.constant 2 : i32
        %add3A_263 = arith.addi %mul3A_240, %add3A_262 : i32
        %dma_start3A_264 = arith.constant 0 : i32
        %dma_start3A_265 = tpu.memref_slice %arg8[%add3A_263, %dma_start3A_264] : memref<40x128xi32, #tpu.memory_space<vmem>> -> memref<1x128xi32, #tpu.memory_space<vmem>>
        %dma_start3A_266 = tpu.memref_squeeze %dma_start3A_265 : memref<1x128xi32, #tpu.memory_space<vmem>> -> memref<128xi32, #tpu.memory_space<vmem>>
        %dma_start3A_267 = arith.constant 0 : i32
        %dma_start3A_268 = arith.constant 0 : i32
        %dma_start3A_269 = tpu.memref_slice %arg2[%dma_start3A_267, %dma_start3A_268] : memref<10000x128xf32, #tpu.memory_space<hbm>> -> memref<10000x128xf32, #tpu.memory_space<hbm>>
        tpu.enqueue_indirect_dma source(%dma_start3A_269 : memref<10000x128xf32, #tpu.memory_space<hbm>>) target(%arg10 : memref<128x128xf32, #tpu.memory_space<vmem>>) offsets(%dma_start3A_266 : memref<128xi32, #tpu.memory_space<vmem>>) semaphore(%arg12 : memref<!tpu.dma_semaphore, #tpu.memory_space<semaphore_mem>>)
      } else {
      }
      "tpu.region"() ({
        %run_scoped3A_262 = tpu.sem_alloc : memref<!tpu.dma_semaphore, #tpu.memory_space<semaphore_mem>>
        %dma_start3A_263 = arith.constant 0 : i32
        %dma_start3A_264 = tpu.memref_slice %arg9[%add3A_242, %dma_start3A_263] : memref<40x128xi32, #tpu.memory_space<vmem>> -> memref<1x128xi32, #tpu.memory_space<vmem>>
        %dma_start3A_265 = tpu.memref_squeeze %dma_start3A_264 : memref<1x128xi32, #tpu.memory_space<vmem>> -> memref<128xi32, #tpu.memory_space<vmem>>
        %dma_start3A_266 = arith.constant 0 : i32
        %dma_start3A_267 = arith.constant 0 : i32
        %dma_start3A_268 = tpu.memref_slice %arg7[%dma_start3A_266, %dma_start3A_267] : memref<10240x128xf32, #tpu.memory_space<vmem_shared>> -> memref<10240x128xf32, #tpu.memory_space<vmem_shared>>
        tpu.enqueue_indirect_dma source(%arg11 : memref<128x128xf32, #tpu.memory_space<vmem>>) target(%dma_start3A_268 : memref<10240x128xf32, #tpu.memory_space<vmem_shared>>) offsets(%dma_start3A_265 : memref<128xi32, #tpu.memory_space<vmem>>) semaphore(%run_scoped3A_262 : memref<!tpu.dma_semaphore, #tpu.memory_space<semaphore_mem>>) {add = true}
        %dma_wait3A_269 = arith.constant 0 : i32
        %dma_wait3A_270 = tpu.memref_slice %arg9[%add3A_242, %dma_wait3A_269] : memref<40x128xi32, #tpu.memory_space<vmem>> -> memref<1x128xi32, #tpu.memory_space<vmem>>
        %dma_wait3A_271 = tpu.memref_squeeze %dma_wait3A_270 : memref<1x128xi32, #tpu.memory_space<vmem>> -> memref<128xi32, #tpu.memory_space<vmem>>
        %dma_wait3A_272 = arith.constant 0 : i32
        %dma_wait3A_273 = arith.constant 0 : i32
        %dma_wait3A_274 = tpu.memref_slice %arg7[%dma_wait3A_272, %dma_wait3A_273] : memref<10240x128xf32, #tpu.memory_space<vmem_shared>> -> memref<10240x128xf32, #tpu.memory_space<vmem_shared>>
        tpu.wait_indirect_dma semaphore(%run_scoped3A_262 : memref<!tpu.dma_semaphore, #tpu.memory_space<semaphore_mem>>) src(%arg11 : memref<128x128xf32, #tpu.memory_space<vmem>>) dst(%dma_wait3A_274 : memref<10240x128xf32, #tpu.memory_space<vmem_shared>>)
        tpu.yield
      }) : () -> ()
    }
    %scan3A_134 = arith.constant 20 : i32
    %mul3A_135 = arith.constant 80 : i32
    %mul3A_136 = arith.muli %add3A, %mul3A_135 : i32
    %add3A_137 = arith.constant 2560 : i32
    %add3A_138 = arith.addi %add3A_137, %mul3A_136 : i32
    %add3A_139 = arith.constant 40 : i32
    %add3A_140 = arith.addi %add3A_138, %add3A_139 : i32
    "tpu.region"() ({
      %run_scoped3A_238 = tpu.sem_alloc : memref<!tpu.dma_semaphore, #tpu.memory_space<semaphore_mem>>
      %dma_start3A_239 = arith.constant 0 : i32
      %dma_start3A_240 = tpu.memref_slice %arg4[%add3A_140, %dma_start3A_239] : memref<7680x128xi32, #tpu.memory_space<hbm>> -> memref<40x128xi32, #tpu.memory_space<hbm>>
      %dma_start3A_241 = arith.constant 0 : i32
      %dma_start3A_242 = tpu.memref_slice %arg4[%add3A_140, %dma_start3A_241] : memref<7680x128xi32, #tpu.memory_space<hbm>> -> memref<40x128xi32, #tpu.memory_space<hbm>>
      tpu.enqueue_dma source(%dma_start3A_242 : memref<40x128xi32, #tpu.memory_space<hbm>>) target(%arg8 : memref<40x128xi32, #tpu.memory_space<vmem>>) target_semaphore(%run_scoped3A_238 : memref<!tpu.dma_semaphore, #tpu.memory_space<semaphore_mem>>)
      %dma_wait3A = arith.constant 0 : i32
      %dma_wait3A_243 = tpu.memref_slice %arg4[%add3A_140, %dma_wait3A] : memref<7680x128xi32, #tpu.memory_space<hbm>> -> memref<40x128xi32, #tpu.memory_space<hbm>>
      %dma_wait3A_244 = arith.constant 0 : i32
      %dma_wait3A_245 = tpu.memref_slice %arg4[%add3A_140, %dma_wait3A_244] : memref<7680x128xi32, #tpu.memory_space<hbm>> -> memref<40x128xi32, #tpu.memory_space<hbm>>
      tpu.wait_dma2 semaphore(%run_scoped3A_238 : memref<!tpu.dma_semaphore, #tpu.memory_space<semaphore_mem>>) src(%dma_wait3A_245 : memref<40x128xi32, #tpu.memory_space<hbm>>) dst(%arg8 : memref<40x128xi32, #tpu.memory_space<vmem>>)
      tpu.yield
    }) : () -> ()
    "tpu.region"() ({
      %run_scoped3A_238 = tpu.sem_alloc : memref<!tpu.dma_semaphore, #tpu.memory_space<semaphore_mem>>
      %dma_start3A_239 = arith.constant 0 : i32
      %dma_start3A_240 = tpu.memref_slice %arg5[%add3A_140, %dma_start3A_239] : memref<7680x128xi32, #tpu.memory_space<hbm>> -> memref<40x128xi32, #tpu.memory_space<hbm>>
      %dma_start3A_241 = arith.constant 0 : i32
      %dma_start3A_242 = tpu.memref_slice %arg5[%add3A_140, %dma_start3A_241] : memref<7680x128xi32, #tpu.memory_space<hbm>> -> memref<40x128xi32, #tpu.memory_space<hbm>>
      tpu.enqueue_dma source(%dma_start3A_242 : memref<40x128xi32, #tpu.memory_space<hbm>>) target(%arg9 : memref<40x128xi32, #tpu.memory_space<vmem>>) target_semaphore(%run_scoped3A_238 : memref<!tpu.dma_semaphore, #tpu.memory_space<semaphore_mem>>)
      %dma_wait3A = arith.constant 0 : i32
      %dma_wait3A_243 = tpu.memref_slice %arg5[%add3A_140, %dma_wait3A] : memref<7680x128xi32, #tpu.memory_space<hbm>> -> memref<40x128xi32, #tpu.memory_space<hbm>>
      %dma_wait3A_244 = arith.constant 0 : i32
      %dma_wait3A_245 = tpu.memref_slice %arg5[%add3A_140, %dma_wait3A_244] : memref<7680x128xi32, #tpu.memory_space<hbm>> -> memref<40x128xi32, #tpu.memory_space<hbm>>
      tpu.wait_dma2 semaphore(%run_scoped3A_238 : memref<!tpu.dma_semaphore, #tpu.memory_space<semaphore_mem>>) src(%dma_wait3A_245 : memref<40x128xi32, #tpu.memory_space<hbm>>) dst(%arg9 : memref<40x128xi32, #tpu.memory_space<vmem>>)
      tpu.yield
    }) : () -> ()
    %dma_start3A_141 = arith.constant 0 : i32
    %dma_start3A_142 = arith.constant 0 : i32
    %dma_start3A_143 = tpu.memref_slice %arg8[%dma_start3A_141, %dma_start3A_142] : memref<40x128xi32, #tpu.memory_space<vmem>> -> memref<1x128xi32, #tpu.memory_space<vmem>>
    %dma_start3A_144 = tpu.memref_squeeze %dma_start3A_143 : memref<1x128xi32, #tpu.memory_space<vmem>> -> memref<128xi32, #tpu.memory_space<vmem>>
    %dma_start3A_145 = arith.constant 0 : i32
    %dma_start3A_146 = arith.constant 0 : i32
    %dma_start3A_147 = tpu.memref_slice %arg2[%dma_start3A_145, %dma_start3A_146] : memref<10000x128xf32, #tpu.memory_space<hbm>> -> memref<10000x128xf32, #tpu.memory_space<hbm>>
    tpu.enqueue_indirect_dma source(%dma_start3A_147 : memref<10000x128xf32, #tpu.memory_space<hbm>>) target(%arg10 : memref<128x128xf32, #tpu.memory_space<vmem>>) offsets(%dma_start3A_144 : memref<128xi32, #tpu.memory_space<vmem>>) semaphore(%arg12 : memref<!tpu.dma_semaphore, #tpu.memory_space<semaphore_mem>>)
    %scan3A_148 = arith.constant 0 : i32
    %scan3A_149 = arith.constant 0 : i32
    %scan3A_150 = arith.constant 20 : i32
    %scan3A_151 = arith.addi %scan3A_149, %scan3A_150 : i32
    %scan3A_152 = arith.constant 1 : i32
    scf.for %scan3A_238 = %scan3A_149 to %scan3A_151 step %scan3A_152  : i32 {
      %mul3A_239 = arith.constant 2 : i32
      %mul3A_240 = arith.muli %mul3A_239, %scan3A_238 : i32
      %add3A_241 = arith.constant 1 : i32
      %add3A_242 = arith.addi %mul3A_240, %add3A_241 : i32
      %dma_wait3A = arith.constant 0 : i32
      %dma_wait3A_243 = tpu.memref_slice %arg8[%mul3A_240, %dma_wait3A] : memref<40x128xi32, #tpu.memory_space<vmem>> -> memref<1x128xi32, #tpu.memory_space<vmem>>
      %dma_wait3A_244 = tpu.memref_squeeze %dma_wait3A_243 : memref<1x128xi32, #tpu.memory_space<vmem>> -> memref<128xi32, #tpu.memory_space<vmem>>
      %dma_wait3A_245 = arith.constant 0 : i32
      %dma_wait3A_246 = arith.constant 0 : i32
      %dma_wait3A_247 = tpu.memref_slice %arg2[%dma_wait3A_245, %dma_wait3A_246] : memref<10000x128xf32, #tpu.memory_space<hbm>> -> memref<10000x128xf32, #tpu.memory_space<hbm>>
      tpu.wait_indirect_dma semaphore(%arg12 : memref<!tpu.dma_semaphore, #tpu.memory_space<semaphore_mem>>) src(%dma_wait3A_247 : memref<10000x128xf32, #tpu.memory_space<hbm>>) dst(%arg10 : memref<128x128xf32, #tpu.memory_space<vmem>>)
      %dma_start3A_248 = arith.constant 0 : i32
      %dma_start3A_249 = tpu.memref_slice %arg8[%add3A_242, %dma_start3A_248] : memref<40x128xi32, #tpu.memory_space<vmem>> -> memref<1x128xi32, #tpu.memory_space<vmem>>
      %dma_start3A_250 = tpu.memref_squeeze %dma_start3A_249 : memref<1x128xi32, #tpu.memory_space<vmem>> -> memref<128xi32, #tpu.memory_space<vmem>>
      %dma_start3A_251 = arith.constant 0 : i32
      %dma_start3A_252 = arith.constant 0 : i32
      %dma_start3A_253 = tpu.memref_slice %arg2[%dma_start3A_251, %dma_start3A_252] : memref<10000x128xf32, #tpu.memory_space<hbm>> -> memref<10000x128xf32, #tpu.memory_space<hbm>>
      tpu.enqueue_indirect_dma source(%dma_start3A_253 : memref<10000x128xf32, #tpu.memory_space<hbm>>) target(%arg11 : memref<128x128xf32, #tpu.memory_space<vmem>>) offsets(%dma_start3A_250 : memref<128xi32, #tpu.memory_space<vmem>>) semaphore(%arg13 : memref<!tpu.dma_semaphore, #tpu.memory_space<semaphore_mem>>)
      "tpu.region"() ({
        %run_scoped3A_262 = tpu.sem_alloc : memref<!tpu.dma_semaphore, #tpu.memory_space<semaphore_mem>>
        %dma_start3A_263 = arith.constant 0 : i32
        %dma_start3A_264 = tpu.memref_slice %arg9[%mul3A_240, %dma_start3A_263] : memref<40x128xi32, #tpu.memory_space<vmem>> -> memref<1x128xi32, #tpu.memory_space<vmem>>
        %dma_start3A_265 = tpu.memref_squeeze %dma_start3A_264 : memref<1x128xi32, #tpu.memory_space<vmem>> -> memref<128xi32, #tpu.memory_space<vmem>>
        %dma_start3A_266 = arith.constant 0 : i32
        %dma_start3A_267 = arith.constant 0 : i32
        %dma_start3A_268 = tpu.memref_slice %arg7[%dma_start3A_266, %dma_start3A_267] : memref<10240x128xf32, #tpu.memory_space<vmem_shared>> -> memref<10240x128xf32, #tpu.memory_space<vmem_shared>>
        tpu.enqueue_indirect_dma source(%arg10 : memref<128x128xf32, #tpu.memory_space<vmem>>) target(%dma_start3A_268 : memref<10240x128xf32, #tpu.memory_space<vmem_shared>>) offsets(%dma_start3A_265 : memref<128xi32, #tpu.memory_space<vmem>>) semaphore(%run_scoped3A_262 : memref<!tpu.dma_semaphore, #tpu.memory_space<semaphore_mem>>) {add = true}
        %dma_wait3A_269 = arith.constant 0 : i32
        %dma_wait3A_270 = tpu.memref_slice %arg9[%mul3A_240, %dma_wait3A_269] : memref<40x128xi32, #tpu.memory_space<vmem>> -> memref<1x128xi32, #tpu.memory_space<vmem>>
        %dma_wait3A_271 = tpu.memref_squeeze %dma_wait3A_270 : memref<1x128xi32, #tpu.memory_space<vmem>> -> memref<128xi32, #tpu.memory_space<vmem>>
        %dma_wait3A_272 = arith.constant 0 : i32
        %dma_wait3A_273 = arith.constant 0 : i32
        %dma_wait3A_274 = tpu.memref_slice %arg7[%dma_wait3A_272, %dma_wait3A_273] : memref<10240x128xf32, #tpu.memory_space<vmem_shared>> -> memref<10240x128xf32, #tpu.memory_space<vmem_shared>>
        tpu.wait_indirect_dma semaphore(%run_scoped3A_262 : memref<!tpu.dma_semaphore, #tpu.memory_space<semaphore_mem>>) src(%arg10 : memref<128x128xf32, #tpu.memory_space<vmem>>) dst(%dma_wait3A_274 : memref<10240x128xf32, #tpu.memory_space<vmem_shared>>)
        tpu.yield
      }) : () -> ()
      %dma_wait3A_254 = arith.constant 0 : i32
      %dma_wait3A_255 = tpu.memref_slice %arg8[%add3A_242, %dma_wait3A_254] : memref<40x128xi32, #tpu.memory_space<vmem>> -> memref<1x128xi32, #tpu.memory_space<vmem>>
      %dma_wait3A_256 = tpu.memref_squeeze %dma_wait3A_255 : memref<1x128xi32, #tpu.memory_space<vmem>> -> memref<128xi32, #tpu.memory_space<vmem>>
      %dma_wait3A_257 = arith.constant 0 : i32
      %dma_wait3A_258 = arith.constant 0 : i32
      %dma_wait3A_259 = tpu.memref_slice %arg2[%dma_wait3A_257, %dma_wait3A_258] : memref<10000x128xf32, #tpu.memory_space<hbm>> -> memref<10000x128xf32, #tpu.memory_space<hbm>>
      tpu.wait_indirect_dma semaphore(%arg13 : memref<!tpu.dma_semaphore, #tpu.memory_space<semaphore_mem>>) src(%dma_wait3A_259 : memref<10000x128xf32, #tpu.memory_space<hbm>>) dst(%arg11 : memref<128x128xf32, #tpu.memory_space<vmem>>)
      %lt3A = arith.constant 19 : i32
      %lt3A_260 = arith.cmpi slt, %scan3A_238, %lt3A : i32
      %convert_element_type3A = arith.extui %lt3A_260 : i1 to i32
      %cond3A = arith.constant 0 : i32
      %cond3A_261 = arith.cmpi ne, %convert_element_type3A, %cond3A : i32
      scf.if %cond3A_261 {
        %add3A_262 = arith.constant 2 : i32
        %add3A_263 = arith.addi %mul3A_240, %add3A_262 : i32
        %dma_start3A_264 = arith.constant 0 : i32
        %dma_start3A_265 = tpu.memref_slice %arg8[%add3A_263, %dma_start3A_264] : memref<40x128xi32, #tpu.memory_space<vmem>> -> memref<1x128xi32, #tpu.memory_space<vmem>>
        %dma_start3A_266 = tpu.memref_squeeze %dma_start3A_265 : memref<1x128xi32, #tpu.memory_space<vmem>> -> memref<128xi32, #tpu.memory_space<vmem>>
        %dma_start3A_267 = arith.constant 0 : i32
        %dma_start3A_268 = arith.constant 0 : i32
        %dma_start3A_269 = tpu.memref_slice %arg2[%dma_start3A_267, %dma_start3A_268] : memref<10000x128xf32, #tpu.memory_space<hbm>> -> memref<10000x128xf32, #tpu.memory_space<hbm>>
        tpu.enqueue_indirect_dma source(%dma_start3A_269 : memref<10000x128xf32, #tpu.memory_space<hbm>>) target(%arg10 : memref<128x128xf32, #tpu.memory_space<vmem>>) offsets(%dma_start3A_266 : memref<128xi32, #tpu.memory_space<vmem>>) semaphore(%arg12 : memref<!tpu.dma_semaphore, #tpu.memory_space<semaphore_mem>>)
      } else {
      }
      "tpu.region"() ({
        %run_scoped3A_262 = tpu.sem_alloc : memref<!tpu.dma_semaphore, #tpu.memory_space<semaphore_mem>>
        %dma_start3A_263 = arith.constant 0 : i32
        %dma_start3A_264 = tpu.memref_slice %arg9[%add3A_242, %dma_start3A_263] : memref<40x128xi32, #tpu.memory_space<vmem>> -> memref<1x128xi32, #tpu.memory_space<vmem>>
        %dma_start3A_265 = tpu.memref_squeeze %dma_start3A_264 : memref<1x128xi32, #tpu.memory_space<vmem>> -> memref<128xi32, #tpu.memory_space<vmem>>
        %dma_start3A_266 = arith.constant 0 : i32
        %dma_start3A_267 = arith.constant 0 : i32
        %dma_start3A_268 = tpu.memref_slice %arg7[%dma_start3A_266, %dma_start3A_267] : memref<10240x128xf32, #tpu.memory_space<vmem_shared>> -> memref<10240x128xf32, #tpu.memory_space<vmem_shared>>
        tpu.enqueue_indirect_dma source(%arg11 : memref<128x128xf32, #tpu.memory_space<vmem>>) target(%dma_start3A_268 : memref<10240x128xf32, #tpu.memory_space<vmem_shared>>) offsets(%dma_start3A_265 : memref<128xi32, #tpu.memory_space<vmem>>) semaphore(%run_scoped3A_262 : memref<!tpu.dma_semaphore, #tpu.memory_space<semaphore_mem>>) {add = true}
        %dma_wait3A_269 = arith.constant 0 : i32
        %dma_wait3A_270 = tpu.memref_slice %arg9[%add3A_242, %dma_wait3A_269] : memref<40x128xi32, #tpu.memory_space<vmem>> -> memref<1x128xi32, #tpu.memory_space<vmem>>
        %dma_wait3A_271 = tpu.memref_squeeze %dma_wait3A_270 : memref<1x128xi32, #tpu.memory_space<vmem>> -> memref<128xi32, #tpu.memory_space<vmem>>
        %dma_wait3A_272 = arith.constant 0 : i32
        %dma_wait3A_273 = arith.constant 0 : i32
        %dma_wait3A_274 = tpu.memref_slice %arg7[%dma_wait3A_272, %dma_wait3A_273] : memref<10240x128xf32, #tpu.memory_space<vmem_shared>> -> memref<10240x128xf32, #tpu.memory_space<vmem_shared>>
        tpu.wait_indirect_dma semaphore(%run_scoped3A_262 : memref<!tpu.dma_semaphore, #tpu.memory_space<semaphore_mem>>) src(%arg11 : memref<128x128xf32, #tpu.memory_space<vmem>>) dst(%dma_wait3A_274 : memref<10240x128xf32, #tpu.memory_space<vmem_shared>>)
        tpu.yield
      }) : () -> ()
    }
    %scan3A_153 = arith.constant 20 : i32
    %barrier3A_154 = arith.constant 0 : index
    tpu.barrier barrier_id(%barrier3A_154)
    %mul3A_155 = arith.constant 640 : i32
    %mul3A_156 = arith.muli %arg1, %mul3A_155 : i32
    %run_scoped3A_157 = arith.constant 1 : i32
    "tpu.region"() ({
      %run_scoped3A_238 = tpu.sem_alloc : memref<!tpu.dma_semaphore, #tpu.memory_space<semaphore_mem>>
      %dma_start3A_239 = arith.constant 0 : i32
      %dma_start3A_240 = tpu.memref_slice %arg6[%run_scoped3A_157, %arg0, %mul3A_156, %dma_start3A_239] : memref<3x2x10240x128xf32, #tpu.memory_space<hbm>> -> memref<1x1x640x128xf32, #tpu.memory_space<hbm>>
      %dma_start3A_241 = tpu.memref_squeeze %dma_start3A_240 : memref<1x1x640x128xf32, #tpu.memory_space<hbm>> -> memref<640x128xf32, #tpu.memory_space<hbm>>
      %dma_start3A_242 = arith.constant 0 : i32
      %dma_start3A_243 = tpu.memref_slice %arg7[%mul3A_156, %dma_start3A_242] : memref<10240x128xf32, #tpu.memory_space<vmem_shared>> -> memref<640x128xf32, #tpu.memory_space<vmem_shared>>
      tpu.enqueue_dma source(%dma_start3A_243 : memref<640x128xf32, #tpu.memory_space<vmem_shared>>) target(%dma_start3A_241 : memref<640x128xf32, #tpu.memory_space<hbm>>) target_semaphore(%run_scoped3A_238 : memref<!tpu.dma_semaphore, #tpu.memory_space<semaphore_mem>>)
      %dma_wait3A = arith.constant 0 : i32
      %dma_wait3A_244 = tpu.memref_slice %arg6[%run_scoped3A_157, %arg0, %mul3A_156, %dma_wait3A] : memref<3x2x10240x128xf32, #tpu.memory_space<hbm>> -> memref<1x1x640x128xf32, #tpu.memory_space<hbm>>
      %dma_wait3A_245 = tpu.memref_squeeze %dma_wait3A_244 : memref<1x1x640x128xf32, #tpu.memory_space<hbm>> -> memref<640x128xf32, #tpu.memory_space<hbm>>
      %dma_wait3A_246 = arith.constant 0 : i32
      %dma_wait3A_247 = tpu.memref_slice %arg7[%mul3A_156, %dma_wait3A_246] : memref<10240x128xf32, #tpu.memory_space<vmem_shared>> -> memref<640x128xf32, #tpu.memory_space<vmem_shared>>
      tpu.wait_dma2 semaphore(%run_scoped3A_238 : memref<!tpu.dma_semaphore, #tpu.memory_space<semaphore_mem>>) src(%dma_wait3A_247 : memref<640x128xf32, #tpu.memory_space<vmem_shared>>) dst(%dma_wait3A_245 : memref<640x128xf32, #tpu.memory_space<hbm>>)
      tpu.yield
    }) : () -> ()
    %barrier3A_158 = arith.constant 0 : index
    tpu.barrier barrier_id(%barrier3A_158)
    %scan3A_159 = arith.constant 0 : i32
    %scan3A_160 = arith.constant 0 : i32
    %scan3A_161 = arith.constant 128 : i32
    %scan3A_162 = arith.addi %scan3A_160, %scan3A_161 : i32
    %scan3A_163 = arith.constant 1 : i32
    scf.for %scan3A_238 = %scan3A_160 to %scan3A_162 step %scan3A_163  : i32 {
      %swap3A = arith.index_cast %scan3A_238 : i32 to index
      %swap3A_239 = arith.constant 0 : index
      %swap3A_240 = tpu.vector_load %arg10[%swap3A, %swap3A_239] {strides = array<i32>} : memref<128x128xf32, #tpu.memory_space<vmem>>, vector<1x16xf32>,
      %swap3A_241 = vector.shape_cast %swap3A_240 : vector<1x16xf32> to vector<16xf32>
      %swap3A_242 = vector.shape_cast %broadcast_in_dim3A_1 : vector<16xf32> to vector<1x16xf32>
      tpu.vector_store %arg10[%swap3A, %swap3A_239], %swap3A_242 {strides = array<i32>} : memref<128x128xf32, #tpu.memory_space<vmem>>, vector<1x16xf32>,
      %swap3A_243 = arith.index_cast %scan3A_238 : i32 to index
      %swap3A_244 = arith.constant 16 : index
      %swap3A_245 = tpu.vector_load %arg10[%swap3A_243, %swap3A_244] {strides = array<i32>} : memref<128x128xf32, #tpu.memory_space<vmem>>, vector<1x16xf32>,
      %swap3A_246 = vector.shape_cast %swap3A_245 : vector<1x16xf32> to vector<16xf32>
      %swap3A_247 = vector.shape_cast %broadcast_in_dim3A_1 : vector<16xf32> to vector<1x16xf32>
      tpu.vector_store %arg10[%swap3A_243, %swap3A_244], %swap3A_247 {strides = array<i32>} : memref<128x128xf32, #tpu.memory_space<vmem>>, vector<1x16xf32>,
      %swap3A_248 = arith.index_cast %scan3A_238 : i32 to index
      %swap3A_249 = arith.constant 32 : index
      %swap3A_250 = tpu.vector_load %arg10[%swap3A_248, %swap3A_249] {strides = array<i32>} : memref<128x128xf32, #tpu.memory_space<vmem>>, vector<1x16xf32>,
      %swap3A_251 = vector.shape_cast %swap3A_250 : vector<1x16xf32> to vector<16xf32>
      %swap3A_252 = vector.shape_cast %broadcast_in_dim3A_1 : vector<16xf32> to vector<1x16xf32>
      tpu.vector_store %arg10[%swap3A_248, %swap3A_249], %swap3A_252 {strides = array<i32>} : memref<128x128xf32, #tpu.memory_space<vmem>>, vector<1x16xf32>,
      %swap3A_253 = arith.index_cast %scan3A_238 : i32 to index
      %swap3A_254 = arith.constant 48 : index
      %swap3A_255 = tpu.vector_load %arg10[%swap3A_253, %swap3A_254] {strides = array<i32>} : memref<128x128xf32, #tpu.memory_space<vmem>>, vector<1x16xf32>,
      %swap3A_256 = vector.shape_cast %swap3A_255 : vector<1x16xf32> to vector<16xf32>
      %swap3A_257 = vector.shape_cast %broadcast_in_dim3A_1 : vector<16xf32> to vector<1x16xf32>
      tpu.vector_store %arg10[%swap3A_253, %swap3A_254], %swap3A_257 {strides = array<i32>} : memref<128x128xf32, #tpu.memory_space<vmem>>, vector<1x16xf32>,
      %swap3A_258 = arith.index_cast %scan3A_238 : i32 to index
      %swap3A_259 = arith.constant 64 : index
      %swap3A_260 = tpu.vector_load %arg10[%swap3A_258, %swap3A_259] {strides = array<i32>} : memref<128x128xf32, #tpu.memory_space<vmem>>, vector<1x16xf32>,
      %swap3A_261 = vector.shape_cast %swap3A_260 : vector<1x16xf32> to vector<16xf32>
      %swap3A_262 = vector.shape_cast %broadcast_in_dim3A_1 : vector<16xf32> to vector<1x16xf32>
      tpu.vector_store %arg10[%swap3A_258, %swap3A_259], %swap3A_262 {strides = array<i32>} : memref<128x128xf32, #tpu.memory_space<vmem>>, vector<1x16xf32>,
      %swap3A_263 = arith.index_cast %scan3A_238 : i32 to index
      %swap3A_264 = arith.constant 80 : index
      %swap3A_265 = tpu.vector_load %arg10[%swap3A_263, %swap3A_264] {strides = array<i32>} : memref<128x128xf32, #tpu.memory_space<vmem>>, vector<1x16xf32>,
      %swap3A_266 = vector.shape_cast %swap3A_265 : vector<1x16xf32> to vector<16xf32>
      %swap3A_267 = vector.shape_cast %broadcast_in_dim3A_1 : vector<16xf32> to vector<1x16xf32>
      tpu.vector_store %arg10[%swap3A_263, %swap3A_264], %swap3A_267 {strides = array<i32>} : memref<128x128xf32, #tpu.memory_space<vmem>>, vector<1x16xf32>,
      %swap3A_268 = arith.index_cast %scan3A_238 : i32 to index
      %swap3A_269 = arith.constant 96 : index
      %swap3A_270 = tpu.vector_load %arg10[%swap3A_268, %swap3A_269] {strides = array<i32>} : memref<128x128xf32, #tpu.memory_space<vmem>>, vector<1x16xf32>,
      %swap3A_271 = vector.shape_cast %swap3A_270 : vector<1x16xf32> to vector<16xf32>
      %swap3A_272 = vector.shape_cast %broadcast_in_dim3A_1 : vector<16xf32> to vector<1x16xf32>
      tpu.vector_store %arg10[%swap3A_268, %swap3A_269], %swap3A_272 {strides = array<i32>} : memref<128x128xf32, #tpu.memory_space<vmem>>, vector<1x16xf32>,
      %swap3A_273 = arith.index_cast %scan3A_238 : i32 to index
      %swap3A_274 = arith.constant 112 : index
      %swap3A_275 = tpu.vector_load %arg10[%swap3A_273, %swap3A_274] {strides = array<i32>} : memref<128x128xf32, #tpu.memory_space<vmem>>, vector<1x16xf32>,
      %swap3A_276 = vector.shape_cast %swap3A_275 : vector<1x16xf32> to vector<16xf32>
      %swap3A_277 = vector.shape_cast %broadcast_in_dim3A_1 : vector<16xf32> to vector<1x16xf32>
      tpu.vector_store %arg10[%swap3A_273, %swap3A_274], %swap3A_277 {strides = array<i32>} : memref<128x128xf32, #tpu.memory_space<vmem>>, vector<1x16xf32>,
    }
    %scan3A_164 = arith.constant 128 : i32
    %mul3A_165 = arith.constant 5 : i32
    %mul3A_166 = arith.muli %arg1, %mul3A_165 : i32
    %add3A_167 = arith.constant 0 : i32
    %add3A_168 = arith.addi %mul3A_166, %add3A_167 : i32
    %mul3A_169 = arith.constant 128 : i32
    %mul3A_170 = arith.muli %add3A_168, %mul3A_169 : i32
    "tpu.region"() ({
      %run_scoped3A_238 = tpu.sem_alloc : memref<!tpu.dma_semaphore, #tpu.memory_space<semaphore_mem>>
      %dma_start3A_239 = arith.constant 0 : i32
      %dma_start3A_240 = tpu.memref_slice %arg7[%mul3A_170, %dma_start3A_239] : memref<10240x128xf32, #tpu.memory_space<vmem_shared>> -> memref<128x128xf32, #tpu.memory_space<vmem_shared>>
      %dma_start3A_241 = arith.constant 0 : i32
      %dma_start3A_242 = tpu.memref_slice %arg7[%mul3A_170, %dma_start3A_241] : memref<10240x128xf32, #tpu.memory_space<vmem_shared>> -> memref<128x128xf32, #tpu.memory_space<vmem_shared>>
      tpu.enqueue_dma source(%arg10 : memref<128x128xf32, #tpu.memory_space<vmem>>) target(%dma_start3A_242 : memref<128x128xf32, #tpu.memory_space<vmem_shared>>) target_semaphore(%run_scoped3A_238 : memref<!tpu.dma_semaphore, #tpu.memory_space<semaphore_mem>>)
      %dma_wait3A = arith.constant 0 : i32
      %dma_wait3A_243 = tpu.memref_slice %arg7[%mul3A_170, %dma_wait3A] : memref<10240x128xf32, #tpu.memory_space<vmem_shared>> -> memref<128x128xf32, #tpu.memory_space<vmem_shared>>
      %dma_wait3A_244 = arith.constant 0 : i32
      %dma_wait3A_245 = tpu.memref_slice %arg7[%mul3A_170, %dma_wait3A_244] : memref<10240x128xf32, #tpu.memory_space<vmem_shared>> -> memref<128x128xf32, #tpu.memory_space<vmem_shared>>
      tpu.wait_dma2 semaphore(%run_scoped3A_238 : memref<!tpu.dma_semaphore, #tpu.memory_space<semaphore_mem>>) src(%arg10 : memref<128x128xf32, #tpu.memory_space<vmem>>) dst(%dma_wait3A_245 : memref<128x128xf32, #tpu.memory_space<vmem_shared>>)
      tpu.yield
    }) : () -> ()
    %mul3A_171 = arith.constant 5 : i32
    %mul3A_172 = arith.muli %arg1, %mul3A_171 : i32
    %add3A_173 = arith.constant 1 : i32
    %add3A_174 = arith.addi %mul3A_172, %add3A_173 : i32
    %mul3A_175 = arith.constant 128 : i32
    %mul3A_176 = arith.muli %add3A_174, %mul3A_175 : i32
    "tpu.region"() ({
      %run_scoped3A_238 = tpu.sem_alloc : memref<!tpu.dma_semaphore, #tpu.memory_space<semaphore_mem>>
      %dma_start3A_239 = arith.constant 0 : i32
      %dma_start3A_240 = tpu.memref_slice %arg7[%mul3A_176, %dma_start3A_239] : memref<10240x128xf32, #tpu.memory_space<vmem_shared>> -> memref<128x128xf32, #tpu.memory_space<vmem_shared>>
      %dma_start3A_241 = arith.constant 0 : i32
      %dma_start3A_242 = tpu.memref_slice %arg7[%mul3A_176, %dma_start3A_241] : memref<10240x128xf32, #tpu.memory_space<vmem_shared>> -> memref<128x128xf32, #tpu.memory_space<vmem_shared>>
      tpu.enqueue_dma source(%arg10 : memref<128x128xf32, #tpu.memory_space<vmem>>) target(%dma_start3A_242 : memref<128x128xf32, #tpu.memory_space<vmem_shared>>) target_semaphore(%run_scoped3A_238 : memref<!tpu.dma_semaphore, #tpu.memory_space<semaphore_mem>>)
      %dma_wait3A = arith.constant 0 : i32
      %dma_wait3A_243 = tpu.memref_slice %arg7[%mul3A_176, %dma_wait3A] : memref<10240x128xf32, #tpu.memory_space<vmem_shared>> -> memref<128x128xf32, #tpu.memory_space<vmem_shared>>
      %dma_wait3A_244 = arith.constant 0 : i32
      %dma_wait3A_245 = tpu.memref_slice %arg7[%mul3A_176, %dma_wait3A_244] : memref<10240x128xf32, #tpu.memory_space<vmem_shared>> -> memref<128x128xf32, #tpu.memory_space<vmem_shared>>
      tpu.wait_dma2 semaphore(%run_scoped3A_238 : memref<!tpu.dma_semaphore, #tpu.memory_space<semaphore_mem>>) src(%arg10 : memref<128x128xf32, #tpu.memory_space<vmem>>) dst(%dma_wait3A_245 : memref<128x128xf32, #tpu.memory_space<vmem_shared>>)
      tpu.yield
    }) : () -> ()
    %mul3A_177 = arith.constant 5 : i32
    %mul3A_178 = arith.muli %arg1, %mul3A_177 : i32
    %add3A_179 = arith.constant 2 : i32
    %add3A_180 = arith.addi %mul3A_178, %add3A_179 : i32
    %mul3A_181 = arith.constant 128 : i32
    %mul3A_182 = arith.muli %add3A_180, %mul3A_181 : i32
    "tpu.region"() ({
      %run_scoped3A_238 = tpu.sem_alloc : memref<!tpu.dma_semaphore, #tpu.memory_space<semaphore_mem>>
      %dma_start3A_239 = arith.constant 0 : i32
      %dma_start3A_240 = tpu.memref_slice %arg7[%mul3A_182, %dma_start3A_239] : memref<10240x128xf32, #tpu.memory_space<vmem_shared>> -> memref<128x128xf32, #tpu.memory_space<vmem_shared>>
      %dma_start3A_241 = arith.constant 0 : i32
      %dma_start3A_242 = tpu.memref_slice %arg7[%mul3A_182, %dma_start3A_241] : memref<10240x128xf32, #tpu.memory_space<vmem_shared>> -> memref<128x128xf32, #tpu.memory_space<vmem_shared>>
      tpu.enqueue_dma source(%arg10 : memref<128x128xf32, #tpu.memory_space<vmem>>) target(%dma_start3A_242 : memref<128x128xf32, #tpu.memory_space<vmem_shared>>) target_semaphore(%run_scoped3A_238 : memref<!tpu.dma_semaphore, #tpu.memory_space<semaphore_mem>>)
      %dma_wait3A = arith.constant 0 : i32
      %dma_wait3A_243 = tpu.memref_slice %arg7[%mul3A_182, %dma_wait3A] : memref<10240x128xf32, #tpu.memory_space<vmem_shared>> -> memref<128x128xf32, #tpu.memory_space<vmem_shared>>
      %dma_wait3A_244 = arith.constant 0 : i32
      %dma_wait3A_245 = tpu.memref_slice %arg7[%mul3A_182, %dma_wait3A_244] : memref<10240x128xf32, #tpu.memory_space<vmem_shared>> -> memref<128x128xf32, #tpu.memory_space<vmem_shared>>
      tpu.wait_dma2 semaphore(%run_scoped3A_238 : memref<!tpu.dma_semaphore, #tpu.memory_space<semaphore_mem>>) src(%arg10 : memref<128x128xf32, #tpu.memory_space<vmem>>) dst(%dma_wait3A_245 : memref<128x128xf32, #tpu.memory_space<vmem_shared>>)
      tpu.yield
    }) : () -> ()
    %mul3A_183 = arith.constant 5 : i32
    %mul3A_184 = arith.muli %arg1, %mul3A_183 : i32
    %add3A_185 = arith.constant 3 : i32
    %add3A_186 = arith.addi %mul3A_184, %add3A_185 : i32
    %mul3A_187 = arith.constant 128 : i32
    %mul3A_188 = arith.muli %add3A_186, %mul3A_187 : i32
    "tpu.region"() ({
      %run_scoped3A_238 = tpu.sem_alloc : memref<!tpu.dma_semaphore, #tpu.memory_space<semaphore_mem>>
      %dma_start3A_239 = arith.constant 0 : i32
      %dma_start3A_240 = tpu.memref_slice %arg7[%mul3A_188, %dma_start3A_239] : memref<10240x128xf32, #tpu.memory_space<vmem_shared>> -> memref<128x128xf32, #tpu.memory_space<vmem_shared>>
      %dma_start3A_241 = arith.constant 0 : i32
      %dma_start3A_242 = tpu.memref_slice %arg7[%mul3A_188, %dma_start3A_241] : memref<10240x128xf32, #tpu.memory_space<vmem_shared>> -> memref<128x128xf32, #tpu.memory_space<vmem_shared>>
      tpu.enqueue_dma source(%arg10 : memref<128x128xf32, #tpu.memory_space<vmem>>) target(%dma_start3A_242 : memref<128x128xf32, #tpu.memory_space<vmem_shared>>) target_semaphore(%run_scoped3A_238 : memref<!tpu.dma_semaphore, #tpu.memory_space<semaphore_mem>>)
      %dma_wait3A = arith.constant 0 : i32
      %dma_wait3A_243 = tpu.memref_slice %arg7[%mul3A_188, %dma_wait3A] : memref<10240x128xf32, #tpu.memory_space<vmem_shared>> -> memref<128x128xf32, #tpu.memory_space<vmem_shared>>
      %dma_wait3A_244 = arith.constant 0 : i32
      %dma_wait3A_245 = tpu.memref_slice %arg7[%mul3A_188, %dma_wait3A_244] : memref<10240x128xf32, #tpu.memory_space<vmem_shared>> -> memref<128x128xf32, #tpu.memory_space<vmem_shared>>
      tpu.wait_dma2 semaphore(%run_scoped3A_238 : memref<!tpu.dma_semaphore, #tpu.memory_space<semaphore_mem>>) src(%arg10 : memref<128x128xf32, #tpu.memory_space<vmem>>) dst(%dma_wait3A_245 : memref<128x128xf32, #tpu.memory_space<vmem_shared>>)
      tpu.yield
    }) : () -> ()
    %mul3A_189 = arith.constant 5 : i32
    %mul3A_190 = arith.muli %arg1, %mul3A_189 : i32
    %add3A_191 = arith.constant 4 : i32
    %add3A_192 = arith.addi %mul3A_190, %add3A_191 : i32
    %mul3A_193 = arith.constant 128 : i32
    %mul3A_194 = arith.muli %add3A_192, %mul3A_193 : i32
    "tpu.region"() ({
      %run_scoped3A_238 = tpu.sem_alloc : memref<!tpu.dma_semaphore, #tpu.memory_space<semaphore_mem>>
      %dma_start3A_239 = arith.constant 0 : i32
      %dma_start3A_240 = tpu.memref_slice %arg7[%mul3A_194, %dma_start3A_239] : memref<10240x128xf32, #tpu.memory_space<vmem_shared>> -> memref<128x128xf32, #tpu.memory_space<vmem_shared>>
      %dma_start3A_241 = arith.constant 0 : i32
      %dma_start3A_242 = tpu.memref_slice %arg7[%mul3A_194, %dma_start3A_241] : memref<10240x128xf32, #tpu.memory_space<vmem_shared>> -> memref<128x128xf32, #tpu.memory_space<vmem_shared>>
      tpu.enqueue_dma source(%arg10 : memref<128x128xf32, #tpu.memory_space<vmem>>) target(%dma_start3A_242 : memref<128x128xf32, #tpu.memory_space<vmem_shared>>) target_semaphore(%run_scoped3A_238 : memref<!tpu.dma_semaphore, #tpu.memory_space<semaphore_mem>>)
      %dma_wait3A = arith.constant 0 : i32
      %dma_wait3A_243 = tpu.memref_slice %arg7[%mul3A_194, %dma_wait3A] : memref<10240x128xf32, #tpu.memory_space<vmem_shared>> -> memref<128x128xf32, #tpu.memory_space<vmem_shared>>
      %dma_wait3A_244 = arith.constant 0 : i32
      %dma_wait3A_245 = tpu.memref_slice %arg7[%mul3A_194, %dma_wait3A_244] : memref<10240x128xf32, #tpu.memory_space<vmem_shared>> -> memref<128x128xf32, #tpu.memory_space<vmem_shared>>
      tpu.wait_dma2 semaphore(%run_scoped3A_238 : memref<!tpu.dma_semaphore, #tpu.memory_space<semaphore_mem>>) src(%arg10 : memref<128x128xf32, #tpu.memory_space<vmem>>) dst(%dma_wait3A_245 : memref<128x128xf32, #tpu.memory_space<vmem_shared>>)
      tpu.yield
    }) : () -> ()
    %barrier3A_195 = arith.constant 0 : index
    tpu.barrier barrier_id(%barrier3A_195)
    %mul3A_196 = arith.constant 80 : i32
    %mul3A_197 = arith.muli %add3A, %mul3A_196 : i32
    %add3A_198 = arith.constant 5120 : i32
    %add3A_199 = arith.addi %add3A_198, %mul3A_197 : i32
    %add3A_200 = arith.constant 0 : i32
    %add3A_201 = arith.addi %add3A_199, %add3A_200 : i32
    "tpu.region"() ({
      %run_scoped3A_238 = tpu.sem_alloc : memref<!tpu.dma_semaphore, #tpu.memory_space<semaphore_mem>>
      %dma_start3A_239 = arith.constant 0 : i32
      %dma_start3A_240 = tpu.memref_slice %arg4[%add3A_201, %dma_start3A_239] : memref<7680x128xi32, #tpu.memory_space<hbm>> -> memref<40x128xi32, #tpu.memory_space<hbm>>
      %dma_start3A_241 = arith.constant 0 : i32
      %dma_start3A_242 = tpu.memref_slice %arg4[%add3A_201, %dma_start3A_241] : memref<7680x128xi32, #tpu.memory_space<hbm>> -> memref<40x128xi32, #tpu.memory_space<hbm>>
      tpu.enqueue_dma source(%dma_start3A_242 : memref<40x128xi32, #tpu.memory_space<hbm>>) target(%arg8 : memref<40x128xi32, #tpu.memory_space<vmem>>) target_semaphore(%run_scoped3A_238 : memref<!tpu.dma_semaphore, #tpu.memory_space<semaphore_mem>>)
      %dma_wait3A = arith.constant 0 : i32
      %dma_wait3A_243 = tpu.memref_slice %arg4[%add3A_201, %dma_wait3A] : memref<7680x128xi32, #tpu.memory_space<hbm>> -> memref<40x128xi32, #tpu.memory_space<hbm>>
      %dma_wait3A_244 = arith.constant 0 : i32
      %dma_wait3A_245 = tpu.memref_slice %arg4[%add3A_201, %dma_wait3A_244] : memref<7680x128xi32, #tpu.memory_space<hbm>> -> memref<40x128xi32, #tpu.memory_space<hbm>>
      tpu.wait_dma2 semaphore(%run_scoped3A_238 : memref<!tpu.dma_semaphore, #tpu.memory_space<semaphore_mem>>) src(%dma_wait3A_245 : memref<40x128xi32, #tpu.memory_space<hbm>>) dst(%arg8 : memref<40x128xi32, #tpu.memory_space<vmem>>)
      tpu.yield
    }) : () -> ()
    "tpu.region"() ({
      %run_scoped3A_238 = tpu.sem_alloc : memref<!tpu.dma_semaphore, #tpu.memory_space<semaphore_mem>>
      %dma_start3A_239 = arith.constant 0 : i32
      %dma_start3A_240 = tpu.memref_slice %arg5[%add3A_201, %dma_start3A_239] : memref<7680x128xi32, #tpu.memory_space<hbm>> -> memref<40x128xi32, #tpu.memory_space<hbm>>
      %dma_start3A_241 = arith.constant 0 : i32
      %dma_start3A_242 = tpu.memref_slice %arg5[%add3A_201, %dma_start3A_241] : memref<7680x128xi32, #tpu.memory_space<hbm>> -> memref<40x128xi32, #tpu.memory_space<hbm>>
      tpu.enqueue_dma source(%dma_start3A_242 : memref<40x128xi32, #tpu.memory_space<hbm>>) target(%arg9 : memref<40x128xi32, #tpu.memory_space<vmem>>) target_semaphore(%run_scoped3A_238 : memref<!tpu.dma_semaphore, #tpu.memory_space<semaphore_mem>>)
      %dma_wait3A = arith.constant 0 : i32
      %dma_wait3A_243 = tpu.memref_slice %arg5[%add3A_201, %dma_wait3A] : memref<7680x128xi32, #tpu.memory_space<hbm>> -> memref<40x128xi32, #tpu.memory_space<hbm>>
      %dma_wait3A_244 = arith.constant 0 : i32
      %dma_wait3A_245 = tpu.memref_slice %arg5[%add3A_201, %dma_wait3A_244] : memref<7680x128xi32, #tpu.memory_space<hbm>> -> memref<40x128xi32, #tpu.memory_space<hbm>>
      tpu.wait_dma2 semaphore(%run_scoped3A_238 : memref<!tpu.dma_semaphore, #tpu.memory_space<semaphore_mem>>) src(%dma_wait3A_245 : memref<40x128xi32, #tpu.memory_space<hbm>>) dst(%arg9 : memref<40x128xi32, #tpu.memory_space<vmem>>)
      tpu.yield
    }) : () -> ()
    %dma_start3A_202 = arith.constant 0 : i32
    %dma_start3A_203 = arith.constant 0 : i32
    %dma_start3A_204 = tpu.memref_slice %arg8[%dma_start3A_202, %dma_start3A_203] : memref<40x128xi32, #tpu.memory_space<vmem>> -> memref<1x128xi32, #tpu.memory_space<vmem>>
    %dma_start3A_205 = tpu.memref_squeeze %dma_start3A_204 : memref<1x128xi32, #tpu.memory_space<vmem>> -> memref<128xi32, #tpu.memory_space<vmem>>
    %dma_start3A_206 = arith.constant 0 : i32
    %dma_start3A_207 = arith.constant 0 : i32
    %dma_start3A_208 = tpu.memref_slice %arg3[%dma_start3A_206, %dma_start3A_207] : memref<10000x128xf32, #tpu.memory_space<hbm>> -> memref<10000x128xf32, #tpu.memory_space<hbm>>
    tpu.enqueue_indirect_dma source(%dma_start3A_208 : memref<10000x128xf32, #tpu.memory_space<hbm>>) target(%arg10 : memref<128x128xf32, #tpu.memory_space<vmem>>) offsets(%dma_start3A_205 : memref<128xi32, #tpu.memory_space<vmem>>) semaphore(%arg12 : memref<!tpu.dma_semaphore, #tpu.memory_space<semaphore_mem>>)
    %scan3A_209 = arith.constant 0 : i32
    %scan3A_210 = arith.constant 0 : i32
    %scan3A_211 = arith.constant 20 : i32
    %scan3A_212 = arith.addi %scan3A_210, %scan3A_211 : i32
    %scan3A_213 = arith.constant 1 : i32
    scf.for %scan3A_238 = %scan3A_210 to %scan3A_212 step %scan3A_213  : i32 {
      %mul3A_239 = arith.constant 2 : i32
      %mul3A_240 = arith.muli %mul3A_239, %scan3A_238 : i32
      %add3A_241 = arith.constant 1 : i32
      %add3A_242 = arith.addi %mul3A_240, %add3A_241 : i32
      %dma_wait3A = arith.constant 0 : i32
      %dma_wait3A_243 = tpu.memref_slice %arg8[%mul3A_240, %dma_wait3A] : memref<40x128xi32, #tpu.memory_space<vmem>> -> memref<1x128xi32, #tpu.memory_space<vmem>>
      %dma_wait3A_244 = tpu.memref_squeeze %dma_wait3A_243 : memref<1x128xi32, #tpu.memory_space<vmem>> -> memref<128xi32, #tpu.memory_space<vmem>>
      %dma_wait3A_245 = arith.constant 0 : i32
      %dma_wait3A_246 = arith.constant 0 : i32
      %dma_wait3A_247 = tpu.memref_slice %arg3[%dma_wait3A_245, %dma_wait3A_246] : memref<10000x128xf32, #tpu.memory_space<hbm>> -> memref<10000x128xf32, #tpu.memory_space<hbm>>
      tpu.wait_indirect_dma semaphore(%arg12 : memref<!tpu.dma_semaphore, #tpu.memory_space<semaphore_mem>>) src(%dma_wait3A_247 : memref<10000x128xf32, #tpu.memory_space<hbm>>) dst(%arg10 : memref<128x128xf32, #tpu.memory_space<vmem>>)
      %dma_start3A_248 = arith.constant 0 : i32
      %dma_start3A_249 = tpu.memref_slice %arg8[%add3A_242, %dma_start3A_248] : memref<40x128xi32, #tpu.memory_space<vmem>> -> memref<1x128xi32, #tpu.memory_space<vmem>>
      %dma_start3A_250 = tpu.memref_squeeze %dma_start3A_249 : memref<1x128xi32, #tpu.memory_space<vmem>> -> memref<128xi32, #tpu.memory_space<vmem>>
      %dma_start3A_251 = arith.constant 0 : i32
      %dma_start3A_252 = arith.constant 0 : i32
      %dma_start3A_253 = tpu.memref_slice %arg3[%dma_start3A_251, %dma_start3A_252] : memref<10000x128xf32, #tpu.memory_space<hbm>> -> memref<10000x128xf32, #tpu.memory_space<hbm>>
      tpu.enqueue_indirect_dma source(%dma_start3A_253 : memref<10000x128xf32, #tpu.memory_space<hbm>>) target(%arg11 : memref<128x128xf32, #tpu.memory_space<vmem>>) offsets(%dma_start3A_250 : memref<128xi32, #tpu.memory_space<vmem>>) semaphore(%arg13 : memref<!tpu.dma_semaphore, #tpu.memory_space<semaphore_mem>>)
      "tpu.region"() ({
        %run_scoped3A_262 = tpu.sem_alloc : memref<!tpu.dma_semaphore, #tpu.memory_space<semaphore_mem>>
        %dma_start3A_263 = arith.constant 0 : i32
        %dma_start3A_264 = tpu.memref_slice %arg9[%mul3A_240, %dma_start3A_263] : memref<40x128xi32, #tpu.memory_space<vmem>> -> memref<1x128xi32, #tpu.memory_space<vmem>>
        %dma_start3A_265 = tpu.memref_squeeze %dma_start3A_264 : memref<1x128xi32, #tpu.memory_space<vmem>> -> memref<128xi32, #tpu.memory_space<vmem>>
        %dma_start3A_266 = arith.constant 0 : i32
        %dma_start3A_267 = arith.constant 0 : i32
        %dma_start3A_268 = tpu.memref_slice %arg7[%dma_start3A_266, %dma_start3A_267] : memref<10240x128xf32, #tpu.memory_space<vmem_shared>> -> memref<10240x128xf32, #tpu.memory_space<vmem_shared>>
        tpu.enqueue_indirect_dma source(%arg10 : memref<128x128xf32, #tpu.memory_space<vmem>>) target(%dma_start3A_268 : memref<10240x128xf32, #tpu.memory_space<vmem_shared>>) offsets(%dma_start3A_265 : memref<128xi32, #tpu.memory_space<vmem>>) semaphore(%run_scoped3A_262 : memref<!tpu.dma_semaphore, #tpu.memory_space<semaphore_mem>>) {add = true}
        %dma_wait3A_269 = arith.constant 0 : i32
        %dma_wait3A_270 = tpu.memref_slice %arg9[%mul3A_240, %dma_wait3A_269] : memref<40x128xi32, #tpu.memory_space<vmem>> -> memref<1x128xi32, #tpu.memory_space<vmem>>
        %dma_wait3A_271 = tpu.memref_squeeze %dma_wait3A_270 : memref<1x128xi32, #tpu.memory_space<vmem>> -> memref<128xi32, #tpu.memory_space<vmem>>
        %dma_wait3A_272 = arith.constant 0 : i32
        %dma_wait3A_273 = arith.constant 0 : i32
        %dma_wait3A_274 = tpu.memref_slice %arg7[%dma_wait3A_272, %dma_wait3A_273] : memref<10240x128xf32, #tpu.memory_space<vmem_shared>> -> memref<10240x128xf32, #tpu.memory_space<vmem_shared>>
        tpu.wait_indirect_dma semaphore(%run_scoped3A_262 : memref<!tpu.dma_semaphore, #tpu.memory_space<semaphore_mem>>) src(%arg10 : memref<128x128xf32, #tpu.memory_space<vmem>>) dst(%dma_wait3A_274 : memref<10240x128xf32, #tpu.memory_space<vmem_shared>>)
        tpu.yield
      }) : () -> ()
      %dma_wait3A_254 = arith.constant 0 : i32
      %dma_wait3A_255 = tpu.memref_slice %arg8[%add3A_242, %dma_wait3A_254] : memref<40x128xi32, #tpu.memory_space<vmem>> -> memref<1x128xi32, #tpu.memory_space<vmem>>
      %dma_wait3A_256 = tpu.memref_squeeze %dma_wait3A_255 : memref<1x128xi32, #tpu.memory_space<vmem>> -> memref<128xi32, #tpu.memory_space<vmem>>
      %dma_wait3A_257 = arith.constant 0 : i32
      %dma_wait3A_258 = arith.constant 0 : i32
      %dma_wait3A_259 = tpu.memref_slice %arg3[%dma_wait3A_257, %dma_wait3A_258] : memref<10000x128xf32, #tpu.memory_space<hbm>> -> memref<10000x128xf32, #tpu.memory_space<hbm>>
      tpu.wait_indirect_dma semaphore(%arg13 : memref<!tpu.dma_semaphore, #tpu.memory_space<semaphore_mem>>) src(%dma_wait3A_259 : memref<10000x128xf32, #tpu.memory_space<hbm>>) dst(%arg11 : memref<128x128xf32, #tpu.memory_space<vmem>>)
      %lt3A = arith.constant 19 : i32
      %lt3A_260 = arith.cmpi slt, %scan3A_238, %lt3A : i32
      %convert_element_type3A = arith.extui %lt3A_260 : i1 to i32
      %cond3A = arith.constant 0 : i32
      %cond3A_261 = arith.cmpi ne, %convert_element_type3A, %cond3A : i32
      scf.if %cond3A_261 {
        %add3A_262 = arith.constant 2 : i32
        %add3A_263 = arith.addi %mul3A_240, %add3A_262 : i32
        %dma_start3A_264 = arith.constant 0 : i32
        %dma_start3A_265 = tpu.memref_slice %arg8[%add3A_263, %dma_start3A_264] : memref<40x128xi32, #tpu.memory_space<vmem>> -> memref<1x128xi32, #tpu.memory_space<vmem>>
        %dma_start3A_266 = tpu.memref_squeeze %dma_start3A_265 : memref<1x128xi32, #tpu.memory_space<vmem>> -> memref<128xi32, #tpu.memory_space<vmem>>
        %dma_start3A_267 = arith.constant 0 : i32
        %dma_start3A_268 = arith.constant 0 : i32
        %dma_start3A_269 = tpu.memref_slice %arg3[%dma_start3A_267, %dma_start3A_268] : memref<10000x128xf32, #tpu.memory_space<hbm>> -> memref<10000x128xf32, #tpu.memory_space<hbm>>
        tpu.enqueue_indirect_dma source(%dma_start3A_269 : memref<10000x128xf32, #tpu.memory_space<hbm>>) target(%arg10 : memref<128x128xf32, #tpu.memory_space<vmem>>) offsets(%dma_start3A_266 : memref<128xi32, #tpu.memory_space<vmem>>) semaphore(%arg12 : memref<!tpu.dma_semaphore, #tpu.memory_space<semaphore_mem>>)
      } else {
      }
      "tpu.region"() ({
        %run_scoped3A_262 = tpu.sem_alloc : memref<!tpu.dma_semaphore, #tpu.memory_space<semaphore_mem>>
        %dma_start3A_263 = arith.constant 0 : i32
        %dma_start3A_264 = tpu.memref_slice %arg9[%add3A_242, %dma_start3A_263] : memref<40x128xi32, #tpu.memory_space<vmem>> -> memref<1x128xi32, #tpu.memory_space<vmem>>
        %dma_start3A_265 = tpu.memref_squeeze %dma_start3A_264 : memref<1x128xi32, #tpu.memory_space<vmem>> -> memref<128xi32, #tpu.memory_space<vmem>>
        %dma_start3A_266 = arith.constant 0 : i32
        %dma_start3A_267 = arith.constant 0 : i32
        %dma_start3A_268 = tpu.memref_slice %arg7[%dma_start3A_266, %dma_start3A_267] : memref<10240x128xf32, #tpu.memory_space<vmem_shared>> -> memref<10240x128xf32, #tpu.memory_space<vmem_shared>>
        tpu.enqueue_indirect_dma source(%arg11 : memref<128x128xf32, #tpu.memory_space<vmem>>) target(%dma_start3A_268 : memref<10240x128xf32, #tpu.memory_space<vmem_shared>>) offsets(%dma_start3A_265 : memref<128xi32, #tpu.memory_space<vmem>>) semaphore(%run_scoped3A_262 : memref<!tpu.dma_semaphore, #tpu.memory_space<semaphore_mem>>) {add = true}
        %dma_wait3A_269 = arith.constant 0 : i32
        %dma_wait3A_270 = tpu.memref_slice %arg9[%add3A_242, %dma_wait3A_269] : memref<40x128xi32, #tpu.memory_space<vmem>> -> memref<1x128xi32, #tpu.memory_space<vmem>>
        %dma_wait3A_271 = tpu.memref_squeeze %dma_wait3A_270 : memref<1x128xi32, #tpu.memory_space<vmem>> -> memref<128xi32, #tpu.memory_space<vmem>>
        %dma_wait3A_272 = arith.constant 0 : i32
        %dma_wait3A_273 = arith.constant 0 : i32
        %dma_wait3A_274 = tpu.memref_slice %arg7[%dma_wait3A_272, %dma_wait3A_273] : memref<10240x128xf32, #tpu.memory_space<vmem_shared>> -> memref<10240x128xf32, #tpu.memory_space<vmem_shared>>
        tpu.wait_indirect_dma semaphore(%run_scoped3A_262 : memref<!tpu.dma_semaphore, #tpu.memory_space<semaphore_mem>>) src(%arg11 : memref<128x128xf32, #tpu.memory_space<vmem>>) dst(%dma_wait3A_274 : memref<10240x128xf32, #tpu.memory_space<vmem_shared>>)
        tpu.yield
      }) : () -> ()
    }
    %scan3A_214 = arith.constant 20 : i32
    %mul3A_215 = arith.constant 80 : i32
    %mul3A_216 = arith.muli %add3A, %mul3A_215 : i32
    %add3A_217 = arith.constant 5120 : i32
    %add3A_218 = arith.addi %add3A_217, %mul3A_216 : i32
    %add3A_219 = arith.constant 40 : i32
    %add3A_220 = arith.addi %add3A_218, %add3A_219 : i32
    "tpu.region"() ({
      %run_scoped3A_238 = tpu.sem_alloc : memref<!tpu.dma_semaphore, #tpu.memory_space<semaphore_mem>>
      %dma_start3A_239 = arith.constant 0 : i32
      %dma_start3A_240 = tpu.memref_slice %arg4[%add3A_220, %dma_start3A_239] : memref<7680x128xi32, #tpu.memory_space<hbm>> -> memref<40x128xi32, #tpu.memory_space<hbm>>
      %dma_start3A_241 = arith.constant 0 : i32
      %dma_start3A_242 = tpu.memref_slice %arg4[%add3A_220, %dma_start3A_241] : memref<7680x128xi32, #tpu.memory_space<hbm>> -> memref<40x128xi32, #tpu.memory_space<hbm>>
      tpu.enqueue_dma source(%dma_start3A_242 : memref<40x128xi32, #tpu.memory_space<hbm>>) target(%arg8 : memref<40x128xi32, #tpu.memory_space<vmem>>) target_semaphore(%run_scoped3A_238 : memref<!tpu.dma_semaphore, #tpu.memory_space<semaphore_mem>>)
      %dma_wait3A = arith.constant 0 : i32
      %dma_wait3A_243 = tpu.memref_slice %arg4[%add3A_220, %dma_wait3A] : memref<7680x128xi32, #tpu.memory_space<hbm>> -> memref<40x128xi32, #tpu.memory_space<hbm>>
      %dma_wait3A_244 = arith.constant 0 : i32
      %dma_wait3A_245 = tpu.memref_slice %arg4[%add3A_220, %dma_wait3A_244] : memref<7680x128xi32, #tpu.memory_space<hbm>> -> memref<40x128xi32, #tpu.memory_space<hbm>>
      tpu.wait_dma2 semaphore(%run_scoped3A_238 : memref<!tpu.dma_semaphore, #tpu.memory_space<semaphore_mem>>) src(%dma_wait3A_245 : memref<40x128xi32, #tpu.memory_space<hbm>>) dst(%arg8 : memref<40x128xi32, #tpu.memory_space<vmem>>)
      tpu.yield
    }) : () -> ()
    "tpu.region"() ({
      %run_scoped3A_238 = tpu.sem_alloc : memref<!tpu.dma_semaphore, #tpu.memory_space<semaphore_mem>>
      %dma_start3A_239 = arith.constant 0 : i32
      %dma_start3A_240 = tpu.memref_slice %arg5[%add3A_220, %dma_start3A_239] : memref<7680x128xi32, #tpu.memory_space<hbm>> -> memref<40x128xi32, #tpu.memory_space<hbm>>
      %dma_start3A_241 = arith.constant 0 : i32
      %dma_start3A_242 = tpu.memref_slice %arg5[%add3A_220, %dma_start3A_241] : memref<7680x128xi32, #tpu.memory_space<hbm>> -> memref<40x128xi32, #tpu.memory_space<hbm>>
      tpu.enqueue_dma source(%dma_start3A_242 : memref<40x128xi32, #tpu.memory_space<hbm>>) target(%arg9 : memref<40x128xi32, #tpu.memory_space<vmem>>) target_semaphore(%run_scoped3A_238 : memref<!tpu.dma_semaphore, #tpu.memory_space<semaphore_mem>>)
      %dma_wait3A = arith.constant 0 : i32
      %dma_wait3A_243 = tpu.memref_slice %arg5[%add3A_220, %dma_wait3A] : memref<7680x128xi32, #tpu.memory_space<hbm>> -> memref<40x128xi32, #tpu.memory_space<hbm>>
      %dma_wait3A_244 = arith.constant 0 : i32
      %dma_wait3A_245 = tpu.memref_slice %arg5[%add3A_220, %dma_wait3A_244] : memref<7680x128xi32, #tpu.memory_space<hbm>> -> memref<40x128xi32, #tpu.memory_space<hbm>>
      tpu.wait_dma2 semaphore(%run_scoped3A_238 : memref<!tpu.dma_semaphore, #tpu.memory_space<semaphore_mem>>) src(%dma_wait3A_245 : memref<40x128xi32, #tpu.memory_space<hbm>>) dst(%arg9 : memref<40x128xi32, #tpu.memory_space<vmem>>)
      tpu.yield
    }) : () -> ()
    %dma_start3A_221 = arith.constant 0 : i32
    %dma_start3A_222 = arith.constant 0 : i32
    %dma_start3A_223 = tpu.memref_slice %arg8[%dma_start3A_221, %dma_start3A_222] : memref<40x128xi32, #tpu.memory_space<vmem>> -> memref<1x128xi32, #tpu.memory_space<vmem>>
    %dma_start3A_224 = tpu.memref_squeeze %dma_start3A_223 : memref<1x128xi32, #tpu.memory_space<vmem>> -> memref<128xi32, #tpu.memory_space<vmem>>
    %dma_start3A_225 = arith.constant 0 : i32
    %dma_start3A_226 = arith.constant 0 : i32
    %dma_start3A_227 = tpu.memref_slice %arg3[%dma_start3A_225, %dma_start3A_226] : memref<10000x128xf32, #tpu.memory_space<hbm>> -> memref<10000x128xf32, #tpu.memory_space<hbm>>
    tpu.enqueue_indirect_dma source(%dma_start3A_227 : memref<10000x128xf32, #tpu.memory_space<hbm>>) target(%arg10 : memref<128x128xf32, #tpu.memory_space<vmem>>) offsets(%dma_start3A_224 : memref<128xi32, #tpu.memory_space<vmem>>) semaphore(%arg12 : memref<!tpu.dma_semaphore, #tpu.memory_space<semaphore_mem>>)
    %scan3A_228 = arith.constant 0 : i32
    %scan3A_229 = arith.constant 0 : i32
    %scan3A_230 = arith.constant 20 : i32
    %scan3A_231 = arith.addi %scan3A_229, %scan3A_230 : i32
    %scan3A_232 = arith.constant 1 : i32
    scf.for %scan3A_238 = %scan3A_229 to %scan3A_231 step %scan3A_232  : i32 {
      %mul3A_239 = arith.constant 2 : i32
      %mul3A_240 = arith.muli %mul3A_239, %scan3A_238 : i32
      %add3A_241 = arith.constant 1 : i32
      %add3A_242 = arith.addi %mul3A_240, %add3A_241 : i32
      %dma_wait3A = arith.constant 0 : i32
      %dma_wait3A_243 = tpu.memref_slice %arg8[%mul3A_240, %dma_wait3A] : memref<40x128xi32, #tpu.memory_space<vmem>> -> memref<1x128xi32, #tpu.memory_space<vmem>>
      %dma_wait3A_244 = tpu.memref_squeeze %dma_wait3A_243 : memref<1x128xi32, #tpu.memory_space<vmem>> -> memref<128xi32, #tpu.memory_space<vmem>>
      %dma_wait3A_245 = arith.constant 0 : i32
      %dma_wait3A_246 = arith.constant 0 : i32
      %dma_wait3A_247 = tpu.memref_slice %arg3[%dma_wait3A_245, %dma_wait3A_246] : memref<10000x128xf32, #tpu.memory_space<hbm>> -> memref<10000x128xf32, #tpu.memory_space<hbm>>
      tpu.wait_indirect_dma semaphore(%arg12 : memref<!tpu.dma_semaphore, #tpu.memory_space<semaphore_mem>>) src(%dma_wait3A_247 : memref<10000x128xf32, #tpu.memory_space<hbm>>) dst(%arg10 : memref<128x128xf32, #tpu.memory_space<vmem>>)
      %dma_start3A_248 = arith.constant 0 : i32
      %dma_start3A_249 = tpu.memref_slice %arg8[%add3A_242, %dma_start3A_248] : memref<40x128xi32, #tpu.memory_space<vmem>> -> memref<1x128xi32, #tpu.memory_space<vmem>>
      %dma_start3A_250 = tpu.memref_squeeze %dma_start3A_249 : memref<1x128xi32, #tpu.memory_space<vmem>> -> memref<128xi32, #tpu.memory_space<vmem>>
      %dma_start3A_251 = arith.constant 0 : i32
      %dma_start3A_252 = arith.constant 0 : i32
      %dma_start3A_253 = tpu.memref_slice %arg3[%dma_start3A_251, %dma_start3A_252] : memref<10000x128xf32, #tpu.memory_space<hbm>> -> memref<10000x128xf32, #tpu.memory_space<hbm>>
      tpu.enqueue_indirect_dma source(%dma_start3A_253 : memref<10000x128xf32, #tpu.memory_space<hbm>>) target(%arg11 : memref<128x128xf32, #tpu.memory_space<vmem>>) offsets(%dma_start3A_250 : memref<128xi32, #tpu.memory_space<vmem>>) semaphore(%arg13 : memref<!tpu.dma_semaphore, #tpu.memory_space<semaphore_mem>>)
      "tpu.region"() ({
        %run_scoped3A_262 = tpu.sem_alloc : memref<!tpu.dma_semaphore, #tpu.memory_space<semaphore_mem>>
        %dma_start3A_263 = arith.constant 0 : i32
        %dma_start3A_264 = tpu.memref_slice %arg9[%mul3A_240, %dma_start3A_263] : memref<40x128xi32, #tpu.memory_space<vmem>> -> memref<1x128xi32, #tpu.memory_space<vmem>>
        %dma_start3A_265 = tpu.memref_squeeze %dma_start3A_264 : memref<1x128xi32, #tpu.memory_space<vmem>> -> memref<128xi32, #tpu.memory_space<vmem>>
        %dma_start3A_266 = arith.constant 0 : i32
        %dma_start3A_267 = arith.constant 0 : i32
        %dma_start3A_268 = tpu.memref_slice %arg7[%dma_start3A_266, %dma_start3A_267] : memref<10240x128xf32, #tpu.memory_space<vmem_shared>> -> memref<10240x128xf32, #tpu.memory_space<vmem_shared>>
        tpu.enqueue_indirect_dma source(%arg10 : memref<128x128xf32, #tpu.memory_space<vmem>>) target(%dma_start3A_268 : memref<10240x128xf32, #tpu.memory_space<vmem_shared>>) offsets(%dma_start3A_265 : memref<128xi32, #tpu.memory_space<vmem>>) semaphore(%run_scoped3A_262 : memref<!tpu.dma_semaphore, #tpu.memory_space<semaphore_mem>>) {add = true}
        %dma_wait3A_269 = arith.constant 0 : i32
        %dma_wait3A_270 = tpu.memref_slice %arg9[%mul3A_240, %dma_wait3A_269] : memref<40x128xi32, #tpu.memory_space<vmem>> -> memref<1x128xi32, #tpu.memory_space<vmem>>
        %dma_wait3A_271 = tpu.memref_squeeze %dma_wait3A_270 : memref<1x128xi32, #tpu.memory_space<vmem>> -> memref<128xi32, #tpu.memory_space<vmem>>
        %dma_wait3A_272 = arith.constant 0 : i32
        %dma_wait3A_273 = arith.constant 0 : i32
        %dma_wait3A_274 = tpu.memref_slice %arg7[%dma_wait3A_272, %dma_wait3A_273] : memref<10240x128xf32, #tpu.memory_space<vmem_shared>> -> memref<10240x128xf32, #tpu.memory_space<vmem_shared>>
        tpu.wait_indirect_dma semaphore(%run_scoped3A_262 : memref<!tpu.dma_semaphore, #tpu.memory_space<semaphore_mem>>) src(%arg10 : memref<128x128xf32, #tpu.memory_space<vmem>>) dst(%dma_wait3A_274 : memref<10240x128xf32, #tpu.memory_space<vmem_shared>>)
        tpu.yield
      }) : () -> ()
      %dma_wait3A_254 = arith.constant 0 : i32
      %dma_wait3A_255 = tpu.memref_slice %arg8[%add3A_242, %dma_wait3A_254] : memref<40x128xi32, #tpu.memory_space<vmem>> -> memref<1x128xi32, #tpu.memory_space<vmem>>
      %dma_wait3A_256 = tpu.memref_squeeze %dma_wait3A_255 : memref<1x128xi32, #tpu.memory_space<vmem>> -> memref<128xi32, #tpu.memory_space<vmem>>
      %dma_wait3A_257 = arith.constant 0 : i32
      %dma_wait3A_258 = arith.constant 0 : i32
      %dma_wait3A_259 = tpu.memref_slice %arg3[%dma_wait3A_257, %dma_wait3A_258] : memref<10000x128xf32, #tpu.memory_space<hbm>> -> memref<10000x128xf32, #tpu.memory_space<hbm>>
      tpu.wait_indirect_dma semaphore(%arg13 : memref<!tpu.dma_semaphore, #tpu.memory_space<semaphore_mem>>) src(%dma_wait3A_259 : memref<10000x128xf32, #tpu.memory_space<hbm>>) dst(%arg11 : memref<128x128xf32, #tpu.memory_space<vmem>>)
      %lt3A = arith.constant 19 : i32
      %lt3A_260 = arith.cmpi slt, %scan3A_238, %lt3A : i32
      %convert_element_type3A = arith.extui %lt3A_260 : i1 to i32
      %cond3A = arith.constant 0 : i32
      %cond3A_261 = arith.cmpi ne, %convert_element_type3A, %cond3A : i32
      scf.if %cond3A_261 {
        %add3A_262 = arith.constant 2 : i32
        %add3A_263 = arith.addi %mul3A_240, %add3A_262 : i32
        %dma_start3A_264 = arith.constant 0 : i32
        %dma_start3A_265 = tpu.memref_slice %arg8[%add3A_263, %dma_start3A_264] : memref<40x128xi32, #tpu.memory_space<vmem>> -> memref<1x128xi32, #tpu.memory_space<vmem>>
        %dma_start3A_266 = tpu.memref_squeeze %dma_start3A_265 : memref<1x128xi32, #tpu.memory_space<vmem>> -> memref<128xi32, #tpu.memory_space<vmem>>
        %dma_start3A_267 = arith.constant 0 : i32
        %dma_start3A_268 = arith.constant 0 : i32
        %dma_start3A_269 = tpu.memref_slice %arg3[%dma_start3A_267, %dma_start3A_268] : memref<10000x128xf32, #tpu.memory_space<hbm>> -> memref<10000x128xf32, #tpu.memory_space<hbm>>
        tpu.enqueue_indirect_dma source(%dma_start3A_269 : memref<10000x128xf32, #tpu.memory_space<hbm>>) target(%arg10 : memref<128x128xf32, #tpu.memory_space<vmem>>) offsets(%dma_start3A_266 : memref<128xi32, #tpu.memory_space<vmem>>) semaphore(%arg12 : memref<!tpu.dma_semaphore, #tpu.memory_space<semaphore_mem>>)
      } else {
      }
      "tpu.region"() ({
        %run_scoped3A_262 = tpu.sem_alloc : memref<!tpu.dma_semaphore, #tpu.memory_space<semaphore_mem>>
        %dma_start3A_263 = arith.constant 0 : i32
        %dma_start3A_264 = tpu.memref_slice %arg9[%add3A_242, %dma_start3A_263] : memref<40x128xi32, #tpu.memory_space<vmem>> -> memref<1x128xi32, #tpu.memory_space<vmem>>
        %dma_start3A_265 = tpu.memref_squeeze %dma_start3A_264 : memref<1x128xi32, #tpu.memory_space<vmem>> -> memref<128xi32, #tpu.memory_space<vmem>>
        %dma_start3A_266 = arith.constant 0 : i32
        %dma_start3A_267 = arith.constant 0 : i32
        %dma_start3A_268 = tpu.memref_slice %arg7[%dma_start3A_266, %dma_start3A_267] : memref<10240x128xf32, #tpu.memory_space<vmem_shared>> -> memref<10240x128xf32, #tpu.memory_space<vmem_shared>>
        tpu.enqueue_indirect_dma source(%arg11 : memref<128x128xf32, #tpu.memory_space<vmem>>) target(%dma_start3A_268 : memref<10240x128xf32, #tpu.memory_space<vmem_shared>>) offsets(%dma_start3A_265 : memref<128xi32, #tpu.memory_space<vmem>>) semaphore(%run_scoped3A_262 : memref<!tpu.dma_semaphore, #tpu.memory_space<semaphore_mem>>) {add = true}
        %dma_wait3A_269 = arith.constant 0 : i32
        %dma_wait3A_270 = tpu.memref_slice %arg9[%add3A_242, %dma_wait3A_269] : memref<40x128xi32, #tpu.memory_space<vmem>> -> memref<1x128xi32, #tpu.memory_space<vmem>>
        %dma_wait3A_271 = tpu.memref_squeeze %dma_wait3A_270 : memref<1x128xi32, #tpu.memory_space<vmem>> -> memref<128xi32, #tpu.memory_space<vmem>>
        %dma_wait3A_272 = arith.constant 0 : i32
        %dma_wait3A_273 = arith.constant 0 : i32
        %dma_wait3A_274 = tpu.memref_slice %arg7[%dma_wait3A_272, %dma_wait3A_273] : memref<10240x128xf32, #tpu.memory_space<vmem_shared>> -> memref<10240x128xf32, #tpu.memory_space<vmem_shared>>
        tpu.wait_indirect_dma semaphore(%run_scoped3A_262 : memref<!tpu.dma_semaphore, #tpu.memory_space<semaphore_mem>>) src(%arg11 : memref<128x128xf32, #tpu.memory_space<vmem>>) dst(%dma_wait3A_274 : memref<10240x128xf32, #tpu.memory_space<vmem_shared>>)
        tpu.yield
      }) : () -> ()
    }
    %scan3A_233 = arith.constant 20 : i32
    %barrier3A_234 = arith.constant 0 : index
    tpu.barrier barrier_id(%barrier3A_234)
    %mul3A_235 = arith.constant 640 : i32
    %mul3A_236 = arith.muli %arg1, %mul3A_235 : i32
    %run_scoped3A_237 = arith.constant 2 : i32
    "tpu.region"() ({
      %run_scoped3A_238 = tpu.sem_alloc : memref<!tpu.dma_semaphore, #tpu.memory_space<semaphore_mem>>
      %dma_start3A_239 = arith.constant 0 : i32
      %dma_start3A_240 = tpu.memref_slice %arg6[%run_scoped3A_237, %arg0, %mul3A_236, %dma_start3A_239] : memref<3x2x10240x128xf32, #tpu.memory_space<hbm>> -> memref<1x1x640x128xf32, #tpu.memory_space<hbm>>
      %dma_start3A_241 = tpu.memref_squeeze %dma_start3A_240 : memref<1x1x640x128xf32, #tpu.memory_space<hbm>> -> memref<640x128xf32, #tpu.memory_space<hbm>>
      %dma_start3A_242 = arith.constant 0 : i32
      %dma_start3A_243 = tpu.memref_slice %arg7[%mul3A_236, %dma_start3A_242] : memref<10240x128xf32, #tpu.memory_space<vmem_shared>> -> memref<640x128xf32, #tpu.memory_space<vmem_shared>>
      tpu.enqueue_dma source(%dma_start3A_243 : memref<640x128xf32, #tpu.memory_space<vmem_shared>>) target(%dma_start3A_241 : memref<640x128xf32, #tpu.memory_space<hbm>>) target_semaphore(%run_scoped3A_238 : memref<!tpu.dma_semaphore, #tpu.memory_space<semaphore_mem>>)
      %dma_wait3A = arith.constant 0 : i32
      %dma_wait3A_244 = tpu.memref_slice %arg6[%run_scoped3A_237, %arg0, %mul3A_236, %dma_wait3A] : memref<3x2x10240x128xf32, #tpu.memory_space<hbm>> -> memref<1x1x640x128xf32, #tpu.memory_space<hbm>>
      %dma_wait3A_245 = tpu.memref_squeeze %dma_wait3A_244 : memref<1x1x640x128xf32, #tpu.memory_space<hbm>> -> memref<640x128xf32, #tpu.memory_space<hbm>>
      %dma_wait3A_246 = arith.constant 0 : i32
      %dma_wait3A_247 = tpu.memref_slice %arg7[%mul3A_236, %dma_wait3A_246] : memref<10240x128xf32, #tpu.memory_space<vmem_shared>> -> memref<640x128xf32, #tpu.memory_space<vmem_shared>>
      tpu.wait_dma2 semaphore(%run_scoped3A_238 : memref<!tpu.dma_semaphore, #tpu.memory_space<semaphore_mem>>) src(%dma_wait3A_247 : memref<640x128xf32, #tpu.memory_space<vmem_shared>>) dst(%dma_wait3A_245 : memref<640x128xf32, #tpu.memory_space<hbm>>)
      tpu.yield
    }) : () -> ()
    return
  }
}

module attributes {stable_mosaic.version = 14 : i64} {
  func.func @body(%arg0: i32, %arg1: memref<1x1x2000x128xf32, #tpu.memory_space<vmem>>, %arg2: memref<1x1x2000x128xf32, #tpu.memory_space<vmem>>, %arg3: memref<2000x128xf32, #tpu.memory_space<vmem>>) attributes {dimension_semantics = [#tpu.dimension_semantics<arbitrary>], iteration_bounds = array<i64: 5>, scalar_prefetch = 0 : i64, scratch_operands = 0 : i64, tpu.core_type = #tpu.core_type<tc>, window_params = [{transform_indices = @transform_0, window_bounds = array<i64: 1, 1, 2000, 128>}, {transform_indices = @transform_1, window_bounds = array<i64: 1, 1, 2000, 128>}, {transform_indices = @transform_2, window_bounds = array<i64: 2000, 128>}]} {
    %get3A = arith.constant 0 : index
    %get3A_0 = arith.constant 0 : index
    %get3A_1 = arith.constant 0 : index
    %get3A_2 = arith.constant 0 : index
    %get3A_3 = vector.load %arg1[%get3A, %get3A_0, %get3A_1, %get3A_2] : memref<1x1x2000x128xf32, #tpu.memory_space<vmem>>, vector<1x1x2000x128xf32>
    %get3A_4 = vector.shape_cast %get3A_3 : vector<1x1x2000x128xf32> to vector<2000x128xf32>
    %get3A_5 = arith.constant 0 : index
    %get3A_6 = arith.constant 0 : index
    %get3A_7 = arith.constant 0 : index
    %get3A_8 = arith.constant 0 : index
    %get3A_9 = vector.load %arg2[%get3A_5, %get3A_6, %get3A_7, %get3A_8] : memref<1x1x2000x128xf32, #tpu.memory_space<vmem>>, vector<1x1x2000x128xf32>
    %get3A_10 = vector.shape_cast %get3A_9 : vector<1x1x2000x128xf32> to vector<2000x128xf32>
    %add3A = arith.addf %get3A_4, %get3A_10 : vector<2000x128xf32>
    %swap3A = arith.constant 0 : index
    %swap3A_11 = arith.constant 0 : index
    %swap3A_12 = vector.load %arg3[%swap3A, %swap3A_11] : memref<2000x128xf32, #tpu.memory_space<vmem>>, vector<2000x128xf32>
    tpu.vector_store %arg3[%swap3A, %swap3A_11], %add3A {strides = array<i32>} : memref<2000x128xf32, #tpu.memory_space<vmem>>, vector<2000x128xf32>,
    return
  }
  func.func @transform_0(%arg0: i32) -> (i32, i32, i32, i32) {
    %c0_i32 = arith.constant 0 : i32
    %c0_i32_0 = arith.constant 0 : i32
    %c0_i32_1 = arith.constant 0 : i32
    %c0_i32_2 = arith.constant 0 : i32
    return %c0_i32, %c0_i32_0, %arg0, %c0_i32_1 : i32, i32, i32, i32
  }
  func.func @transform_1(%arg0: i32) -> (i32, i32, i32, i32) {
    %c0_i32 = arith.constant 0 : i32
    %c1_i32 = arith.constant 1 : i32
    %c0_i32_0 = arith.constant 0 : i32
    %c0_i32_1 = arith.constant 0 : i32
    return %c0_i32, %c1_i32, %arg0, %c0_i32_0 : i32, i32, i32, i32
  }
  func.func @transform_2(%arg0: i32) -> (i32, i32) {
    %c0_i32 = arith.constant 0 : i32
    %c0_i32_0 = arith.constant 0 : i32
    return %arg0, %c0_i32 : i32, i32
  }
}

module attributes {stable_mosaic.version = 14 : i64} {
  func.func @body(%arg0: i32, %arg1: memref<1x1x10000x128xf32, #tpu.memory_space<vmem>>, %arg2: memref<1x1x10000x128xf32, #tpu.memory_space<vmem>>, %arg3: memref<10000x16xf32, #tpu.memory_space<vmem>>, %arg4: memref<256x128xf32, #tpu.memory_space<vmem>>, %arg5: memref<1x128xf32, #tpu.memory_space<vmem>>, %arg6: memref<16xi32, #tpu.memory_space<smem>>, %arg7: memref<10000x128xf32, #tpu.memory_space<vmem>>, %arg8: memref<10000x128xf32, #tpu.memory_space<vmem>>, %arg9: memref<16x128xf32, #tpu.memory_space<vmem>>) attributes {dimension_semantics = [#tpu.dimension_semantics<arbitrary>], iteration_bounds = array<i64: 1>, scalar_prefetch = 0 : i64, scratch_operands = 1 : i64, tpu.core_type = #tpu.core_type<tc>, window_params = [{transform_indices = @transform_0, window_bounds = array<i64: 1, 1, 10000, 128>}, {transform_indices = @transform_1, window_bounds = array<i64: 1, 1, 10000, 128>}, {pipeline_mode = #tpu.pipeline_mode<synchronous>, transform_indices = @transform_2, window_bounds = array<i64: 10000, 16>}, {pipeline_mode = #tpu.pipeline_mode<synchronous>, transform_indices = @transform_3, window_bounds = array<i64: 256, 128>}, {pipeline_mode = #tpu.pipeline_mode<synchronous>, transform_indices = @transform_4, window_bounds = array<i64: 1, 128>}, {transform_indices = @transform_5, window_bounds = array<i64: 16>}, {pipeline_mode = #tpu.pipeline_mode<synchronous>, transform_indices = @transform_6, window_bounds = array<i64: 10000, 128>}, {pipeline_mode = #tpu.pipeline_mode<synchronous>, transform_indices = @transform_7, window_bounds = array<i64: 10000, 128>}]} {
    %get3A = arith.constant 0 : index
    %get3A_0 = arith.constant 0 : index
    %get3A_1 = arith.constant 0 : index
    %get3A_2 = arith.constant 0 : index
    %get3A_3 = vector.load %arg1[%get3A, %get3A_0, %get3A_1, %get3A_2] : memref<1x1x10000x128xf32, #tpu.memory_space<vmem>>, vector<1x1x10000x128xf32>
    %get3A_4 = vector.shape_cast %get3A_3 : vector<1x1x10000x128xf32> to vector<10000x128xf32>
    %get3A_5 = arith.constant 0 : index
    %get3A_6 = arith.constant 0 : index
    %get3A_7 = arith.constant 0 : index
    %get3A_8 = arith.constant 0 : index
    %get3A_9 = vector.load %arg2[%get3A_5, %get3A_6, %get3A_7, %get3A_8] : memref<1x1x10000x128xf32, #tpu.memory_space<vmem>>, vector<1x1x10000x128xf32>
    %get3A_10 = vector.shape_cast %get3A_9 : vector<1x1x10000x128xf32> to vector<10000x128xf32>
    %add3A = arith.addf %get3A_4, %get3A_10 : vector<10000x128xf32>
    %swap3A = arith.constant 0 : index
    %swap3A_11 = arith.constant 0 : index
    %swap3A_12 = vector.load %arg7[%swap3A, %swap3A_11] : memref<10000x128xf32, #tpu.memory_space<vmem>>, vector<10000x128xf32>
    tpu.vector_store %arg7[%swap3A, %swap3A_11], %add3A {strides = array<i32>} : memref<10000x128xf32, #tpu.memory_space<vmem>>, vector<10000x128xf32>,
    %scan3A = arith.constant 0 : i32
    %scan3A_13 = arith.constant 16 : i32
    %scan3A_14 = arith.addi %scan3A, %scan3A_13 : i32
    %scan3A_15 = arith.constant 1 : i32
    scf.for %scan3A_49 = %scan3A to %scan3A_14 step %scan3A_15  : i32 {
      %get3A_50 = arith.index_cast %scan3A_49 : i32 to index
      %get3A_51 = memref.load %arg6[%get3A_50] : memref<16xi32, #tpu.memory_space<smem>>
      %get3A_52 = arith.constant 0 : index
      %get3A_53 = arith.constant 0 : index
      %get3A_54 = arith.index_cast %get3A_51 : i32 to index
      %get3A_55 = arith.constant 0 : index
      %get3A_56 = vector.load %arg1[%get3A_52, %get3A_53, %get3A_54, %get3A_55] : memref<1x1x10000x128xf32, #tpu.memory_space<vmem>>, vector<1x1x1x128xf32>
      %get3A_57 = vector.shape_cast %get3A_56 : vector<1x1x1x128xf32> to vector<1x128xf32>
      %get3A_58 = arith.constant 0 : index
      %get3A_59 = arith.constant 0 : index
      %get3A_60 = arith.index_cast %get3A_51 : i32 to index
      %get3A_61 = arith.constant 0 : index
      %get3A_62 = vector.load %arg2[%get3A_58, %get3A_59, %get3A_60, %get3A_61] : memref<1x1x10000x128xf32, #tpu.memory_space<vmem>>, vector<1x1x1x128xf32>
      %get3A_63 = vector.shape_cast %get3A_62 : vector<1x1x1x128xf32> to vector<1x128xf32>
      %add3A_64 = arith.addf %get3A_57, %get3A_63 : vector<1x128xf32>
      %swap3A_65 = arith.index_cast %scan3A_49 : i32 to index
      %swap3A_66 = arith.constant 0 : index
      %swap3A_67 = vector.load %arg9[%swap3A_65, %swap3A_66] : memref<16x128xf32, #tpu.memory_space<vmem>>, vector<1x128xf32>
      tpu.vector_store %arg9[%swap3A_65, %swap3A_66], %add3A_64 {strides = array<i32>} : memref<16x128xf32, #tpu.memory_space<vmem>>, vector<1x128xf32>,
    }
    %scan3A_16 = arith.constant 16 : i32
    %get3A_17 = arith.constant 0 : index
    %get3A_18 = arith.constant 0 : index
    %get3A_19 = vector.load %arg3[%get3A_17, %get3A_18] : memref<10000x16xf32, #tpu.memory_space<vmem>>, vector<10000x16xf32>
    %get3A_20 = arith.constant 0 : index
    %get3A_21 = arith.constant 0 : index
    %get3A_22 = vector.load %arg9[%get3A_20, %get3A_21] : memref<16x128xf32, #tpu.memory_space<vmem>>, vector<16x128xf32>
    %dot_general3A = arith.constant dense<0.000000e+00> : vector<10000x128xf32>
    %dot_general3A_23 = tpu.matmul %get3A_19, %get3A_22, %dot_general3A {dimension_numbers = #tpu.dot_dimension_numbers<[1], [0], [0], [1], [0, 0, 1, 1], [], []>, transpose_lhs_hint = false} : vector<10000x16xf32>, vector<16x128xf32>, vector<10000x128xf32> -> vector<10000x128xf32>
    %reshape3A = vector.shape_cast %add3A : vector<10000x128xf32> to vector<625x16x128xf32>
    %reduce_sum3A = arith.constant dense<0.000000e+00> : vector<625x128xf32>
    %reduce_sum3A_24 = vector.multi_reduction <add>, %reshape3A, %reduce_sum3A [1] : vector<625x16x128xf32> to vector<625x128xf32>
    %get3A_25 = arith.constant 0 : index
    %get3A_26 = arith.constant 0 : index
    %get3A_27 = vector.load %arg4[%get3A_25, %get3A_26] : memref<256x128xf32, #tpu.memory_space<vmem>>, vector<128x128xf32>
    %get3A_28 = arith.constant 128 : index
    %get3A_29 = arith.constant 0 : index
    %get3A_30 = vector.load %arg4[%get3A_28, %get3A_29] : memref<256x128xf32, #tpu.memory_space<vmem>>, vector<128x128xf32>
    %dot_general3A_31 = arith.constant dense<0.000000e+00> : vector<10000x128xf32>
    %dot_general3A_32 = tpu.matmul %dot_general3A_23, %get3A_27, %dot_general3A_31 {dimension_numbers = #tpu.dot_dimension_numbers<[1], [0], [0], [1], [0, 0, 1, 1], [], []>, transpose_lhs_hint = false} : vector<10000x128xf32>, vector<128x128xf32>, vector<10000x128xf32> -> vector<10000x128xf32>
    %dot_general3A_33 = arith.constant dense<0.000000e+00> : vector<625x128xf32>
    %dot_general3A_34 = tpu.matmul %reduce_sum3A_24, %get3A_30, %dot_general3A_33 {dimension_numbers = #tpu.dot_dimension_numbers<[1], [0], [0], [1], [0, 0, 1, 1], [], []>, transpose_lhs_hint = false} : vector<625x128xf32>, vector<128x128xf32>, vector<625x128xf32> -> vector<625x128xf32>
    %broadcast_in_dim3A = vector.shape_cast %dot_general3A_34 : vector<625x128xf32> to vector<1x625x128xf32>
    %broadcast_in_dim3A_35 = vector.shape_cast %broadcast_in_dim3A : vector<1x625x128xf32> to vector<1x625x128xf32>
    %broadcast_in_dim3A_36 = vector.broadcast %broadcast_in_dim3A_35 : vector<1x625x128xf32> to vector<16x625x128xf32>
    %reshape3A_37 = vector.shape_cast %broadcast_in_dim3A_36 : vector<16x625x128xf32> to vector<10000x128xf32>
    %add3A_38 = arith.addf %dot_general3A_32, %reshape3A_37 : vector<10000x128xf32>
    %mul3A = arith.constant 6.250000e-02 : f32
    %mul3A_39 = vector.broadcast %mul3A : f32 to vector<10000x128xf32>
    %mul3A_40 = arith.mulf %add3A_38, %mul3A_39 : vector<10000x128xf32>
    %get3A_41 = arith.constant 0 : index
    %get3A_42 = arith.constant 0 : index
    %get3A_43 = vector.load %arg5[%get3A_41, %get3A_42] : memref<1x128xf32, #tpu.memory_space<vmem>>, vector<1x128xf32>
    %add3A_44 = vector.broadcast %get3A_43 : vector<1x128xf32> to vector<10000x128xf32>
    %add3A_45 = arith.addf %mul3A_40, %add3A_44 : vector<10000x128xf32>
    %swap3A_46 = arith.constant 0 : index
    %swap3A_47 = arith.constant 0 : index
    %swap3A_48 = vector.load %arg8[%swap3A_46, %swap3A_47] : memref<10000x128xf32, #tpu.memory_space<vmem>>, vector<10000x128xf32>
    tpu.vector_store %arg8[%swap3A_46, %swap3A_47], %add3A_45 {strides = array<i32>} : memref<10000x128xf32, #tpu.memory_space<vmem>>, vector<10000x128xf32>,
    return
  }
  func.func @transform_0(%arg0: i32) -> (i32, i32, i32, i32) {
    %c0_i32 = arith.constant 0 : i32
    %c0_i32_0 = arith.constant 0 : i32
    %c0_i32_1 = arith.constant 0 : i32
    %c0_i32_2 = arith.constant 0 : i32
    %c0_i32_3 = arith.constant 0 : i32
    return %c0_i32, %c0_i32_0, %c0_i32_1, %c0_i32_2 : i32, i32, i32, i32
  }
  func.func @transform_1(%arg0: i32) -> (i32, i32, i32, i32) {
    %c0_i32 = arith.constant 0 : i32
    %c1_i32 = arith.constant 1 : i32
    %c0_i32_0 = arith.constant 0 : i32
    %c0_i32_1 = arith.constant 0 : i32
    %c0_i32_2 = arith.constant 0 : i32
    return %c0_i32, %c1_i32, %c0_i32_0, %c0_i32_1 : i32, i32, i32, i32
  }
  func.func @transform_2(%arg0: i32) -> (i32, i32) {
    %c0_i32 = arith.constant 0 : i32
    %c0_i32_0 = arith.constant 0 : i32
    %c0_i32_1 = arith.constant 0 : i32
    return %c0_i32, %c0_i32_0 : i32, i32
  }
  func.func @transform_3(%arg0: i32) -> (i32, i32) {
    %c0_i32 = arith.constant 0 : i32
    %c0_i32_0 = arith.constant 0 : i32
    %c0_i32_1 = arith.constant 0 : i32
    return %c0_i32, %c0_i32_0 : i32, i32
  }
  func.func @transform_4(%arg0: i32) -> (i32, i32) {
    %c0_i32 = arith.constant 0 : i32
    %c0_i32_0 = arith.constant 0 : i32
    %c0_i32_1 = arith.constant 0 : i32
    return %c0_i32, %c0_i32_0 : i32, i32
  }
  func.func @transform_5(%arg0: i32) -> i32 {
    %c0_i32 = arith.constant 0 : i32
    %c0_i32_0 = arith.constant 0 : i32
    return %c0_i32 : i32
  }
  func.func @transform_6(%arg0: i32) -> (i32, i32) {
    %c0_i32 = arith.constant 0 : i32
    %c0_i32_0 = arith.constant 0 : i32
    %c0_i32_1 = arith.constant 0 : i32
    return %c0_i32, %c0_i32_0 : i32, i32
  }
  func.func @transform_7(%arg0: i32) -> (i32, i32) {
    %c0_i32 = arith.constant 0 : i32
    %c0_i32_0 = arith.constant 0 : i32
    %c0_i32_1 = arith.constant 0 : i32
    return %c0_i32, %c0_i32_0 : i32, i32
  }
}

module attributes {stable_mosaic.version = 14 : i64} {
  func.func @body(%arg0: i32, %arg1: memref<2000x128xf32, #tpu.memory_space<vmem>>, %arg2: memref<2000x128xf32, #tpu.memory_space<vmem>>, %arg3: memref<2000x128xf32, #tpu.memory_space<vmem>>, %arg4: memref<2000x128xf32, #tpu.memory_space<vmem>>, %arg5: memref<1x1x2000x128xf32, #tpu.memory_space<vmem>>, %arg6: memref<1x1x2000x128xf32, #tpu.memory_space<vmem>>, %arg7: memref<1x1x2000x128xf32, #tpu.memory_space<vmem>>, %arg8: memref<1x1x2000x128xf32, #tpu.memory_space<vmem>>, %arg9: memref<1x1x2000x128xf32, #tpu.memory_space<vmem>>, %arg10: memref<1x1x2000x128xf32, #tpu.memory_space<vmem>>, %arg11: memref<1x1x2000x128xf32, #tpu.memory_space<vmem>>, %arg12: memref<1x1x2000x128xf32, #tpu.memory_space<vmem>>, %arg13: memref<1x1x2000x128xf32, #tpu.memory_space<vmem>>, %arg14: memref<1x1x2000x128xf32, #tpu.memory_space<vmem>>, %arg15: memref<2000x128xf32, #tpu.memory_space<vmem>>, %arg16: memref<2000x128xf32, #tpu.memory_space<vmem>>, %arg17: memref<2000x128xf32, #tpu.memory_space<vmem>>) attributes {dimension_semantics = [#tpu.dimension_semantics<arbitrary>], iteration_bounds = array<i64: 5>, scalar_prefetch = 0 : i64, scratch_operands = 0 : i64, tpu.core_type = #tpu.core_type<tc>, window_params = [{transform_indices = @transform_0, window_bounds = array<i64: 2000, 128>}, {transform_indices = @transform_1, window_bounds = array<i64: 2000, 128>}, {transform_indices = @transform_2, window_bounds = array<i64: 2000, 128>}, {transform_indices = @transform_3, window_bounds = array<i64: 2000, 128>}, {transform_indices = @transform_4, window_bounds = array<i64: 1, 1, 2000, 128>}, {transform_indices = @transform_5, window_bounds = array<i64: 1, 1, 2000, 128>}, {transform_indices = @transform_6, window_bounds = array<i64: 1, 1, 2000, 128>}, {transform_indices = @transform_7, window_bounds = array<i64: 1, 1, 2000, 128>}, {transform_indices = @transform_8, window_bounds = array<i64: 1, 1, 2000, 128>}, {transform_indices = @transform_9, window_bounds = array<i64: 1, 1, 2000, 128>}, {transform_indices = @transform_10, window_bounds = array<i64: 1, 1, 2000, 128>}, {transform_indices = @transform_11, window_bounds = array<i64: 1, 1, 2000, 128>}, {transform_indices = @transform_12, window_bounds = array<i64: 1, 1, 2000, 128>}, {transform_indices = @transform_13, window_bounds = array<i64: 1, 1, 2000, 128>}, {transform_indices = @transform_14, window_bounds = array<i64: 2000, 128>}, {transform_indices = @transform_15, window_bounds = array<i64: 2000, 128>}, {transform_indices = @transform_16, window_bounds = array<i64: 2000, 128>}]} {
    %get3A = arith.constant 0 : index
    %get3A_0 = arith.constant 0 : index
    %get3A_1 = vector.load %arg1[%get3A, %get3A_0] : memref<2000x128xf32, #tpu.memory_space<vmem>>, vector<2000x128xf32>
    %get3A_2 = arith.constant 0 : index
    %get3A_3 = arith.constant 0 : index
    %get3A_4 = vector.load %arg2[%get3A_2, %get3A_3] : memref<2000x128xf32, #tpu.memory_space<vmem>>, vector<2000x128xf32>
    %add3A = arith.addf %get3A_1, %get3A_4 : vector<2000x128xf32>
    %get3A_5 = arith.constant 0 : index
    %get3A_6 = arith.constant 0 : index
    %get3A_7 = vector.load %arg3[%get3A_5, %get3A_6] : memref<2000x128xf32, #tpu.memory_space<vmem>>, vector<2000x128xf32>
    %add3A_8 = arith.addf %add3A, %get3A_7 : vector<2000x128xf32>
    %get3A_9 = arith.constant 0 : index
    %get3A_10 = arith.constant 0 : index
    %get3A_11 = vector.load %arg4[%get3A_9, %get3A_10] : memref<2000x128xf32, #tpu.memory_space<vmem>>, vector<2000x128xf32>
    %add3A_12 = arith.addf %add3A_8, %get3A_11 : vector<2000x128xf32>
    %get3A_13 = arith.constant 0 : index
    %get3A_14 = arith.constant 0 : index
    %get3A_15 = arith.constant 0 : index
    %get3A_16 = arith.constant 0 : index
    %get3A_17 = vector.load %arg5[%get3A_13, %get3A_14, %get3A_15, %get3A_16] : memref<1x1x2000x128xf32, #tpu.memory_space<vmem>>, vector<1x1x2000x128xf32>
    %get3A_18 = vector.shape_cast %get3A_17 : vector<1x1x2000x128xf32> to vector<2000x128xf32>
    %add3A_19 = arith.addf %add3A_12, %get3A_18 : vector<2000x128xf32>
    %get3A_20 = arith.constant 0 : index
    %get3A_21 = arith.constant 0 : index
    %get3A_22 = arith.constant 0 : index
    %get3A_23 = arith.constant 0 : index
    %get3A_24 = vector.load %arg6[%get3A_20, %get3A_21, %get3A_22, %get3A_23] : memref<1x1x2000x128xf32, #tpu.memory_space<vmem>>, vector<1x1x2000x128xf32>
    %get3A_25 = vector.shape_cast %get3A_24 : vector<1x1x2000x128xf32> to vector<2000x128xf32>
    %add3A_26 = arith.addf %add3A_19, %get3A_25 : vector<2000x128xf32>
    %swap3A = arith.constant 0 : index
    %swap3A_27 = arith.constant 0 : index
    %swap3A_28 = vector.load %arg15[%swap3A, %swap3A_27] : memref<2000x128xf32, #tpu.memory_space<vmem>>, vector<2000x128xf32>
    tpu.vector_store %arg15[%swap3A, %swap3A_27], %add3A_26 {strides = array<i32>} : memref<2000x128xf32, #tpu.memory_space<vmem>>, vector<2000x128xf32>,
    %get3A_29 = arith.constant 0 : index
    %get3A_30 = arith.constant 0 : index
    %get3A_31 = arith.constant 0 : index
    %get3A_32 = arith.constant 0 : index
    %get3A_33 = vector.load %arg7[%get3A_29, %get3A_30, %get3A_31, %get3A_32] : memref<1x1x2000x128xf32, #tpu.memory_space<vmem>>, vector<1x1x2000x128xf32>
    %get3A_34 = vector.shape_cast %get3A_33 : vector<1x1x2000x128xf32> to vector<2000x128xf32>
    %get3A_35 = arith.constant 0 : index
    %get3A_36 = arith.constant 0 : index
    %get3A_37 = arith.constant 0 : index
    %get3A_38 = arith.constant 0 : index
    %get3A_39 = vector.load %arg8[%get3A_35, %get3A_36, %get3A_37, %get3A_38] : memref<1x1x2000x128xf32, #tpu.memory_space<vmem>>, vector<1x1x2000x128xf32>
    %get3A_40 = vector.shape_cast %get3A_39 : vector<1x1x2000x128xf32> to vector<2000x128xf32>
    %add3A_41 = arith.addf %get3A_34, %get3A_40 : vector<2000x128xf32>
    %mul3A = arith.constant 1.500000e+00 : f32
    %mul3A_42 = vector.broadcast %mul3A : f32 to vector<2000x128xf32>
    %mul3A_43 = arith.mulf %mul3A_42, %add3A_41 : vector<2000x128xf32>
    %add3A_44 = arith.addf %get3A_1, %mul3A_43 : vector<2000x128xf32>
    %get3A_45 = arith.constant 0 : index
    %get3A_46 = arith.constant 0 : index
    %get3A_47 = arith.constant 0 : index
    %get3A_48 = arith.constant 0 : index
    %get3A_49 = vector.load %arg9[%get3A_45, %get3A_46, %get3A_47, %get3A_48] : memref<1x1x2000x128xf32, #tpu.memory_space<vmem>>, vector<1x1x2000x128xf32>
    %get3A_50 = vector.shape_cast %get3A_49 : vector<1x1x2000x128xf32> to vector<2000x128xf32>
    %add3A_51 = arith.addf %add3A_44, %get3A_50 : vector<2000x128xf32>
    %get3A_52 = arith.constant 0 : index
    %get3A_53 = arith.constant 0 : index
    %get3A_54 = arith.constant 0 : index
    %get3A_55 = arith.constant 0 : index
    %get3A_56 = vector.load %arg10[%get3A_52, %get3A_53, %get3A_54, %get3A_55] : memref<1x1x2000x128xf32, #tpu.memory_space<vmem>>, vector<1x1x2000x128xf32>
    %get3A_57 = vector.shape_cast %get3A_56 : vector<1x1x2000x128xf32> to vector<2000x128xf32>
    %add3A_58 = arith.addf %add3A_51, %get3A_57 : vector<2000x128xf32>
    %swap3A_59 = arith.constant 0 : index
    %swap3A_60 = arith.constant 0 : index
    %swap3A_61 = vector.load %arg16[%swap3A_59, %swap3A_60] : memref<2000x128xf32, #tpu.memory_space<vmem>>, vector<2000x128xf32>
    tpu.vector_store %arg16[%swap3A_59, %swap3A_60], %add3A_58 {strides = array<i32>} : memref<2000x128xf32, #tpu.memory_space<vmem>>, vector<2000x128xf32>,
    %get3A_62 = arith.constant 0 : index
    %get3A_63 = arith.constant 0 : index
    %get3A_64 = arith.constant 0 : index
    %get3A_65 = arith.constant 0 : index
    %get3A_66 = vector.load %arg11[%get3A_62, %get3A_63, %get3A_64, %get3A_65] : memref<1x1x2000x128xf32, #tpu.memory_space<vmem>>, vector<1x1x2000x128xf32>
    %get3A_67 = vector.shape_cast %get3A_66 : vector<1x1x2000x128xf32> to vector<2000x128xf32>
    %get3A_68 = arith.constant 0 : index
    %get3A_69 = arith.constant 0 : index
    %get3A_70 = arith.constant 0 : index
    %get3A_71 = arith.constant 0 : index
    %get3A_72 = vector.load %arg12[%get3A_68, %get3A_69, %get3A_70, %get3A_71] : memref<1x1x2000x128xf32, #tpu.memory_space<vmem>>, vector<1x1x2000x128xf32>
    %get3A_73 = vector.shape_cast %get3A_72 : vector<1x1x2000x128xf32> to vector<2000x128xf32>
    %add3A_74 = arith.addf %get3A_67, %get3A_73 : vector<2000x128xf32>
    %mul3A_75 = arith.constant 1.500000e+00 : f32
    %mul3A_76 = vector.broadcast %mul3A_75 : f32 to vector<2000x128xf32>
    %mul3A_77 = arith.mulf %mul3A_76, %add3A_74 : vector<2000x128xf32>
    %add3A_78 = arith.addf %get3A_1, %mul3A_77 : vector<2000x128xf32>
    %get3A_79 = arith.constant 0 : index
    %get3A_80 = arith.constant 0 : index
    %get3A_81 = arith.constant 0 : index
    %get3A_82 = arith.constant 0 : index
    %get3A_83 = vector.load %arg13[%get3A_79, %get3A_80, %get3A_81, %get3A_82] : memref<1x1x2000x128xf32, #tpu.memory_space<vmem>>, vector<1x1x2000x128xf32>
    %get3A_84 = vector.shape_cast %get3A_83 : vector<1x1x2000x128xf32> to vector<2000x128xf32>
    %add3A_85 = arith.addf %add3A_78, %get3A_84 : vector<2000x128xf32>
    %get3A_86 = arith.constant 0 : index
    %get3A_87 = arith.constant 0 : index
    %get3A_88 = arith.constant 0 : index
    %get3A_89 = arith.constant 0 : index
    %get3A_90 = vector.load %arg14[%get3A_86, %get3A_87, %get3A_88, %get3A_89] : memref<1x1x2000x128xf32, #tpu.memory_space<vmem>>, vector<1x1x2000x128xf32>
    %get3A_91 = vector.shape_cast %get3A_90 : vector<1x1x2000x128xf32> to vector<2000x128xf32>
    %add3A_92 = arith.addf %add3A_85, %get3A_91 : vector<2000x128xf32>
    %swap3A_93 = arith.constant 0 : index
    %swap3A_94 = arith.constant 0 : index
    %swap3A_95 = vector.load %arg17[%swap3A_93, %swap3A_94] : memref<2000x128xf32, #tpu.memory_space<vmem>>, vector<2000x128xf32>
    tpu.vector_store %arg17[%swap3A_93, %swap3A_94], %add3A_92 {strides = array<i32>} : memref<2000x128xf32, #tpu.memory_space<vmem>>, vector<2000x128xf32>,
    return
  }
  func.func @transform_0(%arg0: i32) -> (i32, i32) {
    %c0_i32 = arith.constant 0 : i32
    %c0_i32_0 = arith.constant 0 : i32
    return %arg0, %c0_i32 : i32, i32
  }
  func.func @transform_1(%arg0: i32) -> (i32, i32) {
    %c0_i32 = arith.constant 0 : i32
    %c0_i32_0 = arith.constant 0 : i32
    return %arg0, %c0_i32 : i32, i32
  }
  func.func @transform_2(%arg0: i32) -> (i32, i32) {
    %c0_i32 = arith.constant 0 : i32
    %c0_i32_0 = arith.constant 0 : i32
    return %arg0, %c0_i32 : i32, i32
  }
  func.func @transform_3(%arg0: i32) -> (i32, i32) {
    %c0_i32 = arith.constant 0 : i32
    %c0_i32_0 = arith.constant 0 : i32
    return %arg0, %c0_i32 : i32, i32
  }
  func.func @transform_4(%arg0: i32) -> (i32, i32, i32, i32) {
    %c2_i32 = arith.constant 2 : i32
    %c0_i32 = arith.constant 0 : i32
    %c0_i32_0 = arith.constant 0 : i32
    %c0_i32_1 = arith.constant 0 : i32
    return %c2_i32, %c0_i32, %arg0, %c0_i32_0 : i32, i32, i32, i32
  }
  func.func @transform_5(%arg0: i32) -> (i32, i32, i32, i32) {
    %c2_i32 = arith.constant 2 : i32
    %c1_i32 = arith.constant 1 : i32
    %c0_i32 = arith.constant 0 : i32
    %c0_i32_0 = arith.constant 0 : i32
    return %c2_i32, %c1_i32, %arg0, %c0_i32 : i32, i32, i32, i32
  }
  func.func @transform_6(%arg0: i32) -> (i32, i32, i32, i32) {
    %c0_i32 = arith.constant 0 : i32
    %c0_i32_0 = arith.constant 0 : i32
    %c0_i32_1 = arith.constant 0 : i32
    %c0_i32_2 = arith.constant 0 : i32
    return %c0_i32, %c0_i32_0, %arg0, %c0_i32_1 : i32, i32, i32, i32
  }
  func.func @transform_7(%arg0: i32) -> (i32, i32, i32, i32) {
    %c0_i32 = arith.constant 0 : i32
    %c1_i32 = arith.constant 1 : i32
    %c0_i32_0 = arith.constant 0 : i32
    %c0_i32_1 = arith.constant 0 : i32
    return %c0_i32, %c1_i32, %arg0, %c0_i32_0 : i32, i32, i32, i32
  }
  func.func @transform_8(%arg0: i32) -> (i32, i32, i32, i32) {
    %c0_i32 = arith.constant 0 : i32
    %c0_i32_0 = arith.constant 0 : i32
    %c0_i32_1 = arith.constant 0 : i32
    %c0_i32_2 = arith.constant 0 : i32
    return %c0_i32, %c0_i32_0, %arg0, %c0_i32_1 : i32, i32, i32, i32
  }
  func.func @transform_9(%arg0: i32) -> (i32, i32, i32, i32) {
    %c0_i32 = arith.constant 0 : i32
    %c1_i32 = arith.constant 1 : i32
    %c0_i32_0 = arith.constant 0 : i32
    %c0_i32_1 = arith.constant 0 : i32
    return %c0_i32, %c1_i32, %arg0, %c0_i32_0 : i32, i32, i32, i32
  }
  func.func @transform_10(%arg0: i32) -> (i32, i32, i32, i32) {
    %c1_i32 = arith.constant 1 : i32
    %c0_i32 = arith.constant 0 : i32
    %c0_i32_0 = arith.constant 0 : i32
    %c0_i32_1 = arith.constant 0 : i32
    return %c1_i32, %c0_i32, %arg0, %c0_i32_0 : i32, i32, i32, i32
  }
  func.func @transform_11(%arg0: i32) -> (i32, i32, i32, i32) {
    %c1_i32 = arith.constant 1 : i32
    %c1_i32_0 = arith.constant 1 : i32
    %c0_i32 = arith.constant 0 : i32
    %c0_i32_1 = arith.constant 0 : i32
    return %c1_i32, %c1_i32_0, %arg0, %c0_i32 : i32, i32, i32, i32
  }
  func.func @transform_12(%arg0: i32) -> (i32, i32, i32, i32) {
    %c1_i32 = arith.constant 1 : i32
    %c0_i32 = arith.constant 0 : i32
    %c0_i32_0 = arith.constant 0 : i32
    %c0_i32_1 = arith.constant 0 : i32
    return %c1_i32, %c0_i32, %arg0, %c0_i32_0 : i32, i32, i32, i32
  }
  func.func @transform_13(%arg0: i32) -> (i32, i32, i32, i32) {
    %c1_i32 = arith.constant 1 : i32
    %c1_i32_0 = arith.constant 1 : i32
    %c0_i32 = arith.constant 0 : i32
    %c0_i32_1 = arith.constant 0 : i32
    return %c1_i32, %c1_i32_0, %arg0, %c0_i32 : i32, i32, i32, i32
  }
  func.func @transform_14(%arg0: i32) -> (i32, i32) {
    %c0_i32 = arith.constant 0 : i32
    %c0_i32_0 = arith.constant 0 : i32
    return %arg0, %c0_i32 : i32, i32
  }
  func.func @transform_15(%arg0: i32) -> (i32, i32) {
    %c0_i32 = arith.constant 0 : i32
    %c0_i32_0 = arith.constant 0 : i32
    return %arg0, %c0_i32 : i32, i32
  }
  func.func @transform_16(%arg0: i32) -> (i32, i32) {
    %c0_i32 = arith.constant 0 : i32
    %c0_i32_0 = arith.constant 0 : i32
    return %arg0, %c0_i32 : i32, i32
  }
}

</mosaic_0001>

<sc_bundles>
// kernel: kernel.12.cloned.1.call-start
scs
__scs_entry_jumppad:
0x0: {  	(pc) =	sbr.rel $0x88, $3  }
0x1: {  	(tag) =	ssettag $0x0;
	lr =	simm.s32 $0x1  }
0x2: {  	[smem:$0x3F97] =	sst lr;
	_ =	strace $0xD0000000  }
0x3: {  	_ = 	snop  }
0x4: {  	_ = 	snop  }
0x5: {  	_ = 	snop  }
0x6: {  	_ = 	snop  }
0x7: {  	_ = 	snop  }
__scs_overlays_trampoline_lowered:
0x8: {  	[smem:$0x3FA6] =	sst s0  }
0x9: {  	[smem:$0x3FA7] =	sst s1  }
0xa: {  	[smem:$0x3FA8] =	sst s2  }
0xb: {  	[smem:$0x3FA9] =	sst s3  }
0xc: {  	[smem:$0x3FAA] =	sst s4  }
0xd: {  	[smem:$0x3FAB] =	sst s5  }
0xe: {  	[smem:$0x3FAC] =	sst s6  }
0xf: {  	[smem:$0x3FAD] =	sst s7  }
0x10: {  	[smem:$0x3FAE] =	sst s8  }
0x11: {  	[smem:$0x3FAF] =	sst s9;
	s0 =	simm.s32 @!p0 $0x0  }
0x12: {  	s1 =	sld [smem:$0x3F95];
	s0 =	simm.s32 @p0 $0x1  }
0x13: {  	[smem:$0x3FB0] =	sst s0;
	s0 =	simm.s32 @!p1 $0x0  }
0x14: {  	s2 =	sld [smem:$0x3F94];
	s0 =	simm.s32 @p1 $0x1  }
0x15: {  	[smem:$0x3FB1] =	sst s0;
	s0 =	simm.s32 @!p2 $0x0  }
0x16: {  	s3 =	sld [smem:$0x3FDB];
	s0 =	simm.s32 @p2 $0x1  }
0x17: {  	s4 =	simm.s32 $0x1BF5;
	[smem:$0x3FB3] =	sst s0  }
0x18: {  	s0 =	sld [smem:$0x3F96];
	_ =	swait.ge [sflag:s4], $0x0  }
0x19: {  	s7 =	sld [smem:$0x3F97]  }
0x1a: {  	s8 =	sadd.s32 $0xFFFFE003, lr  }
0x1b: {  	s9 =	sadd.s32 $0xFFFFFEF7, lr;
	s5 =	simm.s32 $0xFFFFFFFF;
	p2 =	slt.u32 s8, $0xFFFFF086  }
0x1c: {  	p1 =	slt.u32 s9, $0xF7A;
	s5 =	simm.s32 @!p2 $0x0  }
0x1d: {  	s5 =	simm.s32 @p1 $0x1;
	p0 =	seq.s32 s7, s2  }
0x1e: {  	s7 =	smul.u32 @!p0 $0xF7A, s2;
	p2 =	seq.s32 @!p0 s5, $0x0  }
0x1f: {  	s9 =	smul.u32 $0xF7A, s1;
	s8 =	simm.s32 @!p0 $0x1BF5;
	p2 =	por !p2, p0  }
0x20: {  	[sflag:s8] =	ssyncset.s32 @!p0 $0xFFFFF086;
	s6 =	sadd.s32 @!p0 s3, s7;
	s7 =	simm.s32 @!p0 $0x108  }
0x21: {  	s3 =	sadd.s32 s3, s9;
	s6 =	sadd.s32 @!p0 $0x88, s6;
	s7 =	simm.s32 @p2 $0x1082  }
0x22: {  	[simem:s7], [sflag:s8] =	dma.local @!p0 [hbm:s6], $0xF7A  }
0x23: {  	s9 =	sor.u32 $0xD0000000, s2;
	s6 =	simm.s32 $0x108;
	_ =	swait.ge @!p0 [sflag:s8], $0x0  }
0x24: {  	s3 =	sadd.s32 $0x88, s3;
	s6 =	simm.s32 @!p1 $0x1082;
	[sflag:s4] =	ssyncset.s32 $0xFFFFF086  }
0x25: {  	[simem:s6], [sflag:s4] =	dma.local [hbm:s3], $0xF7A  }
0x26: {  	[smem:$0x3F97] =	sst s1;
	(tag) =	ssettag s2;
	_ =	strace s9  }
0x27: {  	s1 =	sld [smem:$0x3FA7]  }
0x28: {  	s2 =	sld [smem:$0x3FA8]  }
0x29: {  	s4 =	sld [smem:$0x3FAA]  }
0x2a: {  	p0 =	seq.s32 s5, $0x0;
	s5 =	sld [smem:$0x3FAB]  }
0x2b: {  	s6 =	sld [smem:$0x3FAC]  }
0x2c: {  	s7 =	sld [smem:$0x3FAD]  }
0x2d: {  	s3 =	simm.s32 $0x108;
	s8 =	sld [smem:$0x3FAE]  }
0x2e: {  	s3 =	simm.s32 @!p0 $0x1082;
	s9 =	sld [smem:$0x3FAF]  }
0x2f: {  	lr =	sadd.s32 s0, s3;
	s0 =	sld [smem:$0x3FA6]  }
0x30: {  	s3 =	sld [smem:$0x3FA9]  }
0x31: {  	[smem:$0x3FB2] =	sst s10  }
0x32: {  	s10 =	sld [smem:$0x3FB0];
	_ =	sdelay $0x3  }
0x33: {  	p0 =	seq.s32 s10, $0x1;
	s10 =	sld [smem:$0x3FB2];
	_ =	sdelay $0x3  }
0x34: {  	[smem:$0x3FB2] =	sst s10  }
0x35: {  	s10 =	sld [smem:$0x3FB1];
	_ =	sdelay $0x3  }
0x36: {  	p1 =	seq.s32 s10, $0x1;
	s10 =	sld [smem:$0x3FB2];
	_ =	sdelay $0x3  }
0x37: {  	[smem:$0x3FB2] =	sst s10  }
0x38: {  	s10 =	sld [smem:$0x3FB3]  }
0x39: {  	_ = 	snop;
	(pc) =	sbr.ind lr, $3  }
0x3a: {  	_ = 	snop  }
0x3b: {  	_ = 	snop  }
0x3c: {  	p2 =	seq.s32 s10, $0x1;
	s10 =	sld [smem:$0x3FB2]  }
0x3d: {  	_ =	shalt  }
0x3e: {  	_ =	shalt  }
0x3f: {  	_ =	shalt  }
0x40: {  	_ =	shalt  }
0x41: {  	_ =	shalt  }
0x42: {  	_ =	shalt  }
0x43: {  	_ =	shalt  }
0x44: {  	_ =	shalt  }
0x45: {  	_ =	shalt  }
0x46: {  	_ =	shalt  }
0x47: {  	_ =	shalt  }
0x48: {  	_ =	shalt  }
0x49: {  	_ =	shalt  }
0x4a: {  	_ =	shalt  }
0x4b: {  	_ =	shalt  }
0x4c: {  	_ =	shalt  }
0x4d: {  	_ =	shalt  }
0x4e: {  	_ =	shalt  }
0x4f: {  	_ =	shalt  }
0x50: {  	_ =	shalt  }
0x51: {  	_ =	shalt  }
0x52: {  	_ =	shalt  }
0x53: {  	_ =	shalt  }
0x54: {  	_ =	shalt  }
0x55: {  	_ =	shalt  }
0x56: {  	_ =	shalt  }
0x57: {  	_ =	shalt  }
0x58: {  	_ =	shalt  }
0x59: {  	_ =	shalt  }
0x5a: {  	_ =	shalt  }
0x5b: {  	_ =	shalt  }
0x5c: {  	_ =	shalt  }
0x5d: {  	_ =	shalt  }
0x5e: {  	_ =	shalt  }
0x5f: {  	_ =	shalt  }
0x60: {  	_ =	shalt  }
0x61: {  	_ =	shalt  }
0x62: {  	_ =	shalt  }
0x63: {  	_ =	shalt  }
0x64: {  	_ =	shalt  }
0x65: {  	_ =	shalt  }
0x66: {  	_ =	shalt  }
0x67: {  	_ =	shalt  }
0x68: {  	_ =	shalt  }
0x69: {  	_ =	shalt  }
0x6a: {  	_ =	shalt  }
0x6b: {  	_ =	shalt  }
0x6c: {  	_ =	shalt  }
0x6d: {  	_ =	shalt  }
0x6e: {  	_ =	shalt  }
0x6f: {  	_ =	shalt  }
0x70: {  	_ =	shalt  }
0x71: {  	_ =	shalt  }
0x72: {  	_ =	shalt  }
0x73: {  	_ =	shalt  }
0x74: {  	_ =	shalt  }
0x75: {  	_ =	shalt  }
0x76: {  	_ =	shalt  }
0x77: {  	_ =	shalt  }
0x78: {  	_ =	shalt  }
0x79: {  	_ =	shalt  }
0x7a: {  	_ =	shalt  }
0x7b: {  	_ =	shalt  }
0x7c: {  	_ =	shalt  }
0x7d: {  	_ =	shalt  }
0x7e: {  	_ =	shalt  }
0x7f: {  	_ =	shalt  }
0x80: {  	_ =	shalt  }
0x81: {  	_ =	shalt  }
0x82: {  	_ =	shalt  }
0x83: {  	_ =	shalt  }
0x84: {  	_ =	shalt  }
0x85: {  	_ =	shalt  }
0x86: {  	_ =	shalt  }
0x87: {  	_ =	shalt  }
.Lfunc_end0:
.L_simem_size_0:
called_computation.1_lowered:
.L_overlay_start_0:
0x88: {  	s2 =	sld [smem:$0x3FD9]  }
0x89: {  	s3 =	sld [smem:$0x3FFE];
	_ =	sdelay $0x1  }
0x8a: {  	s1 =	srdreg.scid  }
0x8b: {  	s0 =	sand.u32 $0x1, s1  }
0x8c: {  	s15 =	sshll.u32 s0, $0xA;
	s2 =	sadd.s32 s3, s2  }
0x8d: {  	s2 =	sadd.s32 s2, s15  }
0x8e: {  	[smem:$0x3FBE] =	sst s2  }
0x8f: {  	_ = 	snop  }
0x90: {  	s2 =	sld [smem:$0x3FD0];
	_ =	sdelay $0x2  }
0x91: {  	s16 =	simm.s32 $0xB;
	s4 =	simm.s32 $0x10  }
0x92: {  	[smem:s4], [sflag:s16] =	dma.local [hbm:s2], $0x1  }
0x93: {  	_ =	swait.eq [sflag:s16], $0x1  }
0x94: {  	[sflag:s16] =	ssyncset.done $0x0  }
0x95: {  	[sflag:s16] =	ssyncadd.s32 $0xFFFFFFFF  }
0x96: {  	s17 =	sld [smem:$0x13];
	(tm) =	ssettm $0x1  }
0x97: {  	s18 =	sld [smem:$0x3FFB];
	_ =	sdelay $0x3  }
0x98: {  	_ =	strace s18  }
0x99: {  	s2 =	sld [smem:$0x3FFC];
	_ =	sdelay $0x3  }
0x9a: {  	_ =	strace s2  }
0x9b: {  	s2 =	sld [smem:$0x3FFD];
	_ =	sdelay $0x3  }
0x9c: {  	_ =	strace s2  }
0x9d: {  	_ =	strace $0x8FFFFFFF  }
0x9e: {  	s19 =	sld [smem:$0x3FDB];
	_ =	sdelay $0x1  }
0x9f: {  	s20 =	simm.s32 $_scs_section_size  }
0xa0: {  	s5 =	simm.s32 $_size__tile_overlayer_lowered;
	s6 =	simm.s32 $_tile_overlayer_lowered  }
0xa1: {  	s7 =	simm.s32 $0x1BFF;
	s21 =	sshll.u32 s6, $0x1;
	s4 =	sadd.s32 s20, s19  }
0xa2: {  	s22 =	simm.s32 $0x0;
	s5 =	sshll.u32 s5, $0x1;
	s6 =	sadd.s32 s21, s4  }
0xa3: {  	[timem:s22], [sflag:s7] =	dma.local [hbm:s6], s5  }
0xa4: {  	_ =	swait.ge [sflag:s7], s5  }
0xa5: {  	s5 =	ssub.s32 $0x0, s5;
	[sflag:s7] =	ssyncset.done $0x0  }
0xa6: {  	[sflag:s7] =	ssyncadd.s32 s5;
	_ =	sdelay $0x1  }
0xa7: {  	s23 =	simm.s32 $0x1B8B  }
0xa8: {  	_ =	swait.ge [sflag:s23], $0x1  }
0xa9: {  	[sflag:s23] =	ssyncset.done $0x0  }
0xaa: {  	[sflag:s23] =	ssyncadd.s32 $0xFFFFFFFF  }
0xab: {  	s5 =	sld [smem:$0x0]  }
0xac: {  	s6 =	sand.u32 $0xFFFFFFFE, s1  }
0xad: {  	p0 =	sne.s32 s1, s6  }
0xae: {  	s6 =	sshll.u32 @p0 s6, $0xE  }
0xaf: {  	s6 =	sadd.s32 @p0 $0x11B8D, s6;
	s7 =	sshll.u32 @p0 s5, $0x11  }
0xb0: {  	s6 =	sor.u32 @p0 s7, s6  }
0xb1: {  	[sflag:s6] =	ssyncadd.remote.s32 @p0 $0x1;
	_ =	sdelay $0x1  }
0xb2: {  	s6 =	simm.s32 @p0 $0x1B8D  }
0xb3: {  	_ =	swait.eq @p0 [sflag:s6], $0x1  }
0xb4: {  	[sflag:s6] =	ssyncadd.s32 @p0 $0xFFFFFFFF  }
0xb5: {  	s7 =	sshll.u32 @!p0 s1, $0xE  }
0xb6: {  	s7 =	sor.u32 @!p0 $0x4000, s7;
	s6 =	simm.s32 @!p0 $0x1B8D  }
0xb7: {  	s5 =	sshll.u32 @!p0 s5, $0x11;
	s7 =	sadd.s32 @!p0 $0x11B8D, s7;
	_ =	swait.eq @!p0 [sflag:s6], $0x1  }
0xb8: {  	s5 =	sor.u32 @!p0 s5, s7;
	[sflag:s6] =	ssyncadd.s32 @!p0 $0xFFFFFFFF  }
0xb9: {  	s25 =	simm.s32 $0x1B8E;
	s24 =	sld [smem:$0x3FFE];
	[sflag:s5] =	ssyncadd.remote.s32 @!p0 $0x1  }
0xba: {  	s26 =	simm.s32 $execute0_lowered;
	[smem:$0x3FD2] =	sst s25  }
0xbb: {  	s6 =	sshll.u32 s26, $0x1;
	_ =	strace $0x8000004C;
	[dreg:$0x1] =	wrdreg $0xFFFFFFFF  }
0xbc: {  	s28 =	simm.s32 $_size_execute0_lowered;
	s4 =	sadd.s32 s4, s6;
	[dreg:$0x0] =	wrdreg $0x0  }
0xbd: {  	s6 =	sshll.u32 s28, $0x1;
	[dreg:$0x2] =	wrdreg s4  }
0xbe: {  	[dreg:$0x3] =	wrdreg s6  }
0xbf: {  	[dreg:$0x4] =	wrdreg $0xC0  }
0xc0: {  	_ =	task [dreg:s22], $0x5FFFF  }
0xc1: {  	[dreg:$0x1] =	wrdreg $0xFFFFFFFF  }
0xc2: {  	[dreg:$0x0] =	wrdreg $0x60  }
0xc3: {  	[dreg:$0x2] =	wrdreg s17  }
0xc4: {  	[dreg:$0x3] =	wrdreg s24  }
0xc5: {  	[dreg:$0x4] =	wrdreg $0x0  }
0xc6: {  	[dreg:$0x5] =	wrdreg $0x9  }
0xc7: {  	_ =	task.clear_ibuf [dreg:s22], $0x6FFFF;
	_ =	strace $0x9000004C  }
0xc8: {  	s29 =	simm.s32 $0x9;
	_ =	strace $0x8000004E  }
0xc9: {  	_ =	swait.ge [sflag:s29], $0x1  }
0xca: {  	[sflag:s29] =	ssyncadd.s32 $0xFFFFFFFF  }
0xcb: {  	_ =	strace $0x9000004E  }
0xcc: {  	_ =	sfence  }
0xcd: {  	s30 =	sld [smem:$0x0];
	_ =	sdelay $0x2  }
0xce: {  	s31 =	sshll.u32 s1, $0xD;
	s1 =	sshrl.u32 s1, $0x2  }
0xcf: {  	s4 =	sand.u32 $0x4000, s31;
	s1 =	sadd.s32 s1, s30  }
0xd0: {  	s0 =	sor.u32 s4, s0;
	s1 =	sshll.u32 s1, $0x11  }
0xd1: {  	s0 =	sor.u32 s1, s0  }
0xd2: {  	s0 =	sadd.s32 $0x8F2B, s0  }
0xd3: {  	[sflag:s0] =	ssyncadd.remote.s32 $0x1  }
0xd4: {  	_ =	sfence.sel $0xFFFF  }
0xd5: {  	[dreg:$0x0] =	wrdreg $0xFFFFFFFF;
	(pc) =	sbr.abs _section_cstart, $3  }
0xd6: {  	[dreg:$0x1] =	wrdreg $0xFFFFFFFF  }
0xd7: {  	_ =	task.clear_ibuf [dreg:s22], $0x2FFFF;
	_ =	strace $0x9FFFFFFF  }
0xd8: {  	(tm) =	ssettm $0x7FFFFFFF  }
0xd9: {  	_ =	shalt  }
tec
execute0_lowered:
.L_overlay_start_1:
0x0: {  	(tag) =	ssettag $0x1  }
0x1: {  	s1 =	rddreg [dreg:$0x0]  }
0x2: {  	s0 =	rddreg [dreg:$0x1]  }
0x3: {  	s2 =	rddreg [dreg:$0x2]  }
0x4: {  	s3 =	srdreg.scid;
	s4 =	simm.s32 $0x0;
	s8 =	stileid.u32  }
0x5: {  	s28 =	simm.s32 $0x1A800;
	s29 =	simm.s32 $0x2;
	s30 =	simm.s32 $0x15380  }
0x6: {  	s31 =	simm.s32 $0x16700;
	s3 =	sand.u32 $0x1, s3;
	s6 =	smul.u32 $0x14000, s8  }
0x7: {  	[smem:$0x7FF] =	sst s4;
	s10 =	sadd.s32 $0x65C00, s0;
	s18 =	smul.u32 $0x50000, s8  }
0x8: {  	s11 =	sadd.s32 $0x51C00, s0;
	s19 =	sshll.u32 s8, $0x1;
	s5 =	smul.u32 $0x140000, s3  }
0x9: {  	_ =	strace $0x8000004D;
	s20 =	ssub.s32 $0x2, s3;
	s3 =	sor.u32 s3, s19  }
0xa: {  	s21 =	sshrl.u32 s18, $0x2;
	s22 =	sshrl.u32 s20, $0x1;
	s9 =	smul.u32 $0x2800, s3  }
0xb: {  	s3 =	smul.u32 $0x500, s3;
	s5 =	sadd.s32 s6, s5;
	s12 =	ssub.s32 s20, s22  }
0xc: {  	s22 =	simm.s32 $0x3;
	s7 =	sshrl.u32 s5, $0x3;
	s5 =	sadd.s32 s21, s2  }
0xd: {  	s17 =	sshrl.u32 s9, $0x3;
	s14 =	sadd.s32 s10, s3;
	s3 =	sadd.s32 s11, s3  }
0xe: {  	s20 =	smax.u32 s12, $0x1;
	s21 =	simm.s32 $0x16800;
	s0 =	sadd.s32 s7, s0  }
0xf: {  	s6 =	sadd.s32 $0x4000, s5;
	s7 =	sadd.s32 $0x8000, s5;
	s8 =	sadd.s32 $0xC000, s5  }
0x10: {  	s9 =	sadd.s32 $0x10000, s5;
	s13 =	sadd.s32 $0x280, s17;
	[dreg:$0x4] =	wrdreg s14  }
0x11: {  	[dreg:$0x5] =	wrdreg s3;
	s25 =	sadd.s32 $0xA000, s17;
	s26 =	sadd.s32 $0xA280, s17  }
0x12: {  	s23 =	sadd.s32 s10, s13;
	s24 =	sadd.s32 s11, s13;
	s14 =	sadd.s32 $0x79C00, s0  }
0x13: {  	s15 =	sadd.s32 s10, s25;
	s16 =	sadd.s32 s11, s25;
	s17 =	sadd.s32 s10, s26  }
0x14: {  	s18 =	sadd.s32 s11, s26;
	s19 =	sadd.s32 $0xC9C00, s0;
	s25 =	simm.s32 $0x80  }
0x15: {  	s26 =	simm.s32 $0x1;
	s0 =	simm.s32 $0x16780;
	[dreg:$0x6] =	wrdreg s23  }
0x16: {  	v0 =	vimm.f32 $0.0e+00;
	[dreg:$0x7] =	wrdreg s24;
	s23 =	simm.s32 $0x14000;
	s24 =	simm.s32 $0x15400  }
.LBB2_1:
0x17: {  	[bflag:$0x0] =	sbarrier.arrive $0xFFFF;
	s3 =	simm.s32 $0x0;
	s10 =	simm.s32 $0x200  }
.LBB2_2:
0x18: {  	p0 =	sne.s32 s10, $0xFE00;
	[tilespmem:s3+$0x16870] =	vst v0  }
0x19: {  	[tilespmem:s3+$0x16800] =	vst v0  }
0x1a: {  	[tilespmem:s3+$0x16810] =	vst v0  }
.Ltmp0:
0x1b: {  	[tilespmem:s3+$0x16820] =	vst v0;
	(pc) =	sbr.rel @p0 .LBB2_2-.Ltmp0, $4  }
0x1c: {  	[tilespmem:s3+$0x16830] =	vst v0  }
0x1d: {  	[tilespmem:s3+$0x16840] =	vst v0  }
0x1e: {  	[tilespmem:s3+$0x16850] =	vst v0  }
0x1f: {  	[tilespmem:s3+$0x16860] =	vst v0;
	s3 =	sshra.s32 s10, $0x2;
	s10 =	sadd.s32 $0x200, s10  }
0x20: {  	[tilespmem:s3+$0x16870] =	vst v0  }
0x21: {  	[tilespmem:s3+$0x16800] =	vst v0  }
0x22: {  	[tilespmem:s3+$0x16810] =	vst v0  }
0x23: {  	[tilespmem:s3+$0x16820] =	vst v0  }
0x24: {  	[tilespmem:s3+$0x16830] =	vst v0  }
0x25: {  	[tilespmem:s3+$0x16840] =	vst v0  }
0x26: {  	[tilespmem:s3+$0x16850] =	vst v0  }
0x27: {  	[tilespmem:s3+$0x16860] =	vst v0  }
0x28: {  	[spmem:s5] =	stream.linear.scatter [tilespmem:s21], [sflag:$0x3], $0x4000, $0x38;
	[tilespmem:$0x1E800] =	vst v63  }
0x29: {  	_ =	swait.ge [sflag:s22], $0x4000  }
0x2a: {  	[sflag:s22] =	ssyncset.done $0x0  }
0x2b: {  	[sflag:s22] =	ssyncadd.s32 $0xFFFFC000  }
0x2c: {  	[spmem:s6] =	stream.linear.scatter [tilespmem:s21], [sflag:$0x3], $0x4000, $0x38;
	[tilespmem:$0x1E800] =	vst v63  }
0x2d: {  	_ =	swait.ge [sflag:s22], $0x4000  }
0x2e: {  	[sflag:s22] =	ssyncset.done $0x0  }
0x2f: {  	[sflag:s22] =	ssyncadd.s32 $0xFFFFC000  }
0x30: {  	[spmem:s7] =	stream.linear.scatter [tilespmem:s21], [sflag:$0x3], $0x4000, $0x38;
	[tilespmem:$0x1E800] =	vst v63  }
0x31: {  	_ =	swait.ge [sflag:s22], $0x4000  }
0x32: {  	[sflag:s22] =	ssyncset.done $0x0  }
0x33: {  	[sflag:s22] =	ssyncadd.s32 $0xFFFFC000  }
0x34: {  	[spmem:s8] =	stream.linear.scatter [tilespmem:s21], [sflag:$0x3], $0x4000, $0x38;
	[tilespmem:$0x1E800] =	vst v63  }
0x35: {  	_ =	swait.ge [sflag:s22], $0x4000  }
0x36: {  	[sflag:s22] =	ssyncset.done $0x0  }
0x37: {  	[sflag:s22] =	ssyncadd.s32 $0xFFFFC000  }
0x38: {  	[spmem:s9] =	stream.linear.scatter [tilespmem:s21], [sflag:$0x3], $0x4000, $0x38;
	[tilespmem:$0x1E800] =	vst v63  }
0x39: {  	_ =	swait.ge [sflag:s22], $0x4000  }
0x3a: {  	[sflag:s22] =	ssyncset.done $0x0  }
0x3b: {  	[sflag:s22] =	ssyncadd.s32 $0xFFFFC000  }
0x3c: {  	[bflag:$0x0] =	sbarrier.arrive $0xFFFF  }
0x3d: {  	s12 =	simm.s32 $0x0;
	s10 =	rddreg [dreg:$0x4]  }
0x3e: {  	[tilespmem:s23], [sflag:$0x3] =	stream.linear.gather [hbm4b:s10+s12], $0x1400, $0x38;
	[tilespmem:$0x1E800] =	vst v63  }
0x3f: {  	_ =	swait.ge [sflag:s22], $0x1400  }
0x40: {  	[sflag:s22] =	ssyncset.done $0x0  }
0x41: {  	s13 =	rddreg [dreg:$0x5];
	[sflag:s22] =	ssyncadd.s32 $0xFFFFEC00  }
0x42: {  	[tilespmem:s24], [sflag:$0x3] =	stream.linear.gather [hbm4b:s13+s12], $0x1400, $0x38;
	[tilespmem:$0x1E800] =	vst v63  }
0x43: {  	_ =	swait.ge [sflag:s22], $0x1400  }
0x44: {  	[sflag:s22] =	ssyncset.done $0x0  }
0x45: {  	[sflag:s22] =	ssyncadd.s32 $0xFFFFEC00  }
0x46: {  	[tilespmem:s21], [sflag:$0x1] =	stream.indirect.gather [hbm4b:s1+s25], $0x80, s23, s25, $0xb8;
	[tilespmem:$0x1E800] =	vst v63  }
0x47: {  	_ =	swait.ge [sflag:s26], $0x4000  }
0x48: {  	[sflag:s26] =	ssyncset.done $0x0  }
0x49: {  	s10 =	simm.s32 $0x14080;
	[sflag:s26] =	ssyncadd.s32 $0xFFFFC000  }
0x4a: {  	[tilespmem:s28], [sflag:$0x2] =	stream.indirect.gather [hbm4b:s1+s25], $0x80, s10, s25, $0xb8;
	[tilespmem:$0x1E800] =	vst v63  }
0x4b: {  	s11 =	simm.s32 $0x15400  }
0x4c: {  	[spmem:s2] =	stream.indirect.scatter.add.f32 [tilespmem:s21], [sflag:$0x3], $0x80, s11, s25, $0xb8;
	[tilespmem:$0x1E800] =	vst v63  }
0x4d: {  	_ =	swait.ge [sflag:s22], $0x4000  }
0x4e: {  	[sflag:s22] =	ssyncset.done $0x0  }
0x4f: {  	[sflag:s22] =	ssyncadd.s32 $0xFFFFC000  }
0x50: {  	_ =	swait.ge [sflag:s29], $0x4000  }
0x51: {  	[sflag:s29] =	ssyncset.done $0x0  }
0x52: {  	s12 =	simm.s32 $0x14100;
	[sflag:s29] =	ssyncadd.s32 $0xFFFFC000  }
0x53: {  	[tilespmem:s21], [sflag:$0x1] =	stream.indirect.gather [hbm4b:s1+s25], $0x80, s12, s25, $0xb8;
	[tilespmem:$0x1E800] =	vst v63  }
0x54: {  	s13 =	simm.s32 $0x15480  }
0x55: {  	[spmem:s2] =	stream.indirect.scatter.add.f32 [tilespmem:s28], [sflag:$0x3], $0x80, s13, s25, $0xb8;
	[tilespmem:$0x1E800] =	vst v63  }
0x56: {  	_ =	swait.ge [sflag:s22], $0x4000  }
0x57: {  	s3 =	simm.s32 $0x400;
	[sflag:s22] =	ssyncset.done $0x0  }
.LBB2_4:
0x58: {  	p0 =	sne.s32 s3, $0x4800  }
0x59: {  	[sflag:s22] =	ssyncadd.s32 $0xFFFFC000;
	s10 =	smov.u32 s3;
	s3 =	sadd.s32 $0x400, s3  }
0x5a: {  	_ = 	snop  }
0x5b: {  	_ =	swait.ge [sflag:s26], $0x4000  }
0x5c: {  	s10 =	sshra.s32 s10, $0x2;
	[sflag:s26] =	ssyncset.done $0x0  }
0x5d: {  	s11 =	sadd.s32 $0x14080, s10;
	[sflag:s26] =	ssyncadd.s32 $0xFFFFC000  }
0x5e: {  	[tilespmem:s28], [sflag:$0x2] =	stream.indirect.gather [hbm4b:s1+s25], $0x80, s11, s25, $0xb8;
	[tilespmem:$0x1E800] =	vst v63  }
0x5f: {  	s11 =	sadd.s32 $0x15400, s10  }
0x60: {  	[spmem:s2] =	stream.indirect.scatter.add.f32 [tilespmem:s21], [sflag:$0x3], $0x80, s11, s25, $0xb8;
	[tilespmem:$0x1E800] =	vst v63  }
0x61: {  	_ =	swait.ge [sflag:s22], $0x4000  }
0x62: {  	[sflag:s22] =	ssyncset.done $0x0  }
0x63: {  	[sflag:s22] =	ssyncadd.s32 $0xFFFFC000  }
0x64: {  	_ =	swait.ge [sflag:s29], $0x4000  }
0x65: {  	[sflag:s29] =	ssyncset.done $0x0  }
0x66: {  	s11 =	sadd.s32 $0x14100, s10;
	[sflag:s29] =	ssyncadd.s32 $0xFFFFC000  }
0x67: {  	[tilespmem:s21], [sflag:$0x1] =	stream.indirect.gather [hbm4b:s1+s25], $0x80, s11, s25, $0xb8;
	[tilespmem:$0x1E800] =	vst v63  }
.Ltmp1:
0x68: {  	_ = 	snop;
	(pc) =	sbr.rel @p0 .LBB2_4-.Ltmp1, $4  }
0x69: {  	s10 =	sadd.s32 $0x15480, s10  }
0x6a: {  	[spmem:s2] =	stream.indirect.scatter.add.f32 [tilespmem:s28], [sflag:$0x3], $0x80, s10, s25, $0xb8;
	[tilespmem:$0x1E800] =	vst v63  }
0x6b: {  	_ =	swait.ge [sflag:s22], $0x4000  }
0x6c: {  	[sflag:s22] =	ssyncset.done $0x0  }
0x6d: {  	[sflag:s22] =	ssyncadd.s32 $0xFFFFC000  }
0x6e: {  	_ =	swait.ge [sflag:s26], $0x4000  }
0x6f: {  	[sflag:s26] =	ssyncset.done $0x0  }
0x70: {  	[sflag:s26] =	ssyncadd.s32 $0xFFFFC000  }
0x71: {  	[tilespmem:s28], [sflag:$0x2] =	stream.indirect.gather [hbm4b:s1+s25], $0x80, s30, s25, $0xb8;
	[tilespmem:$0x1E800] =	vst v63  }
0x72: {  	_ = 	snop  }
0x73: {  	[spmem:s2] =	stream.indirect.scatter.add.f32 [tilespmem:s21], [sflag:$0x3], $0x80, s31, s25, $0xb8;
	[tilespmem:$0x1E800] =	vst v63  }
0x74: {  	_ =	swait.ge [sflag:s22], $0x4000  }
0x75: {  	[sflag:s22] =	ssyncset.done $0x0  }
0x76: {  	[sflag:s22] =	ssyncadd.s32 $0xFFFFC000  }
0x77: {  	_ =	swait.ge [sflag:s29], $0x4000  }
0x78: {  	[sflag:s29] =	ssyncset.done $0x0  }
0x79: {  	[sflag:s29] =	ssyncadd.s32 $0xFFFFC000  }
0x7a: {  	[spmem:s2] =	stream.indirect.scatter.add.f32 [tilespmem:s28], [sflag:$0x3], $0x80, s0, s25, $0xb8;
	[tilespmem:$0x1E800] =	vst v63  }
0x7b: {  	_ =	swait.ge [sflag:s22], $0x4000  }
0x7c: {  	[sflag:s22] =	ssyncset.done $0x0  }
0x7d: {  	s3 =	simm.s32 $0x0;
	s10 =	rddreg [dreg:$0x6];
	[sflag:s22] =	ssyncadd.s32 $0xFFFFC000  }
0x7e: {  	[tilespmem:s23], [sflag:$0x3] =	stream.linear.gather [hbm4b:s10+s3], $0x1400, $0x38;
	[tilespmem:$0x1E800] =	vst v63  }
0x7f: {  	_ =	swait.ge [sflag:s22], $0x1400  }
0x80: {  	[sflag:s22] =	ssyncset.done $0x0  }
0x81: {  	s13 =	rddreg [dreg:$0x7];
	[sflag:s22] =	ssyncadd.s32 $0xFFFFEC00  }
0x82: {  	[tilespmem:s24], [sflag:$0x3] =	stream.linear.gather [hbm4b:s13+s3], $0x1400, $0x38;
	[tilespmem:$0x1E800] =	vst v63  }
0x83: {  	_ =	swait.ge [sflag:s22], $0x1400  }
0x84: {  	[sflag:s22] =	ssyncset.done $0x0  }
0x85: {  	[sflag:s22] =	ssyncadd.s32 $0xFFFFEC00  }
0x86: {  	[tilespmem:s21], [sflag:$0x1] =	stream.indirect.gather [hbm4b:s1+s25], $0x80, s23, s25, $0xb8;
	[tilespmem:$0x1E800] =	vst v63  }
0x87: {  	_ =	swait.ge [sflag:s26], $0x4000  }
0x88: {  	[sflag:s26] =	ssyncset.done $0x0  }
0x89: {  	s10 =	simm.s32 $0x14080;
	[sflag:s26] =	ssyncadd.s32 $0xFFFFC000  }
0x8a: {  	[tilespmem:s28], [sflag:$0x2] =	stream.indirect.gather [hbm4b:s1+s25], $0x80, s10, s25, $0xb8;
	[tilespmem:$0x1E800] =	vst v63  }
0x8b: {  	s11 =	simm.s32 $0x15400  }
0x8c: {  	[spmem:s2] =	stream.indirect.scatter.add.f32 [tilespmem:s21], [sflag:$0x3], $0x80, s11, s25, $0xb8;
	[tilespmem:$0x1E800] =	vst v63  }
0x8d: {  	_ =	swait.ge [sflag:s22], $0x4000  }
0x8e: {  	[sflag:s22] =	ssyncset.done $0x0  }
0x8f: {  	[sflag:s22] =	ssyncadd.s32 $0xFFFFC000  }
0x90: {  	_ =	swait.ge [sflag:s29], $0x4000  }
0x91: {  	[sflag:s29] =	ssyncset.done $0x0  }
0x92: {  	s12 =	simm.s32 $0x14100;
	[sflag:s29] =	ssyncadd.s32 $0xFFFFC000  }
0x93: {  	[tilespmem:s21], [sflag:$0x1] =	stream.indirect.gather [hbm4b:s1+s25], $0x80, s12, s25, $0xb8;
	[tilespmem:$0x1E800] =	vst v63  }
0x94: {  	s13 =	simm.s32 $0x15480  }
0x95: {  	[spmem:s2] =	stream.indirect.scatter.add.f32 [tilespmem:s28], [sflag:$0x3], $0x80, s13, s25, $0xb8;
	[tilespmem:$0x1E800] =	vst v63  }
0x96: {  	_ =	swait.ge [sflag:s22], $0x4000  }
0x97: {  	s3 =	simm.s32 $0x400;
	[sflag:s22] =	ssyncset.done $0x0  }
.LBB2_6:
0x98: {  	p0 =	sne.s32 s3, $0x4800  }
0x99: {  	[sflag:s22] =	ssyncadd.s32 $0xFFFFC000;
	s10 =	smov.u32 s3;
	s3 =	sadd.s32 $0x400, s3  }
0x9a: {  	_ = 	snop  }
0x9b: {  	_ =	swait.ge [sflag:s26], $0x4000  }
0x9c: {  	s10 =	sshra.s32 s10, $0x2;
	[sflag:s26] =	ssyncset.done $0x0  }
0x9d: {  	s11 =	sadd.s32 $0x14080, s10;
	[sflag:s26] =	ssyncadd.s32 $0xFFFFC000  }
0x9e: {  	[tilespmem:s28], [sflag:$0x2] =	stream.indirect.gather [hbm4b:s1+s25], $0x80, s11, s25, $0xb8;
	[tilespmem:$0x1E800] =	vst v63  }
0x9f: {  	s11 =	sadd.s32 $0x15400, s10  }
0xa0: {  	[spmem:s2] =	stream.indirect.scatter.add.f32 [tilespmem:s21], [sflag:$0x3], $0x80, s11, s25, $0xb8;
	[tilespmem:$0x1E800] =	vst v63  }
0xa1: {  	_ =	swait.ge [sflag:s22], $0x4000  }
0xa2: {  	[sflag:s22] =	ssyncset.done $0x0  }
0xa3: {  	[sflag:s22] =	ssyncadd.s32 $0xFFFFC000  }
0xa4: {  	_ =	swait.ge [sflag:s29], $0x4000  }
0xa5: {  	[sflag:s29] =	ssyncset.done $0x0  }
0xa6: {  	s11 =	sadd.s32 $0x14100, s10;
	[sflag:s29] =	ssyncadd.s32 $0xFFFFC000  }
0xa7: {  	[tilespmem:s21], [sflag:$0x1] =	stream.indirect.gather [hbm4b:s1+s25], $0x80, s11, s25, $0xb8;
	[tilespmem:$0x1E800] =	vst v63  }
.Ltmp2:
0xa8: {  	_ = 	snop;
	(pc) =	sbr.rel @p0 .LBB2_6-.Ltmp2, $4  }
0xa9: {  	s10 =	sadd.s32 $0x15480, s10  }
0xaa: {  	[spmem:s2] =	stream.indirect.scatter.add.f32 [tilespmem:s28], [sflag:$0x3], $0x80, s10, s25, $0xb8;
	[tilespmem:$0x1E800] =	vst v63  }
0xab: {  	_ =	swait.ge [sflag:s22], $0x4000  }
0xac: {  	[sflag:s22] =	ssyncset.done $0x0  }
0xad: {  	[sflag:s22] =	ssyncadd.s32 $0xFFFFC000  }
0xae: {  	_ =	swait.ge [sflag:s26], $0x4000  }
0xaf: {  	[sflag:s26] =	ssyncset.done $0x0  }
0xb0: {  	[sflag:s26] =	ssyncadd.s32 $0xFFFFC000  }
0xb1: {  	[tilespmem:s28], [sflag:$0x2] =	stream.indirect.gather [hbm4b:s1+s25], $0x80, s30, s25, $0xb8;
	[tilespmem:$0x1E800] =	vst v63  }
0xb2: {  	_ = 	snop  }
0xb3: {  	[spmem:s2] =	stream.indirect.scatter.add.f32 [tilespmem:s21], [sflag:$0x3], $0x80, s31, s25, $0xb8;
	[tilespmem:$0x1E800] =	vst v63  }
0xb4: {  	_ =	swait.ge [sflag:s22], $0x4000  }
0xb5: {  	[sflag:s22] =	ssyncset.done $0x0  }
0xb6: {  	[sflag:s22] =	ssyncadd.s32 $0xFFFFC000  }
0xb7: {  	_ =	swait.ge [sflag:s29], $0x4000  }
0xb8: {  	[sflag:s29] =	ssyncset.done $0x0  }
0xb9: {  	[sflag:s29] =	ssyncadd.s32 $0xFFFFC000  }
0xba: {  	[spmem:s2] =	stream.indirect.scatter.add.f32 [tilespmem:s28], [sflag:$0x3], $0x80, s0, s25, $0xb8;
	[tilespmem:$0x1E800] =	vst v63  }
0xbb: {  	_ =	swait.ge [sflag:s22], $0x4000  }
0xbc: {  	s3 =	stileid.u32;
	[sflag:s22] =	ssyncset.done $0x0  }
0xbd: {  	s3 =	sshll.u32 s3, $0x6;
	[sflag:s22] =	ssyncadd.s32 $0xFFFFC000  }
0xbe: {  	s10 =	sshrl.u32 s5, $0x3;
	s3 =	sor.u32 $0x1C03, s3;
	[bflag:$0x0] =	sbarrier.arrive $0xFFFF  }
0xbf: {  	[hbm:s14], [sflag:s3] =	dma.local [spmem:s10], $0x2800  }
0xc0: {  	_ =	swait.ge [sflag:s22], $0x2800  }
0xc1: {  	[sflag:s22] =	ssyncset.done $0x0  }
0xc2: {  	[sflag:s22] =	ssyncadd.s32 $0xFFFFD800  }
0xc3: {  	s11 =	simm.s32 $0x0;
	s12 =	simm.s32 $0x200;
	[bflag:$0x0] =	sbarrier.arrive $0xFFFF  }
.LBB2_8:
0xc4: {  	p0 =	sne.s32 s12, $0xFE00;
	[tilespmem:s11+$0x16870] =	vst v0  }
0xc5: {  	[tilespmem:s11+$0x16800] =	vst v0  }
0xc6: {  	[tilespmem:s11+$0x16810] =	vst v0  }
.Ltmp3:
0xc7: {  	[tilespmem:s11+$0x16820] =	vst v0;
	(pc) =	sbr.rel @p0 .LBB2_8-.Ltmp3, $4  }
0xc8: {  	[tilespmem:s11+$0x16830] =	vst v0  }
0xc9: {  	[tilespmem:s11+$0x16840] =	vst v0  }
0xca: {  	[tilespmem:s11+$0x16850] =	vst v0  }
0xcb: {  	[tilespmem:s11+$0x16860] =	vst v0;
	s11 =	sshra.s32 s12, $0x2;
	s12 =	sadd.s32 $0x200, s12  }
0xcc: {  	[tilespmem:s11+$0x16870] =	vst v0  }
0xcd: {  	[tilespmem:s11+$0x16800] =	vst v0  }
0xce: {  	[tilespmem:s11+$0x16810] =	vst v0  }
0xcf: {  	[tilespmem:s11+$0x16820] =	vst v0  }
0xd0: {  	[tilespmem:s11+$0x16830] =	vst v0  }
0xd1: {  	[tilespmem:s11+$0x16840] =	vst v0  }
0xd2: {  	[tilespmem:s11+$0x16850] =	vst v0  }
0xd3: {  	[tilespmem:s11+$0x16860] =	vst v0  }
0xd4: {  	[spmem:s5] =	stream.linear.scatter [tilespmem:s21], [sflag:$0x3], $0x4000, $0x38;
	[tilespmem:$0x1E800] =	vst v63  }
0xd5: {  	_ =	swait.ge [sflag:s22], $0x4000  }
0xd6: {  	[sflag:s22] =	ssyncset.done $0x0  }
0xd7: {  	[sflag:s22] =	ssyncadd.s32 $0xFFFFC000  }
0xd8: {  	[spmem:s6] =	stream.linear.scatter [tilespmem:s21], [sflag:$0x3], $0x4000, $0x38;
	[tilespmem:$0x1E800] =	vst v63  }
0xd9: {  	_ =	swait.ge [sflag:s22], $0x4000  }
0xda: {  	[sflag:s22] =	ssyncset.done $0x0  }
0xdb: {  	[sflag:s22] =	ssyncadd.s32 $0xFFFFC000  }
0xdc: {  	[spmem:s7] =	stream.linear.scatter [tilespmem:s21], [sflag:$0x3], $0x4000, $0x38;
	[tilespmem:$0x1E800] =	vst v63  }
0xdd: {  	_ =	swait.ge [sflag:s22], $0x4000  }
0xde: {  	[sflag:s22] =	ssyncset.done $0x0  }
0xdf: {  	[sflag:s22] =	ssyncadd.s32 $0xFFFFC000  }
0xe0: {  	[spmem:s8] =	stream.linear.scatter [tilespmem:s21], [sflag:$0x3], $0x4000, $0x38;
	[tilespmem:$0x1E800] =	vst v63  }
0xe1: {  	_ =	swait.ge [sflag:s22], $0x4000  }
0xe2: {  	[sflag:s22] =	ssyncset.done $0x0  }
0xe3: {  	[sflag:s22] =	ssyncadd.s32 $0xFFFFC000  }
0xe4: {  	[spmem:s9] =	stream.linear.scatter [tilespmem:s21], [sflag:$0x3], $0x4000, $0x38;
	[tilespmem:$0x1E800] =	vst v63  }
0xe5: {  	_ =	swait.ge [sflag:s22], $0x4000  }
0xe6: {  	[sflag:s22] =	ssyncset.done $0x0  }
0xe7: {  	[sflag:s22] =	ssyncadd.s32 $0xFFFFC000  }
0xe8: {  	s13 =	simm.s32 $0x0;
	[bflag:$0x0] =	sbarrier.arrive $0xFFFF  }
0xe9: {  	[tilespmem:s23], [sflag:$0x3] =	stream.linear.gather [hbm4b:s15+s13], $0x1400, $0x38;
	[tilespmem:$0x1E800] =	vst v63  }
0xea: {  	_ =	swait.ge [sflag:s22], $0x1400  }
0xeb: {  	[sflag:s22] =	ssyncset.done $0x0  }
0xec: {  	[sflag:s22] =	ssyncadd.s32 $0xFFFFEC00  }
0xed: {  	[tilespmem:s24], [sflag:$0x3] =	stream.linear.gather [hbm4b:s16+s13], $0x1400, $0x38;
	[tilespmem:$0x1E800] =	vst v63  }
0xee: {  	_ =	swait.ge [sflag:s22], $0x1400  }
0xef: {  	[sflag:s22] =	ssyncset.done $0x0  }
0xf0: {  	[sflag:s22] =	ssyncadd.s32 $0xFFFFEC00  }
0xf1: {  	[tilespmem:s21], [sflag:$0x1] =	stream.indirect.gather [hbm4b:s1+s25], $0x80, s23, s25, $0xb8;
	[tilespmem:$0x1E800] =	vst v63  }
0xf2: {  	_ =	swait.ge [sflag:s26], $0x4000  }
0xf3: {  	[sflag:s26] =	ssyncset.done $0x0  }
0xf4: {  	s12 =	simm.s32 $0x14080;
	[sflag:s26] =	ssyncadd.s32 $0xFFFFC000  }
0xf5: {  	[tilespmem:s28], [sflag:$0x2] =	stream.indirect.gather [hbm4b:s1+s25], $0x80, s12, s25, $0xb8;
	[tilespmem:$0x1E800] =	vst v63  }
0xf6: {  	s13 =	simm.s32 $0x15400  }
0xf7: {  	[spmem:s2] =	stream.indirect.scatter.add.f32 [tilespmem:s21], [sflag:$0x3], $0x80, s13, s25, $0xb8;
	[tilespmem:$0x1E800] =	vst v63  }
0xf8: {  	_ =	swait.ge [sflag:s22], $0x4000  }
0xf9: {  	[sflag:s22] =	ssyncset.done $0x0  }
0xfa: {  	[sflag:s22] =	ssyncadd.s32 $0xFFFFC000  }
0xfb: {  	_ =	swait.ge [sflag:s29], $0x4000  }
0xfc: {  	[sflag:s29] =	ssyncset.done $0x0  }
0xfd: {  	s12 =	simm.s32 $0x14100;
	[sflag:s29] =	ssyncadd.s32 $0xFFFFC000  }
0xfe: {  	[tilespmem:s21], [sflag:$0x1] =	stream.indirect.gather [hbm4b:s1+s25], $0x80, s12, s25, $0xb8;
	[tilespmem:$0x1E800] =	vst v63  }
0xff: {  	s13 =	simm.s32 $0x15480  }
0x100: {  	[spmem:s2] =	stream.indirect.scatter.add.f32 [tilespmem:s28], [sflag:$0x3], $0x80, s13, s25, $0xb8;
	[tilespmem:$0x1E800] =	vst v63  }
0x101: {  	_ =	swait.ge [sflag:s22], $0x4000  }
0x102: {  	s11 =	simm.s32 $0x400;
	[sflag:s22] =	ssyncset.done $0x0  }
.LBB2_10:
0x103: {  	p0 =	sne.s32 s11, $0x4800  }
0x104: {  	[sflag:s22] =	ssyncadd.s32 $0xFFFFC000;
	s12 =	smov.u32 s11;
	s11 =	sadd.s32 $0x400, s11  }
0x105: {  	_ = 	snop  }
0x106: {  	_ =	swait.ge [sflag:s26], $0x4000  }
0x107: {  	s12 =	sshra.s32 s12, $0x2;
	[sflag:s26] =	ssyncset.done $0x0  }
0x108: {  	s13 =	sadd.s32 $0x14080, s12;
	[sflag:s26] =	ssyncadd.s32 $0xFFFFC000  }
0x109: {  	[tilespmem:s28], [sflag:$0x2] =	stream.indirect.gather [hbm4b:s1+s25], $0x80, s13, s25, $0xb8;
	[tilespmem:$0x1E800] =	vst v63  }
0x10a: {  	s13 =	sadd.s32 $0x15400, s12  }
0x10b: {  	[spmem:s2] =	stream.indirect.scatter.add.f32 [tilespmem:s21], [sflag:$0x3], $0x80, s13, s25, $0xb8;
	[tilespmem:$0x1E800] =	vst v63  }
0x10c: {  	_ =	swait.ge [sflag:s22], $0x4000  }
0x10d: {  	[sflag:s22] =	ssyncset.done $0x0  }
0x10e: {  	[sflag:s22] =	ssyncadd.s32 $0xFFFFC000  }
0x10f: {  	_ =	swait.ge [sflag:s29], $0x4000  }
0x110: {  	[sflag:s29] =	ssyncset.done $0x0  }
0x111: {  	s13 =	sadd.s32 $0x14100, s12;
	[sflag:s29] =	ssyncadd.s32 $0xFFFFC000  }
0x112: {  	[tilespmem:s21], [sflag:$0x1] =	stream.indirect.gather [hbm4b:s1+s25], $0x80, s13, s25, $0xb8;
	[tilespmem:$0x1E800] =	vst v63  }
.Ltmp4:
0x113: {  	_ = 	snop;
	(pc) =	sbr.rel @p0 .LBB2_10-.Ltmp4, $4  }
0x114: {  	s12 =	sadd.s32 $0x15480, s12  }
0x115: {  	[spmem:s2] =	stream.indirect.scatter.add.f32 [tilespmem:s28], [sflag:$0x3], $0x80, s12, s25, $0xb8;
	[tilespmem:$0x1E800] =	vst v63  }
0x116: {  	_ =	swait.ge [sflag:s22], $0x4000  }
0x117: {  	[sflag:s22] =	ssyncset.done $0x0  }
0x118: {  	[sflag:s22] =	ssyncadd.s32 $0xFFFFC000  }
0x119: {  	_ =	swait.ge [sflag:s26], $0x4000  }
0x11a: {  	[sflag:s26] =	ssyncset.done $0x0  }
0x11b: {  	[sflag:s26] =	ssyncadd.s32 $0xFFFFC000  }
0x11c: {  	[tilespmem:s28], [sflag:$0x2] =	stream.indirect.gather [hbm4b:s1+s25], $0x80, s30, s25, $0xb8;
	[tilespmem:$0x1E800] =	vst v63  }
0x11d: {  	_ = 	snop  }
0x11e: {  	[spmem:s2] =	stream.indirect.scatter.add.f32 [tilespmem:s21], [sflag:$0x3], $0x80, s31, s25, $0xb8;
	[tilespmem:$0x1E800] =	vst v63  }
0x11f: {  	_ =	swait.ge [sflag:s22], $0x4000  }
0x120: {  	[sflag:s22] =	ssyncset.done $0x0  }
0x121: {  	[sflag:s22] =	ssyncadd.s32 $0xFFFFC000  }
0x122: {  	_ =	swait.ge [sflag:s29], $0x4000  }
0x123: {  	[sflag:s29] =	ssyncset.done $0x0  }
0x124: {  	[sflag:s29] =	ssyncadd.s32 $0xFFFFC000  }
0x125: {  	[spmem:s2] =	stream.indirect.scatter.add.f32 [tilespmem:s28], [sflag:$0x3], $0x80, s0, s25, $0xb8;
	[tilespmem:$0x1E800] =	vst v63  }
0x126: {  	_ =	swait.ge [sflag:s22], $0x4000  }
0x127: {  	[sflag:s22] =	ssyncset.done $0x0  }
0x128: {  	s11 =	simm.s32 $0x0;
	[sflag:s22] =	ssyncadd.s32 $0xFFFFC000  }
0x129: {  	[tilespmem:s23], [sflag:$0x3] =	stream.linear.gather [hbm4b:s17+s11], $0x1400, $0x38;
	[tilespmem:$0x1E800] =	vst v63  }
0x12a: {  	_ =	swait.ge [sflag:s22], $0x1400  }
0x12b: {  	[sflag:s22] =	ssyncset.done $0x0  }
0x12c: {  	[sflag:s22] =	ssyncadd.s32 $0xFFFFEC00  }
0x12d: {  	[tilespmem:s24], [sflag:$0x3] =	stream.linear.gather [hbm4b:s18+s11], $0x1400, $0x38;
	[tilespmem:$0x1E800] =	vst v63  }
0x12e: {  	_ =	swait.ge [sflag:s22], $0x1400  }
0x12f: {  	[sflag:s22] =	ssyncset.done $0x0  }
0x130: {  	[sflag:s22] =	ssyncadd.s32 $0xFFFFEC00  }
0x131: {  	[tilespmem:s21], [sflag:$0x1] =	stream.indirect.gather [hbm4b:s1+s25], $0x80, s23, s25, $0xb8;
	[tilespmem:$0x1E800] =	vst v63  }
0x132: {  	_ =	swait.ge [sflag:s26], $0x4000  }
0x133: {  	[sflag:s26] =	ssyncset.done $0x0  }
0x134: {  	s12 =	simm.s32 $0x14080;
	[sflag:s26] =	ssyncadd.s32 $0xFFFFC000  }
0x135: {  	[tilespmem:s28], [sflag:$0x2] =	stream.indirect.gather [hbm4b:s1+s25], $0x80, s12, s25, $0xb8;
	[tilespmem:$0x1E800] =	vst v63  }
0x136: {  	s13 =	simm.s32 $0x15400  }
0x137: {  	[spmem:s2] =	stream.indirect.scatter.add.f32 [tilespmem:s21], [sflag:$0x3], $0x80, s13, s25, $0xb8;
	[tilespmem:$0x1E800] =	vst v63  }
0x138: {  	_ =	swait.ge [sflag:s22], $0x4000  }
0x139: {  	[sflag:s22] =	ssyncset.done $0x0  }
0x13a: {  	[sflag:s22] =	ssyncadd.s32 $0xFFFFC000  }
0x13b: {  	_ =	swait.ge [sflag:s29], $0x4000  }
0x13c: {  	[sflag:s29] =	ssyncset.done $0x0  }
0x13d: {  	s12 =	simm.s32 $0x14100;
	[sflag:s29] =	ssyncadd.s32 $0xFFFFC000  }
0x13e: {  	[tilespmem:s21], [sflag:$0x1] =	stream.indirect.gather [hbm4b:s1+s25], $0x80, s12, s25, $0xb8;
	[tilespmem:$0x1E800] =	vst v63  }
0x13f: {  	s13 =	simm.s32 $0x15480  }
0x140: {  	[spmem:s2] =	stream.indirect.scatter.add.f32 [tilespmem:s28], [sflag:$0x3], $0x80, s13, s25, $0xb8;
	[tilespmem:$0x1E800] =	vst v63  }
0x141: {  	_ =	swait.ge [sflag:s22], $0x4000  }
0x142: {  	s11 =	simm.s32 $0x400;
	[sflag:s22] =	ssyncset.done $0x0  }
.LBB2_12:
0x143: {  	p0 =	sne.s32 s11, $0x4800  }
0x144: {  	[sflag:s22] =	ssyncadd.s32 $0xFFFFC000;
	s12 =	smov.u32 s11;
	s11 =	sadd.s32 $0x400, s11  }
0x145: {  	_ = 	snop  }
0x146: {  	_ =	swait.ge [sflag:s26], $0x4000  }
0x147: {  	s12 =	sshra.s32 s12, $0x2;
	[sflag:s26] =	ssyncset.done $0x0  }
0x148: {  	s13 =	sadd.s32 $0x14080, s12;
	[sflag:s26] =	ssyncadd.s32 $0xFFFFC000  }
0x149: {  	[tilespmem:s28], [sflag:$0x2] =	stream.indirect.gather [hbm4b:s1+s25], $0x80, s13, s25, $0xb8;
	[tilespmem:$0x1E800] =	vst v63  }
0x14a: {  	s13 =	sadd.s32 $0x15400, s12  }
0x14b: {  	[spmem:s2] =	stream.indirect.scatter.add.f32 [tilespmem:s21], [sflag:$0x3], $0x80, s13, s25, $0xb8;
	[tilespmem:$0x1E800] =	vst v63  }
0x14c: {  	_ =	swait.ge [sflag:s22], $0x4000  }
0x14d: {  	[sflag:s22] =	ssyncset.done $0x0  }
0x14e: {  	[sflag:s22] =	ssyncadd.s32 $0xFFFFC000  }
0x14f: {  	_ =	swait.ge [sflag:s29], $0x4000  }
0x150: {  	[sflag:s29] =	ssyncset.done $0x0  }
0x151: {  	s13 =	sadd.s32 $0x14100, s12;
	[sflag:s29] =	ssyncadd.s32 $0xFFFFC000  }
0x152: {  	[tilespmem:s21], [sflag:$0x1] =	stream.indirect.gather [hbm4b:s1+s25], $0x80, s13, s25, $0xb8;
	[tilespmem:$0x1E800] =	vst v63  }
.Ltmp5:
0x153: {  	_ = 	snop;
	(pc) =	sbr.rel @p0 .LBB2_12-.Ltmp5, $4  }
0x154: {  	s12 =	sadd.s32 $0x15480, s12  }
0x155: {  	[spmem:s2] =	stream.indirect.scatter.add.f32 [tilespmem:s28], [sflag:$0x3], $0x80, s12, s25, $0xb8;
	[tilespmem:$0x1E800] =	vst v63  }
0x156: {  	_ =	swait.ge [sflag:s22], $0x4000  }
0x157: {  	[sflag:s22] =	ssyncset.done $0x0  }
0x158: {  	[sflag:s22] =	ssyncadd.s32 $0xFFFFC000  }
0x159: {  	_ =	swait.ge [sflag:s26], $0x4000  }
0x15a: {  	[sflag:s26] =	ssyncset.done $0x0  }
0x15b: {  	[sflag:s26] =	ssyncadd.s32 $0xFFFFC000  }
0x15c: {  	[tilespmem:s28], [sflag:$0x2] =	stream.indirect.gather [hbm4b:s1+s25], $0x80, s30, s25, $0xb8;
	[tilespmem:$0x1E800] =	vst v63  }
0x15d: {  	_ = 	snop  }
0x15e: {  	[spmem:s2] =	stream.indirect.scatter.add.f32 [tilespmem:s21], [sflag:$0x3], $0x80, s31, s25, $0xb8;
	[tilespmem:$0x1E800] =	vst v63  }
0x15f: {  	_ =	swait.ge [sflag:s22], $0x4000  }
0x160: {  	[sflag:s22] =	ssyncset.done $0x0  }
0x161: {  	[sflag:s22] =	ssyncadd.s32 $0xFFFFC000  }
0x162: {  	_ =	swait.ge [sflag:s29], $0x4000  }
0x163: {  	[sflag:s29] =	ssyncset.done $0x0  }
0x164: {  	[sflag:s29] =	ssyncadd.s32 $0xFFFFC000  }
0x165: {  	[spmem:s2] =	stream.indirect.scatter.add.f32 [tilespmem:s28], [sflag:$0x3], $0x80, s0, s25, $0xb8;
	[tilespmem:$0x1E800] =	vst v63  }
0x166: {  	_ =	swait.ge [sflag:s22], $0x4000  }
0x167: {  	s4 =	sadd.s32 $0x1, s4;
	[sflag:s22] =	ssyncset.done $0x0  }
0x168: {  	p0 =	sne.s32 s4, s20;
	[sflag:s22] =	ssyncadd.s32 $0xFFFFC000  }
.Ltmp6:
0x169: {  	[bflag:$0x0] =	sbarrier.arrive $0xFFFF;
	(pc) =	sbr.rel @p0 .LBB2_1-.Ltmp6, $4  }
0x16a: {  	[hbm:s19], [sflag:s3] =	dma.local [spmem:s10], $0x2800  }
0x16b: {  	_ =	swait.ge [sflag:s22], $0x2800  }
0x16c: {  	[sflag:s22] =	ssyncset.done $0x0  }
0x16d: {  	[sflag:s22] =	ssyncadd.s32 $0xFFFFD800  }
0x16e: {  	_ =	sfence.sel $0x180000  }
0x16f: {  	[bflag:$0x0] =	sbarrier.arrive $0xFFFF  }
0x170: {  	_ =	strace $0x9000004D  }
0x171: {  	s0 =	stileid.u32;
	[bflag:$0x2] =	sbarrier.arrive $0xFFFF  }
0x172: {  	p0 =	sne.s32 s0, $0x0;
	s0 =	rddreg [dreg:$0x3]  }
0x173: {  	s0 =	sadd.s32 @!p0 $0x100000, s0  }
0x174: {  	[sflag:s0] =	ssyncadd.tile.s32 @!p0 $0x1;
	_ =	shalt  }
.Lfunc_end2:
_tile_overlayer_lowered:
.L_overlay_start_2:
0x175: {  	(tag) =	ssettag $0x2  }
0x176: {  	s0 =	rddreg [dreg:$0x0];
	s2 =	stileid.u32  }
0x177: {  	s1 =	rddreg [dreg:$0x1];
	p0 =	sne.s32 s2, $0x0  }
0x178: {  	s3 =	rddreg [dreg:$0x2];
	[bflag:$0x3] =	sbarrier.arrive $0xFFFF;
	s2 =	simm.s32 @!p0 $0x1C03  }
0x179: {  	[timem:s3], [sflag:s2] =	dma.local @!p0 [hbm:s0], s1  }
0x17a: {  	s0 =	simm.s32 @!p0 $0x3  }
0x17b: {  	_ =	swait.ge @!p0 [sflag:s0], s1  }
0x17c: {  	s1 =	ssub.s32 @!p0 $0x0, s1;
	[sflag:s0] =	ssyncset.done @!p0 $0x0  }
0x17d: {  	[sflag:s0] =	ssyncadd.s32 @!p0 s1  }
0x17e: {  	[bflag:$0x3] =	sbarrier.arrive $0xFFFF  }
0x17f: {  	_ =	shalt  }

// kernel: kernel.15.cloned.1.call-start
scs
__scs_entry_jumppad:
0x0: {  	(pc) =	sbr.rel $0x88, $3  }
0x1: {  	(tag) =	ssettag $0x0;
	lr =	simm.s32 $0x1  }
0x2: {  	[smem:$0x3F97] =	sst lr;
	_ =	strace $0xD0000000  }
0x3: {  	_ = 	snop  }
0x4: {  	_ = 	snop  }
0x5: {  	_ = 	snop  }
0x6: {  	_ = 	snop  }
0x7: {  	_ = 	snop  }
__scs_overlays_trampoline_lowered:
0x8: {  	[smem:$0x3FA6] =	sst s0  }
0x9: {  	[smem:$0x3FA7] =	sst s1  }
0xa: {  	[smem:$0x3FA8] =	sst s2  }
0xb: {  	[smem:$0x3FA9] =	sst s3  }
0xc: {  	[smem:$0x3FAA] =	sst s4  }
0xd: {  	[smem:$0x3FAB] =	sst s5  }
0xe: {  	[smem:$0x3FAC] =	sst s6  }
0xf: {  	[smem:$0x3FAD] =	sst s7  }
0x10: {  	[smem:$0x3FAE] =	sst s8  }
0x11: {  	[smem:$0x3FAF] =	sst s9;
	s0 =	simm.s32 @!p0 $0x0  }
0x12: {  	s1 =	sld [smem:$0x3F95];
	s0 =	simm.s32 @p0 $0x1  }
0x13: {  	[smem:$0x3FB0] =	sst s0;
	s0 =	simm.s32 @!p1 $0x0  }
0x14: {  	s2 =	sld [smem:$0x3F94];
	s0 =	simm.s32 @p1 $0x1  }
0x15: {  	[smem:$0x3FB1] =	sst s0;
	s0 =	simm.s32 @!p2 $0x0  }
0x16: {  	s3 =	sld [smem:$0x3FDB];
	s0 =	simm.s32 @p2 $0x1  }
0x17: {  	s4 =	simm.s32 $0x1BF5;
	[smem:$0x3FB3] =	sst s0  }
0x18: {  	s0 =	sld [smem:$0x3F96];
	_ =	swait.ge [sflag:s4], $0x0  }
0x19: {  	s7 =	sld [smem:$0x3F97]  }
0x1a: {  	s8 =	sadd.s32 $0xFFFFE003, lr  }
0x1b: {  	s9 =	sadd.s32 $0xFFFFFEF7, lr;
	s5 =	simm.s32 $0xFFFFFFFF;
	p2 =	slt.u32 s8, $0xFFFFF086  }
0x1c: {  	p1 =	slt.u32 s9, $0xF7A;
	s5 =	simm.s32 @!p2 $0x0  }
0x1d: {  	s5 =	simm.s32 @p1 $0x1;
	p0 =	seq.s32 s7, s2  }
0x1e: {  	s7 =	smul.u32 @!p0 $0xF7A, s2;
	p2 =	seq.s32 @!p0 s5, $0x0  }
0x1f: {  	s9 =	smul.u32 $0xF7A, s1;
	s8 =	simm.s32 @!p0 $0x1BF5;
	p2 =	por !p2, p0  }
0x20: {  	[sflag:s8] =	ssyncset.s32 @!p0 $0xFFFFF086;
	s6 =	sadd.s32 @!p0 s3, s7;
	s7 =	simm.s32 @!p0 $0x108  }
0x21: {  	s3 =	sadd.s32 s3, s9;
	s6 =	sadd.s32 @!p0 $0x88, s6;
	s7 =	simm.s32 @p2 $0x1082  }
0x22: {  	[simem:s7], [sflag:s8] =	dma.local @!p0 [hbm:s6], $0xF7A  }
0x23: {  	s9 =	sor.u32 $0xD0000000, s2;
	s6 =	simm.s32 $0x108;
	_ =	swait.ge @!p0 [sflag:s8], $0x0  }
0x24: {  	s3 =	sadd.s32 $0x88, s3;
	s6 =	simm.s32 @!p1 $0x1082;
	[sflag:s4] =	ssyncset.s32 $0xFFFFF086  }
0x25: {  	[simem:s6], [sflag:s4] =	dma.local [hbm:s3], $0xF7A  }
0x26: {  	[smem:$0x3F97] =	sst s1;
	(tag) =	ssettag s2;
	_ =	strace s9  }
0x27: {  	s1 =	sld [smem:$0x3FA7]  }
0x28: {  	s2 =	sld [smem:$0x3FA8]  }
0x29: {  	s4 =	sld [smem:$0x3FAA]  }
0x2a: {  	p0 =	seq.s32 s5, $0x0;
	s5 =	sld [smem:$0x3FAB]  }
0x2b: {  	s6 =	sld [smem:$0x3FAC]  }
0x2c: {  	s7 =	sld [smem:$0x3FAD]  }
0x2d: {  	s3 =	simm.s32 $0x108;
	s8 =	sld [smem:$0x3FAE]  }
0x2e: {  	s3 =	simm.s32 @!p0 $0x1082;
	s9 =	sld [smem:$0x3FAF]  }
0x2f: {  	lr =	sadd.s32 s0, s3;
	s0 =	sld [smem:$0x3FA6]  }
0x30: {  	s3 =	sld [smem:$0x3FA9]  }
0x31: {  	[smem:$0x3FB2] =	sst s10  }
0x32: {  	s10 =	sld [smem:$0x3FB0];
	_ =	sdelay $0x3  }
0x33: {  	p0 =	seq.s32 s10, $0x1;
	s10 =	sld [smem:$0x3FB2];
	_ =	sdelay $0x3  }
0x34: {  	[smem:$0x3FB2] =	sst s10  }
0x35: {  	s10 =	sld [smem:$0x3FB1];
	_ =	sdelay $0x3  }
0x36: {  	p1 =	seq.s32 s10, $0x1;
	s10 =	sld [smem:$0x3FB2];
	_ =	sdelay $0x3  }
0x37: {  	[smem:$0x3FB2] =	sst s10  }
0x38: {  	s10 =	sld [smem:$0x3FB3]  }
0x39: {  	_ = 	snop;
	(pc) =	sbr.ind lr, $3  }
0x3a: {  	_ = 	snop  }
0x3b: {  	_ = 	snop  }
0x3c: {  	p2 =	seq.s32 s10, $0x1;
	s10 =	sld [smem:$0x3FB2]  }
0x3d: {  	_ =	shalt  }
0x3e: {  	_ =	shalt  }
0x3f: {  	_ =	shalt  }
0x40: {  	_ =	shalt  }
0x41: {  	_ =	shalt  }
0x42: {  	_ =	shalt  }
0x43: {  	_ =	shalt  }
0x44: {  	_ =	shalt  }
0x45: {  	_ =	shalt  }
0x46: {  	_ =	shalt  }
0x47: {  	_ =	shalt  }
0x48: {  	_ =	shalt  }
0x49: {  	_ =	shalt  }
0x4a: {  	_ =	shalt  }
0x4b: {  	_ =	shalt  }
0x4c: {  	_ =	shalt  }
0x4d: {  	_ =	shalt  }
0x4e: {  	_ =	shalt  }
0x4f: {  	_ =	shalt  }
0x50: {  	_ =	shalt  }
0x51: {  	_ =	shalt  }
0x52: {  	_ =	shalt  }
0x53: {  	_ =	shalt  }
0x54: {  	_ =	shalt  }
0x55: {  	_ =	shalt  }
0x56: {  	_ =	shalt  }
0x57: {  	_ =	shalt  }
0x58: {  	_ =	shalt  }
0x59: {  	_ =	shalt  }
0x5a: {  	_ =	shalt  }
0x5b: {  	_ =	shalt  }
0x5c: {  	_ =	shalt  }
0x5d: {  	_ =	shalt  }
0x5e: {  	_ =	shalt  }
0x5f: {  	_ =	shalt  }
0x60: {  	_ =	shalt  }
0x61: {  	_ =	shalt  }
0x62: {  	_ =	shalt  }
0x63: {  	_ =	shalt  }
0x64: {  	_ =	shalt  }
0x65: {  	_ =	shalt  }
0x66: {  	_ =	shalt  }
0x67: {  	_ =	shalt  }
0x68: {  	_ =	shalt  }
0x69: {  	_ =	shalt  }
0x6a: {  	_ =	shalt  }
0x6b: {  	_ =	shalt  }
0x6c: {  	_ =	shalt  }
0x6d: {  	_ =	shalt  }
0x6e: {  	_ =	shalt  }
0x6f: {  	_ =	shalt  }
0x70: {  	_ =	shalt  }
0x71: {  	_ =	shalt  }
0x72: {  	_ =	shalt  }
0x73: {  	_ =	shalt  }
0x74: {  	_ =	shalt  }
0x75: {  	_ =	shalt  }
0x76: {  	_ =	shalt  }
0x77: {  	_ =	shalt  }
0x78: {  	_ =	shalt  }
0x79: {  	_ =	shalt  }
0x7a: {  	_ =	shalt  }
0x7b: {  	_ =	shalt  }
0x7c: {  	_ =	shalt  }
0x7d: {  	_ =	shalt  }
0x7e: {  	_ =	shalt  }
0x7f: {  	_ =	shalt  }
0x80: {  	_ =	shalt  }
0x81: {  	_ =	shalt  }
0x82: {  	_ =	shalt  }
0x83: {  	_ =	shalt  }
0x84: {  	_ =	shalt  }
0x85: {  	_ =	shalt  }
0x86: {  	_ =	shalt  }
0x87: {  	_ =	shalt  }
.Lfunc_end0:
.L_simem_size_0:
called_computation.2_lowered:
.L_overlay_start_0:
0x88: {  	s2 =	sld [smem:$0x3FD9]  }
0x89: {  	s3 =	sld [smem:$0x3FFE];
	_ =	sdelay $0x1  }
0x8a: {  	s1 =	srdreg.scid  }
0x8b: {  	s0 =	sand.u32 $0x1, s1  }
0x8c: {  	s14 =	sshll.u32 s0, $0xA;
	s2 =	sadd.s32 s3, s2  }
0x8d: {  	s2 =	sadd.s32 s2, s14  }
0x8e: {  	[smem:$0x3FBE] =	sst s2  }
0x8f: {  	_ = 	snop  }
0x90: {  	s2 =	sld [smem:$0x3FD0];
	_ =	sdelay $0x2  }
0x91: {  	s15 =	simm.s32 $0xB;
	s4 =	simm.s32 $0x10  }
0x92: {  	[smem:s4], [sflag:s15] =	dma.local [hbm:s2], $0x1  }
0x93: {  	_ =	swait.eq [sflag:s15], $0x1  }
0x94: {  	s16 =	sld [smem:$0x10];
	[sflag:s15] =	ssyncset.done $0x0  }
0x95: {  	s17 =	sld [smem:$0x11];
	[sflag:s15] =	ssyncadd.s32 $0xFFFFFFFF  }
0x96: {  	s18 =	sld [smem:$0x12];
	(tm) =	ssettm $0x1  }
0x97: {  	s5 =	sld [smem:$0x3FFB];
	_ =	sdelay $0x3  }
0x98: {  	_ =	strace s5  }
0x99: {  	s5 =	sld [smem:$0x3FFC];
	_ =	sdelay $0x3  }
0x9a: {  	_ =	strace s5  }
0x9b: {  	s5 =	sld [smem:$0x3FFD];
	_ =	sdelay $0x3  }
0x9c: {  	_ =	strace s5  }
0x9d: {  	_ =	strace $0x8FFFFFFF  }
0x9e: {  	s19 =	sld [smem:$0x3FDB];
	_ =	sdelay $0x1  }
0x9f: {  	s6 =	simm.s32 $_scs_section_size  }
0xa0: {  	s7 =	simm.s32 $_size__tile_overlayer_lowered;
	s8 =	simm.s32 $_tile_overlayer_lowered  }
0xa1: {  	s22 =	simm.s32 $0x1BFF;
	s21 =	sshll.u32 s8, $0x1;
	s5 =	sadd.s32 s6, s19  }
0xa2: {  	s9 =	simm.s32 $0x0;
	s20 =	sshll.u32 s7, $0x1;
	s7 =	sadd.s32 s21, s5  }
0xa3: {  	[timem:s9], [sflag:s22] =	dma.local [hbm:s7], s20  }
0xa4: {  	_ =	swait.ge [sflag:s22], s20  }
0xa5: {  	s6 =	ssub.s32 $0x0, s20;
	[sflag:s22] =	ssyncset.done $0x0  }
0xa6: {  	[sflag:s22] =	ssyncadd.s32 s6;
	_ =	sdelay $0x1  }
0xa7: {  	s23 =	simm.s32 $0x1B8B  }
0xa8: {  	_ =	swait.ge [sflag:s23], $0x1  }
0xa9: {  	[sflag:s23] =	ssyncset.done $0x0  }
0xaa: {  	s25 =	simm.s32 $0x1B8E;
	s24 =	sld [smem:$0x3FFE];
	[sflag:s23] =	ssyncadd.s32 $0xFFFFFFFF  }
0xab: {  	s26 =	simm.s32 $execute0_lowered;
	[smem:$0x3FD2] =	sst s25  }
0xac: {  	s7 =	sshll.u32 s26, $0x1;
	_ =	strace $0x80000049;
	[dreg:$0x1] =	wrdreg $0xFFFFFFFF  }
0xad: {  	s28 =	simm.s32 $_size_execute0_lowered;
	s5 =	sadd.s32 s5, s7;
	[dreg:$0x0] =	wrdreg $0x0  }
0xae: {  	s7 =	sshll.u32 s28, $0x1;
	[dreg:$0x2] =	wrdreg s5  }
0xaf: {  	[dreg:$0x3] =	wrdreg s7  }
0xb0: {  	[dreg:$0x4] =	wrdreg $0xC0  }
0xb1: {  	_ =	task [dreg:s9], $0x5FFFF  }
0xb2: {  	[dreg:$0x1] =	wrdreg $0xFFFFFFFF  }
0xb3: {  	[dreg:$0x0] =	wrdreg $0x60  }
0xb4: {  	[dreg:$0x2] =	wrdreg s18  }
0xb5: {  	[dreg:$0x3] =	wrdreg s17  }
0xb6: {  	[dreg:$0x4] =	wrdreg s16  }
0xb7: {  	[dreg:$0x5] =	wrdreg s24  }
0xb8: {  	[dreg:$0x6] =	wrdreg $0x0  }
0xb9: {  	[dreg:$0x7] =	wrdreg $0xA  }
0xba: {  	_ =	task.clear_ibuf [dreg:s9], $0x8FFFF;
	_ =	strace $0x90000049  }
0xbb: {  	s29 =	simm.s32 $0xA;
	_ =	strace $0x8000004B  }
0xbc: {  	_ =	swait.ge [sflag:s29], $0x1  }
0xbd: {  	[sflag:s29] =	ssyncadd.s32 $0xFFFFFFFF  }
0xbe: {  	_ =	strace $0x9000004B  }
0xbf: {  	_ =	sfence  }
0xc0: {  	s30 =	sld [smem:$0x0];
	_ =	sdelay $0x2  }
0xc1: {  	s31 =	sshll.u32 s1, $0xD;
	s1 =	sshrl.u32 s1, $0x2  }
0xc2: {  	s3 =	sand.u32 $0x4000, s31;
	s1 =	sadd.s32 s1, s30  }
0xc3: {  	s0 =	sor.u32 s3, s0;
	s1 =	sshll.u32 s1, $0x11  }
0xc4: {  	s0 =	sor.u32 s1, s0  }
0xc5: {  	s0 =	sadd.s32 $0x8F2B, s0  }
0xc6: {  	[sflag:s0] =	ssyncadd.remote.s32 $0x1  }
0xc7: {  	_ =	sfence.sel $0xFFFF  }
0xc8: {  	[dreg:$0x0] =	wrdreg $0xFFFFFFFF;
	(pc) =	sbr.abs _section_cstart, $3  }
0xc9: {  	[dreg:$0x1] =	wrdreg $0xFFFFFFFF  }
0xca: {  	_ =	task.clear_ibuf [dreg:s9], $0x2FFFF;
	_ =	strace $0x9FFFFFFF  }
0xcb: {  	(tm) =	ssettm $0x7FFFFFFF  }
tec
execute0_lowered:
.L_overlay_start_1:
0x0: {  	(tag) =	ssettag $0x1  }
0x1: {  	s0 =	rddreg [dreg:$0x0]  }
0x2: {  	s12 =	rddreg [dreg:$0x1]  }
0x3: {  	s13 =	rddreg [dreg:$0x2]  }
0x4: {  	s5 =	rddreg [dreg:$0x3]  }
0x5: {  	s3 =	rddreg [dreg:$0x4]  }
0x6: {  	s1 =	srdreg.scid;
	s2 =	rddreg [dreg:$0x5];
	s4 =	simm.s32 $0x0  }
0x7: {  	s18 =	simm.s32 $0x14000;
	s19 =	simm.s32 $0x15400;
	s20 =	simm.s32 $0x80  }
0x8: {  	s21 =	simm.s32 $0x1;
	s22 =	simm.s32 $0x1A800;
	s23 =	simm.s32 $0x2  }
0x9: {  	s24 =	simm.s32 $0x15380;
	s6 =	sand.u32 $0x1, s1;
	s1 =	stileid.u32  }
0xa: {  	s25 =	simm.s32 $0x16700;
	[smem:$0x7FF] =	sst s4;
	s7 =	smul.u32 $0x140000, s6  }
0xb: {  	s8 =	smul.u32 $0x14000, s1;
	_ =	strace $0x8000004A;
	s29 =	sshll.u32 s1, $0x1  }
0xc: {  	s26 =	smul.u32 $0x50000, s1;
	s28 =	ssub.s32 $0x2, s6;
	s10 =	sor.u32 s6, s29  }
0xd: {  	s9 =	sshrl.u32 s28, $0x1;
	s7 =	sadd.s32 s8, s7;
	s11 =	smul.u32 $0x2800, s10  }
0xe: {  	s30 =	sshrl.u32 s26, $0x2;
	s15 =	ssub.s32 s28, s9;
	s16 =	smul.u32 $0x500, s10  }
0xf: {  	s26 =	simm.s32 $0x16780;
	s7 =	sshrl.u32 s7, $0x3;
	s15 =	smax.u32 s15, $0x1  }
0x10: {  	s14 =	sadd.s32 s7, s5;
	s5 =	sadd.s32 s30, s3;
	s17 =	sshrl.u32 s11, $0x3  }
0x11: {  	s10 =	sadd.s32 s12, s16;
	s11 =	sadd.s32 s13, s16;
	s16 =	simm.s32 $0x16800  }
0x12: {  	s6 =	sadd.s32 $0x4000, s5;
	s7 =	sadd.s32 $0x8000, s5;
	s8 =	sadd.s32 $0xC000, s5  }
0x13: {  	s9 =	sadd.s32 $0x10000, s5;
	s31 =	sadd.s32 $0x280, s17;
	s14 =	sadd.s32 $0x1C00, s14  }
0x14: {  	v0 =	vimm.f32 $0.0e+00;
	s17 =	simm.s32 $0x3;
	s12 =	sadd.s32 s12, s31;
	s13 =	sadd.s32 s13, s31  }
.LBB2_1:
0x15: {  	[bflag:$0x0] =	sbarrier.arrive $0xFFFF;
	s28 =	simm.s32 $0x0;
	s29 =	simm.s32 $0x200  }
.LBB2_2:
0x16: {  	p0 =	sne.s32 s29, $0xFE00;
	[tilespmem:s28+$0x16870] =	vst v0  }
0x17: {  	[tilespmem:s28+$0x16800] =	vst v0  }
0x18: {  	[tilespmem:s28+$0x16810] =	vst v0  }
.Ltmp0:
0x19: {  	[tilespmem:s28+$0x16820] =	vst v0;
	(pc) =	sbr.rel @p0 .LBB2_2-.Ltmp0, $4  }
0x1a: {  	[tilespmem:s28+$0x16830] =	vst v0  }
0x1b: {  	[tilespmem:s28+$0x16840] =	vst v0  }
0x1c: {  	[tilespmem:s28+$0x16850] =	vst v0  }
0x1d: {  	[tilespmem:s28+$0x16860] =	vst v0;
	s28 =	sshra.s32 s29, $0x2;
	s29 =	sadd.s32 $0x200, s29  }
0x1e: {  	[tilespmem:s28+$0x16870] =	vst v0  }
0x1f: {  	[tilespmem:s28+$0x16800] =	vst v0  }
0x20: {  	[tilespmem:s28+$0x16810] =	vst v0  }
0x21: {  	[tilespmem:s28+$0x16820] =	vst v0  }
0x22: {  	[tilespmem:s28+$0x16830] =	vst v0  }
0x23: {  	[tilespmem:s28+$0x16840] =	vst v0  }
0x24: {  	[tilespmem:s28+$0x16850] =	vst v0  }
0x25: {  	[tilespmem:s28+$0x16860] =	vst v0  }
0x26: {  	[spmem:s5] =	stream.linear.scatter [tilespmem:s16], [sflag:$0x3], $0x4000, $0x38;
	[tilespmem:$0x1E800] =	vst v63  }
0x27: {  	_ =	swait.ge [sflag:s17], $0x4000  }
0x28: {  	[sflag:s17] =	ssyncset.done $0x0  }
0x29: {  	[sflag:s17] =	ssyncadd.s32 $0xFFFFC000  }
0x2a: {  	[spmem:s6] =	stream.linear.scatter [tilespmem:s16], [sflag:$0x3], $0x4000, $0x38;
	[tilespmem:$0x1E800] =	vst v63  }
0x2b: {  	_ =	swait.ge [sflag:s17], $0x4000  }
0x2c: {  	[sflag:s17] =	ssyncset.done $0x0  }
0x2d: {  	[sflag:s17] =	ssyncadd.s32 $0xFFFFC000  }
0x2e: {  	[spmem:s7] =	stream.linear.scatter [tilespmem:s16], [sflag:$0x3], $0x4000, $0x38;
	[tilespmem:$0x1E800] =	vst v63  }
0x2f: {  	_ =	swait.ge [sflag:s17], $0x4000  }
0x30: {  	[sflag:s17] =	ssyncset.done $0x0  }
0x31: {  	[sflag:s17] =	ssyncadd.s32 $0xFFFFC000  }
0x32: {  	[spmem:s8] =	stream.linear.scatter [tilespmem:s16], [sflag:$0x3], $0x4000, $0x38;
	[tilespmem:$0x1E800] =	vst v63  }
0x33: {  	_ =	swait.ge [sflag:s17], $0x4000  }
0x34: {  	[sflag:s17] =	ssyncset.done $0x0  }
0x35: {  	[sflag:s17] =	ssyncadd.s32 $0xFFFFC000  }
0x36: {  	[spmem:s9] =	stream.linear.scatter [tilespmem:s16], [sflag:$0x3], $0x4000, $0x38;
	[tilespmem:$0x1E800] =	vst v63  }
0x37: {  	_ =	swait.ge [sflag:s17], $0x4000  }
0x38: {  	[sflag:s17] =	ssyncset.done $0x0  }
0x39: {  	[sflag:s17] =	ssyncadd.s32 $0xFFFFC000  }
0x3a: {  	s28 =	simm.s32 $0x0;
	[bflag:$0x0] =	sbarrier.arrive $0xFFFF  }
0x3b: {  	[tilespmem:s18], [sflag:$0x3] =	stream.linear.gather [hbm4b:s10+s28], $0x1400, $0x38;
	[tilespmem:$0x1E800] =	vst v63  }
0x3c: {  	_ =	swait.ge [sflag:s17], $0x1400  }
0x3d: {  	[sflag:s17] =	ssyncset.done $0x0  }
0x3e: {  	[sflag:s17] =	ssyncadd.s32 $0xFFFFEC00  }
0x3f: {  	[tilespmem:s19], [sflag:$0x3] =	stream.linear.gather [hbm4b:s11+s28], $0x1400, $0x38;
	[tilespmem:$0x1E800] =	vst v63  }
0x40: {  	_ =	swait.ge [sflag:s17], $0x1400  }
0x41: {  	[sflag:s17] =	ssyncset.done $0x0  }
0x42: {  	[sflag:s17] =	ssyncadd.s32 $0xFFFFEC00  }
0x43: {  	[tilespmem:s16], [sflag:$0x1] =	stream.indirect.gather [hbm4b:s0+s20], $0x80, s18, s20, $0xb8;
	[tilespmem:$0x1E800] =	vst v63  }
0x44: {  	_ =	swait.ge [sflag:s21], $0x4000  }
0x45: {  	[sflag:s21] =	ssyncset.done $0x0  }
0x46: {  	s28 =	simm.s32 $0x14080;
	[sflag:s21] =	ssyncadd.s32 $0xFFFFC000  }
0x47: {  	[tilespmem:s22], [sflag:$0x2] =	stream.indirect.gather [hbm4b:s0+s20], $0x80, s28, s20, $0xb8;
	[tilespmem:$0x1E800] =	vst v63  }
0x48: {  	s28 =	simm.s32 $0x15400  }
0x49: {  	[spmem:s3] =	stream.indirect.scatter.add.f32 [tilespmem:s16], [sflag:$0x3], $0x80, s28, s20, $0xb8;
	[tilespmem:$0x1E800] =	vst v63  }
0x4a: {  	_ =	swait.ge [sflag:s17], $0x4000  }
0x4b: {  	[sflag:s17] =	ssyncset.done $0x0  }
0x4c: {  	[sflag:s17] =	ssyncadd.s32 $0xFFFFC000  }
0x4d: {  	_ =	swait.ge [sflag:s23], $0x4000  }
0x4e: {  	[sflag:s23] =	ssyncset.done $0x0  }
0x4f: {  	s28 =	simm.s32 $0x14100;
	[sflag:s23] =	ssyncadd.s32 $0xFFFFC000  }
0x50: {  	[tilespmem:s16], [sflag:$0x1] =	stream.indirect.gather [hbm4b:s0+s20], $0x80, s28, s20, $0xb8;
	[tilespmem:$0x1E800] =	vst v63  }
0x51: {  	s28 =	simm.s32 $0x15480  }
0x52: {  	[spmem:s3] =	stream.indirect.scatter.add.f32 [tilespmem:s22], [sflag:$0x3], $0x80, s28, s20, $0xb8;
	[tilespmem:$0x1E800] =	vst v63  }
0x53: {  	_ =	swait.ge [sflag:s17], $0x4000  }
0x54: {  	s28 =	simm.s32 $0x400;
	[sflag:s17] =	ssyncset.done $0x0  }
.LBB2_4:
0x55: {  	p0 =	sne.s32 s28, $0x4800  }
0x56: {  	[sflag:s17] =	ssyncadd.s32 $0xFFFFC000;
	s29 =	smov.u32 s28;
	s28 =	sadd.s32 $0x400, s28  }
0x57: {  	_ = 	snop  }
0x58: {  	_ =	swait.ge [sflag:s21], $0x4000  }
0x59: {  	s29 =	sshra.s32 s29, $0x2;
	[sflag:s21] =	ssyncset.done $0x0  }
0x5a: {  	s30 =	sadd.s32 $0x14080, s29;
	[sflag:s21] =	ssyncadd.s32 $0xFFFFC000  }
0x5b: {  	[tilespmem:s22], [sflag:$0x2] =	stream.indirect.gather [hbm4b:s0+s20], $0x80, s30, s20, $0xb8;
	[tilespmem:$0x1E800] =	vst v63  }
0x5c: {  	s30 =	sadd.s32 $0x15400, s29  }
0x5d: {  	[spmem:s3] =	stream.indirect.scatter.add.f32 [tilespmem:s16], [sflag:$0x3], $0x80, s30, s20, $0xb8;
	[tilespmem:$0x1E800] =	vst v63  }
0x5e: {  	_ =	swait.ge [sflag:s17], $0x4000  }
0x5f: {  	[sflag:s17] =	ssyncset.done $0x0  }
0x60: {  	[sflag:s17] =	ssyncadd.s32 $0xFFFFC000  }
0x61: {  	_ =	swait.ge [sflag:s23], $0x4000  }
0x62: {  	[sflag:s23] =	ssyncset.done $0x0  }
0x63: {  	s30 =	sadd.s32 $0x14100, s29;
	[sflag:s23] =	ssyncadd.s32 $0xFFFFC000  }
0x64: {  	[tilespmem:s16], [sflag:$0x1] =	stream.indirect.gather [hbm4b:s0+s20], $0x80, s30, s20, $0xb8;
	[tilespmem:$0x1E800] =	vst v63  }
.Ltmp1:
0x65: {  	_ = 	snop;
	(pc) =	sbr.rel @p0 .LBB2_4-.Ltmp1, $4  }
0x66: {  	s29 =	sadd.s32 $0x15480, s29  }
0x67: {  	[spmem:s3] =	stream.indirect.scatter.add.f32 [tilespmem:s22], [sflag:$0x3], $0x80, s29, s20, $0xb8;
	[tilespmem:$0x1E800] =	vst v63  }
0x68: {  	_ =	swait.ge [sflag:s17], $0x4000  }
0x69: {  	[sflag:s17] =	ssyncset.done $0x0  }
0x6a: {  	[sflag:s17] =	ssyncadd.s32 $0xFFFFC000  }
0x6b: {  	_ =	swait.ge [sflag:s21], $0x4000  }
0x6c: {  	[sflag:s21] =	ssyncset.done $0x0  }
0x6d: {  	[sflag:s21] =	ssyncadd.s32 $0xFFFFC000  }
0x6e: {  	[tilespmem:s22], [sflag:$0x2] =	stream.indirect.gather [hbm4b:s0+s20], $0x80, s24, s20, $0xb8;
	[tilespmem:$0x1E800] =	vst v63  }
0x6f: {  	_ = 	snop  }
0x70: {  	[spmem:s3] =	stream.indirect.scatter.add.f32 [tilespmem:s16], [sflag:$0x3], $0x80, s25, s20, $0xb8;
	[tilespmem:$0x1E800] =	vst v63  }
0x71: {  	_ =	swait.ge [sflag:s17], $0x4000  }
0x72: {  	[sflag:s17] =	ssyncset.done $0x0  }
0x73: {  	[sflag:s17] =	ssyncadd.s32 $0xFFFFC000  }
0x74: {  	_ =	swait.ge [sflag:s23], $0x4000  }
0x75: {  	[sflag:s23] =	ssyncset.done $0x0  }
0x76: {  	[sflag:s23] =	ssyncadd.s32 $0xFFFFC000  }
0x77: {  	[spmem:s3] =	stream.indirect.scatter.add.f32 [tilespmem:s22], [sflag:$0x3], $0x80, s26, s20, $0xb8;
	[tilespmem:$0x1E800] =	vst v63  }
0x78: {  	_ =	swait.ge [sflag:s17], $0x4000  }
0x79: {  	[sflag:s17] =	ssyncset.done $0x0  }
0x7a: {  	s28 =	simm.s32 $0x0;
	[sflag:s17] =	ssyncadd.s32 $0xFFFFC000  }
0x7b: {  	[tilespmem:s18], [sflag:$0x3] =	stream.linear.gather [hbm4b:s12+s28], $0x1400, $0x38;
	[tilespmem:$0x1E800] =	vst v63  }
0x7c: {  	_ =	swait.ge [sflag:s17], $0x1400  }
0x7d: {  	[sflag:s17] =	ssyncset.done $0x0  }
0x7e: {  	[sflag:s17] =	ssyncadd.s32 $0xFFFFEC00  }
0x7f: {  	[tilespmem:s19], [sflag:$0x3] =	stream.linear.gather [hbm4b:s13+s28], $0x1400, $0x38;
	[tilespmem:$0x1E800] =	vst v63  }
0x80: {  	_ =	swait.ge [sflag:s17], $0x1400  }
0x81: {  	[sflag:s17] =	ssyncset.done $0x0  }
0x82: {  	[sflag:s17] =	ssyncadd.s32 $0xFFFFEC00  }
0x83: {  	[tilespmem:s16], [sflag:$0x1] =	stream.indirect.gather [hbm4b:s0+s20], $0x80, s18, s20, $0xb8;
	[tilespmem:$0x1E800] =	vst v63  }
0x84: {  	_ =	swait.ge [sflag:s21], $0x4000  }
0x85: {  	[sflag:s21] =	ssyncset.done $0x0  }
0x86: {  	s28 =	simm.s32 $0x14080;
	[sflag:s21] =	ssyncadd.s32 $0xFFFFC000  }
0x87: {  	[tilespmem:s22], [sflag:$0x2] =	stream.indirect.gather [hbm4b:s0+s20], $0x80, s28, s20, $0xb8;
	[tilespmem:$0x1E800] =	vst v63  }
0x88: {  	s28 =	simm.s32 $0x15400  }
0x89: {  	[spmem:s3] =	stream.indirect.scatter.add.f32 [tilespmem:s16], [sflag:$0x3], $0x80, s28, s20, $0xb8;
	[tilespmem:$0x1E800] =	vst v63  }
0x8a: {  	_ =	swait.ge [sflag:s17], $0x4000  }
0x8b: {  	[sflag:s17] =	ssyncset.done $0x0  }
0x8c: {  	[sflag:s17] =	ssyncadd.s32 $0xFFFFC000  }
0x8d: {  	_ =	swait.ge [sflag:s23], $0x4000  }
0x8e: {  	[sflag:s23] =	ssyncset.done $0x0  }
0x8f: {  	s28 =	simm.s32 $0x14100;
	[sflag:s23] =	ssyncadd.s32 $0xFFFFC000  }
0x90: {  	[tilespmem:s16], [sflag:$0x1] =	stream.indirect.gather [hbm4b:s0+s20], $0x80, s28, s20, $0xb8;
	[tilespmem:$0x1E800] =	vst v63  }
0x91: {  	s28 =	simm.s32 $0x15480  }
0x92: {  	[spmem:s3] =	stream.indirect.scatter.add.f32 [tilespmem:s22], [sflag:$0x3], $0x80, s28, s20, $0xb8;
	[tilespmem:$0x1E800] =	vst v63  }
0x93: {  	_ =	swait.ge [sflag:s17], $0x4000  }
0x94: {  	s28 =	simm.s32 $0x400;
	[sflag:s17] =	ssyncset.done $0x0  }
.LBB2_6:
0x95: {  	p0 =	sne.s32 s28, $0x4800  }
0x96: {  	[sflag:s17] =	ssyncadd.s32 $0xFFFFC000;
	s29 =	smov.u32 s28;
	s28 =	sadd.s32 $0x400, s28  }
0x97: {  	_ = 	snop  }
0x98: {  	_ =	swait.ge [sflag:s21], $0x4000  }
0x99: {  	s29 =	sshra.s32 s29, $0x2;
	[sflag:s21] =	ssyncset.done $0x0  }
0x9a: {  	s30 =	sadd.s32 $0x14080, s29;
	[sflag:s21] =	ssyncadd.s32 $0xFFFFC000  }
0x9b: {  	[tilespmem:s22], [sflag:$0x2] =	stream.indirect.gather [hbm4b:s0+s20], $0x80, s30, s20, $0xb8;
	[tilespmem:$0x1E800] =	vst v63  }
0x9c: {  	s30 =	sadd.s32 $0x15400, s29  }
0x9d: {  	[spmem:s3] =	stream.indirect.scatter.add.f32 [tilespmem:s16], [sflag:$0x3], $0x80, s30, s20, $0xb8;
	[tilespmem:$0x1E800] =	vst v63  }
0x9e: {  	_ =	swait.ge [sflag:s17], $0x4000  }
0x9f: {  	[sflag:s17] =	ssyncset.done $0x0  }
0xa0: {  	[sflag:s17] =	ssyncadd.s32 $0xFFFFC000  }
0xa1: {  	_ =	swait.ge [sflag:s23], $0x4000  }
0xa2: {  	[sflag:s23] =	ssyncset.done $0x0  }
0xa3: {  	s30 =	sadd.s32 $0x14100, s29;
	[sflag:s23] =	ssyncadd.s32 $0xFFFFC000  }
0xa4: {  	[tilespmem:s16], [sflag:$0x1] =	stream.indirect.gather [hbm4b:s0+s20], $0x80, s30, s20, $0xb8;
	[tilespmem:$0x1E800] =	vst v63  }
.Ltmp2:
0xa5: {  	_ = 	snop;
	(pc) =	sbr.rel @p0 .LBB2_6-.Ltmp2, $4  }
0xa6: {  	s29 =	sadd.s32 $0x15480, s29  }
0xa7: {  	[spmem:s3] =	stream.indirect.scatter.add.f32 [tilespmem:s22], [sflag:$0x3], $0x80, s29, s20, $0xb8;
	[tilespmem:$0x1E800] =	vst v63  }
0xa8: {  	_ =	swait.ge [sflag:s17], $0x4000  }
0xa9: {  	[sflag:s17] =	ssyncset.done $0x0  }
0xaa: {  	[sflag:s17] =	ssyncadd.s32 $0xFFFFC000  }
0xab: {  	_ =	swait.ge [sflag:s21], $0x4000  }
0xac: {  	[sflag:s21] =	ssyncset.done $0x0  }
0xad: {  	[sflag:s21] =	ssyncadd.s32 $0xFFFFC000  }
0xae: {  	[tilespmem:s22], [sflag:$0x2] =	stream.indirect.gather [hbm4b:s0+s20], $0x80, s24, s20, $0xb8;
	[tilespmem:$0x1E800] =	vst v63  }
0xaf: {  	_ = 	snop  }
0xb0: {  	[spmem:s3] =	stream.indirect.scatter.add.f32 [tilespmem:s16], [sflag:$0x3], $0x80, s25, s20, $0xb8;
	[tilespmem:$0x1E800] =	vst v63  }
0xb1: {  	_ =	swait.ge [sflag:s17], $0x4000  }
0xb2: {  	[sflag:s17] =	ssyncset.done $0x0  }
0xb3: {  	[sflag:s17] =	ssyncadd.s32 $0xFFFFC000  }
0xb4: {  	_ =	swait.ge [sflag:s23], $0x4000  }
0xb5: {  	[sflag:s23] =	ssyncset.done $0x0  }
0xb6: {  	[sflag:s23] =	ssyncadd.s32 $0xFFFFC000  }
0xb7: {  	[spmem:s3] =	stream.indirect.scatter.add.f32 [tilespmem:s22], [sflag:$0x3], $0x80, s26, s20, $0xb8;
	[tilespmem:$0x1E800] =	vst v63  }
0xb8: {  	_ =	swait.ge [sflag:s17], $0x4000  }
0xb9: {  	s28 =	sshll.u32 s1, $0x6;
	s4 =	sadd.s32 $0x1, s4;
	[sflag:s17] =	ssyncset.done $0x0  }
0xba: {  	s29 =	sshrl.u32 s5, $0x3;
	p0 =	sne.s32 s4, s15;
	[sflag:s17] =	ssyncadd.s32 $0xFFFFC000  }
.Ltmp3:
0xbb: {  	s28 =	sor.u32 $0x1C03, s28;
	[bflag:$0x0] =	sbarrier.arrive $0xFFFF;
	(pc) =	sbr.rel @p0 .LBB2_1-.Ltmp3, $4  }
0xbc: {  	[hbm:s14], [sflag:s28] =	dma.local [spmem:s29], $0x2800  }
0xbd: {  	_ =	swait.ge [sflag:s17], $0x2800  }
0xbe: {  	[sflag:s17] =	ssyncset.done $0x0  }
0xbf: {  	[sflag:s17] =	ssyncadd.s32 $0xFFFFD800  }
0xc0: {  	_ =	sfence.sel $0x180000  }
0xc1: {  	[bflag:$0x0] =	sbarrier.arrive $0xFFFF  }
0xc2: {  	p0 =	sne.s32 s1, $0x0;
	_ =	strace $0x9000004A  }
0xc3: {  	s0 =	sadd.s32 @!p0 $0x100000, s2;
	[bflag:$0x2] =	sbarrier.arrive $0xFFFF  }
0xc4: {  	[sflag:s0] =	ssyncadd.tile.s32 @!p0 $0x1;
	_ =	shalt  }
.Lfunc_end2:
_tile_overlayer_lowered:
.L_overlay_start_2:
0xc5: {  	(tag) =	ssettag $0x2  }
0xc6: {  	s0 =	rddreg [dreg:$0x0];
	s2 =	stileid.u32  }
0xc7: {  	s1 =	rddreg [dreg:$0x1];
	p0 =	sne.s32 s2, $0x0  }
0xc8: {  	s3 =	rddreg [dreg:$0x2];
	[bflag:$0x3] =	sbarrier.arrive $0xFFFF;
	s2 =	simm.s32 @!p0 $0x1C03  }
0xc9: {  	[timem:s3], [sflag:s2] =	dma.local @!p0 [hbm:s0], s1  }
0xca: {  	s0 =	simm.s32 @!p0 $0x3  }
0xcb: {  	_ =	swait.ge @!p0 [sflag:s0], s1  }
0xcc: {  	s1 =	ssub.s32 @!p0 $0x0, s1;
	[sflag:s0] =	ssyncset.done @!p0 $0x0  }
0xcd: {  	[sflag:s0] =	ssyncadd.s32 @!p0 s1  }
0xce: {  	[bflag:$0x3] =	sbarrier.arrive $0xFFFF  }
0xcf: {  	_ =	shalt  }

// kernel: kernel.18.cloned.1.call-start
scs
__scs_entry_jumppad:
0x0: {  	(pc) =	sbr.rel $0x88, $3  }
0x1: {  	(tag) =	ssettag $0x0;
	lr =	simm.s32 $0x1  }
0x2: {  	[smem:$0x3F97] =	sst lr;
	_ =	strace $0xD0000000  }
0x3: {  	_ = 	snop  }
0x4: {  	_ = 	snop  }
0x5: {  	_ = 	snop  }
0x6: {  	_ = 	snop  }
0x7: {  	_ = 	snop  }
__scs_overlays_trampoline_lowered:
0x8: {  	[smem:$0x3FA6] =	sst s0  }
0x9: {  	[smem:$0x3FA7] =	sst s1  }
0xa: {  	[smem:$0x3FA8] =	sst s2  }
0xb: {  	[smem:$0x3FA9] =	sst s3  }
0xc: {  	[smem:$0x3FAA] =	sst s4  }
0xd: {  	[smem:$0x3FAB] =	sst s5  }
0xe: {  	[smem:$0x3FAC] =	sst s6  }
0xf: {  	[smem:$0x3FAD] =	sst s7  }
0x10: {  	[smem:$0x3FAE] =	sst s8  }
0x11: {  	[smem:$0x3FAF] =	sst s9;
	s0 =	simm.s32 @!p0 $0x0  }
0x12: {  	s1 =	sld [smem:$0x3F95];
	s0 =	simm.s32 @p0 $0x1  }
0x13: {  	[smem:$0x3FB0] =	sst s0;
	s0 =	simm.s32 @!p1 $0x0  }
0x14: {  	s2 =	sld [smem:$0x3F94];
	s0 =	simm.s32 @p1 $0x1  }
0x15: {  	[smem:$0x3FB1] =	sst s0;
	s0 =	simm.s32 @!p2 $0x0  }
0x16: {  	s3 =	sld [smem:$0x3FDB];
	s0 =	simm.s32 @p2 $0x1  }
0x17: {  	s4 =	simm.s32 $0x1BF5;
	[smem:$0x3FB3] =	sst s0  }
0x18: {  	s0 =	sld [smem:$0x3F96];
	_ =	swait.ge [sflag:s4], $0x0  }
0x19: {  	s7 =	sld [smem:$0x3F97]  }
0x1a: {  	s8 =	sadd.s32 $0xFFFFE003, lr  }
0x1b: {  	s9 =	sadd.s32 $0xFFFFFEF7, lr;
	s5 =	simm.s32 $0xFFFFFFFF;
	p2 =	slt.u32 s8, $0xFFFFF086  }
0x1c: {  	p1 =	slt.u32 s9, $0xF7A;
	s5 =	simm.s32 @!p2 $0x0  }
0x1d: {  	s5 =	simm.s32 @p1 $0x1;
	p0 =	seq.s32 s7, s2  }
0x1e: {  	s7 =	smul.u32 @!p0 $0xF7A, s2;
	p2 =	seq.s32 @!p0 s5, $0x0  }
0x1f: {  	s9 =	smul.u32 $0xF7A, s1;
	s8 =	simm.s32 @!p0 $0x1BF5;
	p2 =	por !p2, p0  }
0x20: {  	[sflag:s8] =	ssyncset.s32 @!p0 $0xFFFFF086;
	s6 =	sadd.s32 @!p0 s3, s7;
	s7 =	simm.s32 @!p0 $0x108  }
0x21: {  	s3 =	sadd.s32 s3, s9;
	s6 =	sadd.s32 @!p0 $0x88, s6;
	s7 =	simm.s32 @p2 $0x1082  }
0x22: {  	[simem:s7], [sflag:s8] =	dma.local @!p0 [hbm:s6], $0xF7A  }
0x23: {  	s9 =	sor.u32 $0xD0000000, s2;
	s6 =	simm.s32 $0x108;
	_ =	swait.ge @!p0 [sflag:s8], $0x0  }
0x24: {  	s3 =	sadd.s32 $0x88, s3;
	s6 =	simm.s32 @!p1 $0x1082;
	[sflag:s4] =	ssyncset.s32 $0xFFFFF086  }
0x25: {  	[simem:s6], [sflag:s4] =	dma.local [hbm:s3], $0xF7A  }
0x26: {  	[smem:$0x3F97] =	sst s1;
	(tag) =	ssettag s2;
	_ =	strace s9  }
0x27: {  	s1 =	sld [smem:$0x3FA7]  }
0x28: {  	s2 =	sld [smem:$0x3FA8]  }
0x29: {  	s4 =	sld [smem:$0x3FAA]  }
0x2a: {  	p0 =	seq.s32 s5, $0x0;
	s5 =	sld [smem:$0x3FAB]  }
0x2b: {  	s6 =	sld [smem:$0x3FAC]  }
0x2c: {  	s7 =	sld [smem:$0x3FAD]  }
0x2d: {  	s3 =	simm.s32 $0x108;
	s8 =	sld [smem:$0x3FAE]  }
0x2e: {  	s3 =	simm.s32 @!p0 $0x1082;
	s9 =	sld [smem:$0x3FAF]  }
0x2f: {  	lr =	sadd.s32 s0, s3;
	s0 =	sld [smem:$0x3FA6]  }
0x30: {  	s3 =	sld [smem:$0x3FA9]  }
0x31: {  	[smem:$0x3FB2] =	sst s10  }
0x32: {  	s10 =	sld [smem:$0x3FB0];
	_ =	sdelay $0x3  }
0x33: {  	p0 =	seq.s32 s10, $0x1;
	s10 =	sld [smem:$0x3FB2];
	_ =	sdelay $0x3  }
0x34: {  	[smem:$0x3FB2] =	sst s10  }
0x35: {  	s10 =	sld [smem:$0x3FB1];
	_ =	sdelay $0x3  }
0x36: {  	p1 =	seq.s32 s10, $0x1;
	s10 =	sld [smem:$0x3FB2];
	_ =	sdelay $0x3  }
0x37: {  	[smem:$0x3FB2] =	sst s10  }
0x38: {  	s10 =	sld [smem:$0x3FB3]  }
0x39: {  	_ = 	snop;
	(pc) =	sbr.ind lr, $3  }
0x3a: {  	_ = 	snop  }
0x3b: {  	_ = 	snop  }
0x3c: {  	p2 =	seq.s32 s10, $0x1;
	s10 =	sld [smem:$0x3FB2]  }
0x3d: {  	_ =	shalt  }
0x3e: {  	_ =	shalt  }
0x3f: {  	_ =	shalt  }
0x40: {  	_ =	shalt  }
0x41: {  	_ =	shalt  }
0x42: {  	_ =	shalt  }
0x43: {  	_ =	shalt  }
0x44: {  	_ =	shalt  }
0x45: {  	_ =	shalt  }
0x46: {  	_ =	shalt  }
0x47: {  	_ =	shalt  }
0x48: {  	_ =	shalt  }
0x49: {  	_ =	shalt  }
0x4a: {  	_ =	shalt  }
0x4b: {  	_ =	shalt  }
0x4c: {  	_ =	shalt  }
0x4d: {  	_ =	shalt  }
0x4e: {  	_ =	shalt  }
0x4f: {  	_ =	shalt  }
0x50: {  	_ =	shalt  }
0x51: {  	_ =	shalt  }
0x52: {  	_ =	shalt  }
0x53: {  	_ =	shalt  }
0x54: {  	_ =	shalt  }
0x55: {  	_ =	shalt  }
0x56: {  	_ =	shalt  }
0x57: {  	_ =	shalt  }
0x58: {  	_ =	shalt  }
0x59: {  	_ =	shalt  }
0x5a: {  	_ =	shalt  }
0x5b: {  	_ =	shalt  }
0x5c: {  	_ =	shalt  }
0x5d: {  	_ =	shalt  }
0x5e: {  	_ =	shalt  }
0x5f: {  	_ =	shalt  }
0x60: {  	_ =	shalt  }
0x61: {  	_ =	shalt  }
0x62: {  	_ =	shalt  }
0x63: {  	_ =	shalt  }
0x64: {  	_ =	shalt  }
0x65: {  	_ =	shalt  }
0x66: {  	_ =	shalt  }
0x67: {  	_ =	shalt  }
0x68: {  	_ =	shalt  }
0x69: {  	_ =	shalt  }
0x6a: {  	_ =	shalt  }
0x6b: {  	_ =	shalt  }
0x6c: {  	_ =	shalt  }
0x6d: {  	_ =	shalt  }
0x6e: {  	_ =	shalt  }
0x6f: {  	_ =	shalt  }
0x70: {  	_ =	shalt  }
0x71: {  	_ =	shalt  }
0x72: {  	_ =	shalt  }
0x73: {  	_ =	shalt  }
0x74: {  	_ =	shalt  }
0x75: {  	_ =	shalt  }
0x76: {  	_ =	shalt  }
0x77: {  	_ =	shalt  }
0x78: {  	_ =	shalt  }
0x79: {  	_ =	shalt  }
0x7a: {  	_ =	shalt  }
0x7b: {  	_ =	shalt  }
0x7c: {  	_ =	shalt  }
0x7d: {  	_ =	shalt  }
0x7e: {  	_ =	shalt  }
0x7f: {  	_ =	shalt  }
0x80: {  	_ =	shalt  }
0x81: {  	_ =	shalt  }
0x82: {  	_ =	shalt  }
0x83: {  	_ =	shalt  }
0x84: {  	_ =	shalt  }
0x85: {  	_ =	shalt  }
0x86: {  	_ =	shalt  }
0x87: {  	_ =	shalt  }
.Lfunc_end0:
.L_simem_size_0:
called_computation.3_lowered:
.L_overlay_start_0:
0x88: {  	s2 =	sld [smem:$0x3FD9]  }
0x89: {  	s3 =	sld [smem:$0x3FFE];
	_ =	sdelay $0x1  }
0x8a: {  	s1 =	srdreg.scid  }
0x8b: {  	s0 =	sand.u32 $0x1, s1  }
0x8c: {  	s15 =	sshll.u32 s0, $0xA;
	s2 =	sadd.s32 s3, s2  }
0x8d: {  	s2 =	sadd.s32 s2, s15  }
0x8e: {  	[smem:$0x3FBE] =	sst s2  }
0x8f: {  	_ = 	snop  }
0x90: {  	s2 =	sld [smem:$0x3FD0];
	_ =	sdelay $0x2  }
0x91: {  	s16 =	simm.s32 $0xB;
	s4 =	simm.s32 $0x10  }
0x92: {  	[smem:s4], [sflag:s16] =	dma.local [hbm:s2], $0x1  }
0x93: {  	_ =	swait.eq [sflag:s16], $0x1  }
0x94: {  	[sflag:s16] =	ssyncset.done $0x0  }
0x95: {  	[sflag:s16] =	ssyncadd.s32 $0xFFFFFFFF  }
0x96: {  	s17 =	sld [smem:$0x12];
	(tm) =	ssettm $0x1  }
0x97: {  	s18 =	sld [smem:$0x3FFB];
	_ =	sdelay $0x3  }
0x98: {  	_ =	strace s18  }
0x99: {  	s2 =	sld [smem:$0x3FFC];
	_ =	sdelay $0x3  }
0x9a: {  	_ =	strace s2  }
0x9b: {  	s2 =	sld [smem:$0x3FFD];
	_ =	sdelay $0x3  }
0x9c: {  	_ =	strace s2  }
0x9d: {  	_ =	strace $0x8FFFFFFF  }
0x9e: {  	s19 =	sld [smem:$0x3FDB];
	_ =	sdelay $0x1  }
0x9f: {  	s20 =	simm.s32 $_scs_section_size  }
0xa0: {  	s5 =	simm.s32 $_size__tile_overlayer_lowered;
	s6 =	simm.s32 $_tile_overlayer_lowered  }
0xa1: {  	s7 =	simm.s32 $0x1BFF;
	s21 =	sshll.u32 s6, $0x1;
	s4 =	sadd.s32 s20, s19  }
0xa2: {  	s22 =	simm.s32 $0x0;
	s5 =	sshll.u32 s5, $0x1;
	s6 =	sadd.s32 s21, s4  }
0xa3: {  	[timem:s22], [sflag:s7] =	dma.local [hbm:s6], s5  }
0xa4: {  	_ =	swait.ge [sflag:s7], s5  }
0xa5: {  	s5 =	ssub.s32 $0x0, s5;
	[sflag:s7] =	ssyncset.done $0x0  }
0xa6: {  	[sflag:s7] =	ssyncadd.s32 s5;
	_ =	sdelay $0x1  }
0xa7: {  	s23 =	simm.s32 $0x1B8B  }
0xa8: {  	_ =	swait.ge [sflag:s23], $0x1  }
0xa9: {  	[sflag:s23] =	ssyncset.done $0x0  }
0xaa: {  	[sflag:s23] =	ssyncadd.s32 $0xFFFFFFFF  }
0xab: {  	s5 =	sld [smem:$0x0]  }
0xac: {  	s6 =	sand.u32 $0xFFFFFFFE, s1  }
0xad: {  	p0 =	sne.s32 s1, s6  }
0xae: {  	s6 =	sshll.u32 @p0 s6, $0xE  }
0xaf: {  	s6 =	sadd.s32 @p0 $0x11B8D, s6;
	s7 =	sshll.u32 @p0 s5, $0x11  }
0xb0: {  	s6 =	sor.u32 @p0 s7, s6  }
0xb1: {  	[sflag:s6] =	ssyncadd.remote.s32 @p0 $0x1;
	_ =	sdelay $0x1  }
0xb2: {  	s6 =	simm.s32 @p0 $0x1B8D  }
0xb3: {  	_ =	swait.eq @p0 [sflag:s6], $0x1  }
0xb4: {  	[sflag:s6] =	ssyncadd.s32 @p0 $0xFFFFFFFF  }
0xb5: {  	s7 =	sshll.u32 @!p0 s1, $0xE  }
0xb6: {  	s7 =	sor.u32 @!p0 $0x4000, s7;
	s6 =	simm.s32 @!p0 $0x1B8D  }
0xb7: {  	s5 =	sshll.u32 @!p0 s5, $0x11;
	s7 =	sadd.s32 @!p0 $0x11B8D, s7;
	_ =	swait.eq @!p0 [sflag:s6], $0x1  }
0xb8: {  	s5 =	sor.u32 @!p0 s5, s7;
	[sflag:s6] =	ssyncadd.s32 @!p0 $0xFFFFFFFF  }
0xb9: {  	s25 =	simm.s32 $0x1B8E;
	s24 =	sld [smem:$0x3FFE];
	[sflag:s5] =	ssyncadd.remote.s32 @!p0 $0x1  }
0xba: {  	s26 =	simm.s32 $execute0_lowered;
	[smem:$0x3FD2] =	sst s25  }
0xbb: {  	s6 =	sshll.u32 s26, $0x1;
	_ =	strace $0x8000004F;
	[dreg:$0x1] =	wrdreg $0xFFFFFFFF  }
0xbc: {  	s28 =	simm.s32 $_size_execute0_lowered;
	s4 =	sadd.s32 s4, s6;
	[dreg:$0x0] =	wrdreg $0x0  }
0xbd: {  	s6 =	sshll.u32 s28, $0x1;
	[dreg:$0x2] =	wrdreg s4  }
0xbe: {  	[dreg:$0x3] =	wrdreg s6  }
0xbf: {  	[dreg:$0x4] =	wrdreg $0xC0  }
0xc0: {  	_ =	task [dreg:s22], $0x5FFFF  }
0xc1: {  	[dreg:$0x1] =	wrdreg $0xFFFFFFFF  }
0xc2: {  	[dreg:$0x0] =	wrdreg $0x60  }
0xc3: {  	[dreg:$0x2] =	wrdreg s17  }
0xc4: {  	[dreg:$0x3] =	wrdreg s24  }
0xc5: {  	[dreg:$0x4] =	wrdreg $0x0  }
0xc6: {  	[dreg:$0x5] =	wrdreg $0xA  }
0xc7: {  	_ =	task.clear_ibuf [dreg:s22], $0x6FFFF;
	_ =	strace $0x9000004F  }
0xc8: {  	s29 =	simm.s32 $0xA;
	_ =	strace $0x80000051  }
0xc9: {  	_ =	swait.ge [sflag:s29], $0x1  }
0xca: {  	[sflag:s29] =	ssyncadd.s32 $0xFFFFFFFF  }
0xcb: {  	_ =	strace $0x90000051  }
0xcc: {  	_ =	sfence  }
0xcd: {  	s30 =	sld [smem:$0x0];
	_ =	sdelay $0x2  }
0xce: {  	s31 =	sshll.u32 s1, $0xD;
	s1 =	sshrl.u32 s1, $0x2  }
0xcf: {  	s4 =	sand.u32 $0x4000, s31;
	s1 =	sadd.s32 s1, s30  }
0xd0: {  	s0 =	sor.u32 s4, s0;
	s1 =	sshll.u32 s1, $0x11  }
0xd1: {  	s0 =	sor.u32 s1, s0  }
0xd2: {  	s0 =	sadd.s32 $0x8F2B, s0  }
0xd3: {  	[sflag:s0] =	ssyncadd.remote.s32 $0x1  }
0xd4: {  	_ =	sfence.sel $0xFFFF  }
0xd5: {  	[dreg:$0x0] =	wrdreg $0xFFFFFFFF;
	(pc) =	sbr.abs _section_cstart, $3  }
0xd6: {  	[dreg:$0x1] =	wrdreg $0xFFFFFFFF  }
0xd7: {  	_ =	task.clear_ibuf [dreg:s22], $0x2FFFF;
	_ =	strace $0x9FFFFFFF  }
0xd8: {  	(tm) =	ssettm $0x7FFFFFFF  }
0xd9: {  	_ =	shalt  }
tec
execute0_lowered:
.L_overlay_start_1:
0x0: {  	(tag) =	ssettag $0x1  }
0x1: {  	s0 =	rddreg [dreg:$0x0]  }
0x2: {  	s1 =	rddreg [dreg:$0x1];
	s2 =	srdreg.scid  }
0x3: {  	s3 =	rddreg [dreg:$0x2];
	s8 =	stileid.u32  }
0x4: {  	s4 =	simm.s32 $0x0;
	s28 =	simm.s32 $0x16800;
	s29 =	simm.s32 $0x3  }
0x5: {  	s30 =	simm.s32 $0x14000;
	s31 =	simm.s32 $0x15400;
	s2 =	sand.u32 $0x1, s2  }
0x6: {  	s7 =	smul.u32 $0x14000, s8;
	[smem:$0x7FF] =	sst s4;
	s10 =	sadd.s32 $0x137C00, s1  }
0x7: {  	s13 =	smul.u32 $0x50000, s8;
	s11 =	sadd.s32 $0x119C00, s1;
	s14 =	sshll.u32 s8, $0x1  }
0x8: {  	s6 =	smul.u32 $0x140000, s2;
	s15 =	ssub.s32 $0x2, s2;
	s2 =	sor.u32 s2, s14  }
0x9: {  	s5 =	sadd.s32 $0x1C00, s1;
	_ =	strace $0x80000050;
	s12 =	smul.u32 $0x2800, s2  }
0xa: {  	s17 =	sshrl.u32 s15, $0x1;
	s2 =	smul.u32 $0x500, s2;
	s6 =	sadd.s32 s7, s6  }
0xb: {  	s16 =	sshrl.u32 s13, $0x2;
	s13 =	ssub.s32 s15, s17;
	s6 =	sshrl.u32 s6, $0x3  }
0xc: {  	s12 =	sshrl.u32 s12, $0x3;
	s14 =	sadd.s32 s10, s2;
	s2 =	sadd.s32 s11, s2  }
0xd: {  	s1 =	sadd.s32 s6, s1;
	s6 =	sadd.s32 s16, s3;
	[dreg:$0x4] =	wrdreg s14  }
0xe: {  	[dreg:$0x5] =	wrdreg s2;
	s18 =	sadd.s32 $0x280, s12;
	s20 =	sadd.s32 $0xA000, s12  }
0xf: {  	s23 =	sadd.s32 $0xA280, s12;
	s25 =	sadd.s32 $0x14000, s12;
	s19 =	sadd.s32 s10, s18  }
0x10: {  	s12 =	sadd.s32 $0x14280, s12;
	s2 =	sadd.s32 s11, s18;
	[dreg:$0x6] =	wrdreg s19  }
0x11: {  	s7 =	sadd.s32 $0x4000, s6;
	s21 =	sadd.s32 $0x155C00, s1;
	[dreg:$0x7] =	wrdreg s2  }
0x12: {  	s8 =	sadd.s32 $0x8000, s6;
	s22 =	sadd.s32 s10, s20;
	[dreg:$0x8] =	wrdreg s21  }
0x13: {  	s9 =	sadd.s32 $0xC000, s6;
	s24 =	sadd.s32 s10, s23;
	[dreg:$0x9] =	wrdreg s22  }
0x14: {  	s14 =	sadd.s32 s11, s23;
	s26 =	sadd.s32 s10, s25;
	[dreg:$0xb] =	wrdreg s24  }
0x15: {  	s23 =	sadd.s32 $0x1A5C00, s1;
	s2 =	sadd.s32 s11, s20;
	[dreg:$0xc] =	wrdreg s14  }
0x16: {  	[dreg:$0xd] =	wrdreg s26;
	s20 =	sadd.s32 s11, s25;
	s21 =	sadd.s32 s10, s12  }
0x17: {  	s22 =	sadd.s32 s11, s12;
	s24 =	sadd.s32 $0x1F5C00, s1;
	s25 =	smax.u32 s13, $0x1  }
0x18: {  	s26 =	sadd.s32 $0x10000, s6;
	s1 =	simm.s32 $0x80;
	s10 =	simm.s32 $0x1A800  }
0x19: {  	s11 =	simm.s32 $0x2;
	s12 =	simm.s32 $0x15380;
	s13 =	simm.s32 $0x16700  }
0x1a: {  	v0 =	vimm.f32 $0.0e+00;
	s14 =	simm.s32 $0x16780;
	[dreg:$0xa] =	wrdreg s2;
	s2 =	simm.s32 $0x1  }
.LBB2_1:
0x1b: {  	[bflag:$0x0] =	sbarrier.arrive $0xFFFF;
	s15 =	simm.s32 $0x0;
	s16 =	simm.s32 $0x200  }
.LBB2_2:
0x1c: {  	p0 =	sne.s32 s16, $0xFE00;
	[tilespmem:s15+$0x16870] =	vst v0  }
0x1d: {  	[tilespmem:s15+$0x16800] =	vst v0  }
0x1e: {  	[tilespmem:s15+$0x16810] =	vst v0  }
.Ltmp0:
0x1f: {  	[tilespmem:s15+$0x16820] =	vst v0;
	(pc) =	sbr.rel @p0 .LBB2_2-.Ltmp0, $4  }
0x20: {  	[tilespmem:s15+$0x16830] =	vst v0  }
0x21: {  	[tilespmem:s15+$0x16840] =	vst v0  }
0x22: {  	[tilespmem:s15+$0x16850] =	vst v0  }
0x23: {  	[tilespmem:s15+$0x16860] =	vst v0;
	s15 =	sshra.s32 s16, $0x2;
	s16 =	sadd.s32 $0x200, s16  }
0x24: {  	[tilespmem:s15+$0x16870] =	vst v0  }
0x25: {  	[tilespmem:s15+$0x16800] =	vst v0  }
0x26: {  	[tilespmem:s15+$0x16810] =	vst v0  }
0x27: {  	[tilespmem:s15+$0x16820] =	vst v0  }
0x28: {  	[tilespmem:s15+$0x16830] =	vst v0  }
0x29: {  	[tilespmem:s15+$0x16840] =	vst v0  }
0x2a: {  	[tilespmem:s15+$0x16850] =	vst v0  }
0x2b: {  	[tilespmem:s15+$0x16860] =	vst v0  }
0x2c: {  	[spmem:s6] =	stream.linear.scatter [tilespmem:s28], [sflag:$0x3], $0x4000, $0x38;
	[tilespmem:$0x1E800] =	vst v63  }
0x2d: {  	_ =	swait.ge [sflag:s29], $0x4000  }
0x2e: {  	[sflag:s29] =	ssyncset.done $0x0  }
0x2f: {  	[sflag:s29] =	ssyncadd.s32 $0xFFFFC000  }
0x30: {  	[spmem:s7] =	stream.linear.scatter [tilespmem:s28], [sflag:$0x3], $0x4000, $0x38;
	[tilespmem:$0x1E800] =	vst v63  }
0x31: {  	_ =	swait.ge [sflag:s29], $0x4000  }
0x32: {  	[sflag:s29] =	ssyncset.done $0x0  }
0x33: {  	[sflag:s29] =	ssyncadd.s32 $0xFFFFC000  }
0x34: {  	[spmem:s8] =	stream.linear.scatter [tilespmem:s28], [sflag:$0x3], $0x4000, $0x38;
	[tilespmem:$0x1E800] =	vst v63  }
0x35: {  	_ =	swait.ge [sflag:s29], $0x4000  }
0x36: {  	[sflag:s29] =	ssyncset.done $0x0  }
0x37: {  	[sflag:s29] =	ssyncadd.s32 $0xFFFFC000  }
0x38: {  	[spmem:s9] =	stream.linear.scatter [tilespmem:s28], [sflag:$0x3], $0x4000, $0x38;
	[tilespmem:$0x1E800] =	vst v63  }
0x39: {  	_ =	swait.ge [sflag:s29], $0x4000  }
0x3a: {  	[sflag:s29] =	ssyncset.done $0x0  }
0x3b: {  	[sflag:s29] =	ssyncadd.s32 $0xFFFFC000  }
0x3c: {  	[spmem:s26] =	stream.linear.scatter [tilespmem:s28], [sflag:$0x3], $0x4000, $0x38;
	[tilespmem:$0x1E800] =	vst v63  }
0x3d: {  	_ =	swait.ge [sflag:s29], $0x4000  }
0x3e: {  	[sflag:s29] =	ssyncset.done $0x0  }
0x3f: {  	[sflag:s29] =	ssyncadd.s32 $0xFFFFC000  }
0x40: {  	[bflag:$0x0] =	sbarrier.arrive $0xFFFF  }
0x41: {  	s18 =	simm.s32 $0x0;
	s16 =	rddreg [dreg:$0x4]  }
0x42: {  	[tilespmem:s30], [sflag:$0x3] =	stream.linear.gather [hbm4b:s16+s18], $0x1400, $0x38;
	[tilespmem:$0x1E800] =	vst v63  }
0x43: {  	_ =	swait.ge [sflag:s29], $0x1400  }
0x44: {  	[sflag:s29] =	ssyncset.done $0x0  }
0x45: {  	s19 =	rddreg [dreg:$0x5];
	[sflag:s29] =	ssyncadd.s32 $0xFFFFEC00  }
0x46: {  	[tilespmem:s31], [sflag:$0x3] =	stream.linear.gather [hbm4b:s19+s18], $0x1400, $0x38;
	[tilespmem:$0x1E800] =	vst v63  }
0x47: {  	_ =	swait.ge [sflag:s29], $0x1400  }
0x48: {  	[sflag:s29] =	ssyncset.done $0x0  }
0x49: {  	[sflag:s29] =	ssyncadd.s32 $0xFFFFEC00  }
0x4a: {  	[tilespmem:s28], [sflag:$0x1] =	stream.indirect.gather [hbm4b:s0+s1], $0x80, s30, s1, $0xb8;
	[tilespmem:$0x1E800] =	vst v63  }
0x4b: {  	_ =	swait.ge [sflag:s2], $0x4000  }
0x4c: {  	[sflag:s2] =	ssyncset.done $0x0  }
0x4d: {  	s16 =	simm.s32 $0x14080;
	[sflag:s2] =	ssyncadd.s32 $0xFFFFC000  }
0x4e: {  	[tilespmem:s10], [sflag:$0x2] =	stream.indirect.gather [hbm4b:s0+s1], $0x80, s16, s1, $0xb8;
	[tilespmem:$0x1E800] =	vst v63  }
0x4f: {  	s17 =	simm.s32 $0x15400  }
0x50: {  	[spmem:s3] =	stream.indirect.scatter.add.f32 [tilespmem:s28], [sflag:$0x3], $0x80, s17, s1, $0xb8;
	[tilespmem:$0x1E800] =	vst v63  }
0x51: {  	_ =	swait.ge [sflag:s29], $0x4000  }
0x52: {  	[sflag:s29] =	ssyncset.done $0x0  }
0x53: {  	[sflag:s29] =	ssyncadd.s32 $0xFFFFC000  }
0x54: {  	_ =	swait.ge [sflag:s11], $0x4000  }
0x55: {  	[sflag:s11] =	ssyncset.done $0x0  }
0x56: {  	s18 =	simm.s32 $0x14100;
	[sflag:s11] =	ssyncadd.s32 $0xFFFFC000  }
0x57: {  	[tilespmem:s28], [sflag:$0x1] =	stream.indirect.gather [hbm4b:s0+s1], $0x80, s18, s1, $0xb8;
	[tilespmem:$0x1E800] =	vst v63  }
0x58: {  	s19 =	simm.s32 $0x15480  }
0x59: {  	[spmem:s3] =	stream.indirect.scatter.add.f32 [tilespmem:s10], [sflag:$0x3], $0x80, s19, s1, $0xb8;
	[tilespmem:$0x1E800] =	vst v63  }
0x5a: {  	_ =	swait.ge [sflag:s29], $0x4000  }
0x5b: {  	s15 =	simm.s32 $0x400;
	[sflag:s29] =	ssyncset.done $0x0  }
.LBB2_4:
0x5c: {  	p0 =	sne.s32 s15, $0x4800  }
0x5d: {  	[sflag:s29] =	ssyncadd.s32 $0xFFFFC000;
	s16 =	smov.u32 s15;
	s15 =	sadd.s32 $0x400, s15  }
0x5e: {  	_ = 	snop  }
0x5f: {  	_ =	swait.ge [sflag:s2], $0x4000  }
0x60: {  	s16 =	sshra.s32 s16, $0x2;
	[sflag:s2] =	ssyncset.done $0x0  }
0x61: {  	s17 =	sadd.s32 $0x14080, s16;
	[sflag:s2] =	ssyncadd.s32 $0xFFFFC000  }
0x62: {  	[tilespmem:s10], [sflag:$0x2] =	stream.indirect.gather [hbm4b:s0+s1], $0x80, s17, s1, $0xb8;
	[tilespmem:$0x1E800] =	vst v63  }
0x63: {  	s17 =	sadd.s32 $0x15400, s16  }
0x64: {  	[spmem:s3] =	stream.indirect.scatter.add.f32 [tilespmem:s28], [sflag:$0x3], $0x80, s17, s1, $0xb8;
	[tilespmem:$0x1E800] =	vst v63  }
0x65: {  	_ =	swait.ge [sflag:s29], $0x4000  }
0x66: {  	[sflag:s29] =	ssyncset.done $0x0  }
0x67: {  	[sflag:s29] =	ssyncadd.s32 $0xFFFFC000  }
0x68: {  	_ =	swait.ge [sflag:s11], $0x4000  }
0x69: {  	[sflag:s11] =	ssyncset.done $0x0  }
0x6a: {  	s17 =	sadd.s32 $0x14100, s16;
	[sflag:s11] =	ssyncadd.s32 $0xFFFFC000  }
0x6b: {  	[tilespmem:s28], [sflag:$0x1] =	stream.indirect.gather [hbm4b:s0+s1], $0x80, s17, s1, $0xb8;
	[tilespmem:$0x1E800] =	vst v63  }
.Ltmp1:
0x6c: {  	_ = 	snop;
	(pc) =	sbr.rel @p0 .LBB2_4-.Ltmp1, $4  }
0x6d: {  	s16 =	sadd.s32 $0x15480, s16  }
0x6e: {  	[spmem:s3] =	stream.indirect.scatter.add.f32 [tilespmem:s10], [sflag:$0x3], $0x80, s16, s1, $0xb8;
	[tilespmem:$0x1E800] =	vst v63  }
0x6f: {  	_ =	swait.ge [sflag:s29], $0x4000  }
0x70: {  	[sflag:s29] =	ssyncset.done $0x0  }
0x71: {  	[sflag:s29] =	ssyncadd.s32 $0xFFFFC000  }
0x72: {  	_ =	swait.ge [sflag:s2], $0x4000  }
0x73: {  	[sflag:s2] =	ssyncset.done $0x0  }
0x74: {  	[sflag:s2] =	ssyncadd.s32 $0xFFFFC000  }
0x75: {  	[tilespmem:s10], [sflag:$0x2] =	stream.indirect.gather [hbm4b:s0+s1], $0x80, s12, s1, $0xb8;
	[tilespmem:$0x1E800] =	vst v63  }
0x76: {  	_ = 	snop  }
0x77: {  	[spmem:s3] =	stream.indirect.scatter.add.f32 [tilespmem:s28], [sflag:$0x3], $0x80, s13, s1, $0xb8;
	[tilespmem:$0x1E800] =	vst v63  }
0x78: {  	_ =	swait.ge [sflag:s29], $0x4000  }
0x79: {  	[sflag:s29] =	ssyncset.done $0x0  }
0x7a: {  	[sflag:s29] =	ssyncadd.s32 $0xFFFFC000  }
0x7b: {  	_ =	swait.ge [sflag:s11], $0x4000  }
0x7c: {  	[sflag:s11] =	ssyncset.done $0x0  }
0x7d: {  	[sflag:s11] =	ssyncadd.s32 $0xFFFFC000  }
0x7e: {  	[spmem:s3] =	stream.indirect.scatter.add.f32 [tilespmem:s10], [sflag:$0x3], $0x80, s14, s1, $0xb8;
	[tilespmem:$0x1E800] =	vst v63  }
0x7f: {  	_ =	swait.ge [sflag:s29], $0x4000  }
0x80: {  	[sflag:s29] =	ssyncset.done $0x0  }
0x81: {  	s15 =	simm.s32 $0x0;
	s16 =	rddreg [dreg:$0x6];
	[sflag:s29] =	ssyncadd.s32 $0xFFFFC000  }
0x82: {  	[tilespmem:s30], [sflag:$0x3] =	stream.linear.gather [hbm4b:s16+s15], $0x1400, $0x38;
	[tilespmem:$0x1E800] =	vst v63  }
0x83: {  	_ =	swait.ge [sflag:s29], $0x1400  }
0x84: {  	[sflag:s29] =	ssyncset.done $0x0  }
0x85: {  	s19 =	rddreg [dreg:$0x7];
	[sflag:s29] =	ssyncadd.s32 $0xFFFFEC00  }
0x86: {  	[tilespmem:s31], [sflag:$0x3] =	stream.linear.gather [hbm4b:s19+s15], $0x1400, $0x38;
	[tilespmem:$0x1E800] =	vst v63  }
0x87: {  	_ =	swait.ge [sflag:s29], $0x1400  }
0x88: {  	[sflag:s29] =	ssyncset.done $0x0  }
0x89: {  	[sflag:s29] =	ssyncadd.s32 $0xFFFFEC00  }
0x8a: {  	[tilespmem:s28], [sflag:$0x1] =	stream.indirect.gather [hbm4b:s0+s1], $0x80, s30, s1, $0xb8;
	[tilespmem:$0x1E800] =	vst v63  }
0x8b: {  	_ =	swait.ge [sflag:s2], $0x4000  }
0x8c: {  	[sflag:s2] =	ssyncset.done $0x0  }
0x8d: {  	s16 =	simm.s32 $0x14080;
	[sflag:s2] =	ssyncadd.s32 $0xFFFFC000  }
0x8e: {  	[tilespmem:s10], [sflag:$0x2] =	stream.indirect.gather [hbm4b:s0+s1], $0x80, s16, s1, $0xb8;
	[tilespmem:$0x1E800] =	vst v63  }
0x8f: {  	s17 =	simm.s32 $0x15400  }
0x90: {  	[spmem:s3] =	stream.indirect.scatter.add.f32 [tilespmem:s28], [sflag:$0x3], $0x80, s17, s1, $0xb8;
	[tilespmem:$0x1E800] =	vst v63  }
0x91: {  	_ =	swait.ge [sflag:s29], $0x4000  }
0x92: {  	[sflag:s29] =	ssyncset.done $0x0  }
0x93: {  	[sflag:s29] =	ssyncadd.s32 $0xFFFFC000  }
0x94: {  	_ =	swait.ge [sflag:s11], $0x4000  }
0x95: {  	[sflag:s11] =	ssyncset.done $0x0  }
0x96: {  	s18 =	simm.s32 $0x14100;
	[sflag:s11] =	ssyncadd.s32 $0xFFFFC000  }
0x97: {  	[tilespmem:s28], [sflag:$0x1] =	stream.indirect.gather [hbm4b:s0+s1], $0x80, s18, s1, $0xb8;
	[tilespmem:$0x1E800] =	vst v63  }
0x98: {  	s19 =	simm.s32 $0x15480  }
0x99: {  	[spmem:s3] =	stream.indirect.scatter.add.f32 [tilespmem:s10], [sflag:$0x3], $0x80, s19, s1, $0xb8;
	[tilespmem:$0x1E800] =	vst v63  }
0x9a: {  	_ =	swait.ge [sflag:s29], $0x4000  }
0x9b: {  	s15 =	simm.s32 $0x400;
	[sflag:s29] =	ssyncset.done $0x0  }
.LBB2_6:
0x9c: {  	p0 =	sne.s32 s15, $0x4800  }
0x9d: {  	[sflag:s29] =	ssyncadd.s32 $0xFFFFC000;
	s16 =	smov.u32 s15;
	s15 =	sadd.s32 $0x400, s15  }
0x9e: {  	_ = 	snop  }
0x9f: {  	_ =	swait.ge [sflag:s2], $0x4000  }
0xa0: {  	s16 =	sshra.s32 s16, $0x2;
	[sflag:s2] =	ssyncset.done $0x0  }
0xa1: {  	s17 =	sadd.s32 $0x14080, s16;
	[sflag:s2] =	ssyncadd.s32 $0xFFFFC000  }
0xa2: {  	[tilespmem:s10], [sflag:$0x2] =	stream.indirect.gather [hbm4b:s0+s1], $0x80, s17, s1, $0xb8;
	[tilespmem:$0x1E800] =	vst v63  }
0xa3: {  	s17 =	sadd.s32 $0x15400, s16  }
0xa4: {  	[spmem:s3] =	stream.indirect.scatter.add.f32 [tilespmem:s28], [sflag:$0x3], $0x80, s17, s1, $0xb8;
	[tilespmem:$0x1E800] =	vst v63  }
0xa5: {  	_ =	swait.ge [sflag:s29], $0x4000  }
0xa6: {  	[sflag:s29] =	ssyncset.done $0x0  }
0xa7: {  	[sflag:s29] =	ssyncadd.s32 $0xFFFFC000  }
0xa8: {  	_ =	swait.ge [sflag:s11], $0x4000  }
0xa9: {  	[sflag:s11] =	ssyncset.done $0x0  }
0xaa: {  	s17 =	sadd.s32 $0x14100, s16;
	[sflag:s11] =	ssyncadd.s32 $0xFFFFC000  }
0xab: {  	[tilespmem:s28], [sflag:$0x1] =	stream.indirect.gather [hbm4b:s0+s1], $0x80, s17, s1, $0xb8;
	[tilespmem:$0x1E800] =	vst v63  }
.Ltmp2:
0xac: {  	_ = 	snop;
	(pc) =	sbr.rel @p0 .LBB2_6-.Ltmp2, $4  }
0xad: {  	s16 =	sadd.s32 $0x15480, s16  }
0xae: {  	[spmem:s3] =	stream.indirect.scatter.add.f32 [tilespmem:s10], [sflag:$0x3], $0x80, s16, s1, $0xb8;
	[tilespmem:$0x1E800] =	vst v63  }
0xaf: {  	_ =	swait.ge [sflag:s29], $0x4000  }
0xb0: {  	[sflag:s29] =	ssyncset.done $0x0  }
0xb1: {  	[sflag:s29] =	ssyncadd.s32 $0xFFFFC000  }
0xb2: {  	_ =	swait.ge [sflag:s2], $0x4000  }
0xb3: {  	[sflag:s2] =	ssyncset.done $0x0  }
0xb4: {  	[sflag:s2] =	ssyncadd.s32 $0xFFFFC000  }
0xb5: {  	[tilespmem:s10], [sflag:$0x2] =	stream.indirect.gather [hbm4b:s0+s1], $0x80, s12, s1, $0xb8;
	[tilespmem:$0x1E800] =	vst v63  }
0xb6: {  	_ = 	snop  }
0xb7: {  	[spmem:s3] =	stream.indirect.scatter.add.f32 [tilespmem:s28], [sflag:$0x3], $0x80, s13, s1, $0xb8;
	[tilespmem:$0x1E800] =	vst v63  }
0xb8: {  	_ =	swait.ge [sflag:s29], $0x4000  }
0xb9: {  	[sflag:s29] =	ssyncset.done $0x0  }
0xba: {  	[sflag:s29] =	ssyncadd.s32 $0xFFFFC000  }
0xbb: {  	_ =	swait.ge [sflag:s11], $0x4000  }
0xbc: {  	[sflag:s11] =	ssyncset.done $0x0  }
0xbd: {  	[sflag:s11] =	ssyncadd.s32 $0xFFFFC000  }
0xbe: {  	[spmem:s3] =	stream.indirect.scatter.add.f32 [tilespmem:s10], [sflag:$0x3], $0x80, s14, s1, $0xb8;
	[tilespmem:$0x1E800] =	vst v63  }
0xbf: {  	_ =	swait.ge [sflag:s29], $0x4000  }
0xc0: {  	[sflag:s29] =	ssyncset.done $0x0  }
0xc1: {  	s15 =	stileid.u32;
	[sflag:s29] =	ssyncadd.s32 $0xFFFFC000  }
0xc2: {  	s15 =	sshll.u32 s15, $0x6;
	[bflag:$0x0] =	sbarrier.arrive $0xFFFF  }
0xc3: {  	s16 =	sshrl.u32 s6, $0x3;
	s15 =	sor.u32 $0x1C03, s15;
	s17 =	rddreg [dreg:$0x8]  }
0xc4: {  	[hbm:s17], [sflag:s15] =	dma.local [spmem:s16], $0x2800  }
0xc5: {  	_ =	swait.ge [sflag:s29], $0x2800  }
0xc6: {  	[sflag:s29] =	ssyncset.done $0x0  }
0xc7: {  	[sflag:s29] =	ssyncadd.s32 $0xFFFFD800  }
0xc8: {  	s18 =	simm.s32 $0x200;
	s17 =	simm.s32 $0x0;
	[bflag:$0x0] =	sbarrier.arrive $0xFFFF  }
.LBB2_8:
0xc9: {  	p0 =	sne.s32 s18, $0xFE00;
	[tilespmem:s17+$0x16870] =	vst v0  }
0xca: {  	[tilespmem:s17+$0x16800] =	vst v0  }
0xcb: {  	[tilespmem:s17+$0x16810] =	vst v0  }
.Ltmp3:
0xcc: {  	[tilespmem:s17+$0x16820] =	vst v0;
	(pc) =	sbr.rel @p0 .LBB2_8-.Ltmp3, $4  }
0xcd: {  	[tilespmem:s17+$0x16830] =	vst v0  }
0xce: {  	[tilespmem:s17+$0x16840] =	vst v0  }
0xcf: {  	[tilespmem:s17+$0x16850] =	vst v0  }
0xd0: {  	[tilespmem:s17+$0x16860] =	vst v0;
	s17 =	sshra.s32 s18, $0x2;
	s18 =	sadd.s32 $0x200, s18  }
0xd1: {  	[tilespmem:s17+$0x16870] =	vst v0  }
0xd2: {  	[tilespmem:s17+$0x16800] =	vst v0  }
0xd3: {  	[tilespmem:s17+$0x16810] =	vst v0  }
0xd4: {  	[tilespmem:s17+$0x16820] =	vst v0  }
0xd5: {  	[tilespmem:s17+$0x16830] =	vst v0  }
0xd6: {  	[tilespmem:s17+$0x16840] =	vst v0  }
0xd7: {  	[tilespmem:s17+$0x16850] =	vst v0  }
0xd8: {  	[tilespmem:s17+$0x16860] =	vst v0  }
0xd9: {  	[spmem:s6] =	stream.linear.scatter [tilespmem:s28], [sflag:$0x3], $0x4000, $0x38;
	[tilespmem:$0x1E800] =	vst v63  }
0xda: {  	_ =	swait.ge [sflag:s29], $0x4000  }
0xdb: {  	[sflag:s29] =	ssyncset.done $0x0  }
0xdc: {  	[sflag:s29] =	ssyncadd.s32 $0xFFFFC000  }
0xdd: {  	[spmem:s7] =	stream.linear.scatter [tilespmem:s28], [sflag:$0x3], $0x4000, $0x38;
	[tilespmem:$0x1E800] =	vst v63  }
0xde: {  	_ =	swait.ge [sflag:s29], $0x4000  }
0xdf: {  	[sflag:s29] =	ssyncset.done $0x0  }
0xe0: {  	[sflag:s29] =	ssyncadd.s32 $0xFFFFC000  }
0xe1: {  	[spmem:s8] =	stream.linear.scatter [tilespmem:s28], [sflag:$0x3], $0x4000, $0x38;
	[tilespmem:$0x1E800] =	vst v63  }
0xe2: {  	_ =	swait.ge [sflag:s29], $0x4000  }
0xe3: {  	[sflag:s29] =	ssyncset.done $0x0  }
0xe4: {  	[sflag:s29] =	ssyncadd.s32 $0xFFFFC000  }
0xe5: {  	[spmem:s9] =	stream.linear.scatter [tilespmem:s28], [sflag:$0x3], $0x4000, $0x38;
	[tilespmem:$0x1E800] =	vst v63  }
0xe6: {  	_ =	swait.ge [sflag:s29], $0x4000  }
0xe7: {  	[sflag:s29] =	ssyncset.done $0x0  }
0xe8: {  	[sflag:s29] =	ssyncadd.s32 $0xFFFFC000  }
0xe9: {  	[spmem:s26] =	stream.linear.scatter [tilespmem:s28], [sflag:$0x3], $0x4000, $0x38;
	[tilespmem:$0x1E800] =	vst v63  }
0xea: {  	_ =	swait.ge [sflag:s29], $0x4000  }
0xeb: {  	[sflag:s29] =	ssyncset.done $0x0  }
0xec: {  	[sflag:s29] =	ssyncadd.s32 $0xFFFFC000  }
0xed: {  	[bflag:$0x0] =	sbarrier.arrive $0xFFFF  }
0xee: {  	s17 =	simm.s32 $0x0;
	s18 =	rddreg [dreg:$0x9]  }
0xef: {  	[tilespmem:s30], [sflag:$0x3] =	stream.linear.gather [hbm4b:s18+s17], $0x1400, $0x38;
	[tilespmem:$0x1E800] =	vst v63  }
0xf0: {  	_ =	swait.ge [sflag:s29], $0x1400  }
0xf1: {  	[sflag:s29] =	ssyncset.done $0x0  }
0xf2: {  	s19 =	rddreg [dreg:$0xa];
	[sflag:s29] =	ssyncadd.s32 $0xFFFFEC00  }
0xf3: {  	[tilespmem:s31], [sflag:$0x3] =	stream.linear.gather [hbm4b:s19+s17], $0x1400, $0x38;
	[tilespmem:$0x1E800] =	vst v63  }
0xf4: {  	_ =	swait.ge [sflag:s29], $0x1400  }
0xf5: {  	[sflag:s29] =	ssyncset.done $0x0  }
0xf6: {  	[sflag:s29] =	ssyncadd.s32 $0xFFFFEC00  }
0xf7: {  	[tilespmem:s28], [sflag:$0x1] =	stream.indirect.gather [hbm4b:s0+s1], $0x80, s30, s1, $0xb8;
	[tilespmem:$0x1E800] =	vst v63  }
0xf8: {  	_ =	swait.ge [sflag:s2], $0x4000  }
0xf9: {  	[sflag:s2] =	ssyncset.done $0x0  }
0xfa: {  	s18 =	simm.s32 $0x14080;
	[sflag:s2] =	ssyncadd.s32 $0xFFFFC000  }
0xfb: {  	[tilespmem:s10], [sflag:$0x2] =	stream.indirect.gather [hbm4b:s0+s1], $0x80, s18, s1, $0xb8;
	[tilespmem:$0x1E800] =	vst v63  }
0xfc: {  	s19 =	simm.s32 $0x15400  }
0xfd: {  	[spmem:s3] =	stream.indirect.scatter.add.f32 [tilespmem:s28], [sflag:$0x3], $0x80, s19, s1, $0xb8;
	[tilespmem:$0x1E800] =	vst v63  }
0xfe: {  	_ =	swait.ge [sflag:s29], $0x4000  }
0xff: {  	[sflag:s29] =	ssyncset.done $0x0  }
0x100: {  	[sflag:s29] =	ssyncadd.s32 $0xFFFFC000  }
0x101: {  	_ =	swait.ge [sflag:s11], $0x4000  }
0x102: {  	[sflag:s11] =	ssyncset.done $0x0  }
0x103: {  	s18 =	simm.s32 $0x14100;
	[sflag:s11] =	ssyncadd.s32 $0xFFFFC000  }
0x104: {  	[tilespmem:s28], [sflag:$0x1] =	stream.indirect.gather [hbm4b:s0+s1], $0x80, s18, s1, $0xb8;
	[tilespmem:$0x1E800] =	vst v63  }
0x105: {  	s19 =	simm.s32 $0x15480  }
0x106: {  	[spmem:s3] =	stream.indirect.scatter.add.f32 [tilespmem:s10], [sflag:$0x3], $0x80, s19, s1, $0xb8;
	[tilespmem:$0x1E800] =	vst v63  }
0x107: {  	_ =	swait.ge [sflag:s29], $0x4000  }
0x108: {  	s17 =	simm.s32 $0x400;
	[sflag:s29] =	ssyncset.done $0x0  }
.LBB2_10:
0x109: {  	p0 =	sne.s32 s17, $0x4800  }
0x10a: {  	[sflag:s29] =	ssyncadd.s32 $0xFFFFC000;
	s18 =	smov.u32 s17;
	s17 =	sadd.s32 $0x400, s17  }
0x10b: {  	_ = 	snop  }
0x10c: {  	_ =	swait.ge [sflag:s2], $0x4000  }
0x10d: {  	s18 =	sshra.s32 s18, $0x2;
	[sflag:s2] =	ssyncset.done $0x0  }
0x10e: {  	s19 =	sadd.s32 $0x14080, s18;
	[sflag:s2] =	ssyncadd.s32 $0xFFFFC000  }
0x10f: {  	[tilespmem:s10], [sflag:$0x2] =	stream.indirect.gather [hbm4b:s0+s1], $0x80, s19, s1, $0xb8;
	[tilespmem:$0x1E800] =	vst v63  }
0x110: {  	s19 =	sadd.s32 $0x15400, s18  }
0x111: {  	[spmem:s3] =	stream.indirect.scatter.add.f32 [tilespmem:s28], [sflag:$0x3], $0x80, s19, s1, $0xb8;
	[tilespmem:$0x1E800] =	vst v63  }
0x112: {  	_ =	swait.ge [sflag:s29], $0x4000  }
0x113: {  	[sflag:s29] =	ssyncset.done $0x0  }
0x114: {  	[sflag:s29] =	ssyncadd.s32 $0xFFFFC000  }
0x115: {  	_ =	swait.ge [sflag:s11], $0x4000  }
0x116: {  	[sflag:s11] =	ssyncset.done $0x0  }
0x117: {  	s19 =	sadd.s32 $0x14100, s18;
	[sflag:s11] =	ssyncadd.s32 $0xFFFFC000  }
0x118: {  	[tilespmem:s28], [sflag:$0x1] =	stream.indirect.gather [hbm4b:s0+s1], $0x80, s19, s1, $0xb8;
	[tilespmem:$0x1E800] =	vst v63  }
.Ltmp4:
0x119: {  	_ = 	snop;
	(pc) =	sbr.rel @p0 .LBB2_10-.Ltmp4, $4  }
0x11a: {  	s18 =	sadd.s32 $0x15480, s18  }
0x11b: {  	[spmem:s3] =	stream.indirect.scatter.add.f32 [tilespmem:s10], [sflag:$0x3], $0x80, s18, s1, $0xb8;
	[tilespmem:$0x1E800] =	vst v63  }
0x11c: {  	_ =	swait.ge [sflag:s29], $0x4000  }
0x11d: {  	[sflag:s29] =	ssyncset.done $0x0  }
0x11e: {  	[sflag:s29] =	ssyncadd.s32 $0xFFFFC000  }
0x11f: {  	_ =	swait.ge [sflag:s2], $0x4000  }
0x120: {  	[sflag:s2] =	ssyncset.done $0x0  }
0x121: {  	[sflag:s2] =	ssyncadd.s32 $0xFFFFC000  }
0x122: {  	[tilespmem:s10], [sflag:$0x2] =	stream.indirect.gather [hbm4b:s0+s1], $0x80, s12, s1, $0xb8;
	[tilespmem:$0x1E800] =	vst v63  }
0x123: {  	_ = 	snop  }
0x124: {  	[spmem:s3] =	stream.indirect.scatter.add.f32 [tilespmem:s28], [sflag:$0x3], $0x80, s13, s1, $0xb8;
	[tilespmem:$0x1E800] =	vst v63  }
0x125: {  	_ =	swait.ge [sflag:s29], $0x4000  }
0x126: {  	[sflag:s29] =	ssyncset.done $0x0  }
0x127: {  	[sflag:s29] =	ssyncadd.s32 $0xFFFFC000  }
0x128: {  	_ =	swait.ge [sflag:s11], $0x4000  }
0x129: {  	[sflag:s11] =	ssyncset.done $0x0  }
0x12a: {  	[sflag:s11] =	ssyncadd.s32 $0xFFFFC000  }
0x12b: {  	[spmem:s3] =	stream.indirect.scatter.add.f32 [tilespmem:s10], [sflag:$0x3], $0x80, s14, s1, $0xb8;
	[tilespmem:$0x1E800] =	vst v63  }
0x12c: {  	_ =	swait.ge [sflag:s29], $0x4000  }
0x12d: {  	[sflag:s29] =	ssyncset.done $0x0  }
0x12e: {  	s17 =	simm.s32 $0x0;
	s18 =	rddreg [dreg:$0xb];
	[sflag:s29] =	ssyncadd.s32 $0xFFFFC000  }
0x12f: {  	[tilespmem:s30], [sflag:$0x3] =	stream.linear.gather [hbm4b:s18+s17], $0x1400, $0x38;
	[tilespmem:$0x1E800] =	vst v63  }
0x130: {  	_ =	swait.ge [sflag:s29], $0x1400  }
0x131: {  	[sflag:s29] =	ssyncset.done $0x0  }
0x132: {  	s19 =	rddreg [dreg:$0xc];
	[sflag:s29] =	ssyncadd.s32 $0xFFFFEC00  }
0x133: {  	[tilespmem:s31], [sflag:$0x3] =	stream.linear.gather [hbm4b:s19+s17], $0x1400, $0x38;
	[tilespmem:$0x1E800] =	vst v63  }
0x134: {  	_ =	swait.ge [sflag:s29], $0x1400  }
0x135: {  	[sflag:s29] =	ssyncset.done $0x0  }
0x136: {  	[sflag:s29] =	ssyncadd.s32 $0xFFFFEC00  }
0x137: {  	[tilespmem:s28], [sflag:$0x1] =	stream.indirect.gather [hbm4b:s0+s1], $0x80, s30, s1, $0xb8;
	[tilespmem:$0x1E800] =	vst v63  }
0x138: {  	_ =	swait.ge [sflag:s2], $0x4000  }
0x139: {  	[sflag:s2] =	ssyncset.done $0x0  }
0x13a: {  	s18 =	simm.s32 $0x14080;
	[sflag:s2] =	ssyncadd.s32 $0xFFFFC000  }
0x13b: {  	[tilespmem:s10], [sflag:$0x2] =	stream.indirect.gather [hbm4b:s0+s1], $0x80, s18, s1, $0xb8;
	[tilespmem:$0x1E800] =	vst v63  }
0x13c: {  	s19 =	simm.s32 $0x15400  }
0x13d: {  	[spmem:s3] =	stream.indirect.scatter.add.f32 [tilespmem:s28], [sflag:$0x3], $0x80, s19, s1, $0xb8;
	[tilespmem:$0x1E800] =	vst v63  }
0x13e: {  	_ =	swait.ge [sflag:s29], $0x4000  }
0x13f: {  	[sflag:s29] =	ssyncset.done $0x0  }
0x140: {  	[sflag:s29] =	ssyncadd.s32 $0xFFFFC000  }
0x141: {  	_ =	swait.ge [sflag:s11], $0x4000  }
0x142: {  	[sflag:s11] =	ssyncset.done $0x0  }
0x143: {  	s18 =	simm.s32 $0x14100;
	[sflag:s11] =	ssyncadd.s32 $0xFFFFC000  }
0x144: {  	[tilespmem:s28], [sflag:$0x1] =	stream.indirect.gather [hbm4b:s0+s1], $0x80, s18, s1, $0xb8;
	[tilespmem:$0x1E800] =	vst v63  }
0x145: {  	s19 =	simm.s32 $0x15480  }
0x146: {  	[spmem:s3] =	stream.indirect.scatter.add.f32 [tilespmem:s10], [sflag:$0x3], $0x80, s19, s1, $0xb8;
	[tilespmem:$0x1E800] =	vst v63  }
0x147: {  	_ =	swait.ge [sflag:s29], $0x4000  }
0x148: {  	s17 =	simm.s32 $0x400;
	[sflag:s29] =	ssyncset.done $0x0  }
.LBB2_12:
0x149: {  	p0 =	sne.s32 s17, $0x4800  }
0x14a: {  	[sflag:s29] =	ssyncadd.s32 $0xFFFFC000;
	s18 =	smov.u32 s17;
	s17 =	sadd.s32 $0x400, s17  }
0x14b: {  	_ = 	snop  }
0x14c: {  	_ =	swait.ge [sflag:s2], $0x4000  }
0x14d: {  	s18 =	sshra.s32 s18, $0x2;
	[sflag:s2] =	ssyncset.done $0x0  }
0x14e: {  	s19 =	sadd.s32 $0x14080, s18;
	[sflag:s2] =	ssyncadd.s32 $0xFFFFC000  }
0x14f: {  	[tilespmem:s10], [sflag:$0x2] =	stream.indirect.gather [hbm4b:s0+s1], $0x80, s19, s1, $0xb8;
	[tilespmem:$0x1E800] =	vst v63  }
0x150: {  	s19 =	sadd.s32 $0x15400, s18  }
0x151: {  	[spmem:s3] =	stream.indirect.scatter.add.f32 [tilespmem:s28], [sflag:$0x3], $0x80, s19, s1, $0xb8;
	[tilespmem:$0x1E800] =	vst v63  }
0x152: {  	_ =	swait.ge [sflag:s29], $0x4000  }
0x153: {  	[sflag:s29] =	ssyncset.done $0x0  }
0x154: {  	[sflag:s29] =	ssyncadd.s32 $0xFFFFC000  }
0x155: {  	_ =	swait.ge [sflag:s11], $0x4000  }
0x156: {  	[sflag:s11] =	ssyncset.done $0x0  }
0x157: {  	s19 =	sadd.s32 $0x14100, s18;
	[sflag:s11] =	ssyncadd.s32 $0xFFFFC000  }
0x158: {  	[tilespmem:s28], [sflag:$0x1] =	stream.indirect.gather [hbm4b:s0+s1], $0x80, s19, s1, $0xb8;
	[tilespmem:$0x1E800] =	vst v63  }
.Ltmp5:
0x159: {  	_ = 	snop;
	(pc) =	sbr.rel @p0 .LBB2_12-.Ltmp5, $4  }
0x15a: {  	s18 =	sadd.s32 $0x15480, s18  }
0x15b: {  	[spmem:s3] =	stream.indirect.scatter.add.f32 [tilespmem:s10], [sflag:$0x3], $0x80, s18, s1, $0xb8;
	[tilespmem:$0x1E800] =	vst v63  }
0x15c: {  	_ =	swait.ge [sflag:s29], $0x4000  }
0x15d: {  	[sflag:s29] =	ssyncset.done $0x0  }
0x15e: {  	[sflag:s29] =	ssyncadd.s32 $0xFFFFC000  }
0x15f: {  	_ =	swait.ge [sflag:s2], $0x4000  }
0x160: {  	[sflag:s2] =	ssyncset.done $0x0  }
0x161: {  	[sflag:s2] =	ssyncadd.s32 $0xFFFFC000  }
0x162: {  	[tilespmem:s10], [sflag:$0x2] =	stream.indirect.gather [hbm4b:s0+s1], $0x80, s12, s1, $0xb8;
	[tilespmem:$0x1E800] =	vst v63  }
0x163: {  	_ = 	snop  }
0x164: {  	[spmem:s3] =	stream.indirect.scatter.add.f32 [tilespmem:s28], [sflag:$0x3], $0x80, s13, s1, $0xb8;
	[tilespmem:$0x1E800] =	vst v63  }
0x165: {  	_ =	swait.ge [sflag:s29], $0x4000  }
0x166: {  	[sflag:s29] =	ssyncset.done $0x0  }
0x167: {  	[sflag:s29] =	ssyncadd.s32 $0xFFFFC000  }
0x168: {  	_ =	swait.ge [sflag:s11], $0x4000  }
0x169: {  	[sflag:s11] =	ssyncset.done $0x0  }
0x16a: {  	[sflag:s11] =	ssyncadd.s32 $0xFFFFC000  }
0x16b: {  	[spmem:s3] =	stream.indirect.scatter.add.f32 [tilespmem:s10], [sflag:$0x3], $0x80, s14, s1, $0xb8;
	[tilespmem:$0x1E800] =	vst v63  }
0x16c: {  	_ =	swait.ge [sflag:s29], $0x4000  }
0x16d: {  	[sflag:s29] =	ssyncset.done $0x0  }
0x16e: {  	[sflag:s29] =	ssyncadd.s32 $0xFFFFC000  }
0x16f: {  	[bflag:$0x0] =	sbarrier.arrive $0xFFFF  }
0x170: {  	[hbm:s23], [sflag:s15] =	dma.local [spmem:s16], $0x2800  }
0x171: {  	_ =	swait.ge [sflag:s29], $0x2800  }
0x172: {  	[sflag:s29] =	ssyncset.done $0x0  }
0x173: {  	[sflag:s29] =	ssyncadd.s32 $0xFFFFD800  }
0x174: {  	s17 =	simm.s32 $0x0;
	s18 =	simm.s32 $0x200;
	[bflag:$0x0] =	sbarrier.arrive $0xFFFF  }
.LBB2_14:
0x175: {  	p0 =	sne.s32 s18, $0xFE00;
	[tilespmem:s17+$0x16870] =	vst v0  }
0x176: {  	[tilespmem:s17+$0x16800] =	vst v0  }
0x177: {  	[tilespmem:s17+$0x16810] =	vst v0  }
.Ltmp6:
0x178: {  	[tilespmem:s17+$0x16820] =	vst v0;
	(pc) =	sbr.rel @p0 .LBB2_14-.Ltmp6, $4  }
0x179: {  	[tilespmem:s17+$0x16830] =	vst v0  }
0x17a: {  	[tilespmem:s17+$0x16840] =	vst v0  }
0x17b: {  	[tilespmem:s17+$0x16850] =	vst v0  }
0x17c: {  	[tilespmem:s17+$0x16860] =	vst v0;
	s17 =	sshra.s32 s18, $0x2;
	s18 =	sadd.s32 $0x200, s18  }
0x17d: {  	[tilespmem:s17+$0x16870] =	vst v0  }
0x17e: {  	[tilespmem:s17+$0x16800] =	vst v0  }
0x17f: {  	[tilespmem:s17+$0x16810] =	vst v0  }
0x180: {  	[tilespmem:s17+$0x16820] =	vst v0  }
0x181: {  	[tilespmem:s17+$0x16830] =	vst v0  }
0x182: {  	[tilespmem:s17+$0x16840] =	vst v0  }
0x183: {  	[tilespmem:s17+$0x16850] =	vst v0  }
0x184: {  	[tilespmem:s17+$0x16860] =	vst v0  }
0x185: {  	[spmem:s6] =	stream.linear.scatter [tilespmem:s28], [sflag:$0x3], $0x4000, $0x38;
	[tilespmem:$0x1E800] =	vst v63  }
0x186: {  	_ =	swait.ge [sflag:s29], $0x4000  }
0x187: {  	[sflag:s29] =	ssyncset.done $0x0  }
0x188: {  	[sflag:s29] =	ssyncadd.s32 $0xFFFFC000  }
0x189: {  	[spmem:s7] =	stream.linear.scatter [tilespmem:s28], [sflag:$0x3], $0x4000, $0x38;
	[tilespmem:$0x1E800] =	vst v63  }
0x18a: {  	_ =	swait.ge [sflag:s29], $0x4000  }
0x18b: {  	[sflag:s29] =	ssyncset.done $0x0  }
0x18c: {  	[sflag:s29] =	ssyncadd.s32 $0xFFFFC000  }
0x18d: {  	[spmem:s8] =	stream.linear.scatter [tilespmem:s28], [sflag:$0x3], $0x4000, $0x38;
	[tilespmem:$0x1E800] =	vst v63  }
0x18e: {  	_ =	swait.ge [sflag:s29], $0x4000  }
0x18f: {  	[sflag:s29] =	ssyncset.done $0x0  }
0x190: {  	[sflag:s29] =	ssyncadd.s32 $0xFFFFC000  }
0x191: {  	[spmem:s9] =	stream.linear.scatter [tilespmem:s28], [sflag:$0x3], $0x4000, $0x38;
	[tilespmem:$0x1E800] =	vst v63  }
0x192: {  	_ =	swait.ge [sflag:s29], $0x4000  }
0x193: {  	[sflag:s29] =	ssyncset.done $0x0  }
0x194: {  	[sflag:s29] =	ssyncadd.s32 $0xFFFFC000  }
0x195: {  	[spmem:s26] =	stream.linear.scatter [tilespmem:s28], [sflag:$0x3], $0x4000, $0x38;
	[tilespmem:$0x1E800] =	vst v63  }
0x196: {  	_ =	swait.ge [sflag:s29], $0x4000  }
0x197: {  	[sflag:s29] =	ssyncset.done $0x0  }
0x198: {  	[sflag:s29] =	ssyncadd.s32 $0xFFFFC000  }
0x199: {  	[bflag:$0x0] =	sbarrier.arrive $0xFFFF  }
0x19a: {  	s19 =	simm.s32 $0x0;
	s18 =	rddreg [dreg:$0xd]  }
0x19b: {  	[tilespmem:s30], [sflag:$0x3] =	stream.linear.gather [hbm4b:s18+s19], $0x1400, $0x38;
	[tilespmem:$0x1E800] =	vst v63  }
0x19c: {  	_ =	swait.ge [sflag:s29], $0x1400  }
0x19d: {  	[sflag:s29] =	ssyncset.done $0x0  }
0x19e: {  	[sflag:s29] =	ssyncadd.s32 $0xFFFFEC00  }
0x19f: {  	[tilespmem:s31], [sflag:$0x3] =	stream.linear.gather [hbm4b:s20+s19], $0x1400, $0x38;
	[tilespmem:$0x1E800] =	vst v63  }
0x1a0: {  	_ =	swait.ge [sflag:s29], $0x1400  }
0x1a1: {  	[sflag:s29] =	ssyncset.done $0x0  }
0x1a2: {  	[sflag:s29] =	ssyncadd.s32 $0xFFFFEC00  }
0x1a3: {  	[tilespmem:s28], [sflag:$0x1] =	stream.indirect.gather [hbm4b:s5+s1], $0x80, s30, s1, $0xb8;
	[tilespmem:$0x1E800] =	vst v63  }
0x1a4: {  	_ =	swait.ge [sflag:s2], $0x4000  }
0x1a5: {  	[sflag:s2] =	ssyncset.done $0x0  }
0x1a6: {  	s18 =	simm.s32 $0x14080;
	[sflag:s2] =	ssyncadd.s32 $0xFFFFC000  }
0x1a7: {  	[tilespmem:s10], [sflag:$0x2] =	stream.indirect.gather [hbm4b:s5+s1], $0x80, s18, s1, $0xb8;
	[tilespmem:$0x1E800] =	vst v63  }
0x1a8: {  	s19 =	simm.s32 $0x15400  }
0x1a9: {  	[spmem:s3] =	stream.indirect.scatter.add.f32 [tilespmem:s28], [sflag:$0x3], $0x80, s19, s1, $0xb8;
	[tilespmem:$0x1E800] =	vst v63  }
0x1aa: {  	_ =	swait.ge [sflag:s29], $0x4000  }
0x1ab: {  	[sflag:s29] =	ssyncset.done $0x0  }
0x1ac: {  	[sflag:s29] =	ssyncadd.s32 $0xFFFFC000  }
0x1ad: {  	_ =	swait.ge [sflag:s11], $0x4000  }
0x1ae: {  	[sflag:s11] =	ssyncset.done $0x0  }
0x1af: {  	s18 =	simm.s32 $0x14100;
	[sflag:s11] =	ssyncadd.s32 $0xFFFFC000  }
0x1b0: {  	[tilespmem:s28], [sflag:$0x1] =	stream.indirect.gather [hbm4b:s5+s1], $0x80, s18, s1, $0xb8;
	[tilespmem:$0x1E800] =	vst v63  }
0x1b1: {  	s19 =	simm.s32 $0x15480  }
0x1b2: {  	[spmem:s3] =	stream.indirect.scatter.add.f32 [tilespmem:s10], [sflag:$0x3], $0x80, s19, s1, $0xb8;
	[tilespmem:$0x1E800] =	vst v63  }
0x1b3: {  	_ =	swait.ge [sflag:s29], $0x4000  }
0x1b4: {  	s17 =	simm.s32 $0x400;
	[sflag:s29] =	ssyncset.done $0x0  }
.LBB2_16:
0x1b5: {  	p0 =	sne.s32 s17, $0x4800  }
0x1b6: {  	[sflag:s29] =	ssyncadd.s32 $0xFFFFC000;
	s18 =	smov.u32 s17;
	s17 =	sadd.s32 $0x400, s17  }
0x1b7: {  	_ = 	snop  }
0x1b8: {  	_ =	swait.ge [sflag:s2], $0x4000  }
0x1b9: {  	s18 =	sshra.s32 s18, $0x2;
	[sflag:s2] =	ssyncset.done $0x0  }
0x1ba: {  	s19 =	sadd.s32 $0x14080, s18;
	[sflag:s2] =	ssyncadd.s32 $0xFFFFC000  }
0x1bb: {  	[tilespmem:s10], [sflag:$0x2] =	stream.indirect.gather [hbm4b:s5+s1], $0x80, s19, s1, $0xb8;
	[tilespmem:$0x1E800] =	vst v63  }
0x1bc: {  	s19 =	sadd.s32 $0x15400, s18  }
0x1bd: {  	[spmem:s3] =	stream.indirect.scatter.add.f32 [tilespmem:s28], [sflag:$0x3], $0x80, s19, s1, $0xb8;
	[tilespmem:$0x1E800] =	vst v63  }
0x1be: {  	_ =	swait.ge [sflag:s29], $0x4000  }
0x1bf: {  	[sflag:s29] =	ssyncset.done $0x0  }
0x1c0: {  	[sflag:s29] =	ssyncadd.s32 $0xFFFFC000  }
0x1c1: {  	_ =	swait.ge [sflag:s11], $0x4000  }
0x1c2: {  	[sflag:s11] =	ssyncset.done $0x0  }
0x1c3: {  	s19 =	sadd.s32 $0x14100, s18;
	[sflag:s11] =	ssyncadd.s32 $0xFFFFC000  }
0x1c4: {  	[tilespmem:s28], [sflag:$0x1] =	stream.indirect.gather [hbm4b:s5+s1], $0x80, s19, s1, $0xb8;
	[tilespmem:$0x1E800] =	vst v63  }
.Ltmp7:
0x1c5: {  	_ = 	snop;
	(pc) =	sbr.rel @p0 .LBB2_16-.Ltmp7, $4  }
0x1c6: {  	s18 =	sadd.s32 $0x15480, s18  }
0x1c7: {  	[spmem:s3] =	stream.indirect.scatter.add.f32 [tilespmem:s10], [sflag:$0x3], $0x80, s18, s1, $0xb8;
	[tilespmem:$0x1E800] =	vst v63  }
0x1c8: {  	_ =	swait.ge [sflag:s29], $0x4000  }
0x1c9: {  	[sflag:s29] =	ssyncset.done $0x0  }
0x1ca: {  	[sflag:s29] =	ssyncadd.s32 $0xFFFFC000  }
0x1cb: {  	_ =	swait.ge [sflag:s2], $0x4000  }
0x1cc: {  	[sflag:s2] =	ssyncset.done $0x0  }
0x1cd: {  	[sflag:s2] =	ssyncadd.s32 $0xFFFFC000  }
0x1ce: {  	[tilespmem:s10], [sflag:$0x2] =	stream.indirect.gather [hbm4b:s5+s1], $0x80, s12, s1, $0xb8;
	[tilespmem:$0x1E800] =	vst v63  }
0x1cf: {  	_ = 	snop  }
0x1d0: {  	[spmem:s3] =	stream.indirect.scatter.add.f32 [tilespmem:s28], [sflag:$0x3], $0x80, s13, s1, $0xb8;
	[tilespmem:$0x1E800] =	vst v63  }
0x1d1: {  	_ =	swait.ge [sflag:s29], $0x4000  }
0x1d2: {  	[sflag:s29] =	ssyncset.done $0x0  }
0x1d3: {  	[sflag:s29] =	ssyncadd.s32 $0xFFFFC000  }
0x1d4: {  	_ =	swait.ge [sflag:s11], $0x4000  }
0x1d5: {  	[sflag:s11] =	ssyncset.done $0x0  }
0x1d6: {  	[sflag:s11] =	ssyncadd.s32 $0xFFFFC000  }
0x1d7: {  	[spmem:s3] =	stream.indirect.scatter.add.f32 [tilespmem:s10], [sflag:$0x3], $0x80, s14, s1, $0xb8;
	[tilespmem:$0x1E800] =	vst v63  }
0x1d8: {  	_ =	swait.ge [sflag:s29], $0x4000  }
0x1d9: {  	[sflag:s29] =	ssyncset.done $0x0  }
0x1da: {  	s17 =	simm.s32 $0x0;
	[sflag:s29] =	ssyncadd.s32 $0xFFFFC000  }
0x1db: {  	[tilespmem:s30], [sflag:$0x3] =	stream.linear.gather [hbm4b:s21+s17], $0x1400, $0x38;
	[tilespmem:$0x1E800] =	vst v63  }
0x1dc: {  	_ =	swait.ge [sflag:s29], $0x1400  }
0x1dd: {  	[sflag:s29] =	ssyncset.done $0x0  }
0x1de: {  	[sflag:s29] =	ssyncadd.s32 $0xFFFFEC00  }
0x1df: {  	[tilespmem:s31], [sflag:$0x3] =	stream.linear.gather [hbm4b:s22+s17], $0x1400, $0x38;
	[tilespmem:$0x1E800] =	vst v63  }
0x1e0: {  	_ =	swait.ge [sflag:s29], $0x1400  }
0x1e1: {  	[sflag:s29] =	ssyncset.done $0x0  }
0x1e2: {  	[sflag:s29] =	ssyncadd.s32 $0xFFFFEC00  }
0x1e3: {  	[tilespmem:s28], [sflag:$0x1] =	stream.indirect.gather [hbm4b:s5+s1], $0x80, s30, s1, $0xb8;
	[tilespmem:$0x1E800] =	vst v63  }
0x1e4: {  	_ =	swait.ge [sflag:s2], $0x4000  }
0x1e5: {  	[sflag:s2] =	ssyncset.done $0x0  }
0x1e6: {  	s18 =	simm.s32 $0x14080;
	[sflag:s2] =	ssyncadd.s32 $0xFFFFC000  }
0x1e7: {  	[tilespmem:s10], [sflag:$0x2] =	stream.indirect.gather [hbm4b:s5+s1], $0x80, s18, s1, $0xb8;
	[tilespmem:$0x1E800] =	vst v63  }
0x1e8: {  	s19 =	simm.s32 $0x15400  }
0x1e9: {  	[spmem:s3] =	stream.indirect.scatter.add.f32 [tilespmem:s28], [sflag:$0x3], $0x80, s19, s1, $0xb8;
	[tilespmem:$0x1E800] =	vst v63  }
0x1ea: {  	_ =	swait.ge [sflag:s29], $0x4000  }
0x1eb: {  	[sflag:s29] =	ssyncset.done $0x0  }
0x1ec: {  	[sflag:s29] =	ssyncadd.s32 $0xFFFFC000  }
0x1ed: {  	_ =	swait.ge [sflag:s11], $0x4000  }
0x1ee: {  	[sflag:s11] =	ssyncset.done $0x0  }
0x1ef: {  	s18 =	simm.s32 $0x14100;
	[sflag:s11] =	ssyncadd.s32 $0xFFFFC000  }
0x1f0: {  	[tilespmem:s28], [sflag:$0x1] =	stream.indirect.gather [hbm4b:s5+s1], $0x80, s18, s1, $0xb8;
	[tilespmem:$0x1E800] =	vst v63  }
0x1f1: {  	s19 =	simm.s32 $0x15480  }
0x1f2: {  	[spmem:s3] =	stream.indirect.scatter.add.f32 [tilespmem:s10], [sflag:$0x3], $0x80, s19, s1, $0xb8;
	[tilespmem:$0x1E800] =	vst v63  }
0x1f3: {  	_ =	swait.ge [sflag:s29], $0x4000  }
0x1f4: {  	s17 =	simm.s32 $0x400;
	[sflag:s29] =	ssyncset.done $0x0  }
.LBB2_18:
0x1f5: {  	p0 =	sne.s32 s17, $0x4800  }
0x1f6: {  	[sflag:s29] =	ssyncadd.s32 $0xFFFFC000;
	s18 =	smov.u32 s17;
	s17 =	sadd.s32 $0x400, s17  }
0x1f7: {  	_ = 	snop  }
0x1f8: {  	_ =	swait.ge [sflag:s2], $0x4000  }
0x1f9: {  	s18 =	sshra.s32 s18, $0x2;
	[sflag:s2] =	ssyncset.done $0x0  }
0x1fa: {  	s19 =	sadd.s32 $0x14080, s18;
	[sflag:s2] =	ssyncadd.s32 $0xFFFFC000  }
0x1fb: {  	[tilespmem:s10], [sflag:$0x2] =	stream.indirect.gather [hbm4b:s5+s1], $0x80, s19, s1, $0xb8;
	[tilespmem:$0x1E800] =	vst v63  }
0x1fc: {  	s19 =	sadd.s32 $0x15400, s18  }
0x1fd: {  	[spmem:s3] =	stream.indirect.scatter.add.f32 [tilespmem:s28], [sflag:$0x3], $0x80, s19, s1, $0xb8;
	[tilespmem:$0x1E800] =	vst v63  }
0x1fe: {  	_ =	swait.ge [sflag:s29], $0x4000  }
0x1ff: {  	[sflag:s29] =	ssyncset.done $0x0  }
0x200: {  	[sflag:s29] =	ssyncadd.s32 $0xFFFFC000  }
0x201: {  	_ =	swait.ge [sflag:s11], $0x4000  }
0x202: {  	[sflag:s11] =	ssyncset.done $0x0  }
0x203: {  	s19 =	sadd.s32 $0x14100, s18;
	[sflag:s11] =	ssyncadd.s32 $0xFFFFC000  }
0x204: {  	[tilespmem:s28], [sflag:$0x1] =	stream.indirect.gather [hbm4b:s5+s1], $0x80, s19, s1, $0xb8;
	[tilespmem:$0x1E800] =	vst v63  }
.Ltmp8:
0x205: {  	_ = 	snop;
	(pc) =	sbr.rel @p0 .LBB2_18-.Ltmp8, $4  }
0x206: {  	s18 =	sadd.s32 $0x15480, s18  }
0x207: {  	[spmem:s3] =	stream.indirect.scatter.add.f32 [tilespmem:s10], [sflag:$0x3], $0x80, s18, s1, $0xb8;
	[tilespmem:$0x1E800] =	vst v63  }
0x208: {  	_ =	swait.ge [sflag:s29], $0x4000  }
0x209: {  	[sflag:s29] =	ssyncset.done $0x0  }
0x20a: {  	[sflag:s29] =	ssyncadd.s32 $0xFFFFC000  }
0x20b: {  	_ =	swait.ge [sflag:s2], $0x4000  }
0x20c: {  	[sflag:s2] =	ssyncset.done $0x0  }
0x20d: {  	[sflag:s2] =	ssyncadd.s32 $0xFFFFC000  }
0x20e: {  	[tilespmem:s10], [sflag:$0x2] =	stream.indirect.gather [hbm4b:s5+s1], $0x80, s12, s1, $0xb8;
	[tilespmem:$0x1E800] =	vst v63  }
0x20f: {  	_ = 	snop  }
0x210: {  	[spmem:s3] =	stream.indirect.scatter.add.f32 [tilespmem:s28], [sflag:$0x3], $0x80, s13, s1, $0xb8;
	[tilespmem:$0x1E800] =	vst v63  }
0x211: {  	_ =	swait.ge [sflag:s29], $0x4000  }
0x212: {  	[sflag:s29] =	ssyncset.done $0x0  }
0x213: {  	[sflag:s29] =	ssyncadd.s32 $0xFFFFC000  }
0x214: {  	_ =	swait.ge [sflag:s11], $0x4000  }
0x215: {  	[sflag:s11] =	ssyncset.done $0x0  }
0x216: {  	[sflag:s11] =	ssyncadd.s32 $0xFFFFC000  }
0x217: {  	[spmem:s3] =	stream.indirect.scatter.add.f32 [tilespmem:s10], [sflag:$0x3], $0x80, s14, s1, $0xb8;
	[tilespmem:$0x1E800] =	vst v63  }
0x218: {  	_ =	swait.ge [sflag:s29], $0x4000  }
0x219: {  	s4 =	sadd.s32 $0x1, s4;
	[sflag:s29] =	ssyncset.done $0x0  }
0x21a: {  	p0 =	sne.s32 s4, s25;
	[sflag:s29] =	ssyncadd.s32 $0xFFFFC000  }
.Ltmp9:
0x21b: {  	[bflag:$0x0] =	sbarrier.arrive $0xFFFF;
	(pc) =	sbr.rel @p0 .LBB2_1-.Ltmp9, $4  }
0x21c: {  	[hbm:s24], [sflag:s15] =	dma.local [spmem:s16], $0x2800  }
0x21d: {  	_ =	swait.ge [sflag:s29], $0x2800  }
0x21e: {  	[sflag:s29] =	ssyncset.done $0x0  }
0x21f: {  	[sflag:s29] =	ssyncadd.s32 $0xFFFFD800  }
0x220: {  	_ =	sfence.sel $0x180000  }
0x221: {  	[bflag:$0x0] =	sbarrier.arrive $0xFFFF  }
0x222: {  	_ =	strace $0x90000050  }
0x223: {  	s0 =	stileid.u32;
	[bflag:$0x2] =	sbarrier.arrive $0xFFFF  }
0x224: {  	p0 =	sne.s32 s0, $0x0;
	s0 =	rddreg [dreg:$0x3]  }
0x225: {  	s0 =	sadd.s32 @!p0 $0x100000, s0  }
0x226: {  	[sflag:s0] =	ssyncadd.tile.s32 @!p0 $0x1;
	_ =	shalt  }
.Lfunc_end2:
_tile_overlayer_lowered:
.L_overlay_start_2:
0x227: {  	(tag) =	ssettag $0x2  }
0x228: {  	s0 =	rddreg [dreg:$0x0];
	s2 =	stileid.u32  }
0x229: {  	s1 =	rddreg [dreg:$0x1];
	p0 =	sne.s32 s2, $0x0  }
0x22a: {  	s3 =	rddreg [dreg:$0x2];
	[bflag:$0x3] =	sbarrier.arrive $0xFFFF;
	s2 =	simm.s32 @!p0 $0x1C03  }
0x22b: {  	[timem:s3], [sflag:s2] =	dma.local @!p0 [hbm:s0], s1  }
0x22c: {  	s0 =	simm.s32 @!p0 $0x3  }
0x22d: {  	_ =	swait.ge @!p0 [sflag:s0], s1  }
0x22e: {  	s1 =	ssub.s32 @!p0 $0x0, s1;
	[sflag:s0] =	ssyncset.done @!p0 $0x0  }
0x22f: {  	[sflag:s0] =	ssyncadd.s32 @!p0 s1  }
0x230: {  	[bflag:$0x3] =	sbarrier.arrive $0xFFFF  }
0x231: {  	_ =	shalt  }

// kernel: kernel.9.cloned.1.call-start
scs
__scs_entry_jumppad:
0x0: {  	(pc) =	sbr.rel $0x88, $3  }
0x1: {  	(tag) =	ssettag $0x0;
	lr =	simm.s32 $0x1  }
0x2: {  	[smem:$0x3F97] =	sst lr;
	_ =	strace $0xD0000000  }
0x3: {  	_ = 	snop  }
0x4: {  	_ = 	snop  }
0x5: {  	_ = 	snop  }
0x6: {  	_ = 	snop  }
0x7: {  	_ = 	snop  }
__scs_overlays_trampoline_lowered:
0x8: {  	[smem:$0x3FA6] =	sst s0  }
0x9: {  	[smem:$0x3FA7] =	sst s1  }
0xa: {  	[smem:$0x3FA8] =	sst s2  }
0xb: {  	[smem:$0x3FA9] =	sst s3  }
0xc: {  	[smem:$0x3FAA] =	sst s4  }
0xd: {  	[smem:$0x3FAB] =	sst s5  }
0xe: {  	[smem:$0x3FAC] =	sst s6  }
0xf: {  	[smem:$0x3FAD] =	sst s7  }
0x10: {  	[smem:$0x3FAE] =	sst s8  }
0x11: {  	[smem:$0x3FAF] =	sst s9;
	s0 =	simm.s32 @!p0 $0x0  }
0x12: {  	s1 =	sld [smem:$0x3F95];
	s0 =	simm.s32 @p0 $0x1  }
0x13: {  	[smem:$0x3FB0] =	sst s0;
	s0 =	simm.s32 @!p1 $0x0  }
0x14: {  	s2 =	sld [smem:$0x3F94];
	s0 =	simm.s32 @p1 $0x1  }
0x15: {  	[smem:$0x3FB1] =	sst s0;
	s0 =	simm.s32 @!p2 $0x0  }
0x16: {  	s3 =	sld [smem:$0x3FDB];
	s0 =	simm.s32 @p2 $0x1  }
0x17: {  	s4 =	simm.s32 $0x1BF5;
	[smem:$0x3FB3] =	sst s0  }
0x18: {  	s0 =	sld [smem:$0x3F96];
	_ =	swait.ge [sflag:s4], $0x0  }
0x19: {  	s7 =	sld [smem:$0x3F97]  }
0x1a: {  	s8 =	sadd.s32 $0xFFFFE003, lr  }
0x1b: {  	s9 =	sadd.s32 $0xFFFFFEF7, lr;
	s5 =	simm.s32 $0xFFFFFFFF;
	p2 =	slt.u32 s8, $0xFFFFF086  }
0x1c: {  	p1 =	slt.u32 s9, $0xF7A;
	s5 =	simm.s32 @!p2 $0x0  }
0x1d: {  	s5 =	simm.s32 @p1 $0x1;
	p0 =	seq.s32 s7, s2  }
0x1e: {  	s7 =	smul.u32 @!p0 $0xF7A, s2;
	p2 =	seq.s32 @!p0 s5, $0x0  }
0x1f: {  	s9 =	smul.u32 $0xF7A, s1;
	s8 =	simm.s32 @!p0 $0x1BF5;
	p2 =	por !p2, p0  }
0x20: {  	[sflag:s8] =	ssyncset.s32 @!p0 $0xFFFFF086;
	s6 =	sadd.s32 @!p0 s3, s7;
	s7 =	simm.s32 @!p0 $0x108  }
0x21: {  	s3 =	sadd.s32 s3, s9;
	s6 =	sadd.s32 @!p0 $0x88, s6;
	s7 =	simm.s32 @p2 $0x1082  }
0x22: {  	[simem:s7], [sflag:s8] =	dma.local @!p0 [hbm:s6], $0xF7A  }
0x23: {  	s9 =	sor.u32 $0xD0000000, s2;
	s6 =	simm.s32 $0x108;
	_ =	swait.ge @!p0 [sflag:s8], $0x0  }
0x24: {  	s3 =	sadd.s32 $0x88, s3;
	s6 =	simm.s32 @!p1 $0x1082;
	[sflag:s4] =	ssyncset.s32 $0xFFFFF086  }
0x25: {  	[simem:s6], [sflag:s4] =	dma.local [hbm:s3], $0xF7A  }
0x26: {  	[smem:$0x3F97] =	sst s1;
	(tag) =	ssettag s2;
	_ =	strace s9  }
0x27: {  	s1 =	sld [smem:$0x3FA7]  }
0x28: {  	s2 =	sld [smem:$0x3FA8]  }
0x29: {  	s4 =	sld [smem:$0x3FAA]  }
0x2a: {  	p0 =	seq.s32 s5, $0x0;
	s5 =	sld [smem:$0x3FAB]  }
0x2b: {  	s6 =	sld [smem:$0x3FAC]  }
0x2c: {  	s7 =	sld [smem:$0x3FAD]  }
0x2d: {  	s3 =	simm.s32 $0x108;
	s8 =	sld [smem:$0x3FAE]  }
0x2e: {  	s3 =	simm.s32 @!p0 $0x1082;
	s9 =	sld [smem:$0x3FAF]  }
0x2f: {  	lr =	sadd.s32 s0, s3;
	s0 =	sld [smem:$0x3FA6]  }
0x30: {  	s3 =	sld [smem:$0x3FA9]  }
0x31: {  	[smem:$0x3FB2] =	sst s10  }
0x32: {  	s10 =	sld [smem:$0x3FB0];
	_ =	sdelay $0x3  }
0x33: {  	p0 =	seq.s32 s10, $0x1;
	s10 =	sld [smem:$0x3FB2];
	_ =	sdelay $0x3  }
0x34: {  	[smem:$0x3FB2] =	sst s10  }
0x35: {  	s10 =	sld [smem:$0x3FB1];
	_ =	sdelay $0x3  }
0x36: {  	p1 =	seq.s32 s10, $0x1;
	s10 =	sld [smem:$0x3FB2];
	_ =	sdelay $0x3  }
0x37: {  	[smem:$0x3FB2] =	sst s10  }
0x38: {  	s10 =	sld [smem:$0x3FB3]  }
0x39: {  	_ = 	snop;
	(pc) =	sbr.ind lr, $3  }
0x3a: {  	_ = 	snop  }
0x3b: {  	_ = 	snop  }
0x3c: {  	p2 =	seq.s32 s10, $0x1;
	s10 =	sld [smem:$0x3FB2]  }
0x3d: {  	_ =	shalt  }
0x3e: {  	_ =	shalt  }
0x3f: {  	_ =	shalt  }
0x40: {  	_ =	shalt  }
0x41: {  	_ =	shalt  }
0x42: {  	_ =	shalt  }
0x43: {  	_ =	shalt  }
0x44: {  	_ =	shalt  }
0x45: {  	_ =	shalt  }
0x46: {  	_ =	shalt  }
0x47: {  	_ =	shalt  }
0x48: {  	_ =	shalt  }
0x49: {  	_ =	shalt  }
0x4a: {  	_ =	shalt  }
0x4b: {  	_ =	shalt  }
0x4c: {  	_ =	shalt  }
0x4d: {  	_ =	shalt  }
0x4e: {  	_ =	shalt  }
0x4f: {  	_ =	shalt  }
0x50: {  	_ =	shalt  }
0x51: {  	_ =	shalt  }
0x52: {  	_ =	shalt  }
0x53: {  	_ =	shalt  }
0x54: {  	_ =	shalt  }
0x55: {  	_ =	shalt  }
0x56: {  	_ =	shalt  }
0x57: {  	_ =	shalt  }
0x58: {  	_ =	shalt  }
0x59: {  	_ =	shalt  }
0x5a: {  	_ =	shalt  }
0x5b: {  	_ =	shalt  }
0x5c: {  	_ =	shalt  }
0x5d: {  	_ =	shalt  }
0x5e: {  	_ =	shalt  }
0x5f: {  	_ =	shalt  }
0x60: {  	_ =	shalt  }
0x61: {  	_ =	shalt  }
0x62: {  	_ =	shalt  }
0x63: {  	_ =	shalt  }
0x64: {  	_ =	shalt  }
0x65: {  	_ =	shalt  }
0x66: {  	_ =	shalt  }
0x67: {  	_ =	shalt  }
0x68: {  	_ =	shalt  }
0x69: {  	_ =	shalt  }
0x6a: {  	_ =	shalt  }
0x6b: {  	_ =	shalt  }
0x6c: {  	_ =	shalt  }
0x6d: {  	_ =	shalt  }
0x6e: {  	_ =	shalt  }
0x6f: {  	_ =	shalt  }
0x70: {  	_ =	shalt  }
0x71: {  	_ =	shalt  }
0x72: {  	_ =	shalt  }
0x73: {  	_ =	shalt  }
0x74: {  	_ =	shalt  }
0x75: {  	_ =	shalt  }
0x76: {  	_ =	shalt  }
0x77: {  	_ =	shalt  }
0x78: {  	_ =	shalt  }
0x79: {  	_ =	shalt  }
0x7a: {  	_ =	shalt  }
0x7b: {  	_ =	shalt  }
0x7c: {  	_ =	shalt  }
0x7d: {  	_ =	shalt  }
0x7e: {  	_ =	shalt  }
0x7f: {  	_ =	shalt  }
0x80: {  	_ =	shalt  }
0x81: {  	_ =	shalt  }
0x82: {  	_ =	shalt  }
0x83: {  	_ =	shalt  }
0x84: {  	_ =	shalt  }
0x85: {  	_ =	shalt  }
0x86: {  	_ =	shalt  }
0x87: {  	_ =	shalt  }
.Lfunc_end0:
.L_simem_size_0:
called_computation_lowered:
.L_overlay_start_0:
0x88: {  	s2 =	sld [smem:$0x3FD9]  }
0x89: {  	s3 =	sld [smem:$0x3FFE];
	_ =	sdelay $0x1  }
0x8a: {  	s1 =	srdreg.scid  }
0x8b: {  	s0 =	sand.u32 $0x1, s1  }
0x8c: {  	s14 =	sshll.u32 s0, $0xA;
	s2 =	sadd.s32 s3, s2  }
0x8d: {  	s2 =	sadd.s32 s2, s14  }
0x8e: {  	[smem:$0x3FBE] =	sst s2  }
0x8f: {  	_ = 	snop  }
0x90: {  	s2 =	sld [smem:$0x3FD0];
	_ =	sdelay $0x2  }
0x91: {  	s15 =	simm.s32 $0xB;
	s4 =	simm.s32 $0x10  }
0x92: {  	[smem:s4], [sflag:s15] =	dma.local [hbm:s2], $0x1  }
0x93: {  	_ =	swait.eq [sflag:s15], $0x1  }
0x94: {  	s16 =	sld [smem:$0x10];
	[sflag:s15] =	ssyncset.done $0x0  }
0x95: {  	s17 =	sld [smem:$0x11];
	[sflag:s15] =	ssyncadd.s32 $0xFFFFFFFF  }
0x96: {  	s18 =	sld [smem:$0x13];
	(tm) =	ssettm $0x1  }
0x97: {  	s5 =	sld [smem:$0x3FFB];
	_ =	sdelay $0x3  }
0x98: {  	_ =	strace s5  }
0x99: {  	s5 =	sld [smem:$0x3FFC];
	_ =	sdelay $0x3  }
0x9a: {  	_ =	strace s5  }
0x9b: {  	s5 =	sld [smem:$0x3FFD];
	_ =	sdelay $0x3  }
0x9c: {  	_ =	strace s5  }
0x9d: {  	_ =	strace $0x8FFFFFFF  }
0x9e: {  	s19 =	sld [smem:$0x3FDB];
	_ =	sdelay $0x1  }
0x9f: {  	s6 =	simm.s32 $_scs_section_size  }
0xa0: {  	s7 =	simm.s32 $_size__tile_overlayer_lowered;
	s8 =	simm.s32 $_tile_overlayer_lowered  }
0xa1: {  	s22 =	simm.s32 $0x1BFF;
	s21 =	sshll.u32 s8, $0x1;
	s5 =	sadd.s32 s6, s19  }
0xa2: {  	s9 =	simm.s32 $0x0;
	s20 =	sshll.u32 s7, $0x1;
	s7 =	sadd.s32 s21, s5  }
0xa3: {  	[timem:s9], [sflag:s22] =	dma.local [hbm:s7], s20  }
0xa4: {  	_ =	swait.ge [sflag:s22], s20  }
0xa5: {  	s6 =	ssub.s32 $0x0, s20;
	[sflag:s22] =	ssyncset.done $0x0  }
0xa6: {  	[sflag:s22] =	ssyncadd.s32 s6;
	_ =	sdelay $0x1  }
0xa7: {  	s23 =	simm.s32 $0x1B8B  }
0xa8: {  	_ =	swait.ge [sflag:s23], $0x1  }
0xa9: {  	[sflag:s23] =	ssyncset.done $0x0  }
0xaa: {  	s25 =	simm.s32 $0x1B8E;
	s24 =	sld [smem:$0x3FFE];
	[sflag:s23] =	ssyncadd.s32 $0xFFFFFFFF  }
0xab: {  	s26 =	simm.s32 $execute0_lowered;
	[smem:$0x3FD2] =	sst s25  }
0xac: {  	s7 =	sshll.u32 s26, $0x1;
	_ =	strace $0x80000046;
	[dreg:$0x1] =	wrdreg $0xFFFFFFFF  }
0xad: {  	s28 =	simm.s32 $_size_execute0_lowered;
	s5 =	sadd.s32 s5, s7;
	[dreg:$0x0] =	wrdreg $0x0  }
0xae: {  	s7 =	sshll.u32 s28, $0x1;
	[dreg:$0x2] =	wrdreg s5  }
0xaf: {  	[dreg:$0x3] =	wrdreg s7  }
0xb0: {  	[dreg:$0x4] =	wrdreg $0xC0  }
0xb1: {  	_ =	task [dreg:s9], $0x5FFFF  }
0xb2: {  	[dreg:$0x1] =	wrdreg $0xFFFFFFFF  }
0xb3: {  	[dreg:$0x0] =	wrdreg $0x60  }
0xb4: {  	[dreg:$0x2] =	wrdreg s18  }
0xb5: {  	[dreg:$0x3] =	wrdreg s17  }
0xb6: {  	[dreg:$0x4] =	wrdreg s16  }
0xb7: {  	[dreg:$0x5] =	wrdreg s24  }
0xb8: {  	[dreg:$0x6] =	wrdreg $0x0  }
0xb9: {  	[dreg:$0x7] =	wrdreg $0x9  }
0xba: {  	_ =	task.clear_ibuf [dreg:s9], $0x8FFFF;
	_ =	strace $0x90000046  }
0xbb: {  	s29 =	simm.s32 $0x9;
	_ =	strace $0x80000048  }
0xbc: {  	_ =	swait.ge [sflag:s29], $0x1  }
0xbd: {  	[sflag:s29] =	ssyncadd.s32 $0xFFFFFFFF  }
0xbe: {  	_ =	strace $0x90000048  }
0xbf: {  	_ =	sfence  }
0xc0: {  	s30 =	sld [smem:$0x0];
	_ =	sdelay $0x2  }
0xc1: {  	s31 =	sshll.u32 s1, $0xD;
	s1 =	sshrl.u32 s1, $0x2  }
0xc2: {  	s3 =	sand.u32 $0x4000, s31;
	s1 =	sadd.s32 s1, s30  }
0xc3: {  	s0 =	sor.u32 s3, s0;
	s1 =	sshll.u32 s1, $0x11  }
0xc4: {  	s0 =	sor.u32 s1, s0  }
0xc5: {  	s0 =	sadd.s32 $0x8F2B, s0  }
0xc6: {  	[sflag:s0] =	ssyncadd.remote.s32 $0x1  }
0xc7: {  	_ =	sfence.sel $0xFFFF  }
0xc8: {  	[dreg:$0x0] =	wrdreg $0xFFFFFFFF;
	(pc) =	sbr.abs _section_cstart, $3  }
0xc9: {  	[dreg:$0x1] =	wrdreg $0xFFFFFFFF  }
0xca: {  	_ =	task.clear_ibuf [dreg:s9], $0x2FFFF;
	_ =	strace $0x9FFFFFFF  }
0xcb: {  	(tm) =	ssettm $0x7FFFFFFF  }
tec
execute0_lowered:
.L_overlay_start_1:
0x0: {  	(tag) =	ssettag $0x1  }
0x1: {  	s0 =	rddreg [dreg:$0x0]  }
0x2: {  	s12 =	rddreg [dreg:$0x1]  }
0x3: {  	s13 =	rddreg [dreg:$0x2]  }
0x4: {  	s5 =	rddreg [dreg:$0x3]  }
0x5: {  	s3 =	rddreg [dreg:$0x4]  }
0x6: {  	s1 =	srdreg.scid;
	s2 =	rddreg [dreg:$0x5];
	s4 =	simm.s32 $0x0  }
0x7: {  	s18 =	simm.s32 $0x14000;
	s19 =	simm.s32 $0x15400;
	s20 =	simm.s32 $0x80  }
0x8: {  	s21 =	simm.s32 $0x1;
	s22 =	simm.s32 $0x1A800;
	s23 =	simm.s32 $0x2  }
0x9: {  	s24 =	simm.s32 $0x15380;
	s6 =	sand.u32 $0x1, s1;
	s1 =	stileid.u32  }
0xa: {  	s25 =	simm.s32 $0x16700;
	[smem:$0x7FF] =	sst s4;
	s7 =	smul.u32 $0x140000, s6  }
0xb: {  	s8 =	smul.u32 $0x14000, s1;
	_ =	strace $0x80000047;
	s29 =	sshll.u32 s1, $0x1  }
0xc: {  	s26 =	smul.u32 $0x50000, s1;
	s28 =	ssub.s32 $0x2, s6;
	s10 =	sor.u32 s6, s29  }
0xd: {  	s9 =	sshrl.u32 s28, $0x1;
	s7 =	sadd.s32 s8, s7;
	s11 =	smul.u32 $0x2800, s10  }
0xe: {  	s30 =	sshrl.u32 s26, $0x2;
	s15 =	ssub.s32 s28, s9;
	s16 =	smul.u32 $0x500, s10  }
0xf: {  	s26 =	simm.s32 $0x16780;
	s7 =	sshrl.u32 s7, $0x3;
	s15 =	smax.u32 s15, $0x1  }
0x10: {  	s14 =	sadd.s32 s7, s5;
	s5 =	sadd.s32 s30, s3;
	s17 =	sshrl.u32 s11, $0x3  }
0x11: {  	s10 =	sadd.s32 s12, s16;
	s11 =	sadd.s32 s13, s16;
	s16 =	simm.s32 $0x16800  }
0x12: {  	s6 =	sadd.s32 $0x4000, s5;
	s7 =	sadd.s32 $0x8000, s5;
	s8 =	sadd.s32 $0xC000, s5  }
0x13: {  	s9 =	sadd.s32 $0x10000, s5;
	s31 =	sadd.s32 $0x280, s17;
	s14 =	sadd.s32 $0x1C00, s14  }
0x14: {  	v0 =	vimm.f32 $0.0e+00;
	s17 =	simm.s32 $0x3;
	s12 =	sadd.s32 s12, s31;
	s13 =	sadd.s32 s13, s31  }
.LBB2_1:
0x15: {  	[bflag:$0x0] =	sbarrier.arrive $0xFFFF;
	s28 =	simm.s32 $0x0;
	s29 =	simm.s32 $0x200  }
.LBB2_2:
0x16: {  	p0 =	sne.s32 s29, $0xFE00;
	[tilespmem:s28+$0x16870] =	vst v0  }
0x17: {  	[tilespmem:s28+$0x16800] =	vst v0  }
0x18: {  	[tilespmem:s28+$0x16810] =	vst v0  }
.Ltmp0:
0x19: {  	[tilespmem:s28+$0x16820] =	vst v0;
	(pc) =	sbr.rel @p0 .LBB2_2-.Ltmp0, $4  }
0x1a: {  	[tilespmem:s28+$0x16830] =	vst v0  }
0x1b: {  	[tilespmem:s28+$0x16840] =	vst v0  }
0x1c: {  	[tilespmem:s28+$0x16850] =	vst v0  }
0x1d: {  	[tilespmem:s28+$0x16860] =	vst v0;
	s28 =	sshra.s32 s29, $0x2;
	s29 =	sadd.s32 $0x200, s29  }
0x1e: {  	[tilespmem:s28+$0x16870] =	vst v0  }
0x1f: {  	[tilespmem:s28+$0x16800] =	vst v0  }
0x20: {  	[tilespmem:s28+$0x16810] =	vst v0  }
0x21: {  	[tilespmem:s28+$0x16820] =	vst v0  }
0x22: {  	[tilespmem:s28+$0x16830] =	vst v0  }
0x23: {  	[tilespmem:s28+$0x16840] =	vst v0  }
0x24: {  	[tilespmem:s28+$0x16850] =	vst v0  }
0x25: {  	[tilespmem:s28+$0x16860] =	vst v0  }
0x26: {  	[spmem:s5] =	stream.linear.scatter [tilespmem:s16], [sflag:$0x3], $0x4000, $0x38;
	[tilespmem:$0x1E800] =	vst v63  }
0x27: {  	_ =	swait.ge [sflag:s17], $0x4000  }
0x28: {  	[sflag:s17] =	ssyncset.done $0x0  }
0x29: {  	[sflag:s17] =	ssyncadd.s32 $0xFFFFC000  }
0x2a: {  	[spmem:s6] =	stream.linear.scatter [tilespmem:s16], [sflag:$0x3], $0x4000, $0x38;
	[tilespmem:$0x1E800] =	vst v63  }
0x2b: {  	_ =	swait.ge [sflag:s17], $0x4000  }
0x2c: {  	[sflag:s17] =	ssyncset.done $0x0  }
0x2d: {  	[sflag:s17] =	ssyncadd.s32 $0xFFFFC000  }
0x2e: {  	[spmem:s7] =	stream.linear.scatter [tilespmem:s16], [sflag:$0x3], $0x4000, $0x38;
	[tilespmem:$0x1E800] =	vst v63  }
0x2f: {  	_ =	swait.ge [sflag:s17], $0x4000  }
0x30: {  	[sflag:s17] =	ssyncset.done $0x0  }
0x31: {  	[sflag:s17] =	ssyncadd.s32 $0xFFFFC000  }
0x32: {  	[spmem:s8] =	stream.linear.scatter [tilespmem:s16], [sflag:$0x3], $0x4000, $0x38;
	[tilespmem:$0x1E800] =	vst v63  }
0x33: {  	_ =	swait.ge [sflag:s17], $0x4000  }
0x34: {  	[sflag:s17] =	ssyncset.done $0x0  }
0x35: {  	[sflag:s17] =	ssyncadd.s32 $0xFFFFC000  }
0x36: {  	[spmem:s9] =	stream.linear.scatter [tilespmem:s16], [sflag:$0x3], $0x4000, $0x38;
	[tilespmem:$0x1E800] =	vst v63  }
0x37: {  	_ =	swait.ge [sflag:s17], $0x4000  }
0x38: {  	[sflag:s17] =	ssyncset.done $0x0  }
0x39: {  	[sflag:s17] =	ssyncadd.s32 $0xFFFFC000  }
0x3a: {  	s28 =	simm.s32 $0x0;
	[bflag:$0x0] =	sbarrier.arrive $0xFFFF  }
0x3b: {  	[tilespmem:s18], [sflag:$0x3] =	stream.linear.gather [hbm4b:s10+s28], $0x1400, $0x38;
	[tilespmem:$0x1E800] =	vst v63  }
0x3c: {  	_ =	swait.ge [sflag:s17], $0x1400  }
0x3d: {  	[sflag:s17] =	ssyncset.done $0x0  }
0x3e: {  	[sflag:s17] =	ssyncadd.s32 $0xFFFFEC00  }
0x3f: {  	[tilespmem:s19], [sflag:$0x3] =	stream.linear.gather [hbm4b:s11+s28], $0x1400, $0x38;
	[tilespmem:$0x1E800] =	vst v63  }
0x40: {  	_ =	swait.ge [sflag:s17], $0x1400  }
0x41: {  	[sflag:s17] =	ssyncset.done $0x0  }
0x42: {  	[sflag:s17] =	ssyncadd.s32 $0xFFFFEC00  }
0x43: {  	[tilespmem:s16], [sflag:$0x1] =	stream.indirect.gather [hbm4b:s0+s20], $0x80, s18, s20, $0xb8;
	[tilespmem:$0x1E800] =	vst v63  }
0x44: {  	_ =	swait.ge [sflag:s21], $0x4000  }
0x45: {  	[sflag:s21] =	ssyncset.done $0x0  }
0x46: {  	s28 =	simm.s32 $0x14080;
	[sflag:s21] =	ssyncadd.s32 $0xFFFFC000  }
0x47: {  	[tilespmem:s22], [sflag:$0x2] =	stream.indirect.gather [hbm4b:s0+s20], $0x80, s28, s20, $0xb8;
	[tilespmem:$0x1E800] =	vst v63  }
0x48: {  	s28 =	simm.s32 $0x15400  }
0x49: {  	[spmem:s3] =	stream.indirect.scatter.add.f32 [tilespmem:s16], [sflag:$0x3], $0x80, s28, s20, $0xb8;
	[tilespmem:$0x1E800] =	vst v63  }
0x4a: {  	_ =	swait.ge [sflag:s17], $0x4000  }
0x4b: {  	[sflag:s17] =	ssyncset.done $0x0  }
0x4c: {  	[sflag:s17] =	ssyncadd.s32 $0xFFFFC000  }
0x4d: {  	_ =	swait.ge [sflag:s23], $0x4000  }
0x4e: {  	[sflag:s23] =	ssyncset.done $0x0  }
0x4f: {  	s28 =	simm.s32 $0x14100;
	[sflag:s23] =	ssyncadd.s32 $0xFFFFC000  }
0x50: {  	[tilespmem:s16], [sflag:$0x1] =	stream.indirect.gather [hbm4b:s0+s20], $0x80, s28, s20, $0xb8;
	[tilespmem:$0x1E800] =	vst v63  }
0x51: {  	s28 =	simm.s32 $0x15480  }
0x52: {  	[spmem:s3] =	stream.indirect.scatter.add.f32 [tilespmem:s22], [sflag:$0x3], $0x80, s28, s20, $0xb8;
	[tilespmem:$0x1E800] =	vst v63  }
0x53: {  	_ =	swait.ge [sflag:s17], $0x4000  }
0x54: {  	s28 =	simm.s32 $0x400;
	[sflag:s17] =	ssyncset.done $0x0  }
.LBB2_4:
0x55: {  	p0 =	sne.s32 s28, $0x4800  }
0x56: {  	[sflag:s17] =	ssyncadd.s32 $0xFFFFC000;
	s29 =	smov.u32 s28;
	s28 =	sadd.s32 $0x400, s28  }
0x57: {  	_ = 	snop  }
0x58: {  	_ =	swait.ge [sflag:s21], $0x4000  }
0x59: {  	s29 =	sshra.s32 s29, $0x2;
	[sflag:s21] =	ssyncset.done $0x0  }
0x5a: {  	s30 =	sadd.s32 $0x14080, s29;
	[sflag:s21] =	ssyncadd.s32 $0xFFFFC000  }
0x5b: {  	[tilespmem:s22], [sflag:$0x2] =	stream.indirect.gather [hbm4b:s0+s20], $0x80, s30, s20, $0xb8;
	[tilespmem:$0x1E800] =	vst v63  }
0x5c: {  	s30 =	sadd.s32 $0x15400, s29  }
0x5d: {  	[spmem:s3] =	stream.indirect.scatter.add.f32 [tilespmem:s16], [sflag:$0x3], $0x80, s30, s20, $0xb8;
	[tilespmem:$0x1E800] =	vst v63  }
0x5e: {  	_ =	swait.ge [sflag:s17], $0x4000  }
0x5f: {  	[sflag:s17] =	ssyncset.done $0x0  }
0x60: {  	[sflag:s17] =	ssyncadd.s32 $0xFFFFC000  }
0x61: {  	_ =	swait.ge [sflag:s23], $0x4000  }
0x62: {  	[sflag:s23] =	ssyncset.done $0x0  }
0x63: {  	s30 =	sadd.s32 $0x14100, s29;
	[sflag:s23] =	ssyncadd.s32 $0xFFFFC000  }
0x64: {  	[tilespmem:s16], [sflag:$0x1] =	stream.indirect.gather [hbm4b:s0+s20], $0x80, s30, s20, $0xb8;
	[tilespmem:$0x1E800] =	vst v63  }
.Ltmp1:
0x65: {  	_ = 	snop;
	(pc) =	sbr.rel @p0 .LBB2_4-.Ltmp1, $4  }
0x66: {  	s29 =	sadd.s32 $0x15480, s29  }
0x67: {  	[spmem:s3] =	stream.indirect.scatter.add.f32 [tilespmem:s22], [sflag:$0x3], $0x80, s29, s20, $0xb8;
	[tilespmem:$0x1E800] =	vst v63  }
0x68: {  	_ =	swait.ge [sflag:s17], $0x4000  }
0x69: {  	[sflag:s17] =	ssyncset.done $0x0  }
0x6a: {  	[sflag:s17] =	ssyncadd.s32 $0xFFFFC000  }
0x6b: {  	_ =	swait.ge [sflag:s21], $0x4000  }
0x6c: {  	[sflag:s21] =	ssyncset.done $0x0  }
0x6d: {  	[sflag:s21] =	ssyncadd.s32 $0xFFFFC000  }
0x6e: {  	[tilespmem:s22], [sflag:$0x2] =	stream.indirect.gather [hbm4b:s0+s20], $0x80, s24, s20, $0xb8;
	[tilespmem:$0x1E800] =	vst v63  }
0x6f: {  	_ = 	snop  }
0x70: {  	[spmem:s3] =	stream.indirect.scatter.add.f32 [tilespmem:s16], [sflag:$0x3], $0x80, s25, s20, $0xb8;
	[tilespmem:$0x1E800] =	vst v63  }
0x71: {  	_ =	swait.ge [sflag:s17], $0x4000  }
0x72: {  	[sflag:s17] =	ssyncset.done $0x0  }
0x73: {  	[sflag:s17] =	ssyncadd.s32 $0xFFFFC000  }
0x74: {  	_ =	swait.ge [sflag:s23], $0x4000  }
0x75: {  	[sflag:s23] =	ssyncset.done $0x0  }
0x76: {  	[sflag:s23] =	ssyncadd.s32 $0xFFFFC000  }
0x77: {  	[spmem:s3] =	stream.indirect.scatter.add.f32 [tilespmem:s22], [sflag:$0x3], $0x80, s26, s20, $0xb8;
	[tilespmem:$0x1E800] =	vst v63  }
0x78: {  	_ =	swait.ge [sflag:s17], $0x4000  }
0x79: {  	[sflag:s17] =	ssyncset.done $0x0  }
0x7a: {  	s28 =	simm.s32 $0x0;
	[sflag:s17] =	ssyncadd.s32 $0xFFFFC000  }
0x7b: {  	[tilespmem:s18], [sflag:$0x3] =	stream.linear.gather [hbm4b:s12+s28], $0x1400, $0x38;
	[tilespmem:$0x1E800] =	vst v63  }
0x7c: {  	_ =	swait.ge [sflag:s17], $0x1400  }
0x7d: {  	[sflag:s17] =	ssyncset.done $0x0  }
0x7e: {  	[sflag:s17] =	ssyncadd.s32 $0xFFFFEC00  }
0x7f: {  	[tilespmem:s19], [sflag:$0x3] =	stream.linear.gather [hbm4b:s13+s28], $0x1400, $0x38;
	[tilespmem:$0x1E800] =	vst v63  }
0x80: {  	_ =	swait.ge [sflag:s17], $0x1400  }
0x81: {  	[sflag:s17] =	ssyncset.done $0x0  }
0x82: {  	[sflag:s17] =	ssyncadd.s32 $0xFFFFEC00  }
0x83: {  	[tilespmem:s16], [sflag:$0x1] =	stream.indirect.gather [hbm4b:s0+s20], $0x80, s18, s20, $0xb8;
	[tilespmem:$0x1E800] =	vst v63  }
0x84: {  	_ =	swait.ge [sflag:s21], $0x4000  }
0x85: {  	[sflag:s21] =	ssyncset.done $0x0  }
0x86: {  	s28 =	simm.s32 $0x14080;
	[sflag:s21] =	ssyncadd.s32 $0xFFFFC000  }
0x87: {  	[tilespmem:s22], [sflag:$0x2] =	stream.indirect.gather [hbm4b:s0+s20], $0x80, s28, s20, $0xb8;
	[tilespmem:$0x1E800] =	vst v63  }
0x88: {  	s28 =	simm.s32 $0x15400  }
0x89: {  	[spmem:s3] =	stream.indirect.scatter.add.f32 [tilespmem:s16], [sflag:$0x3], $0x80, s28, s20, $0xb8;
	[tilespmem:$0x1E800] =	vst v63  }
0x8a: {  	_ =	swait.ge [sflag:s17], $0x4000  }
0x8b: {  	[sflag:s17] =	ssyncset.done $0x0  }
0x8c: {  	[sflag:s17] =	ssyncadd.s32 $0xFFFFC000  }
0x8d: {  	_ =	swait.ge [sflag:s23], $0x4000  }
0x8e: {  	[sflag:s23] =	ssyncset.done $0x0  }
0x8f: {  	s28 =	simm.s32 $0x14100;
	[sflag:s23] =	ssyncadd.s32 $0xFFFFC000  }
0x90: {  	[tilespmem:s16], [sflag:$0x1] =	stream.indirect.gather [hbm4b:s0+s20], $0x80, s28, s20, $0xb8;
	[tilespmem:$0x1E800] =	vst v63  }
0x91: {  	s28 =	simm.s32 $0x15480  }
0x92: {  	[spmem:s3] =	stream.indirect.scatter.add.f32 [tilespmem:s22], [sflag:$0x3], $0x80, s28, s20, $0xb8;
	[tilespmem:$0x1E800] =	vst v63  }
0x93: {  	_ =	swait.ge [sflag:s17], $0x4000  }
0x94: {  	s28 =	simm.s32 $0x400;
	[sflag:s17] =	ssyncset.done $0x0  }
.LBB2_6:
0x95: {  	p0 =	sne.s32 s28, $0x4800  }
0x96: {  	[sflag:s17] =	ssyncadd.s32 $0xFFFFC000;
	s29 =	smov.u32 s28;
	s28 =	sadd.s32 $0x400, s28  }
0x97: {  	_ = 	snop  }
0x98: {  	_ =	swait.ge [sflag:s21], $0x4000  }
0x99: {  	s29 =	sshra.s32 s29, $0x2;
	[sflag:s21] =	ssyncset.done $0x0  }
0x9a: {  	s30 =	sadd.s32 $0x14080, s29;
	[sflag:s21] =	ssyncadd.s32 $0xFFFFC000  }
0x9b: {  	[tilespmem:s22], [sflag:$0x2] =	stream.indirect.gather [hbm4b:s0+s20], $0x80, s30, s20, $0xb8;
	[tilespmem:$0x1E800] =	vst v63  }
0x9c: {  	s30 =	sadd.s32 $0x15400, s29  }
0x9d: {  	[spmem:s3] =	stream.indirect.scatter.add.f32 [tilespmem:s16], [sflag:$0x3], $0x80, s30, s20, $0xb8;
	[tilespmem:$0x1E800] =	vst v63  }
0x9e: {  	_ =	swait.ge [sflag:s17], $0x4000  }
0x9f: {  	[sflag:s17] =	ssyncset.done $0x0  }
0xa0: {  	[sflag:s17] =	ssyncadd.s32 $0xFFFFC000  }
0xa1: {  	_ =	swait.ge [sflag:s23], $0x4000  }
0xa2: {  	[sflag:s23] =	ssyncset.done $0x0  }
0xa3: {  	s30 =	sadd.s32 $0x14100, s29;
	[sflag:s23] =	ssyncadd.s32 $0xFFFFC000  }
0xa4: {  	[tilespmem:s16], [sflag:$0x1] =	stream.indirect.gather [hbm4b:s0+s20], $0x80, s30, s20, $0xb8;
	[tilespmem:$0x1E800] =	vst v63  }
.Ltmp2:
0xa5: {  	_ = 	snop;
	(pc) =	sbr.rel @p0 .LBB2_6-.Ltmp2, $4  }
0xa6: {  	s29 =	sadd.s32 $0x15480, s29  }
0xa7: {  	[spmem:s3] =	stream.indirect.scatter.add.f32 [tilespmem:s22], [sflag:$0x3], $0x80, s29, s20, $0xb8;
	[tilespmem:$0x1E800] =	vst v63  }
0xa8: {  	_ =	swait.ge [sflag:s17], $0x4000  }
0xa9: {  	[sflag:s17] =	ssyncset.done $0x0  }
0xaa: {  	[sflag:s17] =	ssyncadd.s32 $0xFFFFC000  }
0xab: {  	_ =	swait.ge [sflag:s21], $0x4000  }
0xac: {  	[sflag:s21] =	ssyncset.done $0x0  }
0xad: {  	[sflag:s21] =	ssyncadd.s32 $0xFFFFC000  }
0xae: {  	[tilespmem:s22], [sflag:$0x2] =	stream.indirect.gather [hbm4b:s0+s20], $0x80, s24, s20, $0xb8;
	[tilespmem:$0x1E800] =	vst v63  }
0xaf: {  	_ = 	snop  }
0xb0: {  	[spmem:s3] =	stream.indirect.scatter.add.f32 [tilespmem:s16], [sflag:$0x3], $0x80, s25, s20, $0xb8;
	[tilespmem:$0x1E800] =	vst v63  }
0xb1: {  	_ =	swait.ge [sflag:s17], $0x4000  }
0xb2: {  	[sflag:s17] =	ssyncset.done $0x0  }
0xb3: {  	[sflag:s17] =	ssyncadd.s32 $0xFFFFC000  }
0xb4: {  	_ =	swait.ge [sflag:s23], $0x4000  }
0xb5: {  	[sflag:s23] =	ssyncset.done $0x0  }
0xb6: {  	[sflag:s23] =	ssyncadd.s32 $0xFFFFC000  }
0xb7: {  	[spmem:s3] =	stream.indirect.scatter.add.f32 [tilespmem:s22], [sflag:$0x3], $0x80, s26, s20, $0xb8;
	[tilespmem:$0x1E800] =	vst v63  }
0xb8: {  	_ =	swait.ge [sflag:s17], $0x4000  }
0xb9: {  	s28 =	sshll.u32 s1, $0x6;
	s4 =	sadd.s32 $0x1, s4;
	[sflag:s17] =	ssyncset.done $0x0  }
0xba: {  	s29 =	sshrl.u32 s5, $0x3;
	p0 =	sne.s32 s4, s15;
	[sflag:s17] =	ssyncadd.s32 $0xFFFFC000  }
.Ltmp3:
0xbb: {  	s28 =	sor.u32 $0x1C03, s28;
	[bflag:$0x0] =	sbarrier.arrive $0xFFFF;
	(pc) =	sbr.rel @p0 .LBB2_1-.Ltmp3, $4  }
0xbc: {  	[hbm:s14], [sflag:s28] =	dma.local [spmem:s29], $0x2800  }
0xbd: {  	_ =	swait.ge [sflag:s17], $0x2800  }
0xbe: {  	[sflag:s17] =	ssyncset.done $0x0  }
0xbf: {  	[sflag:s17] =	ssyncadd.s32 $0xFFFFD800  }
0xc0: {  	_ =	sfence.sel $0x180000  }
0xc1: {  	[bflag:$0x0] =	sbarrier.arrive $0xFFFF  }
0xc2: {  	p0 =	sne.s32 s1, $0x0;
	_ =	strace $0x90000047  }
0xc3: {  	s0 =	sadd.s32 @!p0 $0x100000, s2;
	[bflag:$0x2] =	sbarrier.arrive $0xFFFF  }
0xc4: {  	[sflag:s0] =	ssyncadd.tile.s32 @!p0 $0x1;
	_ =	shalt  }
.Lfunc_end2:
_tile_overlayer_lowered:
.L_overlay_start_2:
0xc5: {  	(tag) =	ssettag $0x2  }
0xc6: {  	s0 =	rddreg [dreg:$0x0];
	s2 =	stileid.u32  }
0xc7: {  	s1 =	rddreg [dreg:$0x1];
	p0 =	sne.s32 s2, $0x0  }
0xc8: {  	s3 =	rddreg [dreg:$0x2];
	[bflag:$0x3] =	sbarrier.arrive $0xFFFF;
	s2 =	simm.s32 @!p0 $0x1C03  }
0xc9: {  	[timem:s3], [sflag:s2] =	dma.local @!p0 [hbm:s0], s1  }
0xca: {  	s0 =	simm.s32 @!p0 $0x3  }
0xcb: {  	_ =	swait.ge @!p0 [sflag:s0], s1  }
0xcc: {  	s1 =	ssub.s32 @!p0 $0x0, s1;
	[sflag:s0] =	ssyncset.done @!p0 $0x0  }
0xcd: {  	[sflag:s0] =	ssyncadd.s32 @!p0 s1  }
0xce: {  	[bflag:$0x3] =	sbarrier.arrive $0xFFFF  }
0xcf: {  	_ =	shalt  }

</sc_bundles>
